<compile_context>
chip_gen: v7x
topology: tpu7x:2x2x1
jax: 0.10.2.dev20260603
libtpu: 0.0.44.dev20260713+nightly
codegen_flags: <defaults>
</compile_context>

<pallas_src>
import functools

import jax
import jax.numpy as jnp
from jax import lax
from jax.experimental import pallas as pl
from jax.experimental.pallas import tpu as pltpu
from jax.experimental.pallas import tpu_sc as plsc

_N = 10000
_E = 160000
_H = 256
_HH = 128
_G = 16
_NC = 2
_NS = 16
_CH = 128
_EP = 163840
_NACC = 10112
_RS = _NACC // _NS

_PREC = lax.Precision.DEFAULT
_PRECH = lax.Precision.HIGHEST


@functools.lru_cache(maxsize=1)
def _sc_kernels():
    mesh = plsc.VectorSubcoreMesh(core_axis_name="c", subcore_axis_name="s",
                                  num_cores=_NC, num_subcores=_NS)

    sc_degree = functools.partial(
        pl.kernel,
        out_type=jax.ShapeDtypeStruct((_NC, _NACC, _HH), jnp.float32),
        mesh=mesh,
        scratch_types=[
            pltpu.VMEM_SHARED((_NACC, _HH), jnp.float32),
            pltpu.VMEM((_EP // (_NC * _NS) // _CH, _CH), jnp.int32),
            pltpu.VMEM((_CH, _HH), jnp.float32),
        ] + [pltpu.SemaphoreType.DMA] * 5,
    )(_sc_degree_body)

    sc_agg = functools.partial(
        pl.kernel,
        out_type=jax.ShapeDtypeStruct((_NC, _NACC, _HH), jnp.float32),
        mesh=mesh,
        scratch_types=[
            pltpu.VMEM_SHARED((_NACC, _HH), jnp.float32),
            pltpu.VMEM((_EP // _NS // _CH // 2, _CH), jnp.int32),
            pltpu.VMEM((_EP // _NS // _CH // 2, _CH), jnp.int32),
        ] + [pltpu.VMEM((_CH, _HH), jnp.float32)] * 2
          + [pltpu.SemaphoreType.DMA] * 5,
    )(_sc_agg_body)

    return sc_degree, sc_agg


def _sc_degree_body(dst3_hbm, z_hbm, ones_hbm, out_hbm, dacc, dstv, onesv,
                    zsem, ss0, ss1, ss2, ss3):
    c = lax.axis_index("c")
    s = lax.axis_index("s")
    ssem = (ss0, ss1, ss2, ss3)
    w = s * _NC + c
    nch = _EP // (_NC * _NS) // _CH

    zdesc = pltpu.async_copy(z_hbm.at[pl.ds(s * _RS, _RS)],
                             dacc.at[pl.ds(s * _RS, _RS)], zsem)
    pltpu.sync_copy(ones_hbm, onesv)
    pltpu.sync_copy(dst3_hbm.at[pl.ds(w * nch, nch)], dstv)
    zdesc.wait()
    plsc.subcore_barrier()

    ngrp = nch // 4

    @pl.loop(0, ngrp)
    def _(i):
        for b in range(4):
            @pl.when(i > 0)
            def _():
                pltpu.make_async_copy(onesv, dacc.at[dstv.at[0]],
                                      ssem[b]).wait()
            pltpu.async_copy(onesv, dacc.at[dstv.at[i * 4 + b]], ssem[b],
                             add=True)

    for b in range(4):
        pltpu.make_async_copy(onesv, dacc.at[dstv.at[0]], ssem[b]).wait()
    plsc.subcore_barrier()
    pltpu.sync_copy(dacc.at[pl.ds(s * _RS, _RS)],
                    out_hbm.at[c, pl.ds(s * _RS, _RS)])


def _sc_agg_body(p_hbm, src3_hbm, dst3_hbm, z_hbm, out_hbm, acc,
                 srcv, dstv, rows0, rows1, zsem, gs0, gs1, ss0, ss1):
    c = lax.axis_index("c")
    s = lax.axis_index("s")
    rows = (rows0, rows1)
    gsem = (gs0, gs1)
    ssem = (ss0, ss1)
    nch = _EP // _NS // _CH
    half = nch // 2
    rowb = s * nch

    zdesc = pltpu.async_copy(z_hbm.at[pl.ds(s * _RS, _RS)],
                             acc.at[pl.ds(s * _RS, _RS)], zsem)

    def run_half(base, first):
        pltpu.sync_copy(src3_hbm.at[c, pl.ds(rowb + base, half)], srcv)
        pltpu.sync_copy(dst3_hbm.at[pl.ds(rowb + base, half)], dstv)
        for b in range(2):
            pltpu.async_copy(p_hbm.at[srcv.at[b]], rows[b], gsem[b])
        if first:
            zdesc.wait()
            plsc.subcore_barrier()
        ngrp = half // 2

        @pl.loop(0, ngrp)
        def _(i):
            g0 = i * 2
            for b in range(2):
                pltpu.make_async_copy(p_hbm.at[srcv.at[b]], rows[b],
                                      gsem[b]).wait()
                pltpu.async_copy(rows[b], acc.at[dstv.at[g0 + b]], ssem[b],
                                 add=True)

            @pl.when(i < ngrp - 1)
            def _():
                for b in range(2):
                    pltpu.make_async_copy(rows[b], acc.at[dstv.at[0]],
                                          ssem[b]).wait()
                    pltpu.async_copy(p_hbm.at[srcv.at[g0 + 2 + b]], rows[b],
                                     gsem[b])

        for b in range(2):
            pltpu.make_async_copy(rows[b], acc.at[dstv.at[0]], ssem[b]).wait()

    run_half(0, True)
    run_half(half, False)
    plsc.subcore_barrier()
    pltpu.sync_copy(acc.at[pl.ds(s * _RS, _RS)],
                    out_hbm.at[c, pl.ds(s * _RS, _RS)])



def _mm0_body(x_ref, w_ref, o_ref):
    o_ref[...] = jnp.dot(x_ref[...], w_ref[...], precision=_PREC,
                         preferred_element_type=jnp.float32)


def _mm0_call(x, W):
    return pl.pallas_call(
        _mm0_body,
        grid=(_N // 2000,),
        in_specs=[
            pl.BlockSpec((2000, _H), lambda i: (i, 0)),
            pl.BlockSpec((_H, _H), lambda i: (0, 0)),
        ],
        out_specs=pl.BlockSpec((2000, _H), lambda i: (i, 0)),
        out_shape=jax.ShapeDtypeStruct((_N, _H), jnp.float32),
    )(x, W)


def _prep0_body(t_ref, degs_ref, o_p, o_dinv):
    deg = degs_ref[0, :_N, 0:1] + degs_ref[1, :_N, 0:1] + 1.0
    dinv = lax.rsqrt(deg)
    o_dinv[...] = dinv
    p = t_ref[...] * dinv
    o_p[0] = p[:, :_HH]
    o_p[1] = p[:, _HH:]


_BN = 2000


def _layer_body(agg_ref, p_ref, dinv_ref, b_ref, w_ref, o_ref):
    dinv = dinv_ref[...]
    b = b_ref[...]
    ha = jnp.maximum(dinv * (agg_ref[0] + p_ref[0]) + b[:, :_HH], 0.0)
    hb = jnp.maximum(dinv * (agg_ref[1] + p_ref[1]) + b[:, _HH:], 0.0)
    t = (jnp.dot(ha, w_ref[:_HH, :], precision=_PREC,
                 preferred_element_type=jnp.float32)
         + jnp.dot(hb, w_ref[_HH:, :], precision=_PREC,
                   preferred_element_type=jnp.float32))
    t = t * dinv
    o_ref[0] = t[:, :_HH]
    o_ref[1] = t[:, _HH:]


def _layer_call(agg, p, dinv, br, W):
    ng = _N // _BN
    return pl.pallas_call(
        _layer_body,
        grid=(ng,),
        in_specs=[
            pl.BlockSpec((2, _BN, _HH), lambda i: (0, i, 0)),
            pl.BlockSpec((2, _BN, _HH), lambda i: (0, i, 0)),
            pl.BlockSpec((_BN, 1), lambda i: (i, 0)),
            pl.BlockSpec((1, _H), lambda i: (0, 0)),
            pl.BlockSpec((_H, _H), lambda i: (0, 0)),
        ],
        out_specs=pl.BlockSpec((2, _BN, _HH), lambda i: (0, i, 0)),
        out_shape=jax.ShapeDtypeStruct((2, _N, _HH), jnp.float32),
    )(agg, p, dinv, br, W)


def _final_body(agg_ref, p_ref, dinv_ref, b_ref, aw1_ref, ab1_ref, aw2_ref,
                ab2_ref, batch_ref, cw1_ref, cb1_ref, cw2_ref, cb2_ref, o_ref,
                m_acc, s_acc, ga_acc, gb_acc):
    i = pl.program_id(0)
    ng = pl.num_programs(0)
    f32 = jnp.float32

    @pl.when(i == 0)
    def _():
        m_acc[...] = jnp.full((1, _G), -1e30, f32)
        s_acc[...] = jnp.zeros((1, _G), f32)
        ga_acc[...] = jnp.zeros((_G, _HH), f32)
        gb_acc[...] = jnp.zeros((_G, _HH), f32)

    dinv = dinv_ref[...]
    b = b_ref[...]
    ha = jnp.maximum(dinv * (agg_ref[0] + p_ref[0]) + b[:, :_HH], 0.0)
    hb = jnp.maximum(dinv * (agg_ref[1] + p_ref[1]) + b[:, _HH:], 0.0)
    a = jnp.tanh(jnp.dot(ha, aw1_ref[:_HH, :], precision=_PREC,
                         preferred_element_type=f32)
                 + jnp.dot(hb, aw1_ref[_HH:, :], precision=_PREC,
                           preferred_element_type=f32)
                 + ab1_ref[...])
    sc = jnp.dot(a, aw2_ref[...], precision=_PREC,
                 preferred_element_type=f32) + ab2_ref[...]

    gids = lax.broadcasted_iota(jnp.int32, (1, _G), 1)
    mask = (batch_ref[...] == gids).astype(f32)

    m_old = m_acc[...]
    bm = jnp.max(jnp.where(mask > 0.0, sc, -1e30), axis=0, keepdims=True)
    m_new = jnp.maximum(m_old, bm)
    scale = jnp.exp(m_old - m_new)
    rr = lax.broadcasted_iota(jnp.int32, (_G, _G), 0)
    cc = lax.broadcasted_iota(jnp.int32, (_G, _G), 1)
    eye = (rr == cc).astype(f32)
    dscale = eye * scale
    snode = jnp.sum(mask * m_new, axis=1, keepdims=True)
    e = jnp.exp(sc - snode)
    me = mask * e
    s_acc[...] = s_acc[...] * scale + jnp.sum(me, axis=0, keepdims=True)
    ga_acc[...] = (jnp.dot(dscale, ga_acc[...], precision=_PRECH,
                           preferred_element_type=f32)
                   + lax.dot_general(me, ha, (((0,), (0,)), ((), ())),
                                     precision=_PRECH,
                                     preferred_element_type=f32))
    gb_acc[...] = (jnp.dot(dscale, gb_acc[...], precision=_PRECH,
                           preferred_element_type=f32)
                   + lax.dot_general(me, hb, (((0,), (0,)), ((), ())),
                                     precision=_PRECH,
                                     preferred_element_type=f32))
    m_acc[...] = m_new

    @pl.when(i == ng - 1)
    def _():
        inv = 1.0 / jnp.maximum(s_acc[...], 1e-30)
        dinvs = eye * inv
        gpa = jnp.dot(dinvs, ga_acc[...], precision=_PRECH,
                      preferred_element_type=f32)
        gpb = jnp.dot(dinvs, gb_acc[...], precision=_PRECH,
                      preferred_element_type=f32)
        z = jnp.maximum(jnp.dot(gpa, cw1_ref[:_HH, :], precision=_PREC,
                                preferred_element_type=f32)
                        + jnp.dot(gpb, cw1_ref[_HH:, :], precision=_PREC,
                                  preferred_element_type=f32)
                        + cb1_ref[...], 0.0)
        o_ref[...] = jnp.dot(z, cw2_ref[...], precision=_PREC,
                             preferred_element_type=f32) + cb2_ref[...]


def _final_call(agg, p, dinv, br, AW1, ab1r, AW2, ab2r, batch2,
                CW1, cb1r, CW2, cb2r):
    ng = _N // _BN
    k11 = pl.BlockSpec((1, 1), lambda i: (0, 0))
    return pl.pallas_call(
        _final_body,
        grid=(ng,),
        in_specs=[
            pl.BlockSpec((2, _BN, _HH), lambda i: (0, i, 0)),
            pl.BlockSpec((2, _BN, _HH), lambda i: (0, i, 0)),
            pl.BlockSpec((_BN, 1), lambda i: (i, 0)),
            pl.BlockSpec((1, _H), lambda i: (0, 0)),
            pl.BlockSpec((_H, _HH), lambda i: (0, 0)),
            pl.BlockSpec((1, _HH), lambda i: (0, 0)),
            pl.BlockSpec((_HH, 1), lambda i: (0, 0)),
            k11,
            pl.BlockSpec((_BN, 1), lambda i: (i, 0)),
            pl.BlockSpec((_H, _HH), lambda i: (0, 0)),
            pl.BlockSpec((1, _HH), lambda i: (0, 0)),
            pl.BlockSpec((_HH, 1), lambda i: (0, 0)),
            k11,
        ],
        out_specs=pl.BlockSpec((_G, 1), lambda i: (0, 0)),
        out_shape=jax.ShapeDtypeStruct((_G, 1), jnp.float32),
        scratch_shapes=[
            pltpu.VMEM((1, _G), jnp.float32),
            pltpu.VMEM((1, _G), jnp.float32),
            pltpu.VMEM((_G, _HH), jnp.float32),
            pltpu.VMEM((_G, _HH), jnp.float32),
        ],
    )(agg, p, dinv, br, AW1, ab1r, AW2, ab2r, batch2, CW1, cb1r, CW2, cb2r)


def _call(body, out_shape, *args):
    return pl.pallas_call(body, out_shape=out_shape)(*args)



def kernel(x, edge_index, batch, W0, b0, W1, b1, W2, b2,
           AW1, Ab1, AW2, Ab2, CW1, Cb1, CW2, Cb2):
    f32 = jnp.float32
    src = edge_index[0]
    dst = edge_index[1]
    pad = _EP - _E
    srcp = jnp.concatenate([src, jnp.zeros((pad,), jnp.int32)])
    trash = _N + (jnp.arange(pad, dtype=jnp.int32) % (_NACC - _N))
    dstp = jnp.concatenate([dst, trash])
    src3 = jnp.stack([srcp, srcp + _N]).reshape(2, _EP // _CH, _CH)
    dst3 = dstp.reshape(_EP // _CH, _CH)
    z128 = jnp.zeros((_NACC, _HH), f32)
    ones128 = jnp.ones((_CH, _HH), f32)
    batch2 = batch.reshape(_N, 1)
    b0r = b0.reshape(1, _H)
    b1r = b1.reshape(1, _H)
    b2r = b2.reshape(1, _H)
    ab1r = Ab1.reshape(1, _HH)
    ab2r = Ab2.reshape(1, 1)
    cb1r = Cb1.reshape(1, _HH)
    cb2r = Cb2.reshape(1, 1)

    sc_degree, sc_agg = _sc_kernels()
    degs = sc_degree(dst3, z128, ones128)
    t0 = _mm0_call(x, W0)
    p0, dinv = _call(
        _prep0_body,
        (jax.ShapeDtypeStruct((2, _N, _HH), f32),
         jax.ShapeDtypeStruct((_N, 1), f32)),
        t0, degs)

    agg0 = sc_agg(p0.reshape(2 * _N, _HH), src3, dst3, z128)
    p1 = _layer_call(agg0, p0, dinv, b0r, W1)
    agg1 = sc_agg(p1.reshape(2 * _N, _HH), src3, dst3, z128)
    p2 = _layer_call(agg1, p1, dinv, b1r, W2)
    agg2 = sc_agg(p2.reshape(2 * _N, _HH), src3, dst3, z128)
    out = _final_call(agg2, p2, dinv, b2r, AW1, ab1r, AW2, ab2r,
                      batch2, CW1, cb1r, CW2, cb2r)
    return out[:, 0]

# --- scband reference (transcript-rebuilt; emitter-appended) ---
"""Pipeline reference for scband-hybrid-gcn-9491877724909 (READ-ONLY COPY).

The authoritative reference and input builder live on the scoring server;
editing this copy changes nothing except your own understanding.
"""

import jax, jax.numpy as jnp
import numpy as np

N = 10000
E = 160000
D_IN = 256
H = 256
G = 16

def _glorot(key, fan_in, fan_out):
    limit = float(np.sqrt(6.0 / (fan_in + fan_out)))
    return jax.random.uniform(key, (fan_in, fan_out), minval=-limit, maxval=limit, dtype=jnp.float32)

def setup_inputs(seed: int = 0):
    key = jax.random.key(seed)
    ks = jax.random.split(key, 12)
    x = jax.random.normal(ks[0], (N, D_IN), dtype=jnp.float32)
    edge_index = jax.random.randint(ks[1], (2, E), 0, N, dtype=jnp.int32)
    batch = jnp.sort(jax.random.randint(ks[2], (N,), 0, G, dtype=jnp.int32))
    inp = {"x": x, "edge_index": edge_index, "batch": batch}
    inp["W0"] = _glorot(ks[3], D_IN, H); inp["b0"] = jnp.zeros((H,), jnp.float32)
    inp["W1"] = _glorot(ks[4], H, H); inp["b1"] = jnp.zeros((H,), jnp.float32)
    inp["W2"] = _glorot(ks[5], H, H); inp["b2"] = jnp.zeros((H,), jnp.float32)
    inp["AW1"] = _glorot(ks[6], H, H // 2); inp["Ab1"] = jnp.zeros((H // 2,), jnp.float32)
    inp["AW2"] = _glorot(ks[7], H // 2, 1); inp["Ab2"] = jnp.zeros((1,), jnp.float32)
    inp["CW1"] = _glorot(ks[8], H, H // 2); inp["Cb1"] = jnp.zeros((H // 2,), jnp.float32)
    inp["CW2"] = _glorot(ks[9], H // 2, 1); inp["Cb2"] = jnp.zeros((1,), jnp.float32)
    return inp

def _gcn_conv(h, src, dst, dinv, W, b):
    # PyG GCNConv: linear transform, then sym-normalized scatter-add aggregation, then bias
    h = h @ W
    norm = dinv[src] * dinv[dst]
    msg = h[src] * norm[:, None]
    out = jax.ops.segment_sum(msg, dst, num_segments=N)
    return out + b

def reference(x, edge_index, batch, W0, b0, W1, b1, W2, b2, AW1, Ab1, AW2, Ab2, CW1, Cb1, CW2, Cb2):
    loops = jnp.arange(N, dtype=edge_index.dtype)
    src = jnp.concatenate([edge_index[0], loops])
    dst = jnp.concatenate([edge_index[1], loops])
    deg = jax.ops.segment_sum(jnp.ones_like(dst, dtype=jnp.float32), dst, num_segments=N)
    dinv = jnp.where(deg > 0, deg ** -0.5, 0.0)
    h = jax.nn.relu(_gcn_conv(x, src, dst, dinv, W0, b0))
    h = jax.nn.relu(_gcn_conv(h, src, dst, dinv, W1, b1))
    h = jax.nn.relu(_gcn_conv(h, src, dst, dinv, W2, b2))
    # attention pooling: per-graph softmax over node scores (vectorized segment softmax)
    scores = jnp.tanh(h @ AW1 + Ab1) @ AW2 + Ab2
    s = scores[:, 0]
    smax = jax.ops.segment_max(s, batch, num_segments=G)
    e = jnp.exp(s - smax[batch])
    ssum = jax.ops.segment_sum(e, batch, num_segments=G)
    w = e / ssum[batch]
    g = jax.ops.segment_sum(h * w[:, None], batch, num_segments=G)
    # classifier (dropout is identity in eval mode)
    out = jax.nn.relu(g @ CW1 + Cb1) @ CW2 + Cb2
    return out[:, 0]

if __name__ == "__main__":
    import jax
    _d = setup_inputs()
    print(jax.jit(kernel)(*tuple(_d.values())))

</pallas_src>

<mosaic_0001>
#map = affine_map<(d0, d1) -> (0, 0)>
#map1 = affine_map<(d0, d1) -> (0, 0, 0)>
module attributes {stable_mosaic.version = 14 : i64} {
  func.func @_sc_degree_body(%arg0: i32, %arg1: i32, %arg2: memref<1280x128xi32, #tpu.memory_space<hbm>>, %arg3: memref<10112x128xf32, #tpu.memory_space<hbm>>, %arg4: memref<128x128xf32, #tpu.memory_space<hbm>>, %arg5: memref<2x10112x128xf32, #tpu.memory_space<hbm>>, %arg6: memref<10112x128xf32, #tpu.memory_space<vmem_shared>>, %arg7: memref<40x128xi32, #tpu.memory_space<vmem>>, %arg8: memref<128x128xf32, #tpu.memory_space<vmem>>, %arg9: memref<!tpu.dma_semaphore, #tpu.memory_space<semaphore_mem>>, %arg10: memref<!tpu.dma_semaphore, #tpu.memory_space<semaphore_mem>>, %arg11: memref<!tpu.dma_semaphore, #tpu.memory_space<semaphore_mem>>, %arg12: memref<!tpu.dma_semaphore, #tpu.memory_space<semaphore_mem>>, %arg13: memref<!tpu.dma_semaphore, #tpu.memory_space<semaphore_mem>>) attributes {dimension_semantics = [#tpu.dimension_semantics<core_parallel>, #tpu.dimension_semantics<subcore_parallel>], iteration_bounds = array<i64: 2, 16>, scalar_prefetch = 0 : i64, scratch_operands = 8 : i64, tpu.core_type = #tpu.core_type<sc_vector_subcore>, window_params = [{transform_indices = #map}, {transform_indices = #map}, {transform_indices = #map}, {transform_indices = #map1}]} {
    %mul3A = arith.constant 2 : i32
    %mul3A_0 = arith.muli %arg1, %mul3A : i32
    %add3A = arith.addi %mul3A_0, %arg0 : i32
    %mul3A_1 = arith.constant 632 : i32
    %mul3A_2 = arith.muli %arg1, %mul3A_1 : i32
    %mul3A_3 = arith.constant 632 : i32
    %mul3A_4 = arith.muli %arg1, %mul3A_3 : i32
    %dma_start3A = arith.constant 0 : i32
    %dma_start3A_5 = tpu.memref_slice %arg6[%mul3A_4, %dma_start3A] : memref<10112x128xf32, #tpu.memory_space<vmem_shared>> -> memref<632x128xf32, #tpu.memory_space<vmem_shared>>
    %dma_start3A_6 = arith.constant 0 : i32
    %dma_start3A_7 = tpu.memref_slice %arg3[%mul3A_2, %dma_start3A_6] : memref<10112x128xf32, #tpu.memory_space<hbm>> -> memref<632x128xf32, #tpu.memory_space<hbm>>
    tpu.enqueue_dma source(%dma_start3A_7 : memref<632x128xf32, #tpu.memory_space<hbm>>) target(%dma_start3A_5 : memref<632x128xf32, #tpu.memory_space<vmem_shared>>) target_semaphore(%arg9 : memref<!tpu.dma_semaphore, #tpu.memory_space<semaphore_mem>>)
    "tpu.region"() ({
      %run_scoped3A = tpu.sem_alloc : memref<!tpu.dma_semaphore, #tpu.memory_space<semaphore_mem>>
      tpu.enqueue_dma source(%arg4 : memref<128x128xf32, #tpu.memory_space<hbm>>) target(%arg8 : memref<128x128xf32, #tpu.memory_space<vmem>>) target_semaphore(%run_scoped3A : memref<!tpu.dma_semaphore, #tpu.memory_space<semaphore_mem>>)
      tpu.wait_dma2 semaphore(%run_scoped3A : memref<!tpu.dma_semaphore, #tpu.memory_space<semaphore_mem>>) src(%arg4 : memref<128x128xf32, #tpu.memory_space<hbm>>) dst(%arg8 : memref<128x128xf32, #tpu.memory_space<vmem>>)
      tpu.yield
    }) : () -> ()
    %mul3A_8 = arith.constant 40 : i32
    %mul3A_9 = arith.muli %add3A, %mul3A_8 : i32
    "tpu.region"() ({
      %run_scoped3A = tpu.sem_alloc : memref<!tpu.dma_semaphore, #tpu.memory_space<semaphore_mem>>
      %dma_start3A_50 = arith.constant 0 : i32
      %dma_start3A_51 = tpu.memref_slice %arg2[%mul3A_9, %dma_start3A_50] : memref<1280x128xi32, #tpu.memory_space<hbm>> -> memref<40x128xi32, #tpu.memory_space<hbm>>
      %dma_start3A_52 = arith.constant 0 : i32
      %dma_start3A_53 = tpu.memref_slice %arg2[%mul3A_9, %dma_start3A_52] : memref<1280x128xi32, #tpu.memory_space<hbm>> -> memref<40x128xi32, #tpu.memory_space<hbm>>
      tpu.enqueue_dma source(%dma_start3A_53 : memref<40x128xi32, #tpu.memory_space<hbm>>) target(%arg7 : memref<40x128xi32, #tpu.memory_space<vmem>>) target_semaphore(%run_scoped3A : memref<!tpu.dma_semaphore, #tpu.memory_space<semaphore_mem>>)
      %dma_wait3A_54 = arith.constant 0 : i32
      %dma_wait3A_55 = tpu.memref_slice %arg2[%mul3A_9, %dma_wait3A_54] : memref<1280x128xi32, #tpu.memory_space<hbm>> -> memref<40x128xi32, #tpu.memory_space<hbm>>
      %dma_wait3A_56 = arith.constant 0 : i32
      %dma_wait3A_57 = tpu.memref_slice %arg2[%mul3A_9, %dma_wait3A_56] : memref<1280x128xi32, #tpu.memory_space<hbm>> -> memref<40x128xi32, #tpu.memory_space<hbm>>
      tpu.wait_dma2 semaphore(%run_scoped3A : memref<!tpu.dma_semaphore, #tpu.memory_space<semaphore_mem>>) src(%dma_wait3A_57 : memref<40x128xi32, #tpu.memory_space<hbm>>) dst(%arg7 : memref<40x128xi32, #tpu.memory_space<vmem>>)
      tpu.yield
    }) : () -> ()
    %dma_wait3A = arith.constant 0 : i32
    %dma_wait3A_10 = tpu.memref_slice %arg6[%mul3A_4, %dma_wait3A] : memref<10112x128xf32, #tpu.memory_space<vmem_shared>> -> memref<632x128xf32, #tpu.memory_space<vmem_shared>>
    %dma_wait3A_11 = arith.constant 0 : i32
    %dma_wait3A_12 = tpu.memref_slice %arg3[%mul3A_2, %dma_wait3A_11] : memref<10112x128xf32, #tpu.memory_space<hbm>> -> memref<632x128xf32, #tpu.memory_space<hbm>>
    tpu.wait_dma2 semaphore(%arg9 : memref<!tpu.dma_semaphore, #tpu.memory_space<semaphore_mem>>) src(%dma_wait3A_12 : memref<632x128xf32, #tpu.memory_space<hbm>>) dst(%dma_wait3A_10 : memref<632x128xf32, #tpu.memory_space<vmem_shared>>)
    %barrier3A = arith.constant 0 : index
    tpu.barrier barrier_id(%barrier3A)
    %scan3A = arith.constant 0 : i32
    %scan3A_13 = arith.constant 10 : i32
    %scan3A_14 = arith.addi %scan3A, %scan3A_13 : i32
    %scan3A_15 = arith.constant 1 : i32
    scf.for %scan3A_50 = %scan3A to %scan3A_14 step %scan3A_15  : i32 {
      %mul3A_51 = arith.constant 1 : i32
      %mul3A_52 = arith.muli %scan3A_50, %mul3A_51 : i32
      %add3A_53 = arith.constant 0 : i32
      %add3A_54 = arith.addi %add3A_53, %mul3A_52 : i32
      %gt3A = arith.constant 0 : i32
      %gt3A_55 = arith.cmpi sgt, %add3A_54, %gt3A : i32
      %convert_element_type3A = arith.extui %gt3A_55 : i1 to i32
      %cond3A = arith.constant 0 : i32
      %cond3A_56 = arith.cmpi ne, %convert_element_type3A, %cond3A : i32
      scf.if %cond3A_56 {
        %dma_wait3A_112 = arith.constant 0 : i32
        %dma_wait3A_113 = arith.constant 0 : i32
        %dma_wait3A_114 = tpu.memref_slice %arg7[%dma_wait3A_112, %dma_wait3A_113] : memref<40x128xi32, #tpu.memory_space<vmem>> -> memref<1x128xi32, #tpu.memory_space<vmem>>
        %dma_wait3A_115 = tpu.memref_squeeze %dma_wait3A_114 : memref<1x128xi32, #tpu.memory_space<vmem>> -> memref<128xi32, #tpu.memory_space<vmem>>
        %dma_wait3A_116 = arith.constant 0 : i32
        %dma_wait3A_117 = arith.constant 0 : i32
        %dma_wait3A_118 = tpu.memref_slice %arg6[%dma_wait3A_116, %dma_wait3A_117] : memref<10112x128xf32, #tpu.memory_space<vmem_shared>> -> memref<10112x128xf32, #tpu.memory_space<vmem_shared>>
        tpu.wait_indirect_dma semaphore(%arg10 : memref<!tpu.dma_semaphore, #tpu.memory_space<semaphore_mem>>) src(%arg8 : memref<128x128xf32, #tpu.memory_space<vmem>>) dst(%dma_wait3A_118 : memref<10112x128xf32, #tpu.memory_space<vmem_shared>>)
      } else {
      }
      %mul3A_57 = arith.constant 4 : i32
      %mul3A_58 = arith.muli %add3A_54, %mul3A_57 : i32
      %add3A_59 = arith.constant 0 : i32
      %add3A_60 = arith.addi %mul3A_58, %add3A_59 : i32
      %dma_start3A_61 = arith.constant 0 : i32
      %dma_start3A_62 = tpu.memref_slice %arg7[%add3A_60, %dma_start3A_61] : memref<40x128xi32, #tpu.memory_space<vmem>> -> memref<1x128xi32, #tpu.memory_space<vmem>>
      %dma_start3A_63 = tpu.memref_squeeze %dma_start3A_62 : memref<1x128xi32, #tpu.memory_space<vmem>> -> memref<128xi32, #tpu.memory_space<vmem>>
      %dma_start3A_64 = arith.constant 0 : i32
      %dma_start3A_65 = arith.constant 0 : i32
      %dma_start3A_66 = tpu.memref_slice %arg6[%dma_start3A_64, %dma_start3A_65] : memref<10112x128xf32, #tpu.memory_space<vmem_shared>> -> memref<10112x128xf32, #tpu.memory_space<vmem_shared>>
      tpu.enqueue_indirect_dma source(%arg8 : memref<128x128xf32, #tpu.memory_space<vmem>>) target(%dma_start3A_66 : memref<10112x128xf32, #tpu.memory_space<vmem_shared>>) offsets(%dma_start3A_63 : memref<128xi32, #tpu.memory_space<vmem>>) semaphore(%arg10 : memref<!tpu.dma_semaphore, #tpu.memory_space<semaphore_mem>>) {add = true}
      %gt3A_67 = arith.constant 0 : i32
      %gt3A_68 = arith.cmpi sgt, %add3A_54, %gt3A_67 : i32
      %convert_element_type3A_69 = arith.extui %gt3A_68 : i1 to i32
      %cond3A_70 = arith.constant 0 : i32
      %cond3A_71 = arith.cmpi ne, %convert_element_type3A_69, %cond3A_70 : i32
      scf.if %cond3A_71 {
        %dma_wait3A_112 = arith.constant 0 : i32
        %dma_wait3A_113 = arith.constant 0 : i32
        %dma_wait3A_114 = tpu.memref_slice %arg7[%dma_wait3A_112, %dma_wait3A_113] : memref<40x128xi32, #tpu.memory_space<vmem>> -> memref<1x128xi32, #tpu.memory_space<vmem>>
        %dma_wait3A_115 = tpu.memref_squeeze %dma_wait3A_114 : memref<1x128xi32, #tpu.memory_space<vmem>> -> memref<128xi32, #tpu.memory_space<vmem>>
        %dma_wait3A_116 = arith.constant 0 : i32
        %dma_wait3A_117 = arith.constant 0 : i32
        %dma_wait3A_118 = tpu.memref_slice %arg6[%dma_wait3A_116, %dma_wait3A_117] : memref<10112x128xf32, #tpu.memory_space<vmem_shared>> -> memref<10112x128xf32, #tpu.memory_space<vmem_shared>>
        tpu.wait_indirect_dma semaphore(%arg11 : memref<!tpu.dma_semaphore, #tpu.memory_space<semaphore_mem>>) src(%arg8 : memref<128x128xf32, #tpu.memory_space<vmem>>) dst(%dma_wait3A_118 : memref<10112x128xf32, #tpu.memory_space<vmem_shared>>)
      } else {
      }
      %mul3A_72 = arith.constant 4 : i32
      %mul3A_73 = arith.muli %add3A_54, %mul3A_72 : i32
      %add3A_74 = arith.constant 1 : i32
      %add3A_75 = arith.addi %mul3A_73, %add3A_74 : i32
      %dma_start3A_76 = arith.constant 0 : i32
      %dma_start3A_77 = tpu.memref_slice %arg7[%add3A_75, %dma_start3A_76] : memref<40x128xi32, #tpu.memory_space<vmem>> -> memref<1x128xi32, #tpu.memory_space<vmem>>
      %dma_start3A_78 = tpu.memref_squeeze %dma_start3A_77 : memref<1x128xi32, #tpu.memory_space<vmem>> -> memref<128xi32, #tpu.memory_space<vmem>>
      %dma_start3A_79 = arith.constant 0 : i32
      %dma_start3A_80 = arith.constant 0 : i32
      %dma_start3A_81 = tpu.memref_slice %arg6[%dma_start3A_79, %dma_start3A_80] : memref<10112x128xf32, #tpu.memory_space<vmem_shared>> -> memref<10112x128xf32, #tpu.memory_space<vmem_shared>>
      tpu.enqueue_indirect_dma source(%arg8 : memref<128x128xf32, #tpu.memory_space<vmem>>) target(%dma_start3A_81 : memref<10112x128xf32, #tpu.memory_space<vmem_shared>>) offsets(%dma_start3A_78 : memref<128xi32, #tpu.memory_space<vmem>>) semaphore(%arg11 : memref<!tpu.dma_semaphore, #tpu.memory_space<semaphore_mem>>) {add = true}
      %gt3A_82 = arith.constant 0 : i32
      %gt3A_83 = arith.cmpi sgt, %add3A_54, %gt3A_82 : i32
      %convert_element_type3A_84 = arith.extui %gt3A_83 : i1 to i32
      %cond3A_85 = arith.constant 0 : i32
      %cond3A_86 = arith.cmpi ne, %convert_element_type3A_84, %cond3A_85 : i32
      scf.if %cond3A_86 {
        %dma_wait3A_112 = arith.constant 0 : i32
        %dma_wait3A_113 = arith.constant 0 : i32
        %dma_wait3A_114 = tpu.memref_slice %arg7[%dma_wait3A_112, %dma_wait3A_113] : memref<40x128xi32, #tpu.memory_space<vmem>> -> memref<1x128xi32, #tpu.memory_space<vmem>>
        %dma_wait3A_115 = tpu.memref_squeeze %dma_wait3A_114 : memref<1x128xi32, #tpu.memory_space<vmem>> -> memref<128xi32, #tpu.memory_space<vmem>>
        %dma_wait3A_116 = arith.constant 0 : i32
        %dma_wait3A_117 = arith.constant 0 : i32
        %dma_wait3A_118 = tpu.memref_slice %arg6[%dma_wait3A_116, %dma_wait3A_117] : memref<10112x128xf32, #tpu.memory_space<vmem_shared>> -> memref<10112x128xf32, #tpu.memory_space<vmem_shared>>
        tpu.wait_indirect_dma semaphore(%arg12 : memref<!tpu.dma_semaphore, #tpu.memory_space<semaphore_mem>>) src(%arg8 : memref<128x128xf32, #tpu.memory_space<vmem>>) dst(%dma_wait3A_118 : memref<10112x128xf32, #tpu.memory_space<vmem_shared>>)
      } else {
      }
      %mul3A_87 = arith.constant 4 : i32
      %mul3A_88 = arith.muli %add3A_54, %mul3A_87 : i32
      %add3A_89 = arith.constant 2 : i32
      %add3A_90 = arith.addi %mul3A_88, %add3A_89 : i32
      %dma_start3A_91 = arith.constant 0 : i32
      %dma_start3A_92 = tpu.memref_slice %arg7[%add3A_90, %dma_start3A_91] : memref<40x128xi32, #tpu.memory_space<vmem>> -> memref<1x128xi32, #tpu.memory_space<vmem>>
      %dma_start3A_93 = tpu.memref_squeeze %dma_start3A_92 : memref<1x128xi32, #tpu.memory_space<vmem>> -> memref<128xi32, #tpu.memory_space<vmem>>
      %dma_start3A_94 = arith.constant 0 : i32
      %dma_start3A_95 = arith.constant 0 : i32
      %dma_start3A_96 = tpu.memref_slice %arg6[%dma_start3A_94, %dma_start3A_95] : memref<10112x128xf32, #tpu.memory_space<vmem_shared>> -> memref<10112x128xf32, #tpu.memory_space<vmem_shared>>
      tpu.enqueue_indirect_dma source(%arg8 : memref<128x128xf32, #tpu.memory_space<vmem>>) target(%dma_start3A_96 : memref<10112x128xf32, #tpu.memory_space<vmem_shared>>) offsets(%dma_start3A_93 : memref<128xi32, #tpu.memory_space<vmem>>) semaphore(%arg12 : memref<!tpu.dma_semaphore, #tpu.memory_space<semaphore_mem>>) {add = true}
      %gt3A_97 = arith.constant 0 : i32
      %gt3A_98 = arith.cmpi sgt, %add3A_54, %gt3A_97 : i32
      %convert_element_type3A_99 = arith.extui %gt3A_98 : i1 to i32
      %cond3A_100 = arith.constant 0 : i32
      %cond3A_101 = arith.cmpi ne, %convert_element_type3A_99, %cond3A_100 : i32
      scf.if %cond3A_101 {
        %dma_wait3A_112 = arith.constant 0 : i32
        %dma_wait3A_113 = arith.constant 0 : i32
        %dma_wait3A_114 = tpu.memref_slice %arg7[%dma_wait3A_112, %dma_wait3A_113] : memref<40x128xi32, #tpu.memory_space<vmem>> -> memref<1x128xi32, #tpu.memory_space<vmem>>
        %dma_wait3A_115 = tpu.memref_squeeze %dma_wait3A_114 : memref<1x128xi32, #tpu.memory_space<vmem>> -> memref<128xi32, #tpu.memory_space<vmem>>
        %dma_wait3A_116 = arith.constant 0 : i32
        %dma_wait3A_117 = arith.constant 0 : i32
        %dma_wait3A_118 = tpu.memref_slice %arg6[%dma_wait3A_116, %dma_wait3A_117] : memref<10112x128xf32, #tpu.memory_space<vmem_shared>> -> memref<10112x128xf32, #tpu.memory_space<vmem_shared>>
        tpu.wait_indirect_dma semaphore(%arg13 : memref<!tpu.dma_semaphore, #tpu.memory_space<semaphore_mem>>) src(%arg8 : memref<128x128xf32, #tpu.memory_space<vmem>>) dst(%dma_wait3A_118 : memref<10112x128xf32, #tpu.memory_space<vmem_shared>>)
      } else {
      }
      %mul3A_102 = arith.constant 4 : i32
      %mul3A_103 = arith.muli %add3A_54, %mul3A_102 : i32
      %add3A_104 = arith.constant 3 : i32
      %add3A_105 = arith.addi %mul3A_103, %add3A_104 : i32
      %dma_start3A_106 = arith.constant 0 : i32
      %dma_start3A_107 = tpu.memref_slice %arg7[%add3A_105, %dma_start3A_106] : memref<40x128xi32, #tpu.memory_space<vmem>> -> memref<1x128xi32, #tpu.memory_space<vmem>>
      %dma_start3A_108 = tpu.memref_squeeze %dma_start3A_107 : memref<1x128xi32, #tpu.memory_space<vmem>> -> memref<128xi32, #tpu.memory_space<vmem>>
      %dma_start3A_109 = arith.constant 0 : i32
      %dma_start3A_110 = arith.constant 0 : i32
      %dma_start3A_111 = tpu.memref_slice %arg6[%dma_start3A_109, %dma_start3A_110] : memref<10112x128xf32, #tpu.memory_space<vmem_shared>> -> memref<10112x128xf32, #tpu.memory_space<vmem_shared>>
      tpu.enqueue_indirect_dma source(%arg8 : memref<128x128xf32, #tpu.memory_space<vmem>>) target(%dma_start3A_111 : memref<10112x128xf32, #tpu.memory_space<vmem_shared>>) offsets(%dma_start3A_108 : memref<128xi32, #tpu.memory_space<vmem>>) semaphore(%arg13 : memref<!tpu.dma_semaphore, #tpu.memory_space<semaphore_mem>>) {add = true}
    }
    %scan3A_16 = arith.constant 10 : i32
    %dma_wait3A_17 = arith.constant 0 : i32
    %dma_wait3A_18 = arith.constant 0 : i32
    %dma_wait3A_19 = tpu.memref_slice %arg7[%dma_wait3A_17, %dma_wait3A_18] : memref<40x128xi32, #tpu.memory_space<vmem>> -> memref<1x128xi32, #tpu.memory_space<vmem>>
    %dma_wait3A_20 = tpu.memref_squeeze %dma_wait3A_19 : memref<1x128xi32, #tpu.memory_space<vmem>> -> memref<128xi32, #tpu.memory_space<vmem>>
    %dma_wait3A_21 = arith.constant 0 : i32
    %dma_wait3A_22 = arith.constant 0 : i32
    %dma_wait3A_23 = tpu.memref_slice %arg6[%dma_wait3A_21, %dma_wait3A_22] : memref<10112x128xf32, #tpu.memory_space<vmem_shared>> -> memref<10112x128xf32, #tpu.memory_space<vmem_shared>>
    tpu.wait_indirect_dma semaphore(%arg10 : memref<!tpu.dma_semaphore, #tpu.memory_space<semaphore_mem>>) src(%arg8 : memref<128x128xf32, #tpu.memory_space<vmem>>) dst(%dma_wait3A_23 : memref<10112x128xf32, #tpu.memory_space<vmem_shared>>)
    %dma_wait3A_24 = arith.constant 0 : i32
    %dma_wait3A_25 = arith.constant 0 : i32
    %dma_wait3A_26 = tpu.memref_slice %arg7[%dma_wait3A_24, %dma_wait3A_25] : memref<40x128xi32, #tpu.memory_space<vmem>> -> memref<1x128xi32, #tpu.memory_space<vmem>>
    %dma_wait3A_27 = tpu.memref_squeeze %dma_wait3A_26 : memref<1x128xi32, #tpu.memory_space<vmem>> -> memref<128xi32, #tpu.memory_space<vmem>>
    %dma_wait3A_28 = arith.constant 0 : i32
    %dma_wait3A_29 = arith.constant 0 : i32
    %dma_wait3A_30 = tpu.memref_slice %arg6[%dma_wait3A_28, %dma_wait3A_29] : memref<10112x128xf32, #tpu.memory_space<vmem_shared>> -> memref<10112x128xf32, #tpu.memory_space<vmem_shared>>
    tpu.wait_indirect_dma semaphore(%arg11 : memref<!tpu.dma_semaphore, #tpu.memory_space<semaphore_mem>>) src(%arg8 : memref<128x128xf32, #tpu.memory_space<vmem>>) dst(%dma_wait3A_30 : memref<10112x128xf32, #tpu.memory_space<vmem_shared>>)
    %dma_wait3A_31 = arith.constant 0 : i32
    %dma_wait3A_32 = arith.constant 0 : i32
    %dma_wait3A_33 = tpu.memref_slice %arg7[%dma_wait3A_31, %dma_wait3A_32] : memref<40x128xi32, #tpu.memory_space<vmem>> -> memref<1x128xi32, #tpu.memory_space<vmem>>
    %dma_wait3A_34 = tpu.memref_squeeze %dma_wait3A_33 : memref<1x128xi32, #tpu.memory_space<vmem>> -> memref<128xi32, #tpu.memory_space<vmem>>
    %dma_wait3A_35 = arith.constant 0 : i32
    %dma_wait3A_36 = arith.constant 0 : i32
    %dma_wait3A_37 = tpu.memref_slice %arg6[%dma_wait3A_35, %dma_wait3A_36] : memref<10112x128xf32, #tpu.memory_space<vmem_shared>> -> memref<10112x128xf32, #tpu.memory_space<vmem_shared>>
    tpu.wait_indirect_dma semaphore(%arg12 : memref<!tpu.dma_semaphore, #tpu.memory_space<semaphore_mem>>) src(%arg8 : memref<128x128xf32, #tpu.memory_space<vmem>>) dst(%dma_wait3A_37 : memref<10112x128xf32, #tpu.memory_space<vmem_shared>>)
    %dma_wait3A_38 = arith.constant 0 : i32
    %dma_wait3A_39 = arith.constant 0 : i32
    %dma_wait3A_40 = tpu.memref_slice %arg7[%dma_wait3A_38, %dma_wait3A_39] : memref<40x128xi32, #tpu.memory_space<vmem>> -> memref<1x128xi32, #tpu.memory_space<vmem>>
    %dma_wait3A_41 = tpu.memref_squeeze %dma_wait3A_40 : memref<1x128xi32, #tpu.memory_space<vmem>> -> memref<128xi32, #tpu.memory_space<vmem>>
    %dma_wait3A_42 = arith.constant 0 : i32
    %dma_wait3A_43 = arith.constant 0 : i32
    %dma_wait3A_44 = tpu.memref_slice %arg6[%dma_wait3A_42, %dma_wait3A_43] : memref<10112x128xf32, #tpu.memory_space<vmem_shared>> -> memref<10112x128xf32, #tpu.memory_space<vmem_shared>>
    tpu.wait_indirect_dma semaphore(%arg13 : memref<!tpu.dma_semaphore, #tpu.memory_space<semaphore_mem>>) src(%arg8 : memref<128x128xf32, #tpu.memory_space<vmem>>) dst(%dma_wait3A_44 : memref<10112x128xf32, #tpu.memory_space<vmem_shared>>)
    %barrier3A_45 = arith.constant 0 : index
    tpu.barrier barrier_id(%barrier3A_45)
    %mul3A_46 = arith.constant 632 : i32
    %mul3A_47 = arith.muli %arg1, %mul3A_46 : i32
    %mul3A_48 = arith.constant 632 : i32
    %mul3A_49 = arith.muli %arg1, %mul3A_48 : i32
    "tpu.region"() ({
      %run_scoped3A = tpu.sem_alloc : memref<!tpu.dma_semaphore, #tpu.memory_space<semaphore_mem>>
      %dma_start3A_50 = arith.constant 0 : i32
      %dma_start3A_51 = tpu.memref_slice %arg5[%arg0, %mul3A_49, %dma_start3A_50] : memref<2x10112x128xf32, #tpu.memory_space<hbm>> -> memref<1x632x128xf32, #tpu.memory_space<hbm>>
      %dma_start3A_52 = tpu.memref_squeeze %dma_start3A_51 : memref<1x632x128xf32, #tpu.memory_space<hbm>> -> memref<632x128xf32, #tpu.memory_space<hbm>>
      %dma_start3A_53 = arith.constant 0 : i32
      %dma_start3A_54 = tpu.memref_slice %arg6[%mul3A_47, %dma_start3A_53] : memref<10112x128xf32, #tpu.memory_space<vmem_shared>> -> memref<632x128xf32, #tpu.memory_space<vmem_shared>>
      tpu.enqueue_dma source(%dma_start3A_54 : memref<632x128xf32, #tpu.memory_space<vmem_shared>>) target(%dma_start3A_52 : memref<632x128xf32, #tpu.memory_space<hbm>>) target_semaphore(%run_scoped3A : memref<!tpu.dma_semaphore, #tpu.memory_space<semaphore_mem>>)
      %dma_wait3A_55 = arith.constant 0 : i32
      %dma_wait3A_56 = tpu.memref_slice %arg5[%arg0, %mul3A_49, %dma_wait3A_55] : memref<2x10112x128xf32, #tpu.memory_space<hbm>> -> memref<1x632x128xf32, #tpu.memory_space<hbm>>
      %dma_wait3A_57 = tpu.memref_squeeze %dma_wait3A_56 : memref<1x632x128xf32, #tpu.memory_space<hbm>> -> memref<632x128xf32, #tpu.memory_space<hbm>>
      %dma_wait3A_58 = arith.constant 0 : i32
      %dma_wait3A_59 = tpu.memref_slice %arg6[%mul3A_47, %dma_wait3A_58] : memref<10112x128xf32, #tpu.memory_space<vmem_shared>> -> memref<632x128xf32, #tpu.memory_space<vmem_shared>>
      tpu.wait_dma2 semaphore(%run_scoped3A : memref<!tpu.dma_semaphore, #tpu.memory_space<semaphore_mem>>) src(%dma_wait3A_59 : memref<632x128xf32, #tpu.memory_space<vmem_shared>>) dst(%dma_wait3A_57 : memref<632x128xf32, #tpu.memory_space<hbm>>)
      tpu.yield
    }) : () -> ()
    return
  }
}

#map = affine_map<(d0, d1) -> (0, 0)>
#map1 = affine_map<(d0, d1) -> (0, 0, 0)>
module attributes {stable_mosaic.version = 14 : i64} {
  func.func @_sc_agg_body(%arg0: i32, %arg1: i32, %arg2: memref<20000x128xf32, #tpu.memory_space<hbm>>, %arg3: memref<2x1280x128xi32, #tpu.memory_space<hbm>>, %arg4: memref<1280x128xi32, #tpu.memory_space<hbm>>, %arg5: memref<10112x128xf32, #tpu.memory_space<hbm>>, %arg6: memref<2x10112x128xf32, #tpu.memory_space<hbm>>, %arg7: memref<10112x128xf32, #tpu.memory_space<vmem_shared>>, %arg8: memref<40x128xi32, #tpu.memory_space<vmem>>, %arg9: memref<40x128xi32, #tpu.memory_space<vmem>>, %arg10: memref<128x128xf32, #tpu.memory_space<vmem>>, %arg11: memref<128x128xf32, #tpu.memory_space<vmem>>, %arg12: memref<!tpu.dma_semaphore, #tpu.memory_space<semaphore_mem>>, %arg13: memref<!tpu.dma_semaphore, #tpu.memory_space<semaphore_mem>>, %arg14: memref<!tpu.dma_semaphore, #tpu.memory_space<semaphore_mem>>, %arg15: memref<!tpu.dma_semaphore, #tpu.memory_space<semaphore_mem>>, %arg16: memref<!tpu.dma_semaphore, #tpu.memory_space<semaphore_mem>>) attributes {dimension_semantics = [#tpu.dimension_semantics<core_parallel>, #tpu.dimension_semantics<subcore_parallel>], iteration_bounds = array<i64: 2, 16>, scalar_prefetch = 0 : i64, scratch_operands = 10 : i64, tpu.core_type = #tpu.core_type<sc_vector_subcore>, window_params = [{transform_indices = #map}, {transform_indices = #map1}, {transform_indices = #map}, {transform_indices = #map}, {transform_indices = #map1}]} {
    %mul3A = arith.constant 80 : i32
    %mul3A_0 = arith.muli %arg1, %mul3A : i32
    %mul3A_1 = arith.constant 632 : i32
    %mul3A_2 = arith.muli %arg1, %mul3A_1 : i32
    %mul3A_3 = arith.constant 632 : i32
    %mul3A_4 = arith.muli %arg1, %mul3A_3 : i32
    %dma_start3A = arith.constant 0 : i32
    %dma_start3A_5 = tpu.memref_slice %arg7[%mul3A_4, %dma_start3A] : memref<10112x128xf32, #tpu.memory_space<vmem_shared>> -> memref<632x128xf32, #tpu.memory_space<vmem_shared>>
    %dma_start3A_6 = arith.constant 0 : i32
    %dma_start3A_7 = tpu.memref_slice %arg5[%mul3A_2, %dma_start3A_6] : memref<10112x128xf32, #tpu.memory_space<hbm>> -> memref<632x128xf32, #tpu.memory_space<hbm>>
    tpu.enqueue_dma source(%dma_start3A_7 : memref<632x128xf32, #tpu.memory_space<hbm>>) target(%dma_start3A_5 : memref<632x128xf32, #tpu.memory_space<vmem_shared>>) target_semaphore(%arg12 : memref<!tpu.dma_semaphore, #tpu.memory_space<semaphore_mem>>)
    %add3A = arith.constant 0 : i32
    %add3A_8 = arith.addi %mul3A_0, %add3A : i32
    "tpu.region"() ({
      %run_scoped3A = tpu.sem_alloc : memref<!tpu.dma_semaphore, #tpu.memory_space<semaphore_mem>>
      %dma_start3A_88 = arith.constant 0 : i32
      %dma_start3A_89 = tpu.memref_slice %arg3[%arg0, %add3A_8, %dma_start3A_88] : memref<2x1280x128xi32, #tpu.memory_space<hbm>> -> memref<1x40x128xi32, #tpu.memory_space<hbm>>
      %dma_start3A_90 = tpu.memref_squeeze %dma_start3A_89 : memref<1x40x128xi32, #tpu.memory_space<hbm>> -> memref<40x128xi32, #tpu.memory_space<hbm>>
      %dma_start3A_91 = arith.constant 0 : i32
      %dma_start3A_92 = tpu.memref_slice %arg3[%arg0, %add3A_8, %dma_start3A_91] : memref<2x1280x128xi32, #tpu.memory_space<hbm>> -> memref<1x40x128xi32, #tpu.memory_space<hbm>>
      %dma_start3A_93 = tpu.memref_squeeze %dma_start3A_92 : memref<1x40x128xi32, #tpu.memory_space<hbm>> -> memref<40x128xi32, #tpu.memory_space<hbm>>
      tpu.enqueue_dma source(%dma_start3A_93 : memref<40x128xi32, #tpu.memory_space<hbm>>) target(%arg8 : memref<40x128xi32, #tpu.memory_space<vmem>>) target_semaphore(%run_scoped3A : memref<!tpu.dma_semaphore, #tpu.memory_space<semaphore_mem>>)
      %dma_wait3A_94 = arith.constant 0 : i32
      %dma_wait3A_95 = tpu.memref_slice %arg3[%arg0, %add3A_8, %dma_wait3A_94] : memref<2x1280x128xi32, #tpu.memory_space<hbm>> -> memref<1x40x128xi32, #tpu.memory_space<hbm>>
      %dma_wait3A_96 = tpu.memref_squeeze %dma_wait3A_95 : memref<1x40x128xi32, #tpu.memory_space<hbm>> -> memref<40x128xi32, #tpu.memory_space<hbm>>
      %dma_wait3A_97 = arith.constant 0 : i32
      %dma_wait3A_98 = tpu.memref_slice %arg3[%arg0, %add3A_8, %dma_wait3A_97] : memref<2x1280x128xi32, #tpu.memory_space<hbm>> -> memref<1x40x128xi32, #tpu.memory_space<hbm>>
      %dma_wait3A_99 = tpu.memref_squeeze %dma_wait3A_98 : memref<1x40x128xi32, #tpu.memory_space<hbm>> -> memref<40x128xi32, #tpu.memory_space<hbm>>
      tpu.wait_dma2 semaphore(%run_scoped3A : memref<!tpu.dma_semaphore, #tpu.memory_space<semaphore_mem>>) src(%dma_wait3A_99 : memref<40x128xi32, #tpu.memory_space<hbm>>) dst(%arg8 : memref<40x128xi32, #tpu.memory_space<vmem>>)
      tpu.yield
    }) : () -> ()
    %add3A_9 = arith.constant 0 : i32
    %add3A_10 = arith.addi %mul3A_0, %add3A_9 : i32
    "tpu.region"() ({
      %run_scoped3A = tpu.sem_alloc : memref<!tpu.dma_semaphore, #tpu.memory_space<semaphore_mem>>
      %dma_start3A_88 = arith.constant 0 : i32
      %dma_start3A_89 = tpu.memref_slice %arg4[%add3A_10, %dma_start3A_88] : memref<1280x128xi32, #tpu.memory_space<hbm>> -> memref<40x128xi32, #tpu.memory_space<hbm>>
      %dma_start3A_90 = arith.constant 0 : i32
      %dma_start3A_91 = tpu.memref_slice %arg4[%add3A_10, %dma_start3A_90] : memref<1280x128xi32, #tpu.memory_space<hbm>> -> memref<40x128xi32, #tpu.memory_space<hbm>>
      tpu.enqueue_dma source(%dma_start3A_91 : memref<40x128xi32, #tpu.memory_space<hbm>>) target(%arg9 : memref<40x128xi32, #tpu.memory_space<vmem>>) target_semaphore(%run_scoped3A : memref<!tpu.dma_semaphore, #tpu.memory_space<semaphore_mem>>)
      %dma_wait3A_92 = arith.constant 0 : i32
      %dma_wait3A_93 = tpu.memref_slice %arg4[%add3A_10, %dma_wait3A_92] : memref<1280x128xi32, #tpu.memory_space<hbm>> -> memref<40x128xi32, #tpu.memory_space<hbm>>
      %dma_wait3A_94 = arith.constant 0 : i32
      %dma_wait3A_95 = tpu.memref_slice %arg4[%add3A_10, %dma_wait3A_94] : memref<1280x128xi32, #tpu.memory_space<hbm>> -> memref<40x128xi32, #tpu.memory_space<hbm>>
      tpu.wait_dma2 semaphore(%run_scoped3A : memref<!tpu.dma_semaphore, #tpu.memory_space<semaphore_mem>>) src(%dma_wait3A_95 : memref<40x128xi32, #tpu.memory_space<hbm>>) dst(%arg9 : memref<40x128xi32, #tpu.memory_space<vmem>>)
      tpu.yield
    }) : () -> ()
    %dma_start3A_11 = arith.constant 0 : i32
    %dma_start3A_12 = arith.constant 0 : i32
    %dma_start3A_13 = tpu.memref_slice %arg8[%dma_start3A_11, %dma_start3A_12] : memref<40x128xi32, #tpu.memory_space<vmem>> -> memref<1x128xi32, #tpu.memory_space<vmem>>
    %dma_start3A_14 = tpu.memref_squeeze %dma_start3A_13 : memref<1x128xi32, #tpu.memory_space<vmem>> -> memref<128xi32, #tpu.memory_space<vmem>>
    %dma_start3A_15 = arith.constant 0 : i32
    %dma_start3A_16 = arith.constant 0 : i32
    %dma_start3A_17 = tpu.memref_slice %arg2[%dma_start3A_15, %dma_start3A_16] : memref<20000x128xf32, #tpu.memory_space<hbm>> -> memref<20000x128xf32, #tpu.memory_space<hbm>>
    tpu.enqueue_indirect_dma source(%dma_start3A_17 : memref<20000x128xf32, #tpu.memory_space<hbm>>) target(%arg10 : memref<128x128xf32, #tpu.memory_space<vmem>>) offsets(%dma_start3A_14 : memref<128xi32, #tpu.memory_space<vmem>>) semaphore(%arg13 : memref<!tpu.dma_semaphore, #tpu.memory_space<semaphore_mem>>)
    %dma_start3A_18 = arith.constant 1 : i32
    %dma_start3A_19 = arith.constant 0 : i32
    %dma_start3A_20 = tpu.memref_slice %arg8[%dma_start3A_18, %dma_start3A_19] : memref<40x128xi32, #tpu.memory_space<vmem>> -> memref<1x128xi32, #tpu.memory_space<vmem>>
    %dma_start3A_21 = tpu.memref_squeeze %dma_start3A_20 : memref<1x128xi32, #tpu.memory_space<vmem>> -> memref<128xi32, #tpu.memory_space<vmem>>
    %dma_start3A_22 = arith.constant 0 : i32
    %dma_start3A_23 = arith.constant 0 : i32
    %dma_start3A_24 = tpu.memref_slice %arg2[%dma_start3A_22, %dma_start3A_23] : memref<20000x128xf32, #tpu.memory_space<hbm>> -> memref<20000x128xf32, #tpu.memory_space<hbm>>
    tpu.enqueue_indirect_dma source(%dma_start3A_24 : memref<20000x128xf32, #tpu.memory_space<hbm>>) target(%arg11 : memref<128x128xf32, #tpu.memory_space<vmem>>) offsets(%dma_start3A_21 : memref<128xi32, #tpu.memory_space<vmem>>) semaphore(%arg14 : memref<!tpu.dma_semaphore, #tpu.memory_space<semaphore_mem>>)
    %dma_wait3A = arith.constant 0 : i32
    %dma_wait3A_25 = tpu.memref_slice %arg7[%mul3A_4, %dma_wait3A] : memref<10112x128xf32, #tpu.memory_space<vmem_shared>> -> memref<632x128xf32, #tpu.memory_space<vmem_shared>>
    %dma_wait3A_26 = arith.constant 0 : i32
    %dma_wait3A_27 = tpu.memref_slice %arg5[%mul3A_2, %dma_wait3A_26] : memref<10112x128xf32, #tpu.memory_space<hbm>> -> memref<632x128xf32, #tpu.memory_space<hbm>>
    tpu.wait_dma2 semaphore(%arg12 : memref<!tpu.dma_semaphore, #tpu.memory_space<semaphore_mem>>) src(%dma_wait3A_27 : memref<632x128xf32, #tpu.memory_space<hbm>>) dst(%dma_wait3A_25 : memref<632x128xf32, #tpu.memory_space<vmem_shared>>)
    %barrier3A = arith.constant 0 : index
    tpu.barrier barrier_id(%barrier3A)
    %scan3A = arith.constant 0 : i32
    %scan3A_28 = arith.constant 20 : i32
    %scan3A_29 = arith.addi %scan3A, %scan3A_28 : i32
    %scan3A_30 = arith.constant 1 : i32
    scf.for %scan3A_88 = %scan3A to %scan3A_29 step %scan3A_30  : i32 {
      %mul3A_89 = arith.constant 1 : i32
      %mul3A_90 = arith.muli %scan3A_88, %mul3A_89 : i32
      %add3A_91 = arith.constant 0 : i32
      %add3A_92 = arith.addi %add3A_91, %mul3A_90 : i32
      %mul3A_93 = arith.constant 2 : i32
      %mul3A_94 = arith.muli %add3A_92, %mul3A_93 : i32
      %dma_wait3A_95 = arith.constant 0 : i32
      %dma_wait3A_96 = arith.constant 0 : i32
      %dma_wait3A_97 = tpu.memref_slice %arg8[%dma_wait3A_95, %dma_wait3A_96] : memref<40x128xi32, #tpu.memory_space<vmem>> -> memref<1x128xi32, #tpu.memory_space<vmem>>
      %dma_wait3A_98 = tpu.memref_squeeze %dma_wait3A_97 : memref<1x128xi32, #tpu.memory_space<vmem>> -> memref<128xi32, #tpu.memory_space<vmem>>
      %dma_wait3A_99 = arith.constant 0 : i32
      %dma_wait3A_100 = arith.constant 0 : i32
      %dma_wait3A_101 = tpu.memref_slice %arg2[%dma_wait3A_99, %dma_wait3A_100] : memref<20000x128xf32, #tpu.memory_space<hbm>> -> memref<20000x128xf32, #tpu.memory_space<hbm>>
      tpu.wait_indirect_dma semaphore(%arg13 : memref<!tpu.dma_semaphore, #tpu.memory_space<semaphore_mem>>) src(%dma_wait3A_101 : memref<20000x128xf32, #tpu.memory_space<hbm>>) dst(%arg10 : memref<128x128xf32, #tpu.memory_space<vmem>>)
      %add3A_102 = arith.constant 0 : i32
      %add3A_103 = arith.addi %mul3A_94, %add3A_102 : i32
      %dma_start3A_104 = arith.constant 0 : i32
      %dma_start3A_105 = tpu.memref_slice %arg9[%add3A_103, %dma_start3A_104] : memref<40x128xi32, #tpu.memory_space<vmem>> -> memref<1x128xi32, #tpu.memory_space<vmem>>
      %dma_start3A_106 = tpu.memref_squeeze %dma_start3A_105 : memref<1x128xi32, #tpu.memory_space<vmem>> -> memref<128xi32, #tpu.memory_space<vmem>>
      %dma_start3A_107 = arith.constant 0 : i32
      %dma_start3A_108 = arith.constant 0 : i32
      %dma_start3A_109 = tpu.memref_slice %arg7[%dma_start3A_107, %dma_start3A_108] : memref<10112x128xf32, #tpu.memory_space<vmem_shared>> -> memref<10112x128xf32, #tpu.memory_space<vmem_shared>>
      tpu.enqueue_indirect_dma source(%arg10 : memref<128x128xf32, #tpu.memory_space<vmem>>) target(%dma_start3A_109 : memref<10112x128xf32, #tpu.memory_space<vmem_shared>>) offsets(%dma_start3A_106 : memref<128xi32, #tpu.memory_space<vmem>>) semaphore(%arg15 : memref<!tpu.dma_semaphore, #tpu.memory_space<semaphore_mem>>) {add = true}
      %dma_wait3A_110 = arith.constant 1 : i32
      %dma_wait3A_111 = arith.constant 0 : i32
      %dma_wait3A_112 = tpu.memref_slice %arg8[%dma_wait3A_110, %dma_wait3A_111] : memref<40x128xi32, #tpu.memory_space<vmem>> -> memref<1x128xi32, #tpu.memory_space<vmem>>
      %dma_wait3A_113 = tpu.memref_squeeze %dma_wait3A_112 : memref<1x128xi32, #tpu.memory_space<vmem>> -> memref<128xi32, #tpu.memory_space<vmem>>
      %dma_wait3A_114 = arith.constant 0 : i32
      %dma_wait3A_115 = arith.constant 0 : i32
      %dma_wait3A_116 = tpu.memref_slice %arg2[%dma_wait3A_114, %dma_wait3A_115] : memref<20000x128xf32, #tpu.memory_space<hbm>> -> memref<20000x128xf32, #tpu.memory_space<hbm>>
      tpu.wait_indirect_dma semaphore(%arg14 : memref<!tpu.dma_semaphore, #tpu.memory_space<semaphore_mem>>) src(%dma_wait3A_116 : memref<20000x128xf32, #tpu.memory_space<hbm>>) dst(%arg11 : memref<128x128xf32, #tpu.memory_space<vmem>>)
      %add3A_117 = arith.constant 1 : i32
      %add3A_118 = arith.addi %mul3A_94, %add3A_117 : i32
      %dma_start3A_119 = arith.constant 0 : i32
      %dma_start3A_120 = tpu.memref_slice %arg9[%add3A_118, %dma_start3A_119] : memref<40x128xi32, #tpu.memory_space<vmem>> -> memref<1x128xi32, #tpu.memory_space<vmem>>
      %dma_start3A_121 = tpu.memref_squeeze %dma_start3A_120 : memref<1x128xi32, #tpu.memory_space<vmem>> -> memref<128xi32, #tpu.memory_space<vmem>>
      %dma_start3A_122 = arith.constant 0 : i32
      %dma_start3A_123 = arith.constant 0 : i32
      %dma_start3A_124 = tpu.memref_slice %arg7[%dma_start3A_122, %dma_start3A_123] : memref<10112x128xf32, #tpu.memory_space<vmem_shared>> -> memref<10112x128xf32, #tpu.memory_space<vmem_shared>>
      tpu.enqueue_indirect_dma source(%arg11 : memref<128x128xf32, #tpu.memory_space<vmem>>) target(%dma_start3A_124 : memref<10112x128xf32, #tpu.memory_space<vmem_shared>>) offsets(%dma_start3A_121 : memref<128xi32, #tpu.memory_space<vmem>>) semaphore(%arg16 : memref<!tpu.dma_semaphore, #tpu.memory_space<semaphore_mem>>) {add = true}
      %lt3A = arith.constant 19 : i32
      %lt3A_125 = arith.cmpi slt, %add3A_92, %lt3A : i32
      %convert_element_type3A = arith.extui %lt3A_125 : i1 to i32
      %cond3A = arith.constant 0 : i32
      %cond3A_126 = arith.cmpi ne, %convert_element_type3A, %cond3A : i32
      scf.if %cond3A_126 {
        %dma_wait3A_127 = arith.constant 0 : i32
        %dma_wait3A_128 = arith.constant 0 : i32
        %dma_wait3A_129 = tpu.memref_slice %arg9[%dma_wait3A_127, %dma_wait3A_128] : memref<40x128xi32, #tpu.memory_space<vmem>> -> memref<1x128xi32, #tpu.memory_space<vmem>>
        %dma_wait3A_130 = tpu.memref_squeeze %dma_wait3A_129 : memref<1x128xi32, #tpu.memory_space<vmem>> -> memref<128xi32, #tpu.memory_space<vmem>>
        %dma_wait3A_131 = arith.constant 0 : i32
        %dma_wait3A_132 = arith.constant 0 : i32
        %dma_wait3A_133 = tpu.memref_slice %arg7[%dma_wait3A_131, %dma_wait3A_132] : memref<10112x128xf32, #tpu.memory_space<vmem_shared>> -> memref<10112x128xf32, #tpu.memory_space<vmem_shared>>
        tpu.wait_indirect_dma semaphore(%arg15 : memref<!tpu.dma_semaphore, #tpu.memory_space<semaphore_mem>>) src(%arg10 : memref<128x128xf32, #tpu.memory_space<vmem>>) dst(%dma_wait3A_133 : memref<10112x128xf32, #tpu.memory_space<vmem_shared>>)
        %add3A_134 = arith.constant 2 : i32
        %add3A_135 = arith.addi %mul3A_94, %add3A_134 : i32
        %add3A_136 = arith.constant 0 : i32
        %add3A_137 = arith.addi %add3A_135, %add3A_136 : i32
        %dma_start3A_138 = arith.constant 0 : i32
        %dma_start3A_139 = tpu.memref_slice %arg8[%add3A_137, %dma_start3A_138] : memref<40x128xi32, #tpu.memory_space<vmem>> -> memref<1x128xi32, #tpu.memory_space<vmem>>
        %dma_start3A_140 = tpu.memref_squeeze %dma_start3A_139 : memref<1x128xi32, #tpu.memory_space<vmem>> -> memref<128xi32, #tpu.memory_space<vmem>>
        %dma_start3A_141 = arith.constant 0 : i32
        %dma_start3A_142 = arith.constant 0 : i32
        %dma_start3A_143 = tpu.memref_slice %arg2[%dma_start3A_141, %dma_start3A_142] : memref<20000x128xf32, #tpu.memory_space<hbm>> -> memref<20000x128xf32, #tpu.memory_space<hbm>>
        tpu.enqueue_indirect_dma source(%dma_start3A_143 : memref<20000x128xf32, #tpu.memory_space<hbm>>) target(%arg10 : memref<128x128xf32, #tpu.memory_space<vmem>>) offsets(%dma_start3A_140 : memref<128xi32, #tpu.memory_space<vmem>>) semaphore(%arg13 : memref<!tpu.dma_semaphore, #tpu.memory_space<semaphore_mem>>)
        %dma_wait3A_144 = arith.constant 0 : i32
        %dma_wait3A_145 = arith.constant 0 : i32
        %dma_wait3A_146 = tpu.memref_slice %arg9[%dma_wait3A_144, %dma_wait3A_145] : memref<40x128xi32, #tpu.memory_space<vmem>> -> memref<1x128xi32, #tpu.memory_space<vmem>>
        %dma_wait3A_147 = tpu.memref_squeeze %dma_wait3A_146 : memref<1x128xi32, #tpu.memory_space<vmem>> -> memref<128xi32, #tpu.memory_space<vmem>>
        %dma_wait3A_148 = arith.constant 0 : i32
        %dma_wait3A_149 = arith.constant 0 : i32
        %dma_wait3A_150 = tpu.memref_slice %arg7[%dma_wait3A_148, %dma_wait3A_149] : memref<10112x128xf32, #tpu.memory_space<vmem_shared>> -> memref<10112x128xf32, #tpu.memory_space<vmem_shared>>
        tpu.wait_indirect_dma semaphore(%arg16 : memref<!tpu.dma_semaphore, #tpu.memory_space<semaphore_mem>>) src(%arg11 : memref<128x128xf32, #tpu.memory_space<vmem>>) dst(%dma_wait3A_150 : memref<10112x128xf32, #tpu.memory_space<vmem_shared>>)
        %add3A_151 = arith.constant 2 : i32
        %add3A_152 = arith.addi %mul3A_94, %add3A_151 : i32
        %add3A_153 = arith.constant 1 : i32
        %add3A_154 = arith.addi %add3A_152, %add3A_153 : i32
        %dma_start3A_155 = arith.constant 0 : i32
        %dma_start3A_156 = tpu.memref_slice %arg8[%add3A_154, %dma_start3A_155] : memref<40x128xi32, #tpu.memory_space<vmem>> -> memref<1x128xi32, #tpu.memory_space<vmem>>
        %dma_start3A_157 = tpu.memref_squeeze %dma_start3A_156 : memref<1x128xi32, #tpu.memory_space<vmem>> -> memref<128xi32, #tpu.memory_space<vmem>>
        %dma_start3A_158 = arith.constant 0 : i32
        %dma_start3A_159 = arith.constant 0 : i32
        %dma_start3A_160 = tpu.memref_slice %arg2[%dma_start3A_158, %dma_start3A_159] : memref<20000x128xf32, #tpu.memory_space<hbm>> -> memref<20000x128xf32, #tpu.memory_space<hbm>>
        tpu.enqueue_indirect_dma source(%dma_start3A_160 : memref<20000x128xf32, #tpu.memory_space<hbm>>) target(%arg11 : memref<128x128xf32, #tpu.memory_space<vmem>>) offsets(%dma_start3A_157 : memref<128xi32, #tpu.memory_space<vmem>>) semaphore(%arg14 : memref<!tpu.dma_semaphore, #tpu.memory_space<semaphore_mem>>)
      } else {
      }
    }
    %scan3A_31 = arith.constant 20 : i32
    %dma_wait3A_32 = arith.constant 0 : i32
    %dma_wait3A_33 = arith.constant 0 : i32
    %dma_wait3A_34 = tpu.memref_slice %arg9[%dma_wait3A_32, %dma_wait3A_33] : memref<40x128xi32, #tpu.memory_space<vmem>> -> memref<1x128xi32, #tpu.memory_space<vmem>>
    %dma_wait3A_35 = tpu.memref_squeeze %dma_wait3A_34 : memref<1x128xi32, #tpu.memory_space<vmem>> -> memref<128xi32, #tpu.memory_space<vmem>>
    %dma_wait3A_36 = arith.constant 0 : i32
    %dma_wait3A_37 = arith.constant 0 : i32
    %dma_wait3A_38 = tpu.memref_slice %arg7[%dma_wait3A_36, %dma_wait3A_37] : memref<10112x128xf32, #tpu.memory_space<vmem_shared>> -> memref<10112x128xf32, #tpu.memory_space<vmem_shared>>
    tpu.wait_indirect_dma semaphore(%arg15 : memref<!tpu.dma_semaphore, #tpu.memory_space<semaphore_mem>>) src(%arg10 : memref<128x128xf32, #tpu.memory_space<vmem>>) dst(%dma_wait3A_38 : memref<10112x128xf32, #tpu.memory_space<vmem_shared>>)
    %dma_wait3A_39 = arith.constant 0 : i32
    %dma_wait3A_40 = arith.constant 0 : i32
    %dma_wait3A_41 = tpu.memref_slice %arg9[%dma_wait3A_39, %dma_wait3A_40] : memref<40x128xi32, #tpu.memory_space<vmem>> -> memref<1x128xi32, #tpu.memory_space<vmem>>
    %dma_wait3A_42 = tpu.memref_squeeze %dma_wait3A_41 : memref<1x128xi32, #tpu.memory_space<vmem>> -> memref<128xi32, #tpu.memory_space<vmem>>
    %dma_wait3A_43 = arith.constant 0 : i32
    %dma_wait3A_44 = arith.constant 0 : i32
    %dma_wait3A_45 = tpu.memref_slice %arg7[%dma_wait3A_43, %dma_wait3A_44] : memref<10112x128xf32, #tpu.memory_space<vmem_shared>> -> memref<10112x128xf32, #tpu.memory_space<vmem_shared>>
    tpu.wait_indirect_dma semaphore(%arg16 : memref<!tpu.dma_semaphore, #tpu.memory_space<semaphore_mem>>) src(%arg11 : memref<128x128xf32, #tpu.memory_space<vmem>>) dst(%dma_wait3A_45 : memref<10112x128xf32, #tpu.memory_space<vmem_shared>>)
    %add3A_46 = arith.constant 40 : i32
    %add3A_47 = arith.addi %mul3A_0, %add3A_46 : i32
    "tpu.region"() ({
      %run_scoped3A = tpu.sem_alloc : memref<!tpu.dma_semaphore, #tpu.memory_space<semaphore_mem>>
      %dma_start3A_88 = arith.constant 0 : i32
      %dma_start3A_89 = tpu.memref_slice %arg3[%arg0, %add3A_47, %dma_start3A_88] : memref<2x1280x128xi32, #tpu.memory_space<hbm>> -> memref<1x40x128xi32, #tpu.memory_space<hbm>>
      %dma_start3A_90 = tpu.memref_squeeze %dma_start3A_89 : memref<1x40x128xi32, #tpu.memory_space<hbm>> -> memref<40x128xi32, #tpu.memory_space<hbm>>
      %dma_start3A_91 = arith.constant 0 : i32
      %dma_start3A_92 = tpu.memref_slice %arg3[%arg0, %add3A_47, %dma_start3A_91] : memref<2x1280x128xi32, #tpu.memory_space<hbm>> -> memref<1x40x128xi32, #tpu.memory_space<hbm>>
      %dma_start3A_93 = tpu.memref_squeeze %dma_start3A_92 : memref<1x40x128xi32, #tpu.memory_space<hbm>> -> memref<40x128xi32, #tpu.memory_space<hbm>>
      tpu.enqueue_dma source(%dma_start3A_93 : memref<40x128xi32, #tpu.memory_space<hbm>>) target(%arg8 : memref<40x128xi32, #tpu.memory_space<vmem>>) target_semaphore(%run_scoped3A : memref<!tpu.dma_semaphore, #tpu.memory_space<semaphore_mem>>)
      %dma_wait3A_94 = arith.constant 0 : i32
      %dma_wait3A_95 = tpu.memref_slice %arg3[%arg0, %add3A_47, %dma_wait3A_94] : memref<2x1280x128xi32, #tpu.memory_space<hbm>> -> memref<1x40x128xi32, #tpu.memory_space<hbm>>
      %dma_wait3A_96 = tpu.memref_squeeze %dma_wait3A_95 : memref<1x40x128xi32, #tpu.memory_space<hbm>> -> memref<40x128xi32, #tpu.memory_space<hbm>>
      %dma_wait3A_97 = arith.constant 0 : i32
      %dma_wait3A_98 = tpu.memref_slice %arg3[%arg0, %add3A_47, %dma_wait3A_97] : memref<2x1280x128xi32, #tpu.memory_space<hbm>> -> memref<1x40x128xi32, #tpu.memory_space<hbm>>
      %dma_wait3A_99 = tpu.memref_squeeze %dma_wait3A_98 : memref<1x40x128xi32, #tpu.memory_space<hbm>> -> memref<40x128xi32, #tpu.memory_space<hbm>>
      tpu.wait_dma2 semaphore(%run_scoped3A : memref<!tpu.dma_semaphore, #tpu.memory_space<semaphore_mem>>) src(%dma_wait3A_99 : memref<40x128xi32, #tpu.memory_space<hbm>>) dst(%arg8 : memref<40x128xi32, #tpu.memory_space<vmem>>)
      tpu.yield
    }) : () -> ()
    %add3A_48 = arith.constant 40 : i32
    %add3A_49 = arith.addi %mul3A_0, %add3A_48 : i32
    "tpu.region"() ({
      %run_scoped3A = tpu.sem_alloc : memref<!tpu.dma_semaphore, #tpu.memory_space<semaphore_mem>>
      %dma_start3A_88 = arith.constant 0 : i32
      %dma_start3A_89 = tpu.memref_slice %arg4[%add3A_49, %dma_start3A_88] : memref<1280x128xi32, #tpu.memory_space<hbm>> -> memref<40x128xi32, #tpu.memory_space<hbm>>
      %dma_start3A_90 = arith.constant 0 : i32
      %dma_start3A_91 = tpu.memref_slice %arg4[%add3A_49, %dma_start3A_90] : memref<1280x128xi32, #tpu.memory_space<hbm>> -> memref<40x128xi32, #tpu.memory_space<hbm>>
      tpu.enqueue_dma source(%dma_start3A_91 : memref<40x128xi32, #tpu.memory_space<hbm>>) target(%arg9 : memref<40x128xi32, #tpu.memory_space<vmem>>) target_semaphore(%run_scoped3A : memref<!tpu.dma_semaphore, #tpu.memory_space<semaphore_mem>>)
      %dma_wait3A_92 = arith.constant 0 : i32
      %dma_wait3A_93 = tpu.memref_slice %arg4[%add3A_49, %dma_wait3A_92] : memref<1280x128xi32, #tpu.memory_space<hbm>> -> memref<40x128xi32, #tpu.memory_space<hbm>>
      %dma_wait3A_94 = arith.constant 0 : i32
      %dma_wait3A_95 = tpu.memref_slice %arg4[%add3A_49, %dma_wait3A_94] : memref<1280x128xi32, #tpu.memory_space<hbm>> -> memref<40x128xi32, #tpu.memory_space<hbm>>
      tpu.wait_dma2 semaphore(%run_scoped3A : memref<!tpu.dma_semaphore, #tpu.memory_space<semaphore_mem>>) src(%dma_wait3A_95 : memref<40x128xi32, #tpu.memory_space<hbm>>) dst(%arg9 : memref<40x128xi32, #tpu.memory_space<vmem>>)
      tpu.yield
    }) : () -> ()
    %dma_start3A_50 = arith.constant 0 : i32
    %dma_start3A_51 = arith.constant 0 : i32
    %dma_start3A_52 = tpu.memref_slice %arg8[%dma_start3A_50, %dma_start3A_51] : memref<40x128xi32, #tpu.memory_space<vmem>> -> memref<1x128xi32, #tpu.memory_space<vmem>>
    %dma_start3A_53 = tpu.memref_squeeze %dma_start3A_52 : memref<1x128xi32, #tpu.memory_space<vmem>> -> memref<128xi32, #tpu.memory_space<vmem>>
    %dma_start3A_54 = arith.constant 0 : i32
    %dma_start3A_55 = arith.constant 0 : i32
    %dma_start3A_56 = tpu.memref_slice %arg2[%dma_start3A_54, %dma_start3A_55] : memref<20000x128xf32, #tpu.memory_space<hbm>> -> memref<20000x128xf32, #tpu.memory_space<hbm>>
    tpu.enqueue_indirect_dma source(%dma_start3A_56 : memref<20000x128xf32, #tpu.memory_space<hbm>>) target(%arg10 : memref<128x128xf32, #tpu.memory_space<vmem>>) offsets(%dma_start3A_53 : memref<128xi32, #tpu.memory_space<vmem>>) semaphore(%arg13 : memref<!tpu.dma_semaphore, #tpu.memory_space<semaphore_mem>>)
    %dma_start3A_57 = arith.constant 1 : i32
    %dma_start3A_58 = arith.constant 0 : i32
    %dma_start3A_59 = tpu.memref_slice %arg8[%dma_start3A_57, %dma_start3A_58] : memref<40x128xi32, #tpu.memory_space<vmem>> -> memref<1x128xi32, #tpu.memory_space<vmem>>
    %dma_start3A_60 = tpu.memref_squeeze %dma_start3A_59 : memref<1x128xi32, #tpu.memory_space<vmem>> -> memref<128xi32, #tpu.memory_space<vmem>>
    %dma_start3A_61 = arith.constant 0 : i32
    %dma_start3A_62 = arith.constant 0 : i32
    %dma_start3A_63 = tpu.memref_slice %arg2[%dma_start3A_61, %dma_start3A_62] : memref<20000x128xf32, #tpu.memory_space<hbm>> -> memref<20000x128xf32, #tpu.memory_space<hbm>>
    tpu.enqueue_indirect_dma source(%dma_start3A_63 : memref<20000x128xf32, #tpu.memory_space<hbm>>) target(%arg11 : memref<128x128xf32, #tpu.memory_space<vmem>>) offsets(%dma_start3A_60 : memref<128xi32, #tpu.memory_space<vmem>>) semaphore(%arg14 : memref<!tpu.dma_semaphore, #tpu.memory_space<semaphore_mem>>)
    %scan3A_64 = arith.constant 0 : i32
    %scan3A_65 = arith.constant 20 : i32
    %scan3A_66 = arith.addi %scan3A_64, %scan3A_65 : i32
    %scan3A_67 = arith.constant 1 : i32
    scf.for %scan3A_88 = %scan3A_64 to %scan3A_66 step %scan3A_67  : i32 {
      %mul3A_89 = arith.constant 1 : i32
      %mul3A_90 = arith.muli %scan3A_88, %mul3A_89 : i32
      %add3A_91 = arith.constant 0 : i32
      %add3A_92 = arith.addi %add3A_91, %mul3A_90 : i32
      %mul3A_93 = arith.constant 2 : i32
      %mul3A_94 = arith.muli %add3A_92, %mul3A_93 : i32
      %dma_wait3A_95 = arith.constant 0 : i32
      %dma_wait3A_96 = arith.constant 0 : i32
      %dma_wait3A_97 = tpu.memref_slice %arg8[%dma_wait3A_95, %dma_wait3A_96] : memref<40x128xi32, #tpu.memory_space<vmem>> -> memref<1x128xi32, #tpu.memory_space<vmem>>
      %dma_wait3A_98 = tpu.memref_squeeze %dma_wait3A_97 : memref<1x128xi32, #tpu.memory_space<vmem>> -> memref<128xi32, #tpu.memory_space<vmem>>
      %dma_wait3A_99 = arith.constant 0 : i32
      %dma_wait3A_100 = arith.constant 0 : i32
      %dma_wait3A_101 = tpu.memref_slice %arg2[%dma_wait3A_99, %dma_wait3A_100] : memref<20000x128xf32, #tpu.memory_space<hbm>> -> memref<20000x128xf32, #tpu.memory_space<hbm>>
      tpu.wait_indirect_dma semaphore(%arg13 : memref<!tpu.dma_semaphore, #tpu.memory_space<semaphore_mem>>) src(%dma_wait3A_101 : memref<20000x128xf32, #tpu.memory_space<hbm>>) dst(%arg10 : memref<128x128xf32, #tpu.memory_space<vmem>>)
      %add3A_102 = arith.constant 0 : i32
      %add3A_103 = arith.addi %mul3A_94, %add3A_102 : i32
      %dma_start3A_104 = arith.constant 0 : i32
      %dma_start3A_105 = tpu.memref_slice %arg9[%add3A_103, %dma_start3A_104] : memref<40x128xi32, #tpu.memory_space<vmem>> -> memref<1x128xi32, #tpu.memory_space<vmem>>
      %dma_start3A_106 = tpu.memref_squeeze %dma_start3A_105 : memref<1x128xi32, #tpu.memory_space<vmem>> -> memref<128xi32, #tpu.memory_space<vmem>>
      %dma_start3A_107 = arith.constant 0 : i32
      %dma_start3A_108 = arith.constant 0 : i32
      %dma_start3A_109 = tpu.memref_slice %arg7[%dma_start3A_107, %dma_start3A_108] : memref<10112x128xf32, #tpu.memory_space<vmem_shared>> -> memref<10112x128xf32, #tpu.memory_space<vmem_shared>>
      tpu.enqueue_indirect_dma source(%arg10 : memref<128x128xf32, #tpu.memory_space<vmem>>) target(%dma_start3A_109 : memref<10112x128xf32, #tpu.memory_space<vmem_shared>>) offsets(%dma_start3A_106 : memref<128xi32, #tpu.memory_space<vmem>>) semaphore(%arg15 : memref<!tpu.dma_semaphore, #tpu.memory_space<semaphore_mem>>) {add = true}
      %dma_wait3A_110 = arith.constant 1 : i32
      %dma_wait3A_111 = arith.constant 0 : i32
      %dma_wait3A_112 = tpu.memref_slice %arg8[%dma_wait3A_110, %dma_wait3A_111] : memref<40x128xi32, #tpu.memory_space<vmem>> -> memref<1x128xi32, #tpu.memory_space<vmem>>
      %dma_wait3A_113 = tpu.memref_squeeze %dma_wait3A_112 : memref<1x128xi32, #tpu.memory_space<vmem>> -> memref<128xi32, #tpu.memory_space<vmem>>
      %dma_wait3A_114 = arith.constant 0 : i32
      %dma_wait3A_115 = arith.constant 0 : i32
      %dma_wait3A_116 = tpu.memref_slice %arg2[%dma_wait3A_114, %dma_wait3A_115] : memref<20000x128xf32, #tpu.memory_space<hbm>> -> memref<20000x128xf32, #tpu.memory_space<hbm>>
      tpu.wait_indirect_dma semaphore(%arg14 : memref<!tpu.dma_semaphore, #tpu.memory_space<semaphore_mem>>) src(%dma_wait3A_116 : memref<20000x128xf32, #tpu.memory_space<hbm>>) dst(%arg11 : memref<128x128xf32, #tpu.memory_space<vmem>>)
      %add3A_117 = arith.constant 1 : i32
      %add3A_118 = arith.addi %mul3A_94, %add3A_117 : i32
      %dma_start3A_119 = arith.constant 0 : i32
      %dma_start3A_120 = tpu.memref_slice %arg9[%add3A_118, %dma_start3A_119] : memref<40x128xi32, #tpu.memory_space<vmem>> -> memref<1x128xi32, #tpu.memory_space<vmem>>
      %dma_start3A_121 = tpu.memref_squeeze %dma_start3A_120 : memref<1x128xi32, #tpu.memory_space<vmem>> -> memref<128xi32, #tpu.memory_space<vmem>>
      %dma_start3A_122 = arith.constant 0 : i32
      %dma_start3A_123 = arith.constant 0 : i32
      %dma_start3A_124 = tpu.memref_slice %arg7[%dma_start3A_122, %dma_start3A_123] : memref<10112x128xf32, #tpu.memory_space<vmem_shared>> -> memref<10112x128xf32, #tpu.memory_space<vmem_shared>>
      tpu.enqueue_indirect_dma source(%arg11 : memref<128x128xf32, #tpu.memory_space<vmem>>) target(%dma_start3A_124 : memref<10112x128xf32, #tpu.memory_space<vmem_shared>>) offsets(%dma_start3A_121 : memref<128xi32, #tpu.memory_space<vmem>>) semaphore(%arg16 : memref<!tpu.dma_semaphore, #tpu.memory_space<semaphore_mem>>) {add = true}
      %lt3A = arith.constant 19 : i32
      %lt3A_125 = arith.cmpi slt, %add3A_92, %lt3A : i32
      %convert_element_type3A = arith.extui %lt3A_125 : i1 to i32
      %cond3A = arith.constant 0 : i32
      %cond3A_126 = arith.cmpi ne, %convert_element_type3A, %cond3A : i32
      scf.if %cond3A_126 {
        %dma_wait3A_127 = arith.constant 0 : i32
        %dma_wait3A_128 = arith.constant 0 : i32
        %dma_wait3A_129 = tpu.memref_slice %arg9[%dma_wait3A_127, %dma_wait3A_128] : memref<40x128xi32, #tpu.memory_space<vmem>> -> memref<1x128xi32, #tpu.memory_space<vmem>>
        %dma_wait3A_130 = tpu.memref_squeeze %dma_wait3A_129 : memref<1x128xi32, #tpu.memory_space<vmem>> -> memref<128xi32, #tpu.memory_space<vmem>>
        %dma_wait3A_131 = arith.constant 0 : i32
        %dma_wait3A_132 = arith.constant 0 : i32
        %dma_wait3A_133 = tpu.memref_slice %arg7[%dma_wait3A_131, %dma_wait3A_132] : memref<10112x128xf32, #tpu.memory_space<vmem_shared>> -> memref<10112x128xf32, #tpu.memory_space<vmem_shared>>
        tpu.wait_indirect_dma semaphore(%arg15 : memref<!tpu.dma_semaphore, #tpu.memory_space<semaphore_mem>>) src(%arg10 : memref<128x128xf32, #tpu.memory_space<vmem>>) dst(%dma_wait3A_133 : memref<10112x128xf32, #tpu.memory_space<vmem_shared>>)
        %add3A_134 = arith.constant 2 : i32
        %add3A_135 = arith.addi %mul3A_94, %add3A_134 : i32
        %add3A_136 = arith.constant 0 : i32
        %add3A_137 = arith.addi %add3A_135, %add3A_136 : i32
        %dma_start3A_138 = arith.constant 0 : i32
        %dma_start3A_139 = tpu.memref_slice %arg8[%add3A_137, %dma_start3A_138] : memref<40x128xi32, #tpu.memory_space<vmem>> -> memref<1x128xi32, #tpu.memory_space<vmem>>
        %dma_start3A_140 = tpu.memref_squeeze %dma_start3A_139 : memref<1x128xi32, #tpu.memory_space<vmem>> -> memref<128xi32, #tpu.memory_space<vmem>>
        %dma_start3A_141 = arith.constant 0 : i32
        %dma_start3A_142 = arith.constant 0 : i32
        %dma_start3A_143 = tpu.memref_slice %arg2[%dma_start3A_141, %dma_start3A_142] : memref<20000x128xf32, #tpu.memory_space<hbm>> -> memref<20000x128xf32, #tpu.memory_space<hbm>>
        tpu.enqueue_indirect_dma source(%dma_start3A_143 : memref<20000x128xf32, #tpu.memory_space<hbm>>) target(%arg10 : memref<128x128xf32, #tpu.memory_space<vmem>>) offsets(%dma_start3A_140 : memref<128xi32, #tpu.memory_space<vmem>>) semaphore(%arg13 : memref<!tpu.dma_semaphore, #tpu.memory_space<semaphore_mem>>)
        %dma_wait3A_144 = arith.constant 0 : i32
        %dma_wait3A_145 = arith.constant 0 : i32
        %dma_wait3A_146 = tpu.memref_slice %arg9[%dma_wait3A_144, %dma_wait3A_145] : memref<40x128xi32, #tpu.memory_space<vmem>> -> memref<1x128xi32, #tpu.memory_space<vmem>>
        %dma_wait3A_147 = tpu.memref_squeeze %dma_wait3A_146 : memref<1x128xi32, #tpu.memory_space<vmem>> -> memref<128xi32, #tpu.memory_space<vmem>>
        %dma_wait3A_148 = arith.constant 0 : i32
        %dma_wait3A_149 = arith.constant 0 : i32
        %dma_wait3A_150 = tpu.memref_slice %arg7[%dma_wait3A_148, %dma_wait3A_149] : memref<10112x128xf32, #tpu.memory_space<vmem_shared>> -> memref<10112x128xf32, #tpu.memory_space<vmem_shared>>
        tpu.wait_indirect_dma semaphore(%arg16 : memref<!tpu.dma_semaphore, #tpu.memory_space<semaphore_mem>>) src(%arg11 : memref<128x128xf32, #tpu.memory_space<vmem>>) dst(%dma_wait3A_150 : memref<10112x128xf32, #tpu.memory_space<vmem_shared>>)
        %add3A_151 = arith.constant 2 : i32
        %add3A_152 = arith.addi %mul3A_94, %add3A_151 : i32
        %add3A_153 = arith.constant 1 : i32
        %add3A_154 = arith.addi %add3A_152, %add3A_153 : i32
        %dma_start3A_155 = arith.constant 0 : i32
        %dma_start3A_156 = tpu.memref_slice %arg8[%add3A_154, %dma_start3A_155] : memref<40x128xi32, #tpu.memory_space<vmem>> -> memref<1x128xi32, #tpu.memory_space<vmem>>
        %dma_start3A_157 = tpu.memref_squeeze %dma_start3A_156 : memref<1x128xi32, #tpu.memory_space<vmem>> -> memref<128xi32, #tpu.memory_space<vmem>>
        %dma_start3A_158 = arith.constant 0 : i32
        %dma_start3A_159 = arith.constant 0 : i32
        %dma_start3A_160 = tpu.memref_slice %arg2[%dma_start3A_158, %dma_start3A_159] : memref<20000x128xf32, #tpu.memory_space<hbm>> -> memref<20000x128xf32, #tpu.memory_space<hbm>>
        tpu.enqueue_indirect_dma source(%dma_start3A_160 : memref<20000x128xf32, #tpu.memory_space<hbm>>) target(%arg11 : memref<128x128xf32, #tpu.memory_space<vmem>>) offsets(%dma_start3A_157 : memref<128xi32, #tpu.memory_space<vmem>>) semaphore(%arg14 : memref<!tpu.dma_semaphore, #tpu.memory_space<semaphore_mem>>)
      } else {
      }
    }
    %scan3A_68 = arith.constant 20 : i32
    %dma_wait3A_69 = arith.constant 0 : i32
    %dma_wait3A_70 = arith.constant 0 : i32
    %dma_wait3A_71 = tpu.memref_slice %arg9[%dma_wait3A_69, %dma_wait3A_70] : memref<40x128xi32, #tpu.memory_space<vmem>> -> memref<1x128xi32, #tpu.memory_space<vmem>>
    %dma_wait3A_72 = tpu.memref_squeeze %dma_wait3A_71 : memref<1x128xi32, #tpu.memory_space<vmem>> -> memref<128xi32, #tpu.memory_space<vmem>>
    %dma_wait3A_73 = arith.constant 0 : i32
    %dma_wait3A_74 = arith.constant 0 : i32
    %dma_wait3A_75 = tpu.memref_slice %arg7[%dma_wait3A_73, %dma_wait3A_74] : memref<10112x128xf32, #tpu.memory_space<vmem_shared>> -> memref<10112x128xf32, #tpu.memory_space<vmem_shared>>
    tpu.wait_indirect_dma semaphore(%arg15 : memref<!tpu.dma_semaphore, #tpu.memory_space<semaphore_mem>>) src(%arg10 : memref<128x128xf32, #tpu.memory_space<vmem>>) dst(%dma_wait3A_75 : memref<10112x128xf32, #tpu.memory_space<vmem_shared>>)
    %dma_wait3A_76 = arith.constant 0 : i32
    %dma_wait3A_77 = arith.constant 0 : i32
    %dma_wait3A_78 = tpu.memref_slice %arg9[%dma_wait3A_76, %dma_wait3A_77] : memref<40x128xi32, #tpu.memory_space<vmem>> -> memref<1x128xi32, #tpu.memory_space<vmem>>
    %dma_wait3A_79 = tpu.memref_squeeze %dma_wait3A_78 : memref<1x128xi32, #tpu.memory_space<vmem>> -> memref<128xi32, #tpu.memory_space<vmem>>
    %dma_wait3A_80 = arith.constant 0 : i32
    %dma_wait3A_81 = arith.constant 0 : i32
    %dma_wait3A_82 = tpu.memref_slice %arg7[%dma_wait3A_80, %dma_wait3A_81] : memref<10112x128xf32, #tpu.memory_space<vmem_shared>> -> memref<10112x128xf32, #tpu.memory_space<vmem_shared>>
    tpu.wait_indirect_dma semaphore(%arg16 : memref<!tpu.dma_semaphore, #tpu.memory_space<semaphore_mem>>) src(%arg11 : memref<128x128xf32, #tpu.memory_space<vmem>>) dst(%dma_wait3A_82 : memref<10112x128xf32, #tpu.memory_space<vmem_shared>>)
    %barrier3A_83 = arith.constant 0 : index
    tpu.barrier barrier_id(%barrier3A_83)
    %mul3A_84 = arith.constant 632 : i32
    %mul3A_85 = arith.muli %arg1, %mul3A_84 : i32
    %mul3A_86 = arith.constant 632 : i32
    %mul3A_87 = arith.muli %arg1, %mul3A_86 : i32
    "tpu.region"() ({
      %run_scoped3A = tpu.sem_alloc : memref<!tpu.dma_semaphore, #tpu.memory_space<semaphore_mem>>
      %dma_start3A_88 = arith.constant 0 : i32
      %dma_start3A_89 = tpu.memref_slice %arg6[%arg0, %mul3A_87, %dma_start3A_88] : memref<2x10112x128xf32, #tpu.memory_space<hbm>> -> memref<1x632x128xf32, #tpu.memory_space<hbm>>
      %dma_start3A_90 = tpu.memref_squeeze %dma_start3A_89 : memref<1x632x128xf32, #tpu.memory_space<hbm>> -> memref<632x128xf32, #tpu.memory_space<hbm>>
      %dma_start3A_91 = arith.constant 0 : i32
      %dma_start3A_92 = tpu.memref_slice %arg7[%mul3A_85, %dma_start3A_91] : memref<10112x128xf32, #tpu.memory_space<vmem_shared>> -> memref<632x128xf32, #tpu.memory_space<vmem_shared>>
      tpu.enqueue_dma source(%dma_start3A_92 : memref<632x128xf32, #tpu.memory_space<vmem_shared>>) target(%dma_start3A_90 : memref<632x128xf32, #tpu.memory_space<hbm>>) target_semaphore(%run_scoped3A : memref<!tpu.dma_semaphore, #tpu.memory_space<semaphore_mem>>)
      %dma_wait3A_93 = arith.constant 0 : i32
      %dma_wait3A_94 = tpu.memref_slice %arg6[%arg0, %mul3A_87, %dma_wait3A_93] : memref<2x10112x128xf32, #tpu.memory_space<hbm>> -> memref<1x632x128xf32, #tpu.memory_space<hbm>>
      %dma_wait3A_95 = tpu.memref_squeeze %dma_wait3A_94 : memref<1x632x128xf32, #tpu.memory_space<hbm>> -> memref<632x128xf32, #tpu.memory_space<hbm>>
      %dma_wait3A_96 = arith.constant 0 : i32
      %dma_wait3A_97 = tpu.memref_slice %arg7[%mul3A_85, %dma_wait3A_96] : memref<10112x128xf32, #tpu.memory_space<vmem_shared>> -> memref<632x128xf32, #tpu.memory_space<vmem_shared>>
      tpu.wait_dma2 semaphore(%run_scoped3A : memref<!tpu.dma_semaphore, #tpu.memory_space<semaphore_mem>>) src(%dma_wait3A_97 : memref<632x128xf32, #tpu.memory_space<vmem_shared>>) dst(%dma_wait3A_95 : memref<632x128xf32, #tpu.memory_space<hbm>>)
      tpu.yield
    }) : () -> ()
    return
  }
}

#map = affine_map<(d0, d1) -> (0, 0)>
#map1 = affine_map<(d0, d1) -> (0, 0, 0)>
module attributes {stable_mosaic.version = 14 : i64} {
  func.func @_sc_agg_body(%arg0: i32, %arg1: i32, %arg2: memref<20000x128xf32, #tpu.memory_space<hbm>>, %arg3: memref<2x1280x128xi32, #tpu.memory_space<hbm>>, %arg4: memref<1280x128xi32, #tpu.memory_space<hbm>>, %arg5: memref<10112x128xf32, #tpu.memory_space<hbm>>, %arg6: memref<2x10112x128xf32, #tpu.memory_space<hbm>>, %arg7: memref<10112x128xf32, #tpu.memory_space<vmem_shared>>, %arg8: memref<40x128xi32, #tpu.memory_space<vmem>>, %arg9: memref<40x128xi32, #tpu.memory_space<vmem>>, %arg10: memref<128x128xf32, #tpu.memory_space<vmem>>, %arg11: memref<128x128xf32, #tpu.memory_space<vmem>>, %arg12: memref<!tpu.dma_semaphore, #tpu.memory_space<semaphore_mem>>, %arg13: memref<!tpu.dma_semaphore, #tpu.memory_space<semaphore_mem>>, %arg14: memref<!tpu.dma_semaphore, #tpu.memory_space<semaphore_mem>>, %arg15: memref<!tpu.dma_semaphore, #tpu.memory_space<semaphore_mem>>, %arg16: memref<!tpu.dma_semaphore, #tpu.memory_space<semaphore_mem>>) attributes {dimension_semantics = [#tpu.dimension_semantics<core_parallel>, #tpu.dimension_semantics<subcore_parallel>], iteration_bounds = array<i64: 2, 16>, scalar_prefetch = 0 : i64, scratch_operands = 10 : i64, tpu.core_type = #tpu.core_type<sc_vector_subcore>, window_params = [{transform_indices = #map}, {transform_indices = #map1}, {transform_indices = #map}, {transform_indices = #map}, {transform_indices = #map1}]} {
    %mul3A = arith.constant 80 : i32
    %mul3A_0 = arith.muli %arg1, %mul3A : i32
    %mul3A_1 = arith.constant 632 : i32
    %mul3A_2 = arith.muli %arg1, %mul3A_1 : i32
    %mul3A_3 = arith.constant 632 : i32
    %mul3A_4 = arith.muli %arg1, %mul3A_3 : i32
    %dma_start3A = arith.constant 0 : i32
    %dma_start3A_5 = tpu.memref_slice %arg7[%mul3A_4, %dma_start3A] : memref<10112x128xf32, #tpu.memory_space<vmem_shared>> -> memref<632x128xf32, #tpu.memory_space<vmem_shared>>
    %dma_start3A_6 = arith.constant 0 : i32
    %dma_start3A_7 = tpu.memref_slice %arg5[%mul3A_2, %dma_start3A_6] : memref<10112x128xf32, #tpu.memory_space<hbm>> -> memref<632x128xf32, #tpu.memory_space<hbm>>
    tpu.enqueue_dma source(%dma_start3A_7 : memref<632x128xf32, #tpu.memory_space<hbm>>) target(%dma_start3A_5 : memref<632x128xf32, #tpu.memory_space<vmem_shared>>) target_semaphore(%arg12 : memref<!tpu.dma_semaphore, #tpu.memory_space<semaphore_mem>>)
    %add3A = arith.constant 0 : i32
    %add3A_8 = arith.addi %mul3A_0, %add3A : i32
    "tpu.region"() ({
      %run_scoped3A = tpu.sem_alloc : memref<!tpu.dma_semaphore, #tpu.memory_space<semaphore_mem>>
      %dma_start3A_88 = arith.constant 0 : i32
      %dma_start3A_89 = tpu.memref_slice %arg3[%arg0, %add3A_8, %dma_start3A_88] : memref<2x1280x128xi32, #tpu.memory_space<hbm>> -> memref<1x40x128xi32, #tpu.memory_space<hbm>>
      %dma_start3A_90 = tpu.memref_squeeze %dma_start3A_89 : memref<1x40x128xi32, #tpu.memory_space<hbm>> -> memref<40x128xi32, #tpu.memory_space<hbm>>
      %dma_start3A_91 = arith.constant 0 : i32
      %dma_start3A_92 = tpu.memref_slice %arg3[%arg0, %add3A_8, %dma_start3A_91] : memref<2x1280x128xi32, #tpu.memory_space<hbm>> -> memref<1x40x128xi32, #tpu.memory_space<hbm>>
      %dma_start3A_93 = tpu.memref_squeeze %dma_start3A_92 : memref<1x40x128xi32, #tpu.memory_space<hbm>> -> memref<40x128xi32, #tpu.memory_space<hbm>>
      tpu.enqueue_dma source(%dma_start3A_93 : memref<40x128xi32, #tpu.memory_space<hbm>>) target(%arg8 : memref<40x128xi32, #tpu.memory_space<vmem>>) target_semaphore(%run_scoped3A : memref<!tpu.dma_semaphore, #tpu.memory_space<semaphore_mem>>)
      %dma_wait3A_94 = arith.constant 0 : i32
      %dma_wait3A_95 = tpu.memref_slice %arg3[%arg0, %add3A_8, %dma_wait3A_94] : memref<2x1280x128xi32, #tpu.memory_space<hbm>> -> memref<1x40x128xi32, #tpu.memory_space<hbm>>
      %dma_wait3A_96 = tpu.memref_squeeze %dma_wait3A_95 : memref<1x40x128xi32, #tpu.memory_space<hbm>> -> memref<40x128xi32, #tpu.memory_space<hbm>>
      %dma_wait3A_97 = arith.constant 0 : i32
      %dma_wait3A_98 = tpu.memref_slice %arg3[%arg0, %add3A_8, %dma_wait3A_97] : memref<2x1280x128xi32, #tpu.memory_space<hbm>> -> memref<1x40x128xi32, #tpu.memory_space<hbm>>
      %dma_wait3A_99 = tpu.memref_squeeze %dma_wait3A_98 : memref<1x40x128xi32, #tpu.memory_space<hbm>> -> memref<40x128xi32, #tpu.memory_space<hbm>>
      tpu.wait_dma2 semaphore(%run_scoped3A : memref<!tpu.dma_semaphore, #tpu.memory_space<semaphore_mem>>) src(%dma_wait3A_99 : memref<40x128xi32, #tpu.memory_space<hbm>>) dst(%arg8 : memref<40x128xi32, #tpu.memory_space<vmem>>)
      tpu.yield
    }) : () -> ()
    %add3A_9 = arith.constant 0 : i32
    %add3A_10 = arith.addi %mul3A_0, %add3A_9 : i32
    "tpu.region"() ({
      %run_scoped3A = tpu.sem_alloc : memref<!tpu.dma_semaphore, #tpu.memory_space<semaphore_mem>>
      %dma_start3A_88 = arith.constant 0 : i32
      %dma_start3A_89 = tpu.memref_slice %arg4[%add3A_10, %dma_start3A_88] : memref<1280x128xi32, #tpu.memory_space<hbm>> -> memref<40x128xi32, #tpu.memory_space<hbm>>
      %dma_start3A_90 = arith.constant 0 : i32
      %dma_start3A_91 = tpu.memref_slice %arg4[%add3A_10, %dma_start3A_90] : memref<1280x128xi32, #tpu.memory_space<hbm>> -> memref<40x128xi32, #tpu.memory_space<hbm>>
      tpu.enqueue_dma source(%dma_start3A_91 : memref<40x128xi32, #tpu.memory_space<hbm>>) target(%arg9 : memref<40x128xi32, #tpu.memory_space<vmem>>) target_semaphore(%run_scoped3A : memref<!tpu.dma_semaphore, #tpu.memory_space<semaphore_mem>>)
      %dma_wait3A_92 = arith.constant 0 : i32
      %dma_wait3A_93 = tpu.memref_slice %arg4[%add3A_10, %dma_wait3A_92] : memref<1280x128xi32, #tpu.memory_space<hbm>> -> memref<40x128xi32, #tpu.memory_space<hbm>>
      %dma_wait3A_94 = arith.constant 0 : i32
      %dma_wait3A_95 = tpu.memref_slice %arg4[%add3A_10, %dma_wait3A_94] : memref<1280x128xi32, #tpu.memory_space<hbm>> -> memref<40x128xi32, #tpu.memory_space<hbm>>
      tpu.wait_dma2 semaphore(%run_scoped3A : memref<!tpu.dma_semaphore, #tpu.memory_space<semaphore_mem>>) src(%dma_wait3A_95 : memref<40x128xi32, #tpu.memory_space<hbm>>) dst(%arg9 : memref<40x128xi32, #tpu.memory_space<vmem>>)
      tpu.yield
    }) : () -> ()
    %dma_start3A_11 = arith.constant 0 : i32
    %dma_start3A_12 = arith.constant 0 : i32
    %dma_start3A_13 = tpu.memref_slice %arg8[%dma_start3A_11, %dma_start3A_12] : memref<40x128xi32, #tpu.memory_space<vmem>> -> memref<1x128xi32, #tpu.memory_space<vmem>>
    %dma_start3A_14 = tpu.memref_squeeze %dma_start3A_13 : memref<1x128xi32, #tpu.memory_space<vmem>> -> memref<128xi32, #tpu.memory_space<vmem>>
    %dma_start3A_15 = arith.constant 0 : i32
    %dma_start3A_16 = arith.constant 0 : i32
    %dma_start3A_17 = tpu.memref_slice %arg2[%dma_start3A_15, %dma_start3A_16] : memref<20000x128xf32, #tpu.memory_space<hbm>> -> memref<20000x128xf32, #tpu.memory_space<hbm>>
    tpu.enqueue_indirect_dma source(%dma_start3A_17 : memref<20000x128xf32, #tpu.memory_space<hbm>>) target(%arg10 : memref<128x128xf32, #tpu.memory_space<vmem>>) offsets(%dma_start3A_14 : memref<128xi32, #tpu.memory_space<vmem>>) semaphore(%arg13 : memref<!tpu.dma_semaphore, #tpu.memory_space<semaphore_mem>>)
    %dma_start3A_18 = arith.constant 1 : i32
    %dma_start3A_19 = arith.constant 0 : i32
    %dma_start3A_20 = tpu.memref_slice %arg8[%dma_start3A_18, %dma_start3A_19] : memref<40x128xi32, #tpu.memory_space<vmem>> -> memref<1x128xi32, #tpu.memory_space<vmem>>
    %dma_start3A_21 = tpu.memref_squeeze %dma_start3A_20 : memref<1x128xi32, #tpu.memory_space<vmem>> -> memref<128xi32, #tpu.memory_space<vmem>>
    %dma_start3A_22 = arith.constant 0 : i32
    %dma_start3A_23 = arith.constant 0 : i32
    %dma_start3A_24 = tpu.memref_slice %arg2[%dma_start3A_22, %dma_start3A_23] : memref<20000x128xf32, #tpu.memory_space<hbm>> -> memref<20000x128xf32, #tpu.memory_space<hbm>>
    tpu.enqueue_indirect_dma source(%dma_start3A_24 : memref<20000x128xf32, #tpu.memory_space<hbm>>) target(%arg11 : memref<128x128xf32, #tpu.memory_space<vmem>>) offsets(%dma_start3A_21 : memref<128xi32, #tpu.memory_space<vmem>>) semaphore(%arg14 : memref<!tpu.dma_semaphore, #tpu.memory_space<semaphore_mem>>)
    %dma_wait3A = arith.constant 0 : i32
    %dma_wait3A_25 = tpu.memref_slice %arg7[%mul3A_4, %dma_wait3A] : memref<10112x128xf32, #tpu.memory_space<vmem_shared>> -> memref<632x128xf32, #tpu.memory_space<vmem_shared>>
    %dma_wait3A_26 = arith.constant 0 : i32
    %dma_wait3A_27 = tpu.memref_slice %arg5[%mul3A_2, %dma_wait3A_26] : memref<10112x128xf32, #tpu.memory_space<hbm>> -> memref<632x128xf32, #tpu.memory_space<hbm>>
    tpu.wait_dma2 semaphore(%arg12 : memref<!tpu.dma_semaphore, #tpu.memory_space<semaphore_mem>>) src(%dma_wait3A_27 : memref<632x128xf32, #tpu.memory_space<hbm>>) dst(%dma_wait3A_25 : memref<632x128xf32, #tpu.memory_space<vmem_shared>>)
    %barrier3A = arith.constant 0 : index
    tpu.barrier barrier_id(%barrier3A)
    %scan3A = arith.constant 0 : i32
    %scan3A_28 = arith.constant 20 : i32
    %scan3A_29 = arith.addi %scan3A, %scan3A_28 : i32
    %scan3A_30 = arith.constant 1 : i32
    scf.for %scan3A_88 = %scan3A to %scan3A_29 step %scan3A_30  : i32 {
      %mul3A_89 = arith.constant 1 : i32
      %mul3A_90 = arith.muli %scan3A_88, %mul3A_89 : i32
      %add3A_91 = arith.constant 0 : i32
      %add3A_92 = arith.addi %add3A_91, %mul3A_90 : i32
      %mul3A_93 = arith.constant 2 : i32
      %mul3A_94 = arith.muli %add3A_92, %mul3A_93 : i32
      %dma_wait3A_95 = arith.constant 0 : i32
      %dma_wait3A_96 = arith.constant 0 : i32
      %dma_wait3A_97 = tpu.memref_slice %arg8[%dma_wait3A_95, %dma_wait3A_96] : memref<40x128xi32, #tpu.memory_space<vmem>> -> memref<1x128xi32, #tpu.memory_space<vmem>>
      %dma_wait3A_98 = tpu.memref_squeeze %dma_wait3A_97 : memref<1x128xi32, #tpu.memory_space<vmem>> -> memref<128xi32, #tpu.memory_space<vmem>>
      %dma_wait3A_99 = arith.constant 0 : i32
      %dma_wait3A_100 = arith.constant 0 : i32
      %dma_wait3A_101 = tpu.memref_slice %arg2[%dma_wait3A_99, %dma_wait3A_100] : memref<20000x128xf32, #tpu.memory_space<hbm>> -> memref<20000x128xf32, #tpu.memory_space<hbm>>
      tpu.wait_indirect_dma semaphore(%arg13 : memref<!tpu.dma_semaphore, #tpu.memory_space<semaphore_mem>>) src(%dma_wait3A_101 : memref<20000x128xf32, #tpu.memory_space<hbm>>) dst(%arg10 : memref<128x128xf32, #tpu.memory_space<vmem>>)
      %add3A_102 = arith.constant 0 : i32
      %add3A_103 = arith.addi %mul3A_94, %add3A_102 : i32
      %dma_start3A_104 = arith.constant 0 : i32
      %dma_start3A_105 = tpu.memref_slice %arg9[%add3A_103, %dma_start3A_104] : memref<40x128xi32, #tpu.memory_space<vmem>> -> memref<1x128xi32, #tpu.memory_space<vmem>>
      %dma_start3A_106 = tpu.memref_squeeze %dma_start3A_105 : memref<1x128xi32, #tpu.memory_space<vmem>> -> memref<128xi32, #tpu.memory_space<vmem>>
      %dma_start3A_107 = arith.constant 0 : i32
      %dma_start3A_108 = arith.constant 0 : i32
      %dma_start3A_109 = tpu.memref_slice %arg7[%dma_start3A_107, %dma_start3A_108] : memref<10112x128xf32, #tpu.memory_space<vmem_shared>> -> memref<10112x128xf32, #tpu.memory_space<vmem_shared>>
      tpu.enqueue_indirect_dma source(%arg10 : memref<128x128xf32, #tpu.memory_space<vmem>>) target(%dma_start3A_109 : memref<10112x128xf32, #tpu.memory_space<vmem_shared>>) offsets(%dma_start3A_106 : memref<128xi32, #tpu.memory_space<vmem>>) semaphore(%arg15 : memref<!tpu.dma_semaphore, #tpu.memory_space<semaphore_mem>>) {add = true}
      %dma_wait3A_110 = arith.constant 1 : i32
      %dma_wait3A_111 = arith.constant 0 : i32
      %dma_wait3A_112 = tpu.memref_slice %arg8[%dma_wait3A_110, %dma_wait3A_111] : memref<40x128xi32, #tpu.memory_space<vmem>> -> memref<1x128xi32, #tpu.memory_space<vmem>>
      %dma_wait3A_113 = tpu.memref_squeeze %dma_wait3A_112 : memref<1x128xi32, #tpu.memory_space<vmem>> -> memref<128xi32, #tpu.memory_space<vmem>>
      %dma_wait3A_114 = arith.constant 0 : i32
      %dma_wait3A_115 = arith.constant 0 : i32
      %dma_wait3A_116 = tpu.memref_slice %arg2[%dma_wait3A_114, %dma_wait3A_115] : memref<20000x128xf32, #tpu.memory_space<hbm>> -> memref<20000x128xf32, #tpu.memory_space<hbm>>
      tpu.wait_indirect_dma semaphore(%arg14 : memref<!tpu.dma_semaphore, #tpu.memory_space<semaphore_mem>>) src(%dma_wait3A_116 : memref<20000x128xf32, #tpu.memory_space<hbm>>) dst(%arg11 : memref<128x128xf32, #tpu.memory_space<vmem>>)
      %add3A_117 = arith.constant 1 : i32
      %add3A_118 = arith.addi %mul3A_94, %add3A_117 : i32
      %dma_start3A_119 = arith.constant 0 : i32
      %dma_start3A_120 = tpu.memref_slice %arg9[%add3A_118, %dma_start3A_119] : memref<40x128xi32, #tpu.memory_space<vmem>> -> memref<1x128xi32, #tpu.memory_space<vmem>>
      %dma_start3A_121 = tpu.memref_squeeze %dma_start3A_120 : memref<1x128xi32, #tpu.memory_space<vmem>> -> memref<128xi32, #tpu.memory_space<vmem>>
      %dma_start3A_122 = arith.constant 0 : i32
      %dma_start3A_123 = arith.constant 0 : i32
      %dma_start3A_124 = tpu.memref_slice %arg7[%dma_start3A_122, %dma_start3A_123] : memref<10112x128xf32, #tpu.memory_space<vmem_shared>> -> memref<10112x128xf32, #tpu.memory_space<vmem_shared>>
      tpu.enqueue_indirect_dma source(%arg11 : memref<128x128xf32, #tpu.memory_space<vmem>>) target(%dma_start3A_124 : memref<10112x128xf32, #tpu.memory_space<vmem_shared>>) offsets(%dma_start3A_121 : memref<128xi32, #tpu.memory_space<vmem>>) semaphore(%arg16 : memref<!tpu.dma_semaphore, #tpu.memory_space<semaphore_mem>>) {add = true}
      %lt3A = arith.constant 19 : i32
      %lt3A_125 = arith.cmpi slt, %add3A_92, %lt3A : i32
      %convert_element_type3A = arith.extui %lt3A_125 : i1 to i32
      %cond3A = arith.constant 0 : i32
      %cond3A_126 = arith.cmpi ne, %convert_element_type3A, %cond3A : i32
      scf.if %cond3A_126 {
        %dma_wait3A_127 = arith.constant 0 : i32
        %dma_wait3A_128 = arith.constant 0 : i32
        %dma_wait3A_129 = tpu.memref_slice %arg9[%dma_wait3A_127, %dma_wait3A_128] : memref<40x128xi32, #tpu.memory_space<vmem>> -> memref<1x128xi32, #tpu.memory_space<vmem>>
        %dma_wait3A_130 = tpu.memref_squeeze %dma_wait3A_129 : memref<1x128xi32, #tpu.memory_space<vmem>> -> memref<128xi32, #tpu.memory_space<vmem>>
        %dma_wait3A_131 = arith.constant 0 : i32
        %dma_wait3A_132 = arith.constant 0 : i32
        %dma_wait3A_133 = tpu.memref_slice %arg7[%dma_wait3A_131, %dma_wait3A_132] : memref<10112x128xf32, #tpu.memory_space<vmem_shared>> -> memref<10112x128xf32, #tpu.memory_space<vmem_shared>>
        tpu.wait_indirect_dma semaphore(%arg15 : memref<!tpu.dma_semaphore, #tpu.memory_space<semaphore_mem>>) src(%arg10 : memref<128x128xf32, #tpu.memory_space<vmem>>) dst(%dma_wait3A_133 : memref<10112x128xf32, #tpu.memory_space<vmem_shared>>)
        %add3A_134 = arith.constant 2 : i32
        %add3A_135 = arith.addi %mul3A_94, %add3A_134 : i32
        %add3A_136 = arith.constant 0 : i32
        %add3A_137 = arith.addi %add3A_135, %add3A_136 : i32
        %dma_start3A_138 = arith.constant 0 : i32
        %dma_start3A_139 = tpu.memref_slice %arg8[%add3A_137, %dma_start3A_138] : memref<40x128xi32, #tpu.memory_space<vmem>> -> memref<1x128xi32, #tpu.memory_space<vmem>>
        %dma_start3A_140 = tpu.memref_squeeze %dma_start3A_139 : memref<1x128xi32, #tpu.memory_space<vmem>> -> memref<128xi32, #tpu.memory_space<vmem>>
        %dma_start3A_141 = arith.constant 0 : i32
        %dma_start3A_142 = arith.constant 0 : i32
        %dma_start3A_143 = tpu.memref_slice %arg2[%dma_start3A_141, %dma_start3A_142] : memref<20000x128xf32, #tpu.memory_space<hbm>> -> memref<20000x128xf32, #tpu.memory_space<hbm>>
        tpu.enqueue_indirect_dma source(%dma_start3A_143 : memref<20000x128xf32, #tpu.memory_space<hbm>>) target(%arg10 : memref<128x128xf32, #tpu.memory_space<vmem>>) offsets(%dma_start3A_140 : memref<128xi32, #tpu.memory_space<vmem>>) semaphore(%arg13 : memref<!tpu.dma_semaphore, #tpu.memory_space<semaphore_mem>>)
        %dma_wait3A_144 = arith.constant 0 : i32
        %dma_wait3A_145 = arith.constant 0 : i32
        %dma_wait3A_146 = tpu.memref_slice %arg9[%dma_wait3A_144, %dma_wait3A_145] : memref<40x128xi32, #tpu.memory_space<vmem>> -> memref<1x128xi32, #tpu.memory_space<vmem>>
        %dma_wait3A_147 = tpu.memref_squeeze %dma_wait3A_146 : memref<1x128xi32, #tpu.memory_space<vmem>> -> memref<128xi32, #tpu.memory_space<vmem>>
        %dma_wait3A_148 = arith.constant 0 : i32
        %dma_wait3A_149 = arith.constant 0 : i32
        %dma_wait3A_150 = tpu.memref_slice %arg7[%dma_wait3A_148, %dma_wait3A_149] : memref<10112x128xf32, #tpu.memory_space<vmem_shared>> -> memref<10112x128xf32, #tpu.memory_space<vmem_shared>>
        tpu.wait_indirect_dma semaphore(%arg16 : memref<!tpu.dma_semaphore, #tpu.memory_space<semaphore_mem>>) src(%arg11 : memref<128x128xf32, #tpu.memory_space<vmem>>) dst(%dma_wait3A_150 : memref<10112x128xf32, #tpu.memory_space<vmem_shared>>)
        %add3A_151 = arith.constant 2 : i32
        %add3A_152 = arith.addi %mul3A_94, %add3A_151 : i32
        %add3A_153 = arith.constant 1 : i32
        %add3A_154 = arith.addi %add3A_152, %add3A_153 : i32
        %dma_start3A_155 = arith.constant 0 : i32
        %dma_start3A_156 = tpu.memref_slice %arg8[%add3A_154, %dma_start3A_155] : memref<40x128xi32, #tpu.memory_space<vmem>> -> memref<1x128xi32, #tpu.memory_space<vmem>>
        %dma_start3A_157 = tpu.memref_squeeze %dma_start3A_156 : memref<1x128xi32, #tpu.memory_space<vmem>> -> memref<128xi32, #tpu.memory_space<vmem>>
        %dma_start3A_158 = arith.constant 0 : i32
        %dma_start3A_159 = arith.constant 0 : i32
        %dma_start3A_160 = tpu.memref_slice %arg2[%dma_start3A_158, %dma_start3A_159] : memref<20000x128xf32, #tpu.memory_space<hbm>> -> memref<20000x128xf32, #tpu.memory_space<hbm>>
        tpu.enqueue_indirect_dma source(%dma_start3A_160 : memref<20000x128xf32, #tpu.memory_space<hbm>>) target(%arg11 : memref<128x128xf32, #tpu.memory_space<vmem>>) offsets(%dma_start3A_157 : memref<128xi32, #tpu.memory_space<vmem>>) semaphore(%arg14 : memref<!tpu.dma_semaphore, #tpu.memory_space<semaphore_mem>>)
      } else {
      }
    }
    %scan3A_31 = arith.constant 20 : i32
    %dma_wait3A_32 = arith.constant 0 : i32
    %dma_wait3A_33 = arith.constant 0 : i32
    %dma_wait3A_34 = tpu.memref_slice %arg9[%dma_wait3A_32, %dma_wait3A_33] : memref<40x128xi32, #tpu.memory_space<vmem>> -> memref<1x128xi32, #tpu.memory_space<vmem>>
    %dma_wait3A_35 = tpu.memref_squeeze %dma_wait3A_34 : memref<1x128xi32, #tpu.memory_space<vmem>> -> memref<128xi32, #tpu.memory_space<vmem>>
    %dma_wait3A_36 = arith.constant 0 : i32
    %dma_wait3A_37 = arith.constant 0 : i32
    %dma_wait3A_38 = tpu.memref_slice %arg7[%dma_wait3A_36, %dma_wait3A_37] : memref<10112x128xf32, #tpu.memory_space<vmem_shared>> -> memref<10112x128xf32, #tpu.memory_space<vmem_shared>>
    tpu.wait_indirect_dma semaphore(%arg15 : memref<!tpu.dma_semaphore, #tpu.memory_space<semaphore_mem>>) src(%arg10 : memref<128x128xf32, #tpu.memory_space<vmem>>) dst(%dma_wait3A_38 : memref<10112x128xf32, #tpu.memory_space<vmem_shared>>)
    %dma_wait3A_39 = arith.constant 0 : i32
    %dma_wait3A_40 = arith.constant 0 : i32
    %dma_wait3A_41 = tpu.memref_slice %arg9[%dma_wait3A_39, %dma_wait3A_40] : memref<40x128xi32, #tpu.memory_space<vmem>> -> memref<1x128xi32, #tpu.memory_space<vmem>>
    %dma_wait3A_42 = tpu.memref_squeeze %dma_wait3A_41 : memref<1x128xi32, #tpu.memory_space<vmem>> -> memref<128xi32, #tpu.memory_space<vmem>>
    %dma_wait3A_43 = arith.constant 0 : i32
    %dma_wait3A_44 = arith.constant 0 : i32
    %dma_wait3A_45 = tpu.memref_slice %arg7[%dma_wait3A_43, %dma_wait3A_44] : memref<10112x128xf32, #tpu.memory_space<vmem_shared>> -> memref<10112x128xf32, #tpu.memory_space<vmem_shared>>
    tpu.wait_indirect_dma semaphore(%arg16 : memref<!tpu.dma_semaphore, #tpu.memory_space<semaphore_mem>>) src(%arg11 : memref<128x128xf32, #tpu.memory_space<vmem>>) dst(%dma_wait3A_45 : memref<10112x128xf32, #tpu.memory_space<vmem_shared>>)
    %add3A_46 = arith.constant 40 : i32
    %add3A_47 = arith.addi %mul3A_0, %add3A_46 : i32
    "tpu.region"() ({
      %run_scoped3A = tpu.sem_alloc : memref<!tpu.dma_semaphore, #tpu.memory_space<semaphore_mem>>
      %dma_start3A_88 = arith.constant 0 : i32
      %dma_start3A_89 = tpu.memref_slice %arg3[%arg0, %add3A_47, %dma_start3A_88] : memref<2x1280x128xi32, #tpu.memory_space<hbm>> -> memref<1x40x128xi32, #tpu.memory_space<hbm>>
      %dma_start3A_90 = tpu.memref_squeeze %dma_start3A_89 : memref<1x40x128xi32, #tpu.memory_space<hbm>> -> memref<40x128xi32, #tpu.memory_space<hbm>>
      %dma_start3A_91 = arith.constant 0 : i32
      %dma_start3A_92 = tpu.memref_slice %arg3[%arg0, %add3A_47, %dma_start3A_91] : memref<2x1280x128xi32, #tpu.memory_space<hbm>> -> memref<1x40x128xi32, #tpu.memory_space<hbm>>
      %dma_start3A_93 = tpu.memref_squeeze %dma_start3A_92 : memref<1x40x128xi32, #tpu.memory_space<hbm>> -> memref<40x128xi32, #tpu.memory_space<hbm>>
      tpu.enqueue_dma source(%dma_start3A_93 : memref<40x128xi32, #tpu.memory_space<hbm>>) target(%arg8 : memref<40x128xi32, #tpu.memory_space<vmem>>) target_semaphore(%run_scoped3A : memref<!tpu.dma_semaphore, #tpu.memory_space<semaphore_mem>>)
      %dma_wait3A_94 = arith.constant 0 : i32
      %dma_wait3A_95 = tpu.memref_slice %arg3[%arg0, %add3A_47, %dma_wait3A_94] : memref<2x1280x128xi32, #tpu.memory_space<hbm>> -> memref<1x40x128xi32, #tpu.memory_space<hbm>>
      %dma_wait3A_96 = tpu.memref_squeeze %dma_wait3A_95 : memref<1x40x128xi32, #tpu.memory_space<hbm>> -> memref<40x128xi32, #tpu.memory_space<hbm>>
      %dma_wait3A_97 = arith.constant 0 : i32
      %dma_wait3A_98 = tpu.memref_slice %arg3[%arg0, %add3A_47, %dma_wait3A_97] : memref<2x1280x128xi32, #tpu.memory_space<hbm>> -> memref<1x40x128xi32, #tpu.memory_space<hbm>>
      %dma_wait3A_99 = tpu.memref_squeeze %dma_wait3A_98 : memref<1x40x128xi32, #tpu.memory_space<hbm>> -> memref<40x128xi32, #tpu.memory_space<hbm>>
      tpu.wait_dma2 semaphore(%run_scoped3A : memref<!tpu.dma_semaphore, #tpu.memory_space<semaphore_mem>>) src(%dma_wait3A_99 : memref<40x128xi32, #tpu.memory_space<hbm>>) dst(%arg8 : memref<40x128xi32, #tpu.memory_space<vmem>>)
      tpu.yield
    }) : () -> ()
    %add3A_48 = arith.constant 40 : i32
    %add3A_49 = arith.addi %mul3A_0, %add3A_48 : i32
    "tpu.region"() ({
      %run_scoped3A = tpu.sem_alloc : memref<!tpu.dma_semaphore, #tpu.memory_space<semaphore_mem>>
      %dma_start3A_88 = arith.constant 0 : i32
      %dma_start3A_89 = tpu.memref_slice %arg4[%add3A_49, %dma_start3A_88] : memref<1280x128xi32, #tpu.memory_space<hbm>> -> memref<40x128xi32, #tpu.memory_space<hbm>>
      %dma_start3A_90 = arith.constant 0 : i32
      %dma_start3A_91 = tpu.memref_slice %arg4[%add3A_49, %dma_start3A_90] : memref<1280x128xi32, #tpu.memory_space<hbm>> -> memref<40x128xi32, #tpu.memory_space<hbm>>
      tpu.enqueue_dma source(%dma_start3A_91 : memref<40x128xi32, #tpu.memory_space<hbm>>) target(%arg9 : memref<40x128xi32, #tpu.memory_space<vmem>>) target_semaphore(%run_scoped3A : memref<!tpu.dma_semaphore, #tpu.memory_space<semaphore_mem>>)
      %dma_wait3A_92 = arith.constant 0 : i32
      %dma_wait3A_93 = tpu.memref_slice %arg4[%add3A_49, %dma_wait3A_92] : memref<1280x128xi32, #tpu.memory_space<hbm>> -> memref<40x128xi32, #tpu.memory_space<hbm>>
      %dma_wait3A_94 = arith.constant 0 : i32
      %dma_wait3A_95 = tpu.memref_slice %arg4[%add3A_49, %dma_wait3A_94] : memref<1280x128xi32, #tpu.memory_space<hbm>> -> memref<40x128xi32, #tpu.memory_space<hbm>>
      tpu.wait_dma2 semaphore(%run_scoped3A : memref<!tpu.dma_semaphore, #tpu.memory_space<semaphore_mem>>) src(%dma_wait3A_95 : memref<40x128xi32, #tpu.memory_space<hbm>>) dst(%arg9 : memref<40x128xi32, #tpu.memory_space<vmem>>)
      tpu.yield
    }) : () -> ()
    %dma_start3A_50 = arith.constant 0 : i32
    %dma_start3A_51 = arith.constant 0 : i32
    %dma_start3A_52 = tpu.memref_slice %arg8[%dma_start3A_50, %dma_start3A_51] : memref<40x128xi32, #tpu.memory_space<vmem>> -> memref<1x128xi32, #tpu.memory_space<vmem>>
    %dma_start3A_53 = tpu.memref_squeeze %dma_start3A_52 : memref<1x128xi32, #tpu.memory_space<vmem>> -> memref<128xi32, #tpu.memory_space<vmem>>
    %dma_start3A_54 = arith.constant 0 : i32
    %dma_start3A_55 = arith.constant 0 : i32
    %dma_start3A_56 = tpu.memref_slice %arg2[%dma_start3A_54, %dma_start3A_55] : memref<20000x128xf32, #tpu.memory_space<hbm>> -> memref<20000x128xf32, #tpu.memory_space<hbm>>
    tpu.enqueue_indirect_dma source(%dma_start3A_56 : memref<20000x128xf32, #tpu.memory_space<hbm>>) target(%arg10 : memref<128x128xf32, #tpu.memory_space<vmem>>) offsets(%dma_start3A_53 : memref<128xi32, #tpu.memory_space<vmem>>) semaphore(%arg13 : memref<!tpu.dma_semaphore, #tpu.memory_space<semaphore_mem>>)
    %dma_start3A_57 = arith.constant 1 : i32
    %dma_start3A_58 = arith.constant 0 : i32
    %dma_start3A_59 = tpu.memref_slice %arg8[%dma_start3A_57, %dma_start3A_58] : memref<40x128xi32, #tpu.memory_space<vmem>> -> memref<1x128xi32, #tpu.memory_space<vmem>>
    %dma_start3A_60 = tpu.memref_squeeze %dma_start3A_59 : memref<1x128xi32, #tpu.memory_space<vmem>> -> memref<128xi32, #tpu.memory_space<vmem>>
    %dma_start3A_61 = arith.constant 0 : i32
    %dma_start3A_62 = arith.constant 0 : i32
    %dma_start3A_63 = tpu.memref_slice %arg2[%dma_start3A_61, %dma_start3A_62] : memref<20000x128xf32, #tpu.memory_space<hbm>> -> memref<20000x128xf32, #tpu.memory_space<hbm>>
    tpu.enqueue_indirect_dma source(%dma_start3A_63 : memref<20000x128xf32, #tpu.memory_space<hbm>>) target(%arg11 : memref<128x128xf32, #tpu.memory_space<vmem>>) offsets(%dma_start3A_60 : memref<128xi32, #tpu.memory_space<vmem>>) semaphore(%arg14 : memref<!tpu.dma_semaphore, #tpu.memory_space<semaphore_mem>>)
    %scan3A_64 = arith.constant 0 : i32
    %scan3A_65 = arith.constant 20 : i32
    %scan3A_66 = arith.addi %scan3A_64, %scan3A_65 : i32
    %scan3A_67 = arith.constant 1 : i32
    scf.for %scan3A_88 = %scan3A_64 to %scan3A_66 step %scan3A_67  : i32 {
      %mul3A_89 = arith.constant 1 : i32
      %mul3A_90 = arith.muli %scan3A_88, %mul3A_89 : i32
      %add3A_91 = arith.constant 0 : i32
      %add3A_92 = arith.addi %add3A_91, %mul3A_90 : i32
      %mul3A_93 = arith.constant 2 : i32
      %mul3A_94 = arith.muli %add3A_92, %mul3A_93 : i32
      %dma_wait3A_95 = arith.constant 0 : i32
      %dma_wait3A_96 = arith.constant 0 : i32
      %dma_wait3A_97 = tpu.memref_slice %arg8[%dma_wait3A_95, %dma_wait3A_96] : memref<40x128xi32, #tpu.memory_space<vmem>> -> memref<1x128xi32, #tpu.memory_space<vmem>>
      %dma_wait3A_98 = tpu.memref_squeeze %dma_wait3A_97 : memref<1x128xi32, #tpu.memory_space<vmem>> -> memref<128xi32, #tpu.memory_space<vmem>>
      %dma_wait3A_99 = arith.constant 0 : i32
      %dma_wait3A_100 = arith.constant 0 : i32
      %dma_wait3A_101 = tpu.memref_slice %arg2[%dma_wait3A_99, %dma_wait3A_100] : memref<20000x128xf32, #tpu.memory_space<hbm>> -> memref<20000x128xf32, #tpu.memory_space<hbm>>
      tpu.wait_indirect_dma semaphore(%arg13 : memref<!tpu.dma_semaphore, #tpu.memory_space<semaphore_mem>>) src(%dma_wait3A_101 : memref<20000x128xf32, #tpu.memory_space<hbm>>) dst(%arg10 : memref<128x128xf32, #tpu.memory_space<vmem>>)
      %add3A_102 = arith.constant 0 : i32
      %add3A_103 = arith.addi %mul3A_94, %add3A_102 : i32
      %dma_start3A_104 = arith.constant 0 : i32
      %dma_start3A_105 = tpu.memref_slice %arg9[%add3A_103, %dma_start3A_104] : memref<40x128xi32, #tpu.memory_space<vmem>> -> memref<1x128xi32, #tpu.memory_space<vmem>>
      %dma_start3A_106 = tpu.memref_squeeze %dma_start3A_105 : memref<1x128xi32, #tpu.memory_space<vmem>> -> memref<128xi32, #tpu.memory_space<vmem>>
      %dma_start3A_107 = arith.constant 0 : i32
      %dma_start3A_108 = arith.constant 0 : i32
      %dma_start3A_109 = tpu.memref_slice %arg7[%dma_start3A_107, %dma_start3A_108] : memref<10112x128xf32, #tpu.memory_space<vmem_shared>> -> memref<10112x128xf32, #tpu.memory_space<vmem_shared>>
      tpu.enqueue_indirect_dma source(%arg10 : memref<128x128xf32, #tpu.memory_space<vmem>>) target(%dma_start3A_109 : memref<10112x128xf32, #tpu.memory_space<vmem_shared>>) offsets(%dma_start3A_106 : memref<128xi32, #tpu.memory_space<vmem>>) semaphore(%arg15 : memref<!tpu.dma_semaphore, #tpu.memory_space<semaphore_mem>>) {add = true}
      %dma_wait3A_110 = arith.constant 1 : i32
      %dma_wait3A_111 = arith.constant 0 : i32
      %dma_wait3A_112 = tpu.memref_slice %arg8[%dma_wait3A_110, %dma_wait3A_111] : memref<40x128xi32, #tpu.memory_space<vmem>> -> memref<1x128xi32, #tpu.memory_space<vmem>>
      %dma_wait3A_113 = tpu.memref_squeeze %dma_wait3A_112 : memref<1x128xi32, #tpu.memory_space<vmem>> -> memref<128xi32, #tpu.memory_space<vmem>>
      %dma_wait3A_114 = arith.constant 0 : i32
      %dma_wait3A_115 = arith.constant 0 : i32
      %dma_wait3A_116 = tpu.memref_slice %arg2[%dma_wait3A_114, %dma_wait3A_115] : memref<20000x128xf32, #tpu.memory_space<hbm>> -> memref<20000x128xf32, #tpu.memory_space<hbm>>
      tpu.wait_indirect_dma semaphore(%arg14 : memref<!tpu.dma_semaphore, #tpu.memory_space<semaphore_mem>>) src(%dma_wait3A_116 : memref<20000x128xf32, #tpu.memory_space<hbm>>) dst(%arg11 : memref<128x128xf32, #tpu.memory_space<vmem>>)
      %add3A_117 = arith.constant 1 : i32
      %add3A_118 = arith.addi %mul3A_94, %add3A_117 : i32
      %dma_start3A_119 = arith.constant 0 : i32
      %dma_start3A_120 = tpu.memref_slice %arg9[%add3A_118, %dma_start3A_119] : memref<40x128xi32, #tpu.memory_space<vmem>> -> memref<1x128xi32, #tpu.memory_space<vmem>>
      %dma_start3A_121 = tpu.memref_squeeze %dma_start3A_120 : memref<1x128xi32, #tpu.memory_space<vmem>> -> memref<128xi32, #tpu.memory_space<vmem>>
      %dma_start3A_122 = arith.constant 0 : i32
      %dma_start3A_123 = arith.constant 0 : i32
      %dma_start3A_124 = tpu.memref_slice %arg7[%dma_start3A_122, %dma_start3A_123] : memref<10112x128xf32, #tpu.memory_space<vmem_shared>> -> memref<10112x128xf32, #tpu.memory_space<vmem_shared>>
      tpu.enqueue_indirect_dma source(%arg11 : memref<128x128xf32, #tpu.memory_space<vmem>>) target(%dma_start3A_124 : memref<10112x128xf32, #tpu.memory_space<vmem_shared>>) offsets(%dma_start3A_121 : memref<128xi32, #tpu.memory_space<vmem>>) semaphore(%arg16 : memref<!tpu.dma_semaphore, #tpu.memory_space<semaphore_mem>>) {add = true}
      %lt3A = arith.constant 19 : i32
      %lt3A_125 = arith.cmpi slt, %add3A_92, %lt3A : i32
      %convert_element_type3A = arith.extui %lt3A_125 : i1 to i32
      %cond3A = arith.constant 0 : i32
      %cond3A_126 = arith.cmpi ne, %convert_element_type3A, %cond3A : i32
      scf.if %cond3A_126 {
        %dma_wait3A_127 = arith.constant 0 : i32
        %dma_wait3A_128 = arith.constant 0 : i32
        %dma_wait3A_129 = tpu.memref_slice %arg9[%dma_wait3A_127, %dma_wait3A_128] : memref<40x128xi32, #tpu.memory_space<vmem>> -> memref<1x128xi32, #tpu.memory_space<vmem>>
        %dma_wait3A_130 = tpu.memref_squeeze %dma_wait3A_129 : memref<1x128xi32, #tpu.memory_space<vmem>> -> memref<128xi32, #tpu.memory_space<vmem>>
        %dma_wait3A_131 = arith.constant 0 : i32
        %dma_wait3A_132 = arith.constant 0 : i32
        %dma_wait3A_133 = tpu.memref_slice %arg7[%dma_wait3A_131, %dma_wait3A_132] : memref<10112x128xf32, #tpu.memory_space<vmem_shared>> -> memref<10112x128xf32, #tpu.memory_space<vmem_shared>>
        tpu.wait_indirect_dma semaphore(%arg15 : memref<!tpu.dma_semaphore, #tpu.memory_space<semaphore_mem>>) src(%arg10 : memref<128x128xf32, #tpu.memory_space<vmem>>) dst(%dma_wait3A_133 : memref<10112x128xf32, #tpu.memory_space<vmem_shared>>)
        %add3A_134 = arith.constant 2 : i32
        %add3A_135 = arith.addi %mul3A_94, %add3A_134 : i32
        %add3A_136 = arith.constant 0 : i32
        %add3A_137 = arith.addi %add3A_135, %add3A_136 : i32
        %dma_start3A_138 = arith.constant 0 : i32
        %dma_start3A_139 = tpu.memref_slice %arg8[%add3A_137, %dma_start3A_138] : memref<40x128xi32, #tpu.memory_space<vmem>> -> memref<1x128xi32, #tpu.memory_space<vmem>>
        %dma_start3A_140 = tpu.memref_squeeze %dma_start3A_139 : memref<1x128xi32, #tpu.memory_space<vmem>> -> memref<128xi32, #tpu.memory_space<vmem>>
        %dma_start3A_141 = arith.constant 0 : i32
        %dma_start3A_142 = arith.constant 0 : i32
        %dma_start3A_143 = tpu.memref_slice %arg2[%dma_start3A_141, %dma_start3A_142] : memref<20000x128xf32, #tpu.memory_space<hbm>> -> memref<20000x128xf32, #tpu.memory_space<hbm>>
        tpu.enqueue_indirect_dma source(%dma_start3A_143 : memref<20000x128xf32, #tpu.memory_space<hbm>>) target(%arg10 : memref<128x128xf32, #tpu.memory_space<vmem>>) offsets(%dma_start3A_140 : memref<128xi32, #tpu.memory_space<vmem>>) semaphore(%arg13 : memref<!tpu.dma_semaphore, #tpu.memory_space<semaphore_mem>>)
        %dma_wait3A_144 = arith.constant 0 : i32
        %dma_wait3A_145 = arith.constant 0 : i32
        %dma_wait3A_146 = tpu.memref_slice %arg9[%dma_wait3A_144, %dma_wait3A_145] : memref<40x128xi32, #tpu.memory_space<vmem>> -> memref<1x128xi32, #tpu.memory_space<vmem>>
        %dma_wait3A_147 = tpu.memref_squeeze %dma_wait3A_146 : memref<1x128xi32, #tpu.memory_space<vmem>> -> memref<128xi32, #tpu.memory_space<vmem>>
        %dma_wait3A_148 = arith.constant 0 : i32
        %dma_wait3A_149 = arith.constant 0 : i32
        %dma_wait3A_150 = tpu.memref_slice %arg7[%dma_wait3A_148, %dma_wait3A_149] : memref<10112x128xf32, #tpu.memory_space<vmem_shared>> -> memref<10112x128xf32, #tpu.memory_space<vmem_shared>>
        tpu.wait_indirect_dma semaphore(%arg16 : memref<!tpu.dma_semaphore, #tpu.memory_space<semaphore_mem>>) src(%arg11 : memref<128x128xf32, #tpu.memory_space<vmem>>) dst(%dma_wait3A_150 : memref<10112x128xf32, #tpu.memory_space<vmem_shared>>)
        %add3A_151 = arith.constant 2 : i32
        %add3A_152 = arith.addi %mul3A_94, %add3A_151 : i32
        %add3A_153 = arith.constant 1 : i32
        %add3A_154 = arith.addi %add3A_152, %add3A_153 : i32
        %dma_start3A_155 = arith.constant 0 : i32
        %dma_start3A_156 = tpu.memref_slice %arg8[%add3A_154, %dma_start3A_155] : memref<40x128xi32, #tpu.memory_space<vmem>> -> memref<1x128xi32, #tpu.memory_space<vmem>>
        %dma_start3A_157 = tpu.memref_squeeze %dma_start3A_156 : memref<1x128xi32, #tpu.memory_space<vmem>> -> memref<128xi32, #tpu.memory_space<vmem>>
        %dma_start3A_158 = arith.constant 0 : i32
        %dma_start3A_159 = arith.constant 0 : i32
        %dma_start3A_160 = tpu.memref_slice %arg2[%dma_start3A_158, %dma_start3A_159] : memref<20000x128xf32, #tpu.memory_space<hbm>> -> memref<20000x128xf32, #tpu.memory_space<hbm>>
        tpu.enqueue_indirect_dma source(%dma_start3A_160 : memref<20000x128xf32, #tpu.memory_space<hbm>>) target(%arg11 : memref<128x128xf32, #tpu.memory_space<vmem>>) offsets(%dma_start3A_157 : memref<128xi32, #tpu.memory_space<vmem>>) semaphore(%arg14 : memref<!tpu.dma_semaphore, #tpu.memory_space<semaphore_mem>>)
      } else {
      }
    }
    %scan3A_68 = arith.constant 20 : i32
    %dma_wait3A_69 = arith.constant 0 : i32
    %dma_wait3A_70 = arith.constant 0 : i32
    %dma_wait3A_71 = tpu.memref_slice %arg9[%dma_wait3A_69, %dma_wait3A_70] : memref<40x128xi32, #tpu.memory_space<vmem>> -> memref<1x128xi32, #tpu.memory_space<vmem>>
    %dma_wait3A_72 = tpu.memref_squeeze %dma_wait3A_71 : memref<1x128xi32, #tpu.memory_space<vmem>> -> memref<128xi32, #tpu.memory_space<vmem>>
    %dma_wait3A_73 = arith.constant 0 : i32
    %dma_wait3A_74 = arith.constant 0 : i32
    %dma_wait3A_75 = tpu.memref_slice %arg7[%dma_wait3A_73, %dma_wait3A_74] : memref<10112x128xf32, #tpu.memory_space<vmem_shared>> -> memref<10112x128xf32, #tpu.memory_space<vmem_shared>>
    tpu.wait_indirect_dma semaphore(%arg15 : memref<!tpu.dma_semaphore, #tpu.memory_space<semaphore_mem>>) src(%arg10 : memref<128x128xf32, #tpu.memory_space<vmem>>) dst(%dma_wait3A_75 : memref<10112x128xf32, #tpu.memory_space<vmem_shared>>)
    %dma_wait3A_76 = arith.constant 0 : i32
    %dma_wait3A_77 = arith.constant 0 : i32
    %dma_wait3A_78 = tpu.memref_slice %arg9[%dma_wait3A_76, %dma_wait3A_77] : memref<40x128xi32, #tpu.memory_space<vmem>> -> memref<1x128xi32, #tpu.memory_space<vmem>>
    %dma_wait3A_79 = tpu.memref_squeeze %dma_wait3A_78 : memref<1x128xi32, #tpu.memory_space<vmem>> -> memref<128xi32, #tpu.memory_space<vmem>>
    %dma_wait3A_80 = arith.constant 0 : i32
    %dma_wait3A_81 = arith.constant 0 : i32
    %dma_wait3A_82 = tpu.memref_slice %arg7[%dma_wait3A_80, %dma_wait3A_81] : memref<10112x128xf32, #tpu.memory_space<vmem_shared>> -> memref<10112x128xf32, #tpu.memory_space<vmem_shared>>
    tpu.wait_indirect_dma semaphore(%arg16 : memref<!tpu.dma_semaphore, #tpu.memory_space<semaphore_mem>>) src(%arg11 : memref<128x128xf32, #tpu.memory_space<vmem>>) dst(%dma_wait3A_82 : memref<10112x128xf32, #tpu.memory_space<vmem_shared>>)
    %barrier3A_83 = arith.constant 0 : index
    tpu.barrier barrier_id(%barrier3A_83)
    %mul3A_84 = arith.constant 632 : i32
    %mul3A_85 = arith.muli %arg1, %mul3A_84 : i32
    %mul3A_86 = arith.constant 632 : i32
    %mul3A_87 = arith.muli %arg1, %mul3A_86 : i32
    "tpu.region"() ({
      %run_scoped3A = tpu.sem_alloc : memref<!tpu.dma_semaphore, #tpu.memory_space<semaphore_mem>>
      %dma_start3A_88 = arith.constant 0 : i32
      %dma_start3A_89 = tpu.memref_slice %arg6[%arg0, %mul3A_87, %dma_start3A_88] : memref<2x10112x128xf32, #tpu.memory_space<hbm>> -> memref<1x632x128xf32, #tpu.memory_space<hbm>>
      %dma_start3A_90 = tpu.memref_squeeze %dma_start3A_89 : memref<1x632x128xf32, #tpu.memory_space<hbm>> -> memref<632x128xf32, #tpu.memory_space<hbm>>
      %dma_start3A_91 = arith.constant 0 : i32
      %dma_start3A_92 = tpu.memref_slice %arg7[%mul3A_85, %dma_start3A_91] : memref<10112x128xf32, #tpu.memory_space<vmem_shared>> -> memref<632x128xf32, #tpu.memory_space<vmem_shared>>
      tpu.enqueue_dma source(%dma_start3A_92 : memref<632x128xf32, #tpu.memory_space<vmem_shared>>) target(%dma_start3A_90 : memref<632x128xf32, #tpu.memory_space<hbm>>) target_semaphore(%run_scoped3A : memref<!tpu.dma_semaphore, #tpu.memory_space<semaphore_mem>>)
      %dma_wait3A_93 = arith.constant 0 : i32
      %dma_wait3A_94 = tpu.memref_slice %arg6[%arg0, %mul3A_87, %dma_wait3A_93] : memref<2x10112x128xf32, #tpu.memory_space<hbm>> -> memref<1x632x128xf32, #tpu.memory_space<hbm>>
      %dma_wait3A_95 = tpu.memref_squeeze %dma_wait3A_94 : memref<1x632x128xf32, #tpu.memory_space<hbm>> -> memref<632x128xf32, #tpu.memory_space<hbm>>
      %dma_wait3A_96 = arith.constant 0 : i32
      %dma_wait3A_97 = tpu.memref_slice %arg7[%mul3A_85, %dma_wait3A_96] : memref<10112x128xf32, #tpu.memory_space<vmem_shared>> -> memref<632x128xf32, #tpu.memory_space<vmem_shared>>
      tpu.wait_dma2 semaphore(%run_scoped3A : memref<!tpu.dma_semaphore, #tpu.memory_space<semaphore_mem>>) src(%dma_wait3A_97 : memref<632x128xf32, #tpu.memory_space<vmem_shared>>) dst(%dma_wait3A_95 : memref<632x128xf32, #tpu.memory_space<hbm>>)
      tpu.yield
    }) : () -> ()
    return
  }
}

#map = affine_map<(d0, d1) -> (0, 0)>
#map1 = affine_map<(d0, d1) -> (0, 0, 0)>
module attributes {stable_mosaic.version = 14 : i64} {
  func.func @_sc_agg_body(%arg0: i32, %arg1: i32, %arg2: memref<20000x128xf32, #tpu.memory_space<hbm>>, %arg3: memref<2x1280x128xi32, #tpu.memory_space<hbm>>, %arg4: memref<1280x128xi32, #tpu.memory_space<hbm>>, %arg5: memref<10112x128xf32, #tpu.memory_space<hbm>>, %arg6: memref<2x10112x128xf32, #tpu.memory_space<hbm>>, %arg7: memref<10112x128xf32, #tpu.memory_space<vmem_shared>>, %arg8: memref<40x128xi32, #tpu.memory_space<vmem>>, %arg9: memref<40x128xi32, #tpu.memory_space<vmem>>, %arg10: memref<128x128xf32, #tpu.memory_space<vmem>>, %arg11: memref<128x128xf32, #tpu.memory_space<vmem>>, %arg12: memref<!tpu.dma_semaphore, #tpu.memory_space<semaphore_mem>>, %arg13: memref<!tpu.dma_semaphore, #tpu.memory_space<semaphore_mem>>, %arg14: memref<!tpu.dma_semaphore, #tpu.memory_space<semaphore_mem>>, %arg15: memref<!tpu.dma_semaphore, #tpu.memory_space<semaphore_mem>>, %arg16: memref<!tpu.dma_semaphore, #tpu.memory_space<semaphore_mem>>) attributes {dimension_semantics = [#tpu.dimension_semantics<core_parallel>, #tpu.dimension_semantics<subcore_parallel>], iteration_bounds = array<i64: 2, 16>, scalar_prefetch = 0 : i64, scratch_operands = 10 : i64, tpu.core_type = #tpu.core_type<sc_vector_subcore>, window_params = [{transform_indices = #map}, {transform_indices = #map1}, {transform_indices = #map}, {transform_indices = #map}, {transform_indices = #map1}]} {
    %mul3A = arith.constant 80 : i32
    %mul3A_0 = arith.muli %arg1, %mul3A : i32
    %mul3A_1 = arith.constant 632 : i32
    %mul3A_2 = arith.muli %arg1, %mul3A_1 : i32
    %mul3A_3 = arith.constant 632 : i32
    %mul3A_4 = arith.muli %arg1, %mul3A_3 : i32
    %dma_start3A = arith.constant 0 : i32
    %dma_start3A_5 = tpu.memref_slice %arg7[%mul3A_4, %dma_start3A] : memref<10112x128xf32, #tpu.memory_space<vmem_shared>> -> memref<632x128xf32, #tpu.memory_space<vmem_shared>>
    %dma_start3A_6 = arith.constant 0 : i32
    %dma_start3A_7 = tpu.memref_slice %arg5[%mul3A_2, %dma_start3A_6] : memref<10112x128xf32, #tpu.memory_space<hbm>> -> memref<632x128xf32, #tpu.memory_space<hbm>>
    tpu.enqueue_dma source(%dma_start3A_7 : memref<632x128xf32, #tpu.memory_space<hbm>>) target(%dma_start3A_5 : memref<632x128xf32, #tpu.memory_space<vmem_shared>>) target_semaphore(%arg12 : memref<!tpu.dma_semaphore, #tpu.memory_space<semaphore_mem>>)
    %add3A = arith.constant 0 : i32
    %add3A_8 = arith.addi %mul3A_0, %add3A : i32
    "tpu.region"() ({
      %run_scoped3A = tpu.sem_alloc : memref<!tpu.dma_semaphore, #tpu.memory_space<semaphore_mem>>
      %dma_start3A_88 = arith.constant 0 : i32
      %dma_start3A_89 = tpu.memref_slice %arg3[%arg0, %add3A_8, %dma_start3A_88] : memref<2x1280x128xi32, #tpu.memory_space<hbm>> -> memref<1x40x128xi32, #tpu.memory_space<hbm>>
      %dma_start3A_90 = tpu.memref_squeeze %dma_start3A_89 : memref<1x40x128xi32, #tpu.memory_space<hbm>> -> memref<40x128xi32, #tpu.memory_space<hbm>>
      %dma_start3A_91 = arith.constant 0 : i32
      %dma_start3A_92 = tpu.memref_slice %arg3[%arg0, %add3A_8, %dma_start3A_91] : memref<2x1280x128xi32, #tpu.memory_space<hbm>> -> memref<1x40x128xi32, #tpu.memory_space<hbm>>
      %dma_start3A_93 = tpu.memref_squeeze %dma_start3A_92 : memref<1x40x128xi32, #tpu.memory_space<hbm>> -> memref<40x128xi32, #tpu.memory_space<hbm>>
      tpu.enqueue_dma source(%dma_start3A_93 : memref<40x128xi32, #tpu.memory_space<hbm>>) target(%arg8 : memref<40x128xi32, #tpu.memory_space<vmem>>) target_semaphore(%run_scoped3A : memref<!tpu.dma_semaphore, #tpu.memory_space<semaphore_mem>>)
      %dma_wait3A_94 = arith.constant 0 : i32
      %dma_wait3A_95 = tpu.memref_slice %arg3[%arg0, %add3A_8, %dma_wait3A_94] : memref<2x1280x128xi32, #tpu.memory_space<hbm>> -> memref<1x40x128xi32, #tpu.memory_space<hbm>>
      %dma_wait3A_96 = tpu.memref_squeeze %dma_wait3A_95 : memref<1x40x128xi32, #tpu.memory_space<hbm>> -> memref<40x128xi32, #tpu.memory_space<hbm>>
      %dma_wait3A_97 = arith.constant 0 : i32
      %dma_wait3A_98 = tpu.memref_slice %arg3[%arg0, %add3A_8, %dma_wait3A_97] : memref<2x1280x128xi32, #tpu.memory_space<hbm>> -> memref<1x40x128xi32, #tpu.memory_space<hbm>>
      %dma_wait3A_99 = tpu.memref_squeeze %dma_wait3A_98 : memref<1x40x128xi32, #tpu.memory_space<hbm>> -> memref<40x128xi32, #tpu.memory_space<hbm>>
      tpu.wait_dma2 semaphore(%run_scoped3A : memref<!tpu.dma_semaphore, #tpu.memory_space<semaphore_mem>>) src(%dma_wait3A_99 : memref<40x128xi32, #tpu.memory_space<hbm>>) dst(%arg8 : memref<40x128xi32, #tpu.memory_space<vmem>>)
      tpu.yield
    }) : () -> ()
    %add3A_9 = arith.constant 0 : i32
    %add3A_10 = arith.addi %mul3A_0, %add3A_9 : i32
    "tpu.region"() ({
      %run_scoped3A = tpu.sem_alloc : memref<!tpu.dma_semaphore, #tpu.memory_space<semaphore_mem>>
      %dma_start3A_88 = arith.constant 0 : i32
      %dma_start3A_89 = tpu.memref_slice %arg4[%add3A_10, %dma_start3A_88] : memref<1280x128xi32, #tpu.memory_space<hbm>> -> memref<40x128xi32, #tpu.memory_space<hbm>>
      %dma_start3A_90 = arith.constant 0 : i32
      %dma_start3A_91 = tpu.memref_slice %arg4[%add3A_10, %dma_start3A_90] : memref<1280x128xi32, #tpu.memory_space<hbm>> -> memref<40x128xi32, #tpu.memory_space<hbm>>
      tpu.enqueue_dma source(%dma_start3A_91 : memref<40x128xi32, #tpu.memory_space<hbm>>) target(%arg9 : memref<40x128xi32, #tpu.memory_space<vmem>>) target_semaphore(%run_scoped3A : memref<!tpu.dma_semaphore, #tpu.memory_space<semaphore_mem>>)
      %dma_wait3A_92 = arith.constant 0 : i32
      %dma_wait3A_93 = tpu.memref_slice %arg4[%add3A_10, %dma_wait3A_92] : memref<1280x128xi32, #tpu.memory_space<hbm>> -> memref<40x128xi32, #tpu.memory_space<hbm>>
      %dma_wait3A_94 = arith.constant 0 : i32
      %dma_wait3A_95 = tpu.memref_slice %arg4[%add3A_10, %dma_wait3A_94] : memref<1280x128xi32, #tpu.memory_space<hbm>> -> memref<40x128xi32, #tpu.memory_space<hbm>>
      tpu.wait_dma2 semaphore(%run_scoped3A : memref<!tpu.dma_semaphore, #tpu.memory_space<semaphore_mem>>) src(%dma_wait3A_95 : memref<40x128xi32, #tpu.memory_space<hbm>>) dst(%arg9 : memref<40x128xi32, #tpu.memory_space<vmem>>)
      tpu.yield
    }) : () -> ()
    %dma_start3A_11 = arith.constant 0 : i32
    %dma_start3A_12 = arith.constant 0 : i32
    %dma_start3A_13 = tpu.memref_slice %arg8[%dma_start3A_11, %dma_start3A_12] : memref<40x128xi32, #tpu.memory_space<vmem>> -> memref<1x128xi32, #tpu.memory_space<vmem>>
    %dma_start3A_14 = tpu.memref_squeeze %dma_start3A_13 : memref<1x128xi32, #tpu.memory_space<vmem>> -> memref<128xi32, #tpu.memory_space<vmem>>
    %dma_start3A_15 = arith.constant 0 : i32
    %dma_start3A_16 = arith.constant 0 : i32
    %dma_start3A_17 = tpu.memref_slice %arg2[%dma_start3A_15, %dma_start3A_16] : memref<20000x128xf32, #tpu.memory_space<hbm>> -> memref<20000x128xf32, #tpu.memory_space<hbm>>
    tpu.enqueue_indirect_dma source(%dma_start3A_17 : memref<20000x128xf32, #tpu.memory_space<hbm>>) target(%arg10 : memref<128x128xf32, #tpu.memory_space<vmem>>) offsets(%dma_start3A_14 : memref<128xi32, #tpu.memory_space<vmem>>) semaphore(%arg13 : memref<!tpu.dma_semaphore, #tpu.memory_space<semaphore_mem>>)
    %dma_start3A_18 = arith.constant 1 : i32
    %dma_start3A_19 = arith.constant 0 : i32
    %dma_start3A_20 = tpu.memref_slice %arg8[%dma_start3A_18, %dma_start3A_19] : memref<40x128xi32, #tpu.memory_space<vmem>> -> memref<1x128xi32, #tpu.memory_space<vmem>>
    %dma_start3A_21 = tpu.memref_squeeze %dma_start3A_20 : memref<1x128xi32, #tpu.memory_space<vmem>> -> memref<128xi32, #tpu.memory_space<vmem>>
    %dma_start3A_22 = arith.constant 0 : i32
    %dma_start3A_23 = arith.constant 0 : i32
    %dma_start3A_24 = tpu.memref_slice %arg2[%dma_start3A_22, %dma_start3A_23] : memref<20000x128xf32, #tpu.memory_space<hbm>> -> memref<20000x128xf32, #tpu.memory_space<hbm>>
    tpu.enqueue_indirect_dma source(%dma_start3A_24 : memref<20000x128xf32, #tpu.memory_space<hbm>>) target(%arg11 : memref<128x128xf32, #tpu.memory_space<vmem>>) offsets(%dma_start3A_21 : memref<128xi32, #tpu.memory_space<vmem>>) semaphore(%arg14 : memref<!tpu.dma_semaphore, #tpu.memory_space<semaphore_mem>>)
    %dma_wait3A = arith.constant 0 : i32
    %dma_wait3A_25 = tpu.memref_slice %arg7[%mul3A_4, %dma_wait3A] : memref<10112x128xf32, #tpu.memory_space<vmem_shared>> -> memref<632x128xf32, #tpu.memory_space<vmem_shared>>
    %dma_wait3A_26 = arith.constant 0 : i32
    %dma_wait3A_27 = tpu.memref_slice %arg5[%mul3A_2, %dma_wait3A_26] : memref<10112x128xf32, #tpu.memory_space<hbm>> -> memref<632x128xf32, #tpu.memory_space<hbm>>
    tpu.wait_dma2 semaphore(%arg12 : memref<!tpu.dma_semaphore, #tpu.memory_space<semaphore_mem>>) src(%dma_wait3A_27 : memref<632x128xf32, #tpu.memory_space<hbm>>) dst(%dma_wait3A_25 : memref<632x128xf32, #tpu.memory_space<vmem_shared>>)
    %barrier3A = arith.constant 0 : index
    tpu.barrier barrier_id(%barrier3A)
    %scan3A = arith.constant 0 : i32
    %scan3A_28 = arith.constant 20 : i32
    %scan3A_29 = arith.addi %scan3A, %scan3A_28 : i32
    %scan3A_30 = arith.constant 1 : i32
    scf.for %scan3A_88 = %scan3A to %scan3A_29 step %scan3A_30  : i32 {
      %mul3A_89 = arith.constant 1 : i32
      %mul3A_90 = arith.muli %scan3A_88, %mul3A_89 : i32
      %add3A_91 = arith.constant 0 : i32
      %add3A_92 = arith.addi %add3A_91, %mul3A_90 : i32
      %mul3A_93 = arith.constant 2 : i32
      %mul3A_94 = arith.muli %add3A_92, %mul3A_93 : i32
      %dma_wait3A_95 = arith.constant 0 : i32
      %dma_wait3A_96 = arith.constant 0 : i32
      %dma_wait3A_97 = tpu.memref_slice %arg8[%dma_wait3A_95, %dma_wait3A_96] : memref<40x128xi32, #tpu.memory_space<vmem>> -> memref<1x128xi32, #tpu.memory_space<vmem>>
      %dma_wait3A_98 = tpu.memref_squeeze %dma_wait3A_97 : memref<1x128xi32, #tpu.memory_space<vmem>> -> memref<128xi32, #tpu.memory_space<vmem>>
      %dma_wait3A_99 = arith.constant 0 : i32
      %dma_wait3A_100 = arith.constant 0 : i32
      %dma_wait3A_101 = tpu.memref_slice %arg2[%dma_wait3A_99, %dma_wait3A_100] : memref<20000x128xf32, #tpu.memory_space<hbm>> -> memref<20000x128xf32, #tpu.memory_space<hbm>>
      tpu.wait_indirect_dma semaphore(%arg13 : memref<!tpu.dma_semaphore, #tpu.memory_space<semaphore_mem>>) src(%dma_wait3A_101 : memref<20000x128xf32, #tpu.memory_space<hbm>>) dst(%arg10 : memref<128x128xf32, #tpu.memory_space<vmem>>)
      %add3A_102 = arith.constant 0 : i32
      %add3A_103 = arith.addi %mul3A_94, %add3A_102 : i32
      %dma_start3A_104 = arith.constant 0 : i32
      %dma_start3A_105 = tpu.memref_slice %arg9[%add3A_103, %dma_start3A_104] : memref<40x128xi32, #tpu.memory_space<vmem>> -> memref<1x128xi32, #tpu.memory_space<vmem>>
      %dma_start3A_106 = tpu.memref_squeeze %dma_start3A_105 : memref<1x128xi32, #tpu.memory_space<vmem>> -> memref<128xi32, #tpu.memory_space<vmem>>
      %dma_start3A_107 = arith.constant 0 : i32
      %dma_start3A_108 = arith.constant 0 : i32
      %dma_start3A_109 = tpu.memref_slice %arg7[%dma_start3A_107, %dma_start3A_108] : memref<10112x128xf32, #tpu.memory_space<vmem_shared>> -> memref<10112x128xf32, #tpu.memory_space<vmem_shared>>
      tpu.enqueue_indirect_dma source(%arg10 : memref<128x128xf32, #tpu.memory_space<vmem>>) target(%dma_start3A_109 : memref<10112x128xf32, #tpu.memory_space<vmem_shared>>) offsets(%dma_start3A_106 : memref<128xi32, #tpu.memory_space<vmem>>) semaphore(%arg15 : memref<!tpu.dma_semaphore, #tpu.memory_space<semaphore_mem>>) {add = true}
      %dma_wait3A_110 = arith.constant 1 : i32
      %dma_wait3A_111 = arith.constant 0 : i32
      %dma_wait3A_112 = tpu.memref_slice %arg8[%dma_wait3A_110, %dma_wait3A_111] : memref<40x128xi32, #tpu.memory_space<vmem>> -> memref<1x128xi32, #tpu.memory_space<vmem>>
      %dma_wait3A_113 = tpu.memref_squeeze %dma_wait3A_112 : memref<1x128xi32, #tpu.memory_space<vmem>> -> memref<128xi32, #tpu.memory_space<vmem>>
      %dma_wait3A_114 = arith.constant 0 : i32
      %dma_wait3A_115 = arith.constant 0 : i32
      %dma_wait3A_116 = tpu.memref_slice %arg2[%dma_wait3A_114, %dma_wait3A_115] : memref<20000x128xf32, #tpu.memory_space<hbm>> -> memref<20000x128xf32, #tpu.memory_space<hbm>>
      tpu.wait_indirect_dma semaphore(%arg14 : memref<!tpu.dma_semaphore, #tpu.memory_space<semaphore_mem>>) src(%dma_wait3A_116 : memref<20000x128xf32, #tpu.memory_space<hbm>>) dst(%arg11 : memref<128x128xf32, #tpu.memory_space<vmem>>)
      %add3A_117 = arith.constant 1 : i32
      %add3A_118 = arith.addi %mul3A_94, %add3A_117 : i32
      %dma_start3A_119 = arith.constant 0 : i32
      %dma_start3A_120 = tpu.memref_slice %arg9[%add3A_118, %dma_start3A_119] : memref<40x128xi32, #tpu.memory_space<vmem>> -> memref<1x128xi32, #tpu.memory_space<vmem>>
      %dma_start3A_121 = tpu.memref_squeeze %dma_start3A_120 : memref<1x128xi32, #tpu.memory_space<vmem>> -> memref<128xi32, #tpu.memory_space<vmem>>
      %dma_start3A_122 = arith.constant 0 : i32
      %dma_start3A_123 = arith.constant 0 : i32
      %dma_start3A_124 = tpu.memref_slice %arg7[%dma_start3A_122, %dma_start3A_123] : memref<10112x128xf32, #tpu.memory_space<vmem_shared>> -> memref<10112x128xf32, #tpu.memory_space<vmem_shared>>
      tpu.enqueue_indirect_dma source(%arg11 : memref<128x128xf32, #tpu.memory_space<vmem>>) target(%dma_start3A_124 : memref<10112x128xf32, #tpu.memory_space<vmem_shared>>) offsets(%dma_start3A_121 : memref<128xi32, #tpu.memory_space<vmem>>) semaphore(%arg16 : memref<!tpu.dma_semaphore, #tpu.memory_space<semaphore_mem>>) {add = true}
      %lt3A = arith.constant 19 : i32
      %lt3A_125 = arith.cmpi slt, %add3A_92, %lt3A : i32
      %convert_element_type3A = arith.extui %lt3A_125 : i1 to i32
      %cond3A = arith.constant 0 : i32
      %cond3A_126 = arith.cmpi ne, %convert_element_type3A, %cond3A : i32
      scf.if %cond3A_126 {
        %dma_wait3A_127 = arith.constant 0 : i32
        %dma_wait3A_128 = arith.constant 0 : i32
        %dma_wait3A_129 = tpu.memref_slice %arg9[%dma_wait3A_127, %dma_wait3A_128] : memref<40x128xi32, #tpu.memory_space<vmem>> -> memref<1x128xi32, #tpu.memory_space<vmem>>
        %dma_wait3A_130 = tpu.memref_squeeze %dma_wait3A_129 : memref<1x128xi32, #tpu.memory_space<vmem>> -> memref<128xi32, #tpu.memory_space<vmem>>
        %dma_wait3A_131 = arith.constant 0 : i32
        %dma_wait3A_132 = arith.constant 0 : i32
        %dma_wait3A_133 = tpu.memref_slice %arg7[%dma_wait3A_131, %dma_wait3A_132] : memref<10112x128xf32, #tpu.memory_space<vmem_shared>> -> memref<10112x128xf32, #tpu.memory_space<vmem_shared>>
        tpu.wait_indirect_dma semaphore(%arg15 : memref<!tpu.dma_semaphore, #tpu.memory_space<semaphore_mem>>) src(%arg10 : memref<128x128xf32, #tpu.memory_space<vmem>>) dst(%dma_wait3A_133 : memref<10112x128xf32, #tpu.memory_space<vmem_shared>>)
        %add3A_134 = arith.constant 2 : i32
        %add3A_135 = arith.addi %mul3A_94, %add3A_134 : i32
        %add3A_136 = arith.constant 0 : i32
        %add3A_137 = arith.addi %add3A_135, %add3A_136 : i32
        %dma_start3A_138 = arith.constant 0 : i32
        %dma_start3A_139 = tpu.memref_slice %arg8[%add3A_137, %dma_start3A_138] : memref<40x128xi32, #tpu.memory_space<vmem>> -> memref<1x128xi32, #tpu.memory_space<vmem>>
        %dma_start3A_140 = tpu.memref_squeeze %dma_start3A_139 : memref<1x128xi32, #tpu.memory_space<vmem>> -> memref<128xi32, #tpu.memory_space<vmem>>
        %dma_start3A_141 = arith.constant 0 : i32
        %dma_start3A_142 = arith.constant 0 : i32
        %dma_start3A_143 = tpu.memref_slice %arg2[%dma_start3A_141, %dma_start3A_142] : memref<20000x128xf32, #tpu.memory_space<hbm>> -> memref<20000x128xf32, #tpu.memory_space<hbm>>
        tpu.enqueue_indirect_dma source(%dma_start3A_143 : memref<20000x128xf32, #tpu.memory_space<hbm>>) target(%arg10 : memref<128x128xf32, #tpu.memory_space<vmem>>) offsets(%dma_start3A_140 : memref<128xi32, #tpu.memory_space<vmem>>) semaphore(%arg13 : memref<!tpu.dma_semaphore, #tpu.memory_space<semaphore_mem>>)
        %dma_wait3A_144 = arith.constant 0 : i32
        %dma_wait3A_145 = arith.constant 0 : i32
        %dma_wait3A_146 = tpu.memref_slice %arg9[%dma_wait3A_144, %dma_wait3A_145] : memref<40x128xi32, #tpu.memory_space<vmem>> -> memref<1x128xi32, #tpu.memory_space<vmem>>
        %dma_wait3A_147 = tpu.memref_squeeze %dma_wait3A_146 : memref<1x128xi32, #tpu.memory_space<vmem>> -> memref<128xi32, #tpu.memory_space<vmem>>
        %dma_wait3A_148 = arith.constant 0 : i32
        %dma_wait3A_149 = arith.constant 0 : i32
        %dma_wait3A_150 = tpu.memref_slice %arg7[%dma_wait3A_148, %dma_wait3A_149] : memref<10112x128xf32, #tpu.memory_space<vmem_shared>> -> memref<10112x128xf32, #tpu.memory_space<vmem_shared>>
        tpu.wait_indirect_dma semaphore(%arg16 : memref<!tpu.dma_semaphore, #tpu.memory_space<semaphore_mem>>) src(%arg11 : memref<128x128xf32, #tpu.memory_space<vmem>>) dst(%dma_wait3A_150 : memref<10112x128xf32, #tpu.memory_space<vmem_shared>>)
        %add3A_151 = arith.constant 2 : i32
        %add3A_152 = arith.addi %mul3A_94, %add3A_151 : i32
        %add3A_153 = arith.constant 1 : i32
        %add3A_154 = arith.addi %add3A_152, %add3A_153 : i32
        %dma_start3A_155 = arith.constant 0 : i32
        %dma_start3A_156 = tpu.memref_slice %arg8[%add3A_154, %dma_start3A_155] : memref<40x128xi32, #tpu.memory_space<vmem>> -> memref<1x128xi32, #tpu.memory_space<vmem>>
        %dma_start3A_157 = tpu.memref_squeeze %dma_start3A_156 : memref<1x128xi32, #tpu.memory_space<vmem>> -> memref<128xi32, #tpu.memory_space<vmem>>
        %dma_start3A_158 = arith.constant 0 : i32
        %dma_start3A_159 = arith.constant 0 : i32
        %dma_start3A_160 = tpu.memref_slice %arg2[%dma_start3A_158, %dma_start3A_159] : memref<20000x128xf32, #tpu.memory_space<hbm>> -> memref<20000x128xf32, #tpu.memory_space<hbm>>
        tpu.enqueue_indirect_dma source(%dma_start3A_160 : memref<20000x128xf32, #tpu.memory_space<hbm>>) target(%arg11 : memref<128x128xf32, #tpu.memory_space<vmem>>) offsets(%dma_start3A_157 : memref<128xi32, #tpu.memory_space<vmem>>) semaphore(%arg14 : memref<!tpu.dma_semaphore, #tpu.memory_space<semaphore_mem>>)
      } else {
      }
    }
    %scan3A_31 = arith.constant 20 : i32
    %dma_wait3A_32 = arith.constant 0 : i32
    %dma_wait3A_33 = arith.constant 0 : i32
    %dma_wait3A_34 = tpu.memref_slice %arg9[%dma_wait3A_32, %dma_wait3A_33] : memref<40x128xi32, #tpu.memory_space<vmem>> -> memref<1x128xi32, #tpu.memory_space<vmem>>
    %dma_wait3A_35 = tpu.memref_squeeze %dma_wait3A_34 : memref<1x128xi32, #tpu.memory_space<vmem>> -> memref<128xi32, #tpu.memory_space<vmem>>
    %dma_wait3A_36 = arith.constant 0 : i32
    %dma_wait3A_37 = arith.constant 0 : i32
    %dma_wait3A_38 = tpu.memref_slice %arg7[%dma_wait3A_36, %dma_wait3A_37] : memref<10112x128xf32, #tpu.memory_space<vmem_shared>> -> memref<10112x128xf32, #tpu.memory_space<vmem_shared>>
    tpu.wait_indirect_dma semaphore(%arg15 : memref<!tpu.dma_semaphore, #tpu.memory_space<semaphore_mem>>) src(%arg10 : memref<128x128xf32, #tpu.memory_space<vmem>>) dst(%dma_wait3A_38 : memref<10112x128xf32, #tpu.memory_space<vmem_shared>>)
    %dma_wait3A_39 = arith.constant 0 : i32
    %dma_wait3A_40 = arith.constant 0 : i32
    %dma_wait3A_41 = tpu.memref_slice %arg9[%dma_wait3A_39, %dma_wait3A_40] : memref<40x128xi32, #tpu.memory_space<vmem>> -> memref<1x128xi32, #tpu.memory_space<vmem>>
    %dma_wait3A_42 = tpu.memref_squeeze %dma_wait3A_41 : memref<1x128xi32, #tpu.memory_space<vmem>> -> memref<128xi32, #tpu.memory_space<vmem>>
    %dma_wait3A_43 = arith.constant 0 : i32
    %dma_wait3A_44 = arith.constant 0 : i32
    %dma_wait3A_45 = tpu.memref_slice %arg7[%dma_wait3A_43, %dma_wait3A_44] : memref<10112x128xf32, #tpu.memory_space<vmem_shared>> -> memref<10112x128xf32, #tpu.memory_space<vmem_shared>>
    tpu.wait_indirect_dma semaphore(%arg16 : memref<!tpu.dma_semaphore, #tpu.memory_space<semaphore_mem>>) src(%arg11 : memref<128x128xf32, #tpu.memory_space<vmem>>) dst(%dma_wait3A_45 : memref<10112x128xf32, #tpu.memory_space<vmem_shared>>)
    %add3A_46 = arith.constant 40 : i32
    %add3A_47 = arith.addi %mul3A_0, %add3A_46 : i32
    "tpu.region"() ({
      %run_scoped3A = tpu.sem_alloc : memref<!tpu.dma_semaphore, #tpu.memory_space<semaphore_mem>>
      %dma_start3A_88 = arith.constant 0 : i32
      %dma_start3A_89 = tpu.memref_slice %arg3[%arg0, %add3A_47, %dma_start3A_88] : memref<2x1280x128xi32, #tpu.memory_space<hbm>> -> memref<1x40x128xi32, #tpu.memory_space<hbm>>
      %dma_start3A_90 = tpu.memref_squeeze %dma_start3A_89 : memref<1x40x128xi32, #tpu.memory_space<hbm>> -> memref<40x128xi32, #tpu.memory_space<hbm>>
      %dma_start3A_91 = arith.constant 0 : i32
      %dma_start3A_92 = tpu.memref_slice %arg3[%arg0, %add3A_47, %dma_start3A_91] : memref<2x1280x128xi32, #tpu.memory_space<hbm>> -> memref<1x40x128xi32, #tpu.memory_space<hbm>>
      %dma_start3A_93 = tpu.memref_squeeze %dma_start3A_92 : memref<1x40x128xi32, #tpu.memory_space<hbm>> -> memref<40x128xi32, #tpu.memory_space<hbm>>
      tpu.enqueue_dma source(%dma_start3A_93 : memref<40x128xi32, #tpu.memory_space<hbm>>) target(%arg8 : memref<40x128xi32, #tpu.memory_space<vmem>>) target_semaphore(%run_scoped3A : memref<!tpu.dma_semaphore, #tpu.memory_space<semaphore_mem>>)
      %dma_wait3A_94 = arith.constant 0 : i32
      %dma_wait3A_95 = tpu.memref_slice %arg3[%arg0, %add3A_47, %dma_wait3A_94] : memref<2x1280x128xi32, #tpu.memory_space<hbm>> -> memref<1x40x128xi32, #tpu.memory_space<hbm>>
      %dma_wait3A_96 = tpu.memref_squeeze %dma_wait3A_95 : memref<1x40x128xi32, #tpu.memory_space<hbm>> -> memref<40x128xi32, #tpu.memory_space<hbm>>
      %dma_wait3A_97 = arith.constant 0 : i32
      %dma_wait3A_98 = tpu.memref_slice %arg3[%arg0, %add3A_47, %dma_wait3A_97] : memref<2x1280x128xi32, #tpu.memory_space<hbm>> -> memref<1x40x128xi32, #tpu.memory_space<hbm>>
      %dma_wait3A_99 = tpu.memref_squeeze %dma_wait3A_98 : memref<1x40x128xi32, #tpu.memory_space<hbm>> -> memref<40x128xi32, #tpu.memory_space<hbm>>
      tpu.wait_dma2 semaphore(%run_scoped3A : memref<!tpu.dma_semaphore, #tpu.memory_space<semaphore_mem>>) src(%dma_wait3A_99 : memref<40x128xi32, #tpu.memory_space<hbm>>) dst(%arg8 : memref<40x128xi32, #tpu.memory_space<vmem>>)
      tpu.yield
    }) : () -> ()
    %add3A_48 = arith.constant 40 : i32
    %add3A_49 = arith.addi %mul3A_0, %add3A_48 : i32
    "tpu.region"() ({
      %run_scoped3A = tpu.sem_alloc : memref<!tpu.dma_semaphore, #tpu.memory_space<semaphore_mem>>
      %dma_start3A_88 = arith.constant 0 : i32
      %dma_start3A_89 = tpu.memref_slice %arg4[%add3A_49, %dma_start3A_88] : memref<1280x128xi32, #tpu.memory_space<hbm>> -> memref<40x128xi32, #tpu.memory_space<hbm>>
      %dma_start3A_90 = arith.constant 0 : i32
      %dma_start3A_91 = tpu.memref_slice %arg4[%add3A_49, %dma_start3A_90] : memref<1280x128xi32, #tpu.memory_space<hbm>> -> memref<40x128xi32, #tpu.memory_space<hbm>>
      tpu.enqueue_dma source(%dma_start3A_91 : memref<40x128xi32, #tpu.memory_space<hbm>>) target(%arg9 : memref<40x128xi32, #tpu.memory_space<vmem>>) target_semaphore(%run_scoped3A : memref<!tpu.dma_semaphore, #tpu.memory_space<semaphore_mem>>)
      %dma_wait3A_92 = arith.constant 0 : i32
      %dma_wait3A_93 = tpu.memref_slice %arg4[%add3A_49, %dma_wait3A_92] : memref<1280x128xi32, #tpu.memory_space<hbm>> -> memref<40x128xi32, #tpu.memory_space<hbm>>
      %dma_wait3A_94 = arith.constant 0 : i32
      %dma_wait3A_95 = tpu.memref_slice %arg4[%add3A_49, %dma_wait3A_94] : memref<1280x128xi32, #tpu.memory_space<hbm>> -> memref<40x128xi32, #tpu.memory_space<hbm>>
      tpu.wait_dma2 semaphore(%run_scoped3A : memref<!tpu.dma_semaphore, #tpu.memory_space<semaphore_mem>>) src(%dma_wait3A_95 : memref<40x128xi32, #tpu.memory_space<hbm>>) dst(%arg9 : memref<40x128xi32, #tpu.memory_space<vmem>>)
      tpu.yield
    }) : () -> ()
    %dma_start3A_50 = arith.constant 0 : i32
    %dma_start3A_51 = arith.constant 0 : i32
    %dma_start3A_52 = tpu.memref_slice %arg8[%dma_start3A_50, %dma_start3A_51] : memref<40x128xi32, #tpu.memory_space<vmem>> -> memref<1x128xi32, #tpu.memory_space<vmem>>
    %dma_start3A_53 = tpu.memref_squeeze %dma_start3A_52 : memref<1x128xi32, #tpu.memory_space<vmem>> -> memref<128xi32, #tpu.memory_space<vmem>>
    %dma_start3A_54 = arith.constant 0 : i32
    %dma_start3A_55 = arith.constant 0 : i32
    %dma_start3A_56 = tpu.memref_slice %arg2[%dma_start3A_54, %dma_start3A_55] : memref<20000x128xf32, #tpu.memory_space<hbm>> -> memref<20000x128xf32, #tpu.memory_space<hbm>>
    tpu.enqueue_indirect_dma source(%dma_start3A_56 : memref<20000x128xf32, #tpu.memory_space<hbm>>) target(%arg10 : memref<128x128xf32, #tpu.memory_space<vmem>>) offsets(%dma_start3A_53 : memref<128xi32, #tpu.memory_space<vmem>>) semaphore(%arg13 : memref<!tpu.dma_semaphore, #tpu.memory_space<semaphore_mem>>)
    %dma_start3A_57 = arith.constant 1 : i32
    %dma_start3A_58 = arith.constant 0 : i32
    %dma_start3A_59 = tpu.memref_slice %arg8[%dma_start3A_57, %dma_start3A_58] : memref<40x128xi32, #tpu.memory_space<vmem>> -> memref<1x128xi32, #tpu.memory_space<vmem>>
    %dma_start3A_60 = tpu.memref_squeeze %dma_start3A_59 : memref<1x128xi32, #tpu.memory_space<vmem>> -> memref<128xi32, #tpu.memory_space<vmem>>
    %dma_start3A_61 = arith.constant 0 : i32
    %dma_start3A_62 = arith.constant 0 : i32
    %dma_start3A_63 = tpu.memref_slice %arg2[%dma_start3A_61, %dma_start3A_62] : memref<20000x128xf32, #tpu.memory_space<hbm>> -> memref<20000x128xf32, #tpu.memory_space<hbm>>
    tpu.enqueue_indirect_dma source(%dma_start3A_63 : memref<20000x128xf32, #tpu.memory_space<hbm>>) target(%arg11 : memref<128x128xf32, #tpu.memory_space<vmem>>) offsets(%dma_start3A_60 : memref<128xi32, #tpu.memory_space<vmem>>) semaphore(%arg14 : memref<!tpu.dma_semaphore, #tpu.memory_space<semaphore_mem>>)
    %scan3A_64 = arith.constant 0 : i32
    %scan3A_65 = arith.constant 20 : i32
    %scan3A_66 = arith.addi %scan3A_64, %scan3A_65 : i32
    %scan3A_67 = arith.constant 1 : i32
    scf.for %scan3A_88 = %scan3A_64 to %scan3A_66 step %scan3A_67  : i32 {
      %mul3A_89 = arith.constant 1 : i32
      %mul3A_90 = arith.muli %scan3A_88, %mul3A_89 : i32
      %add3A_91 = arith.constant 0 : i32
      %add3A_92 = arith.addi %add3A_91, %mul3A_90 : i32
      %mul3A_93 = arith.constant 2 : i32
      %mul3A_94 = arith.muli %add3A_92, %mul3A_93 : i32
      %dma_wait3A_95 = arith.constant 0 : i32
      %dma_wait3A_96 = arith.constant 0 : i32
      %dma_wait3A_97 = tpu.memref_slice %arg8[%dma_wait3A_95, %dma_wait3A_96] : memref<40x128xi32, #tpu.memory_space<vmem>> -> memref<1x128xi32, #tpu.memory_space<vmem>>
      %dma_wait3A_98 = tpu.memref_squeeze %dma_wait3A_97 : memref<1x128xi32, #tpu.memory_space<vmem>> -> memref<128xi32, #tpu.memory_space<vmem>>
      %dma_wait3A_99 = arith.constant 0 : i32
      %dma_wait3A_100 = arith.constant 0 : i32
      %dma_wait3A_101 = tpu.memref_slice %arg2[%dma_wait3A_99, %dma_wait3A_100] : memref<20000x128xf32, #tpu.memory_space<hbm>> -> memref<20000x128xf32, #tpu.memory_space<hbm>>
      tpu.wait_indirect_dma semaphore(%arg13 : memref<!tpu.dma_semaphore, #tpu.memory_space<semaphore_mem>>) src(%dma_wait3A_101 : memref<20000x128xf32, #tpu.memory_space<hbm>>) dst(%arg10 : memref<128x128xf32, #tpu.memory_space<vmem>>)
      %add3A_102 = arith.constant 0 : i32
      %add3A_103 = arith.addi %mul3A_94, %add3A_102 : i32
      %dma_start3A_104 = arith.constant 0 : i32
      %dma_start3A_105 = tpu.memref_slice %arg9[%add3A_103, %dma_start3A_104] : memref<40x128xi32, #tpu.memory_space<vmem>> -> memref<1x128xi32, #tpu.memory_space<vmem>>
      %dma_start3A_106 = tpu.memref_squeeze %dma_start3A_105 : memref<1x128xi32, #tpu.memory_space<vmem>> -> memref<128xi32, #tpu.memory_space<vmem>>
      %dma_start3A_107 = arith.constant 0 : i32
      %dma_start3A_108 = arith.constant 0 : i32
      %dma_start3A_109 = tpu.memref_slice %arg7[%dma_start3A_107, %dma_start3A_108] : memref<10112x128xf32, #tpu.memory_space<vmem_shared>> -> memref<10112x128xf32, #tpu.memory_space<vmem_shared>>
      tpu.enqueue_indirect_dma source(%arg10 : memref<128x128xf32, #tpu.memory_space<vmem>>) target(%dma_start3A_109 : memref<10112x128xf32, #tpu.memory_space<vmem_shared>>) offsets(%dma_start3A_106 : memref<128xi32, #tpu.memory_space<vmem>>) semaphore(%arg15 : memref<!tpu.dma_semaphore, #tpu.memory_space<semaphore_mem>>) {add = true}
      %dma_wait3A_110 = arith.constant 1 : i32
      %dma_wait3A_111 = arith.constant 0 : i32
      %dma_wait3A_112 = tpu.memref_slice %arg8[%dma_wait3A_110, %dma_wait3A_111] : memref<40x128xi32, #tpu.memory_space<vmem>> -> memref<1x128xi32, #tpu.memory_space<vmem>>
      %dma_wait3A_113 = tpu.memref_squeeze %dma_wait3A_112 : memref<1x128xi32, #tpu.memory_space<vmem>> -> memref<128xi32, #tpu.memory_space<vmem>>
      %dma_wait3A_114 = arith.constant 0 : i32
      %dma_wait3A_115 = arith.constant 0 : i32
      %dma_wait3A_116 = tpu.memref_slice %arg2[%dma_wait3A_114, %dma_wait3A_115] : memref<20000x128xf32, #tpu.memory_space<hbm>> -> memref<20000x128xf32, #tpu.memory_space<hbm>>
      tpu.wait_indirect_dma semaphore(%arg14 : memref<!tpu.dma_semaphore, #tpu.memory_space<semaphore_mem>>) src(%dma_wait3A_116 : memref<20000x128xf32, #tpu.memory_space<hbm>>) dst(%arg11 : memref<128x128xf32, #tpu.memory_space<vmem>>)
      %add3A_117 = arith.constant 1 : i32
      %add3A_118 = arith.addi %mul3A_94, %add3A_117 : i32
      %dma_start3A_119 = arith.constant 0 : i32
      %dma_start3A_120 = tpu.memref_slice %arg9[%add3A_118, %dma_start3A_119] : memref<40x128xi32, #tpu.memory_space<vmem>> -> memref<1x128xi32, #tpu.memory_space<vmem>>
      %dma_start3A_121 = tpu.memref_squeeze %dma_start3A_120 : memref<1x128xi32, #tpu.memory_space<vmem>> -> memref<128xi32, #tpu.memory_space<vmem>>
      %dma_start3A_122 = arith.constant 0 : i32
      %dma_start3A_123 = arith.constant 0 : i32
      %dma_start3A_124 = tpu.memref_slice %arg7[%dma_start3A_122, %dma_start3A_123] : memref<10112x128xf32, #tpu.memory_space<vmem_shared>> -> memref<10112x128xf32, #tpu.memory_space<vmem_shared>>
      tpu.enqueue_indirect_dma source(%arg11 : memref<128x128xf32, #tpu.memory_space<vmem>>) target(%dma_start3A_124 : memref<10112x128xf32, #tpu.memory_space<vmem_shared>>) offsets(%dma_start3A_121 : memref<128xi32, #tpu.memory_space<vmem>>) semaphore(%arg16 : memref<!tpu.dma_semaphore, #tpu.memory_space<semaphore_mem>>) {add = true}
      %lt3A = arith.constant 19 : i32
      %lt3A_125 = arith.cmpi slt, %add3A_92, %lt3A : i32
      %convert_element_type3A = arith.extui %lt3A_125 : i1 to i32
      %cond3A = arith.constant 0 : i32
      %cond3A_126 = arith.cmpi ne, %convert_element_type3A, %cond3A : i32
      scf.if %cond3A_126 {
        %dma_wait3A_127 = arith.constant 0 : i32
        %dma_wait3A_128 = arith.constant 0 : i32
        %dma_wait3A_129 = tpu.memref_slice %arg9[%dma_wait3A_127, %dma_wait3A_128] : memref<40x128xi32, #tpu.memory_space<vmem>> -> memref<1x128xi32, #tpu.memory_space<vmem>>
        %dma_wait3A_130 = tpu.memref_squeeze %dma_wait3A_129 : memref<1x128xi32, #tpu.memory_space<vmem>> -> memref<128xi32, #tpu.memory_space<vmem>>
        %dma_wait3A_131 = arith.constant 0 : i32
        %dma_wait3A_132 = arith.constant 0 : i32
        %dma_wait3A_133 = tpu.memref_slice %arg7[%dma_wait3A_131, %dma_wait3A_132] : memref<10112x128xf32, #tpu.memory_space<vmem_shared>> -> memref<10112x128xf32, #tpu.memory_space<vmem_shared>>
        tpu.wait_indirect_dma semaphore(%arg15 : memref<!tpu.dma_semaphore, #tpu.memory_space<semaphore_mem>>) src(%arg10 : memref<128x128xf32, #tpu.memory_space<vmem>>) dst(%dma_wait3A_133 : memref<10112x128xf32, #tpu.memory_space<vmem_shared>>)
        %add3A_134 = arith.constant 2 : i32
        %add3A_135 = arith.addi %mul3A_94, %add3A_134 : i32
        %add3A_136 = arith.constant 0 : i32
        %add3A_137 = arith.addi %add3A_135, %add3A_136 : i32
        %dma_start3A_138 = arith.constant 0 : i32
        %dma_start3A_139 = tpu.memref_slice %arg8[%add3A_137, %dma_start3A_138] : memref<40x128xi32, #tpu.memory_space<vmem>> -> memref<1x128xi32, #tpu.memory_space<vmem>>
        %dma_start3A_140 = tpu.memref_squeeze %dma_start3A_139 : memref<1x128xi32, #tpu.memory_space<vmem>> -> memref<128xi32, #tpu.memory_space<vmem>>
        %dma_start3A_141 = arith.constant 0 : i32
        %dma_start3A_142 = arith.constant 0 : i32
        %dma_start3A_143 = tpu.memref_slice %arg2[%dma_start3A_141, %dma_start3A_142] : memref<20000x128xf32, #tpu.memory_space<hbm>> -> memref<20000x128xf32, #tpu.memory_space<hbm>>
        tpu.enqueue_indirect_dma source(%dma_start3A_143 : memref<20000x128xf32, #tpu.memory_space<hbm>>) target(%arg10 : memref<128x128xf32, #tpu.memory_space<vmem>>) offsets(%dma_start3A_140 : memref<128xi32, #tpu.memory_space<vmem>>) semaphore(%arg13 : memref<!tpu.dma_semaphore, #tpu.memory_space<semaphore_mem>>)
        %dma_wait3A_144 = arith.constant 0 : i32
        %dma_wait3A_145 = arith.constant 0 : i32
        %dma_wait3A_146 = tpu.memref_slice %arg9[%dma_wait3A_144, %dma_wait3A_145] : memref<40x128xi32, #tpu.memory_space<vmem>> -> memref<1x128xi32, #tpu.memory_space<vmem>>
        %dma_wait3A_147 = tpu.memref_squeeze %dma_wait3A_146 : memref<1x128xi32, #tpu.memory_space<vmem>> -> memref<128xi32, #tpu.memory_space<vmem>>
        %dma_wait3A_148 = arith.constant 0 : i32
        %dma_wait3A_149 = arith.constant 0 : i32
        %dma_wait3A_150 = tpu.memref_slice %arg7[%dma_wait3A_148, %dma_wait3A_149] : memref<10112x128xf32, #tpu.memory_space<vmem_shared>> -> memref<10112x128xf32, #tpu.memory_space<vmem_shared>>
        tpu.wait_indirect_dma semaphore(%arg16 : memref<!tpu.dma_semaphore, #tpu.memory_space<semaphore_mem>>) src(%arg11 : memref<128x128xf32, #tpu.memory_space<vmem>>) dst(%dma_wait3A_150 : memref<10112x128xf32, #tpu.memory_space<vmem_shared>>)
        %add3A_151 = arith.constant 2 : i32
        %add3A_152 = arith.addi %mul3A_94, %add3A_151 : i32
        %add3A_153 = arith.constant 1 : i32
        %add3A_154 = arith.addi %add3A_152, %add3A_153 : i32
        %dma_start3A_155 = arith.constant 0 : i32
        %dma_start3A_156 = tpu.memref_slice %arg8[%add3A_154, %dma_start3A_155] : memref<40x128xi32, #tpu.memory_space<vmem>> -> memref<1x128xi32, #tpu.memory_space<vmem>>
        %dma_start3A_157 = tpu.memref_squeeze %dma_start3A_156 : memref<1x128xi32, #tpu.memory_space<vmem>> -> memref<128xi32, #tpu.memory_space<vmem>>
        %dma_start3A_158 = arith.constant 0 : i32
        %dma_start3A_159 = arith.constant 0 : i32
        %dma_start3A_160 = tpu.memref_slice %arg2[%dma_start3A_158, %dma_start3A_159] : memref<20000x128xf32, #tpu.memory_space<hbm>> -> memref<20000x128xf32, #tpu.memory_space<hbm>>
        tpu.enqueue_indirect_dma source(%dma_start3A_160 : memref<20000x128xf32, #tpu.memory_space<hbm>>) target(%arg11 : memref<128x128xf32, #tpu.memory_space<vmem>>) offsets(%dma_start3A_157 : memref<128xi32, #tpu.memory_space<vmem>>) semaphore(%arg14 : memref<!tpu.dma_semaphore, #tpu.memory_space<semaphore_mem>>)
      } else {
      }
    }
    %scan3A_68 = arith.constant 20 : i32
    %dma_wait3A_69 = arith.constant 0 : i32
    %dma_wait3A_70 = arith.constant 0 : i32
    %dma_wait3A_71 = tpu.memref_slice %arg9[%dma_wait3A_69, %dma_wait3A_70] : memref<40x128xi32, #tpu.memory_space<vmem>> -> memref<1x128xi32, #tpu.memory_space<vmem>>
    %dma_wait3A_72 = tpu.memref_squeeze %dma_wait3A_71 : memref<1x128xi32, #tpu.memory_space<vmem>> -> memref<128xi32, #tpu.memory_space<vmem>>
    %dma_wait3A_73 = arith.constant 0 : i32
    %dma_wait3A_74 = arith.constant 0 : i32
    %dma_wait3A_75 = tpu.memref_slice %arg7[%dma_wait3A_73, %dma_wait3A_74] : memref<10112x128xf32, #tpu.memory_space<vmem_shared>> -> memref<10112x128xf32, #tpu.memory_space<vmem_shared>>
    tpu.wait_indirect_dma semaphore(%arg15 : memref<!tpu.dma_semaphore, #tpu.memory_space<semaphore_mem>>) src(%arg10 : memref<128x128xf32, #tpu.memory_space<vmem>>) dst(%dma_wait3A_75 : memref<10112x128xf32, #tpu.memory_space<vmem_shared>>)
    %dma_wait3A_76 = arith.constant 0 : i32
    %dma_wait3A_77 = arith.constant 0 : i32
    %dma_wait3A_78 = tpu.memref_slice %arg9[%dma_wait3A_76, %dma_wait3A_77] : memref<40x128xi32, #tpu.memory_space<vmem>> -> memref<1x128xi32, #tpu.memory_space<vmem>>
    %dma_wait3A_79 = tpu.memref_squeeze %dma_wait3A_78 : memref<1x128xi32, #tpu.memory_space<vmem>> -> memref<128xi32, #tpu.memory_space<vmem>>
    %dma_wait3A_80 = arith.constant 0 : i32
    %dma_wait3A_81 = arith.constant 0 : i32
    %dma_wait3A_82 = tpu.memref_slice %arg7[%dma_wait3A_80, %dma_wait3A_81] : memref<10112x128xf32, #tpu.memory_space<vmem_shared>> -> memref<10112x128xf32, #tpu.memory_space<vmem_shared>>
    tpu.wait_indirect_dma semaphore(%arg16 : memref<!tpu.dma_semaphore, #tpu.memory_space<semaphore_mem>>) src(%arg11 : memref<128x128xf32, #tpu.memory_space<vmem>>) dst(%dma_wait3A_82 : memref<10112x128xf32, #tpu.memory_space<vmem_shared>>)
    %barrier3A_83 = arith.constant 0 : index
    tpu.barrier barrier_id(%barrier3A_83)
    %mul3A_84 = arith.constant 632 : i32
    %mul3A_85 = arith.muli %arg1, %mul3A_84 : i32
    %mul3A_86 = arith.constant 632 : i32
    %mul3A_87 = arith.muli %arg1, %mul3A_86 : i32
    "tpu.region"() ({
      %run_scoped3A = tpu.sem_alloc : memref<!tpu.dma_semaphore, #tpu.memory_space<semaphore_mem>>
      %dma_start3A_88 = arith.constant 0 : i32
      %dma_start3A_89 = tpu.memref_slice %arg6[%arg0, %mul3A_87, %dma_start3A_88] : memref<2x10112x128xf32, #tpu.memory_space<hbm>> -> memref<1x632x128xf32, #tpu.memory_space<hbm>>
      %dma_start3A_90 = tpu.memref_squeeze %dma_start3A_89 : memref<1x632x128xf32, #tpu.memory_space<hbm>> -> memref<632x128xf32, #tpu.memory_space<hbm>>
      %dma_start3A_91 = arith.constant 0 : i32
      %dma_start3A_92 = tpu.memref_slice %arg7[%mul3A_85, %dma_start3A_91] : memref<10112x128xf32, #tpu.memory_space<vmem_shared>> -> memref<632x128xf32, #tpu.memory_space<vmem_shared>>
      tpu.enqueue_dma source(%dma_start3A_92 : memref<632x128xf32, #tpu.memory_space<vmem_shared>>) target(%dma_start3A_90 : memref<632x128xf32, #tpu.memory_space<hbm>>) target_semaphore(%run_scoped3A : memref<!tpu.dma_semaphore, #tpu.memory_space<semaphore_mem>>)
      %dma_wait3A_93 = arith.constant 0 : i32
      %dma_wait3A_94 = tpu.memref_slice %arg6[%arg0, %mul3A_87, %dma_wait3A_93] : memref<2x10112x128xf32, #tpu.memory_space<hbm>> -> memref<1x632x128xf32, #tpu.memory_space<hbm>>
      %dma_wait3A_95 = tpu.memref_squeeze %dma_wait3A_94 : memref<1x632x128xf32, #tpu.memory_space<hbm>> -> memref<632x128xf32, #tpu.memory_space<hbm>>
      %dma_wait3A_96 = arith.constant 0 : i32
      %dma_wait3A_97 = tpu.memref_slice %arg7[%mul3A_85, %dma_wait3A_96] : memref<10112x128xf32, #tpu.memory_space<vmem_shared>> -> memref<632x128xf32, #tpu.memory_space<vmem_shared>>
      tpu.wait_dma2 semaphore(%run_scoped3A : memref<!tpu.dma_semaphore, #tpu.memory_space<semaphore_mem>>) src(%dma_wait3A_97 : memref<632x128xf32, #tpu.memory_space<vmem_shared>>) dst(%dma_wait3A_95 : memref<632x128xf32, #tpu.memory_space<hbm>>)
      tpu.yield
    }) : () -> ()
    return
  }
}

module attributes {stable_mosaic.version = 14 : i64} {
  func.func @_mm0_body(%arg0: i32, %arg1: memref<2000x256xf32, #tpu.memory_space<vmem>>, %arg2: memref<256x256xf32, #tpu.memory_space<vmem>>, %arg3: memref<2000x256xf32, #tpu.memory_space<vmem>>) attributes {dimension_semantics = [#tpu.dimension_semantics<arbitrary>], iteration_bounds = array<i64: 5>, scalar_prefetch = 0 : i64, scratch_operands = 0 : i64, tpu.core_type = #tpu.core_type<tc>, window_params = [{transform_indices = @transform_0, window_bounds = array<i64: 2000, 256>}, {pipeline_mode = #tpu.pipeline_mode<synchronous>, transform_indices = @transform_1, window_bounds = array<i64: 256, 256>}, {transform_indices = @transform_2, window_bounds = array<i64: 2000, 256>}]} {
    %get3A = arith.constant 0 : index
    %get3A_0 = arith.constant 0 : index
    %get3A_1 = vector.load %arg1[%get3A, %get3A_0] : memref<2000x256xf32, #tpu.memory_space<vmem>>, vector<2000x256xf32>
    %get3A_2 = arith.constant 0 : index
    %get3A_3 = arith.constant 0 : index
    %get3A_4 = vector.load %arg2[%get3A_2, %get3A_3] : memref<256x256xf32, #tpu.memory_space<vmem>>, vector<256x256xf32>
    %dot_general3A = arith.constant dense<0.000000e+00> : vector<2000x256xf32>
    %dot_general3A_5 = tpu.matmul %get3A_1, %get3A_4, %dot_general3A {dimension_numbers = #tpu.dot_dimension_numbers<[1], [0], [0], [1], [0, 0, 1, 1], [], []>, transpose_lhs_hint = false} : vector<2000x256xf32>, vector<256x256xf32>, vector<2000x256xf32> -> vector<2000x256xf32>
    %swap3A = arith.constant 0 : index
    %swap3A_6 = arith.constant 0 : index
    %swap3A_7 = vector.load %arg3[%swap3A, %swap3A_6] : memref<2000x256xf32, #tpu.memory_space<vmem>>, vector<2000x256xf32>
    tpu.vector_store %arg3[%swap3A, %swap3A_6], %dot_general3A_5 {strides = array<i32>} : memref<2000x256xf32, #tpu.memory_space<vmem>>, vector<2000x256xf32>,
    return
  }
  func.func @transform_0(%arg0: i32) -> (i32, i32) {
    %c0_i32 = arith.constant 0 : i32
    %c0_i32_0 = arith.constant 0 : i32
    return %arg0, %c0_i32 : i32, i32
  }
  func.func @transform_1(%arg0: i32) -> (i32, i32) {
    %c0_i32 = arith.constant 0 : i32
    %c0_i32_0 = arith.constant 0 : i32
    %c0_i32_1 = arith.constant 0 : i32
    return %c0_i32, %c0_i32_0 : i32, i32
  }
  func.func @transform_2(%arg0: i32) -> (i32, i32) {
    %c0_i32 = arith.constant 0 : i32
    %c0_i32_0 = arith.constant 0 : i32
    return %arg0, %c0_i32 : i32, i32
  }
}

module attributes {stable_mosaic.version = 14 : i64} {
  func.func @_prep0_body(%arg0: memref<10000x256xf32, #tpu.memory_space<vmem>>, %arg1: memref<2x10112x128xf32, #tpu.memory_space<vmem>>, %arg2: memref<2x10000x128xf32, #tpu.memory_space<vmem>>, %arg3: memref<10000x1xf32, #tpu.memory_space<vmem>>) attributes {dimension_semantics = [], scalar_prefetch = 0 : i64, scratch_operands = 0 : i64, tpu.core_type = #tpu.core_type<tc>} {
    %get3A = arith.constant 0 : index
    %get3A_0 = arith.constant 0 : index
    %get3A_1 = arith.constant 0 : index
    %get3A_2 = vector.load %arg1[%get3A, %get3A_0, %get3A_1] : memref<2x10112x128xf32, #tpu.memory_space<vmem>>, vector<1x10000x1xf32>
    %get3A_3 = vector.shape_cast %get3A_2 : vector<1x10000x1xf32> to vector<10000x1xf32>
    %get3A_4 = arith.constant 1 : index
    %get3A_5 = arith.constant 0 : index
    %get3A_6 = arith.constant 0 : index
    %get3A_7 = vector.load %arg1[%get3A_4, %get3A_5, %get3A_6] : memref<2x10112x128xf32, #tpu.memory_space<vmem>>, vector<1x10000x1xf32>
    %get3A_8 = vector.shape_cast %get3A_7 : vector<1x10000x1xf32> to vector<10000x1xf32>
    %add3A = arith.addf %get3A_3, %get3A_8 : vector<10000x1xf32>
    %add3A_9 = arith.constant 1.000000e+00 : f32
    %add3A_10 = vector.broadcast %add3A_9 : f32 to vector<10000x1xf32>
    %add3A_11 = arith.addf %add3A, %add3A_10 : vector<10000x1xf32>
    %rsqrt3A = math.rsqrt %add3A_11 : vector<10000x1xf32>
    %swap3A = arith.constant 0 : index
    %swap3A_12 = arith.constant 0 : index
    %swap3A_13 = vector.load %arg3[%swap3A, %swap3A_12] : memref<10000x1xf32, #tpu.memory_space<vmem>>, vector<10000x1xf32>
    tpu.vector_store %arg3[%swap3A, %swap3A_12], %rsqrt3A {strides = array<i32>} : memref<10000x1xf32, #tpu.memory_space<vmem>>, vector<10000x1xf32>,
    %get3A_14 = arith.constant 0 : index
    %get3A_15 = arith.constant 0 : index
    %get3A_16 = vector.load %arg0[%get3A_14, %get3A_15] : memref<10000x256xf32, #tpu.memory_space<vmem>>, vector<10000x256xf32>
    %mul3A = vector.broadcast %rsqrt3A : vector<10000x1xf32> to vector<10000x256xf32>
    %mul3A_17 = arith.mulf %get3A_16, %mul3A : vector<10000x256xf32>
    %slice3A = vector.extract_strided_slice %mul3A_17 {offsets = [0, 0], sizes = [10000, 128], strides = [1, 1]} : vector<10000x256xf32> to vector<10000x128xf32>
    %swap3A_18 = arith.constant 0 : index
    %swap3A_19 = arith.constant 0 : index
    %swap3A_20 = arith.constant 0 : index
    %swap3A_21 = vector.load %arg2[%swap3A_18, %swap3A_19, %swap3A_20] : memref<2x10000x128xf32, #tpu.memory_space<vmem>>, vector<1x10000x128xf32>
    %swap3A_22 = vector.shape_cast %swap3A_21 : vector<1x10000x128xf32> to vector<10000x128xf32>
    %swap3A_23 = vector.shape_cast %slice3A : vector<10000x128xf32> to vector<1x10000x128xf32>
    tpu.vector_store %arg2[%swap3A_18, %swap3A_19, %swap3A_20], %swap3A_23 {strides = array<i32>} : memref<2x10000x128xf32, #tpu.memory_space<vmem>>, vector<1x10000x128xf32>,
    %slice3A_24 = vector.extract_strided_slice %mul3A_17 {offsets = [0, 128], sizes = [10000, 128], strides = [1, 1]} : vector<10000x256xf32> to vector<10000x128xf32>
    %swap3A_25 = arith.constant 1 : index
    %swap3A_26 = arith.constant 0 : index
    %swap3A_27 = arith.constant 0 : index
    %swap3A_28 = vector.load %arg2[%swap3A_25, %swap3A_26, %swap3A_27] : memref<2x10000x128xf32, #tpu.memory_space<vmem>>, vector<1x10000x128xf32>
    %swap3A_29 = vector.shape_cast %swap3A_28 : vector<1x10000x128xf32> to vector<10000x128xf32>
    %swap3A_30 = vector.shape_cast %slice3A_24 : vector<10000x128xf32> to vector<1x10000x128xf32>
    tpu.vector_store %arg2[%swap3A_25, %swap3A_26, %swap3A_27], %swap3A_30 {strides = array<i32>} : memref<2x10000x128xf32, #tpu.memory_space<vmem>>, vector<1x10000x128xf32>,
    return
  }
}

module attributes {stable_mosaic.version = 14 : i64} {
  func.func @_layer_body(%arg0: i32, %arg1: memref<2x2000x128xf32, #tpu.memory_space<vmem>>, %arg2: memref<2x2000x128xf32, #tpu.memory_space<vmem>>, %arg3: memref<2000x1xf32, #tpu.memory_space<vmem>>, %arg4: memref<1x256xf32, #tpu.memory_space<vmem>>, %arg5: memref<256x256xf32, #tpu.memory_space<vmem>>, %arg6: memref<2x2000x128xf32, #tpu.memory_space<vmem>>) attributes {dimension_semantics = [#tpu.dimension_semantics<arbitrary>], iteration_bounds = array<i64: 5>, scalar_prefetch = 0 : i64, scratch_operands = 0 : i64, tpu.core_type = #tpu.core_type<tc>, window_params = [{transform_indices = @transform_0, window_bounds = array<i64: 2, 2000, 128>}, {transform_indices = @transform_1, window_bounds = array<i64: 2, 2000, 128>}, {transform_indices = @transform_2, window_bounds = array<i64: 2000, 1>}, {pipeline_mode = #tpu.pipeline_mode<synchronous>, transform_indices = @transform_3, window_bounds = array<i64: 1, 256>}, {pipeline_mode = #tpu.pipeline_mode<synchronous>, transform_indices = @transform_4, window_bounds = array<i64: 256, 256>}, {transform_indices = @transform_5, window_bounds = array<i64: 2, 2000, 128>}]} {
    %get3A = arith.constant 0 : index
    %get3A_0 = arith.constant 0 : index
    %get3A_1 = vector.load %arg3[%get3A, %get3A_0] : memref<2000x1xf32, #tpu.memory_space<vmem>>, vector<2000x1xf32>
    %get3A_2 = arith.constant 0 : index
    %get3A_3 = arith.constant 0 : index
    %get3A_4 = vector.load %arg4[%get3A_2, %get3A_3] : memref<1x256xf32, #tpu.memory_space<vmem>>, vector<1x256xf32>
    %get3A_5 = arith.constant 0 : index
    %get3A_6 = arith.constant 0 : index
    %get3A_7 = arith.constant 0 : index
    %get3A_8 = vector.load %arg1[%get3A_5, %get3A_6, %get3A_7] : memref<2x2000x128xf32, #tpu.memory_space<vmem>>, vector<1x2000x128xf32>
    %get3A_9 = vector.shape_cast %get3A_8 : vector<1x2000x128xf32> to vector<2000x128xf32>
    %get3A_10 = arith.constant 0 : index
    %get3A_11 = arith.constant 0 : index
    %get3A_12 = arith.constant 0 : index
    %get3A_13 = vector.load %arg2[%get3A_10, %get3A_11, %get3A_12] : memref<2x2000x128xf32, #tpu.memory_space<vmem>>, vector<1x2000x128xf32>
    %get3A_14 = vector.shape_cast %get3A_13 : vector<1x2000x128xf32> to vector<2000x128xf32>
    %add3A = arith.addf %get3A_9, %get3A_14 : vector<2000x128xf32>
    %mul3A = vector.broadcast %get3A_1 : vector<2000x1xf32> to vector<2000x128xf32>
    %mul3A_15 = arith.mulf %mul3A, %add3A : vector<2000x128xf32>
    %slice3A = vector.extract_strided_slice %get3A_4 {offsets = [0, 0], sizes = [1, 128], strides = [1, 1]} : vector<1x256xf32> to vector<1x128xf32>
    %add3A_16 = vector.broadcast %slice3A : vector<1x128xf32> to vector<2000x128xf32>
    %add3A_17 = arith.addf %mul3A_15, %add3A_16 : vector<2000x128xf32>
    %max3A = arith.constant 0.000000e+00 : f32
    %max3A_18 = vector.broadcast %max3A : f32 to vector<2000x128xf32>
    %max3A_19 = arith.maximumf %add3A_17, %max3A_18 : vector<2000x128xf32>
    %get3A_20 = arith.constant 1 : index
    %get3A_21 = arith.constant 0 : index
    %get3A_22 = arith.constant 0 : index
    %get3A_23 = vector.load %arg1[%get3A_20, %get3A_21, %get3A_22] : memref<2x2000x128xf32, #tpu.memory_space<vmem>>, vector<1x2000x128xf32>
    %get3A_24 = vector.shape_cast %get3A_23 : vector<1x2000x128xf32> to vector<2000x128xf32>
    %get3A_25 = arith.constant 1 : index
    %get3A_26 = arith.constant 0 : index
    %get3A_27 = arith.constant 0 : index
    %get3A_28 = vector.load %arg2[%get3A_25, %get3A_26, %get3A_27] : memref<2x2000x128xf32, #tpu.memory_space<vmem>>, vector<1x2000x128xf32>
    %get3A_29 = vector.shape_cast %get3A_28 : vector<1x2000x128xf32> to vector<2000x128xf32>
    %add3A_30 = arith.addf %get3A_24, %get3A_29 : vector<2000x128xf32>
    %mul3A_31 = vector.broadcast %get3A_1 : vector<2000x1xf32> to vector<2000x128xf32>
    %mul3A_32 = arith.mulf %mul3A_31, %add3A_30 : vector<2000x128xf32>
    %slice3A_33 = vector.extract_strided_slice %get3A_4 {offsets = [0, 128], sizes = [1, 128], strides = [1, 1]} : vector<1x256xf32> to vector<1x128xf32>
    %add3A_34 = vector.broadcast %slice3A_33 : vector<1x128xf32> to vector<2000x128xf32>
    %add3A_35 = arith.addf %mul3A_32, %add3A_34 : vector<2000x128xf32>
    %max3A_36 = arith.constant 0.000000e+00 : f32
    %max3A_37 = vector.broadcast %max3A_36 : f32 to vector<2000x128xf32>
    %max3A_38 = arith.maximumf %add3A_35, %max3A_37 : vector<2000x128xf32>
    %get3A_39 = arith.constant 0 : index
    %get3A_40 = arith.constant 0 : index
    %get3A_41 = vector.load %arg5[%get3A_39, %get3A_40] : memref<256x256xf32, #tpu.memory_space<vmem>>, vector<128x256xf32>
    %dot_general3A = arith.constant dense<0.000000e+00> : vector<2000x256xf32>
    %dot_general3A_42 = tpu.matmul %max3A_19, %get3A_41, %dot_general3A {dimension_numbers = #tpu.dot_dimension_numbers<[1], [0], [0], [1], [0, 0, 1, 1], [], []>, transpose_lhs_hint = false} : vector<2000x128xf32>, vector<128x256xf32>, vector<2000x256xf32> -> vector<2000x256xf32>
    %get3A_43 = arith.constant 128 : index
    %get3A_44 = arith.constant 0 : index
    %get3A_45 = vector.load %arg5[%get3A_43, %get3A_44] : memref<256x256xf32, #tpu.memory_space<vmem>>, vector<128x256xf32>
    %dot_general3A_46 = arith.constant dense<0.000000e+00> : vector<2000x256xf32>
    %dot_general3A_47 = tpu.matmul %max3A_38, %get3A_45, %dot_general3A_46 {dimension_numbers = #tpu.dot_dimension_numbers<[1], [0], [0], [1], [0, 0, 1, 1], [], []>, transpose_lhs_hint = false} : vector<2000x128xf32>, vector<128x256xf32>, vector<2000x256xf32> -> vector<2000x256xf32>
    %add3A_48 = arith.addf %dot_general3A_42, %dot_general3A_47 : vector<2000x256xf32>
    %mul3A_49 = vector.broadcast %get3A_1 : vector<2000x1xf32> to vector<2000x256xf32>
    %mul3A_50 = arith.mulf %add3A_48, %mul3A_49 : vector<2000x256xf32>
    %slice3A_51 = vector.extract_strided_slice %mul3A_50 {offsets = [0, 0], sizes = [2000, 128], strides = [1, 1]} : vector<2000x256xf32> to vector<2000x128xf32>
    %swap3A = arith.constant 0 : index
    %swap3A_52 = arith.constant 0 : index
    %swap3A_53 = arith.constant 0 : index
    %swap3A_54 = vector.load %arg6[%swap3A, %swap3A_52, %swap3A_53] : memref<2x2000x128xf32, #tpu.memory_space<vmem>>, vector<1x2000x128xf32>
    %swap3A_55 = vector.shape_cast %swap3A_54 : vector<1x2000x128xf32> to vector<2000x128xf32>
    %swap3A_56 = vector.shape_cast %slice3A_51 : vector<2000x128xf32> to vector<1x2000x128xf32>
    tpu.vector_store %arg6[%swap3A, %swap3A_52, %swap3A_53], %swap3A_56 {strides = array<i32>} : memref<2x2000x128xf32, #tpu.memory_space<vmem>>, vector<1x2000x128xf32>,
    %slice3A_57 = vector.extract_strided_slice %mul3A_50 {offsets = [0, 128], sizes = [2000, 128], strides = [1, 1]} : vector<2000x256xf32> to vector<2000x128xf32>
    %swap3A_58 = arith.constant 1 : index
    %swap3A_59 = arith.constant 0 : index
    %swap3A_60 = arith.constant 0 : index
    %swap3A_61 = vector.load %arg6[%swap3A_58, %swap3A_59, %swap3A_60] : memref<2x2000x128xf32, #tpu.memory_space<vmem>>, vector<1x2000x128xf32>
    %swap3A_62 = vector.shape_cast %swap3A_61 : vector<1x2000x128xf32> to vector<2000x128xf32>
    %swap3A_63 = vector.shape_cast %slice3A_57 : vector<2000x128xf32> to vector<1x2000x128xf32>
    tpu.vector_store %arg6[%swap3A_58, %swap3A_59, %swap3A_60], %swap3A_63 {strides = array<i32>} : memref<2x2000x128xf32, #tpu.memory_space<vmem>>, vector<1x2000x128xf32>,
    return
  }
  func.func @transform_0(%arg0: i32) -> (i32, i32, i32) {
    %c0_i32 = arith.constant 0 : i32
    %c0_i32_0 = arith.constant 0 : i32
    %c0_i32_1 = arith.constant 0 : i32
    return %c0_i32, %arg0, %c0_i32_0 : i32, i32, i32
  }
  func.func @transform_1(%arg0: i32) -> (i32, i32, i32) {
    %c0_i32 = arith.constant 0 : i32
    %c0_i32_0 = arith.constant 0 : i32
    %c0_i32_1 = arith.constant 0 : i32
    return %c0_i32, %arg0, %c0_i32_0 : i32, i32, i32
  }
  func.func @transform_2(%arg0: i32) -> (i32, i32) {
    %c0_i32 = arith.constant 0 : i32
    %c0_i32_0 = arith.constant 0 : i32
    return %arg0, %c0_i32 : i32, i32
  }
  func.func @transform_3(%arg0: i32) -> (i32, i32) {
    %c0_i32 = arith.constant 0 : i32
    %c0_i32_0 = arith.constant 0 : i32
    %c0_i32_1 = arith.constant 0 : i32
    return %c0_i32, %c0_i32_0 : i32, i32
  }
  func.func @transform_4(%arg0: i32) -> (i32, i32) {
    %c0_i32 = arith.constant 0 : i32
    %c0_i32_0 = arith.constant 0 : i32
    %c0_i32_1 = arith.constant 0 : i32
    return %c0_i32, %c0_i32_0 : i32, i32
  }
  func.func @transform_5(%arg0: i32) -> (i32, i32, i32) {
    %c0_i32 = arith.constant 0 : i32
    %c0_i32_0 = arith.constant 0 : i32
    %c0_i32_1 = arith.constant 0 : i32
    return %c0_i32, %arg0, %c0_i32_0 : i32, i32, i32
  }
}

module attributes {stable_mosaic.version = 14 : i64} {
  func.func @_final_body(%arg0: i32, %arg1: memref<2x2000x128xf32, #tpu.memory_space<vmem>>, %arg2: memref<2x2000x128xf32, #tpu.memory_space<vmem>>, %arg3: memref<2000x1xf32, #tpu.memory_space<vmem>>, %arg4: memref<1x256xf32, #tpu.memory_space<vmem>>, %arg5: memref<256x128xf32, #tpu.memory_space<vmem>>, %arg6: memref<1x128xf32, #tpu.memory_space<vmem>>, %arg7: memref<128x1xf32, #tpu.memory_space<vmem>>, %arg8: memref<1x1xf32, #tpu.memory_space<vmem>>, %arg9: memref<2000x1xi32, #tpu.memory_space<vmem>>, %arg10: memref<256x128xf32, #tpu.memory_space<vmem>>, %arg11: memref<1x128xf32, #tpu.memory_space<vmem>>, %arg12: memref<128x1xf32, #tpu.memory_space<vmem>>, %arg13: memref<1x1xf32, #tpu.memory_space<vmem>>, %arg14: memref<16x1xf32, #tpu.memory_space<vmem>>, %arg15: memref<1x16xf32, #tpu.memory_space<vmem>>, %arg16: memref<1x16xf32, #tpu.memory_space<vmem>>, %arg17: memref<16x128xf32, #tpu.memory_space<vmem>>, %arg18: memref<16x128xf32, #tpu.memory_space<vmem>>) attributes {dimension_semantics = [#tpu.dimension_semantics<arbitrary>], iteration_bounds = array<i64: 5>, scalar_prefetch = 0 : i64, scratch_operands = 4 : i64, tpu.core_type = #tpu.core_type<tc>, window_params = [{transform_indices = @transform_0, window_bounds = array<i64: 2, 2000, 128>}, {transform_indices = @transform_1, window_bounds = array<i64: 2, 2000, 128>}, {transform_indices = @transform_2, window_bounds = array<i64: 2000, 1>}, {pipeline_mode = #tpu.pipeline_mode<synchronous>, transform_indices = @transform_3, window_bounds = array<i64: 1, 256>}, {pipeline_mode = #tpu.pipeline_mode<synchronous>, transform_indices = @transform_4, window_bounds = array<i64: 256, 128>}, {pipeline_mode = #tpu.pipeline_mode<synchronous>, transform_indices = @transform_5, window_bounds = array<i64: 1, 128>}, {pipeline_mode = #tpu.pipeline_mode<synchronous>, transform_indices = @transform_6, window_bounds = array<i64: 128, 1>}, {pipeline_mode = #tpu.pipeline_mode<synchronous>, transform_indices = @transform_7, window_bounds = array<i64: 1, 1>}, {transform_indices = @transform_8, window_bounds = array<i64: 2000, 1>}, {pipeline_mode = #tpu.pipeline_mode<synchronous>, transform_indices = @transform_9, window_bounds = array<i64: 256, 128>}, {pipeline_mode = #tpu.pipeline_mode<synchronous>, transform_indices = @transform_10, window_bounds = array<i64: 1, 128>}, {pipeline_mode = #tpu.pipeline_mode<synchronous>, transform_indices = @transform_11, window_bounds = array<i64: 128, 1>}, {pipeline_mode = #tpu.pipeline_mode<synchronous>, transform_indices = @transform_12, window_bounds = array<i64: 1, 1>}, {pipeline_mode = #tpu.pipeline_mode<synchronous>, transform_indices = @transform_13, window_bounds = array<i64: 16, 1>}]} {
    %eq3A = arith.constant 0 : i32
    %eq3A_0 = arith.cmpi eq, %arg0, %eq3A : i32
    %convert_element_type3A = arith.extui %eq3A_0 : i1 to i32
    %cond3A = arith.constant 0 : i32
    %cond3A_1 = arith.cmpi ne, %convert_element_type3A, %cond3A : i32
    scf.if %cond3A_1 {
      %broadcast_in_dim3A_139 = arith.constant -1.000000e+30 : f32
      %broadcast_in_dim3A_140 = vector.broadcast %broadcast_in_dim3A_139 : f32 to vector<1x16xf32>
      %swap3A_141 = arith.constant 0 : index
      %swap3A_142 = arith.constant 0 : index
      %swap3A_143 = vector.load %arg15[%swap3A_141, %swap3A_142] : memref<1x16xf32, #tpu.memory_space<vmem>>, vector<1x16xf32>
      tpu.vector_store %arg15[%swap3A_141, %swap3A_142], %broadcast_in_dim3A_140 {strides = array<i32>} : memref<1x16xf32, #tpu.memory_space<vmem>>, vector<1x16xf32>,
      %broadcast_in_dim3A_144 = arith.constant 0.000000e+00 : f32
      %broadcast_in_dim3A_145 = vector.broadcast %broadcast_in_dim3A_144 : f32 to vector<1x16xf32>
      %swap3A_146 = arith.constant 0 : index
      %swap3A_147 = arith.constant 0 : index
      %swap3A_148 = vector.load %arg16[%swap3A_146, %swap3A_147] : memref<1x16xf32, #tpu.memory_space<vmem>>, vector<1x16xf32>
      tpu.vector_store %arg16[%swap3A_146, %swap3A_147], %broadcast_in_dim3A_145 {strides = array<i32>} : memref<1x16xf32, #tpu.memory_space<vmem>>, vector<1x16xf32>,
      %broadcast_in_dim3A_149 = arith.constant 0.000000e+00 : f32
      %broadcast_in_dim3A_150 = vector.broadcast %broadcast_in_dim3A_149 : f32 to vector<16x128xf32>
      %swap3A_151 = arith.constant 0 : index
      %swap3A_152 = arith.constant 0 : index
      %swap3A_153 = vector.load %arg17[%swap3A_151, %swap3A_152] : memref<16x128xf32, #tpu.memory_space<vmem>>, vector<16x128xf32>
      tpu.vector_store %arg17[%swap3A_151, %swap3A_152], %broadcast_in_dim3A_150 {strides = array<i32>} : memref<16x128xf32, #tpu.memory_space<vmem>>, vector<16x128xf32>,
      %broadcast_in_dim3A_154 = arith.constant 0.000000e+00 : f32
      %broadcast_in_dim3A_155 = vector.broadcast %broadcast_in_dim3A_154 : f32 to vector<16x128xf32>
      %swap3A_156 = arith.constant 0 : index
      %swap3A_157 = arith.constant 0 : index
      %swap3A_158 = vector.load %arg18[%swap3A_156, %swap3A_157] : memref<16x128xf32, #tpu.memory_space<vmem>>, vector<16x128xf32>
      tpu.vector_store %arg18[%swap3A_156, %swap3A_157], %broadcast_in_dim3A_155 {strides = array<i32>} : memref<16x128xf32, #tpu.memory_space<vmem>>, vector<16x128xf32>,
    } else {
    }
    %get3A = arith.constant 0 : index
    %get3A_2 = arith.constant 0 : index
    %get3A_3 = vector.load %arg3[%get3A, %get3A_2] : memref<2000x1xf32, #tpu.memory_space<vmem>>, vector<2000x1xf32>
    %get3A_4 = arith.constant 0 : index
    %get3A_5 = arith.constant 0 : index
    %get3A_6 = vector.load %arg4[%get3A_4, %get3A_5] : memref<1x256xf32, #tpu.memory_space<vmem>>, vector<1x256xf32>
    %get3A_7 = arith.constant 0 : index
    %get3A_8 = arith.constant 0 : index
    %get3A_9 = arith.constant 0 : index
    %get3A_10 = vector.load %arg1[%get3A_7, %get3A_8, %get3A_9] : memref<2x2000x128xf32, #tpu.memory_space<vmem>>, vector<1x2000x128xf32>
    %get3A_11 = vector.shape_cast %get3A_10 : vector<1x2000x128xf32> to vector<2000x128xf32>
    %get3A_12 = arith.constant 0 : index
    %get3A_13 = arith.constant 0 : index
    %get3A_14 = arith.constant 0 : index
    %get3A_15 = vector.load %arg2[%get3A_12, %get3A_13, %get3A_14] : memref<2x2000x128xf32, #tpu.memory_space<vmem>>, vector<1x2000x128xf32>
    %get3A_16 = vector.shape_cast %get3A_15 : vector<1x2000x128xf32> to vector<2000x128xf32>
    %add3A = arith.addf %get3A_11, %get3A_16 : vector<2000x128xf32>
    %mul3A = vector.broadcast %get3A_3 : vector<2000x1xf32> to vector<2000x128xf32>
    %mul3A_17 = arith.mulf %mul3A, %add3A : vector<2000x128xf32>
    %slice3A = vector.extract_strided_slice %get3A_6 {offsets = [0, 0], sizes = [1, 128], strides = [1, 1]} : vector<1x256xf32> to vector<1x128xf32>
    %add3A_18 = vector.broadcast %slice3A : vector<1x128xf32> to vector<2000x128xf32>
    %add3A_19 = arith.addf %mul3A_17, %add3A_18 : vector<2000x128xf32>
    %max3A = arith.constant 0.000000e+00 : f32
    %max3A_20 = vector.broadcast %max3A : f32 to vector<2000x128xf32>
    %max3A_21 = arith.maximumf %add3A_19, %max3A_20 : vector<2000x128xf32>
    %get3A_22 = arith.constant 1 : index
    %get3A_23 = arith.constant 0 : index
    %get3A_24 = arith.constant 0 : index
    %get3A_25 = vector.load %arg1[%get3A_22, %get3A_23, %get3A_24] : memref<2x2000x128xf32, #tpu.memory_space<vmem>>, vector<1x2000x128xf32>
    %get3A_26 = vector.shape_cast %get3A_25 : vector<1x2000x128xf32> to vector<2000x128xf32>
    %get3A_27 = arith.constant 1 : index
    %get3A_28 = arith.constant 0 : index
    %get3A_29 = arith.constant 0 : index
    %get3A_30 = vector.load %arg2[%get3A_27, %get3A_28, %get3A_29] : memref<2x2000x128xf32, #tpu.memory_space<vmem>>, vector<1x2000x128xf32>
    %get3A_31 = vector.shape_cast %get3A_30 : vector<1x2000x128xf32> to vector<2000x128xf32>
    %add3A_32 = arith.addf %get3A_26, %get3A_31 : vector<2000x128xf32>
    %mul3A_33 = vector.broadcast %get3A_3 : vector<2000x1xf32> to vector<2000x128xf32>
    %mul3A_34 = arith.mulf %mul3A_33, %add3A_32 : vector<2000x128xf32>
    %slice3A_35 = vector.extract_strided_slice %get3A_6 {offsets = [0, 128], sizes = [1, 128], strides = [1, 1]} : vector<1x256xf32> to vector<1x128xf32>
    %add3A_36 = vector.broadcast %slice3A_35 : vector<1x128xf32> to vector<2000x128xf32>
    %add3A_37 = arith.addf %mul3A_34, %add3A_36 : vector<2000x128xf32>
    %max3A_38 = arith.constant 0.000000e+00 : f32
    %max3A_39 = vector.broadcast %max3A_38 : f32 to vector<2000x128xf32>
    %max3A_40 = arith.maximumf %add3A_37, %max3A_39 : vector<2000x128xf32>
    %get3A_41 = arith.constant 0 : index
    %get3A_42 = arith.constant 0 : index
    %get3A_43 = vector.load %arg5[%get3A_41, %get3A_42] : memref<256x128xf32, #tpu.memory_space<vmem>>, vector<128x128xf32>
    %dot_general3A = arith.constant dense<0.000000e+00> : vector<2000x128xf32>
    %dot_general3A_44 = tpu.matmul %max3A_21, %get3A_43, %dot_general3A {dimension_numbers = #tpu.dot_dimension_numbers<[1], [0], [0], [1], [0, 0, 1, 1], [], []>, transpose_lhs_hint = false} : vector<2000x128xf32>, vector<128x128xf32>, vector<2000x128xf32> -> vector<2000x128xf32>
    %get3A_45 = arith.constant 128 : index
    %get3A_46 = arith.constant 0 : index
    %get3A_47 = vector.load %arg5[%get3A_45, %get3A_46] : memref<256x128xf32, #tpu.memory_space<vmem>>, vector<128x128xf32>
    %dot_general3A_48 = arith.constant dense<0.000000e+00> : vector<2000x128xf32>
    %dot_general3A_49 = tpu.matmul %max3A_40, %get3A_47, %dot_general3A_48 {dimension_numbers = #tpu.dot_dimension_numbers<[1], [0], [0], [1], [0, 0, 1, 1], [], []>, transpose_lhs_hint = false} : vector<2000x128xf32>, vector<128x128xf32>, vector<2000x128xf32> -> vector<2000x128xf32>
    %add3A_50 = arith.addf %dot_general3A_44, %dot_general3A_49 : vector<2000x128xf32>
    %get3A_51 = arith.constant 0 : index
    %get3A_52 = arith.constant 0 : index
    %get3A_53 = vector.load %arg6[%get3A_51, %get3A_52] : memref<1x128xf32, #tpu.memory_space<vmem>>, vector<1x128xf32>
    %add3A_54 = vector.broadcast %get3A_53 : vector<1x128xf32> to vector<2000x128xf32>
    %add3A_55 = arith.addf %add3A_50, %add3A_54 : vector<2000x128xf32>
    %tanh3A = math.tanh %add3A_55 : vector<2000x128xf32>
    %get3A_56 = arith.constant 0 : index
    %get3A_57 = arith.constant 0 : index
    %get3A_58 = vector.load %arg7[%get3A_56, %get3A_57] : memref<128x1xf32, #tpu.memory_space<vmem>>, vector<128x1xf32>
    %dot_general3A_59 = arith.constant dense<0.000000e+00> : vector<2000x1xf32>
    %dot_general3A_60 = tpu.matmul %tanh3A, %get3A_58, %dot_general3A_59 {dimension_numbers = #tpu.dot_dimension_numbers<[1], [0], [0], [1], [0, 0, 1, 1], [], []>, transpose_lhs_hint = false} : vector<2000x128xf32>, vector<128x1xf32>, vector<2000x1xf32> -> vector<2000x1xf32>
    %get3A_61 = arith.constant 0 : index
    %get3A_62 = arith.constant 0 : index
    %get3A_63 = vector.load %arg8[%get3A_61, %get3A_62] : memref<1x1xf32, #tpu.memory_space<vmem>>, vector<1x1xf32>
    %add3A_64 = vector.broadcast %get3A_63 : vector<1x1xf32> to vector<2000x1xf32>
    %add3A_65 = arith.addf %dot_general3A_60, %add3A_64 : vector<2000x1xf32>
    %iota3A = tpu.iota {dimensions = array<i32: 1>} : vector<1x16xi32>
    %get3A_66 = arith.constant 0 : index
    %get3A_67 = arith.constant 0 : index
    %get3A_68 = vector.load %arg9[%get3A_66, %get3A_67] : memref<2000x1xi32, #tpu.memory_space<vmem>>, vector<2000x1xi32>
    %eq3A_69 = vector.broadcast %get3A_68 : vector<2000x1xi32> to vector<2000x16xi32>
    %eq3A_70 = vector.broadcast %iota3A : vector<1x16xi32> to vector<2000x16xi32>
    %eq3A_71 = arith.cmpi eq, %eq3A_69, %eq3A_70 : vector<2000x16xi32>
    %convert_element_type3A_72 = arith.extui %eq3A_71 : vector<2000x16xi1> to vector<2000x16xi32>
    %convert_element_type3A_73 = arith.sitofp %convert_element_type3A_72 : vector<2000x16xi32> to vector<2000x16xf32>
    %get3A_74 = arith.constant 0 : index
    %get3A_75 = arith.constant 0 : index
    %get3A_76 = vector.load %arg15[%get3A_74, %get3A_75] : memref<1x16xf32, #tpu.memory_space<vmem>>, vector<1x16xf32>
    %gt3A = arith.constant 0.000000e+00 : f32
    %gt3A_77 = vector.broadcast %gt3A : f32 to vector<2000x16xf32>
    %gt3A_78 = arith.cmpf ogt, %convert_element_type3A_73, %gt3A_77 : vector<2000x16xf32>
    %jit3A = arith.constant -1.000000e+30 : f32
    %broadcast_in_dim3A = vector.shape_cast %add3A_65 : vector<2000x1xf32> to vector<2000x1xf32>
    %broadcast_in_dim3A_79 = vector.broadcast %broadcast_in_dim3A : vector<2000x1xf32> to vector<2000x16xf32>
    %broadcast_in_dim3A_80 = vector.broadcast %jit3A : f32 to vector<2000x16xf32>
    %select_n3A = arith.select %gt3A_78, %broadcast_in_dim3A_79, %broadcast_in_dim3A_80 : vector<2000x16xi1>, vector<2000x16xf32>
    %reduce_max3A = arith.constant dense<0xFF800000> : vector<16xf32>
    %reduce_max3A_81 = vector.multi_reduction <maximumf>, %select_n3A, %reduce_max3A [0] : vector<2000x16xf32> to vector<16xf32>
    %broadcast_in_dim3A_82 = vector.shape_cast %reduce_max3A_81 : vector<16xf32> to vector<1x16xf32>
    %max3A_83 = arith.maximumf %get3A_76, %broadcast_in_dim3A_82 : vector<1x16xf32>
    %sub3A = arith.subf %get3A_76, %max3A_83 : vector<1x16xf32>
    %exp3A = math.exp %sub3A : vector<1x16xf32>
    %iota3A_84 = tpu.iota {dimensions = array<i32: 0>} : vector<16x16xi32>
    %iota3A_85 = tpu.iota {dimensions = array<i32: 1>} : vector<16x16xi32>
    %eq3A_86 = arith.cmpi eq, %iota3A_84, %iota3A_85 : vector<16x16xi32>
    %convert_element_type3A_87 = arith.extui %eq3A_86 : vector<16x16xi1> to vector<16x16xi32>
    %convert_element_type3A_88 = arith.sitofp %convert_element_type3A_87 : vector<16x16xi32> to vector<16x16xf32>
    %mul3A_89 = vector.broadcast %exp3A : vector<1x16xf32> to vector<16x16xf32>
    %mul3A_90 = arith.mulf %convert_element_type3A_88, %mul3A_89 : vector<16x16xf32>
    %mul3A_91 = vector.broadcast %max3A_83 : vector<1x16xf32> to vector<2000x16xf32>
    %mul3A_92 = arith.mulf %convert_element_type3A_73, %mul3A_91 : vector<2000x16xf32>
    %reduce_sum3A = arith.constant dense<0.000000e+00> : vector<2000xf32>
    %reduce_sum3A_93 = vector.multi_reduction <add>, %mul3A_92, %reduce_sum3A [1] : vector<2000x16xf32> to vector<2000xf32>
    %broadcast_in_dim3A_94 = vector.shape_cast %reduce_sum3A_93 : vector<2000xf32> to vector<2000x1xf32>
    %sub3A_95 = arith.subf %add3A_65, %broadcast_in_dim3A_94 : vector<2000x1xf32>
    %exp3A_96 = math.exp %sub3A_95 : vector<2000x1xf32>
    %mul3A_97 = vector.broadcast %exp3A_96 : vector<2000x1xf32> to vector<2000x16xf32>
    %mul3A_98 = arith.mulf %convert_element_type3A_73, %mul3A_97 : vector<2000x16xf32>
    %get3A_99 = arith.constant 0 : index
    %get3A_100 = arith.constant 0 : index
    %get3A_101 = vector.load %arg16[%get3A_99, %get3A_100] : memref<1x16xf32, #tpu.memory_space<vmem>>, vector<1x16xf32>
    %mul3A_102 = arith.mulf %get3A_101, %exp3A : vector<1x16xf32>
    %reduce_sum3A_103 = arith.constant dense<0.000000e+00> : vector<16xf32>
    %reduce_sum3A_104 = vector.multi_reduction <add>, %mul3A_98, %reduce_sum3A_103 [0] : vector<2000x16xf32> to vector<16xf32>
    %broadcast_in_dim3A_105 = vector.shape_cast %reduce_sum3A_104 : vector<16xf32> to vector<1x16xf32>
    %add3A_106 = arith.addf %mul3A_102, %broadcast_in_dim3A_105 : vector<1x16xf32>
    %swap3A = arith.constant 0 : index
    %swap3A_107 = arith.constant 0 : index
    %swap3A_108 = vector.load %arg16[%swap3A, %swap3A_107] : memref<1x16xf32, #tpu.memory_space<vmem>>, vector<1x16xf32>
    tpu.vector_store %arg16[%swap3A, %swap3A_107], %add3A_106 {strides = array<i32>} : memref<1x16xf32, #tpu.memory_space<vmem>>, vector<1x16xf32>,
    %get3A_109 = arith.constant 0 : index
    %get3A_110 = arith.constant 0 : index
    %get3A_111 = vector.load %arg17[%get3A_109, %get3A_110] : memref<16x128xf32, #tpu.memory_space<vmem>>, vector<16x128xf32>
    %dot_general3A_112 = arith.constant dense<0.000000e+00> : vector<16x128xf32>
    %dot_general3A_113 = tpu.matmul %mul3A_90, %get3A_111, %dot_general3A_112 {dimension_numbers = #tpu.dot_dimension_numbers<[1], [0], [0], [1], [0, 0, 1, 1], [], []>, precision = #tpu.contract_precision<fp32>, transpose_lhs_hint = false} : vector<16x16xf32>, vector<16x128xf32>, vector<16x128xf32> -> vector<16x128xf32>
    %dot_general3A_114 = arith.constant dense<0.000000e+00> : vector<16x128xf32>
    %dot_general3A_115 = tpu.matmul %mul3A_98, %max3A_21, %dot_general3A_114 {dimension_numbers = #tpu.dot_dimension_numbers<[0], [0], [1], [1], [0, 1, 1, 1], [], []>, precision = #tpu.contract_precision<fp32>, transpose_lhs_hint = false} : vector<2000x16xf32>, vector<2000x128xf32>, vector<16x128xf32> -> vector<16x128xf32>
    %add3A_116 = arith.addf %dot_general3A_113, %dot_general3A_115 : vector<16x128xf32>
    %swap3A_117 = arith.constant 0 : index
    %swap3A_118 = arith.constant 0 : index
    %swap3A_119 = vector.load %arg17[%swap3A_117, %swap3A_118] : memref<16x128xf32, #tpu.memory_space<vmem>>, vector<16x128xf32>
    tpu.vector_store %arg17[%swap3A_117, %swap3A_118], %add3A_116 {strides = array<i32>} : memref<16x128xf32, #tpu.memory_space<vmem>>, vector<16x128xf32>,
    %get3A_120 = arith.constant 0 : index
    %get3A_121 = arith.constant 0 : index
    %get3A_122 = vector.load %arg18[%get3A_120, %get3A_121] : memref<16x128xf32, #tpu.memory_space<vmem>>, vector<16x128xf32>
    %dot_general3A_123 = arith.constant dense<0.000000e+00> : vector<16x128xf32>
    %dot_general3A_124 = tpu.matmul %mul3A_90, %get3A_122, %dot_general3A_123 {dimension_numbers = #tpu.dot_dimension_numbers<[1], [0], [0], [1], [0, 0, 1, 1], [], []>, precision = #tpu.contract_precision<fp32>, transpose_lhs_hint = false} : vector<16x16xf32>, vector<16x128xf32>, vector<16x128xf32> -> vector<16x128xf32>
    %dot_general3A_125 = arith.constant dense<0.000000e+00> : vector<16x128xf32>
    %dot_general3A_126 = tpu.matmul %mul3A_98, %max3A_40, %dot_general3A_125 {dimension_numbers = #tpu.dot_dimension_numbers<[0], [0], [1], [1], [0, 1, 1, 1], [], []>, precision = #tpu.contract_precision<fp32>, transpose_lhs_hint = false} : vector<2000x16xf32>, vector<2000x128xf32>, vector<16x128xf32> -> vector<16x128xf32>
    %add3A_127 = arith.addf %dot_general3A_124, %dot_general3A_126 : vector<16x128xf32>
    %swap3A_128 = arith.constant 0 : index
    %swap3A_129 = arith.constant 0 : index
    %swap3A_130 = vector.load %arg18[%swap3A_128, %swap3A_129] : memref<16x128xf32, #tpu.memory_space<vmem>>, vector<16x128xf32>
    tpu.vector_store %arg18[%swap3A_128, %swap3A_129], %add3A_127 {strides = array<i32>} : memref<16x128xf32, #tpu.memory_space<vmem>>, vector<16x128xf32>,
    %swap3A_131 = arith.constant 0 : index
    %swap3A_132 = arith.constant 0 : index
    %swap3A_133 = vector.load %arg15[%swap3A_131, %swap3A_132] : memref<1x16xf32, #tpu.memory_space<vmem>>, vector<1x16xf32>
    tpu.vector_store %arg15[%swap3A_131, %swap3A_132], %max3A_83 {strides = array<i32>} : memref<1x16xf32, #tpu.memory_space<vmem>>, vector<1x16xf32>,
    %eq3A_134 = arith.constant 4 : i32
    %eq3A_135 = arith.cmpi eq, %arg0, %eq3A_134 : i32
    %convert_element_type3A_136 = arith.extui %eq3A_135 : i1 to i32
    %cond3A_137 = arith.constant 0 : i32
    %cond3A_138 = arith.cmpi ne, %convert_element_type3A_136, %cond3A_137 : i32
    scf.if %cond3A_138 {
      %get3A_139 = arith.constant 0 : index
      %get3A_140 = arith.constant 0 : index
      %get3A_141 = vector.load %arg16[%get3A_139, %get3A_140] : memref<1x16xf32, #tpu.memory_space<vmem>>, vector<1x16xf32>
      %max3A_142 = arith.constant 1.000000e-30 : f32
      %max3A_143 = vector.broadcast %max3A_142 : f32 to vector<1x16xf32>
      %max3A_144 = arith.maximumf %get3A_141, %max3A_143 : vector<1x16xf32>
      %div3A = arith.constant 1.000000e+00 : f32
      %div3A_145 = vector.broadcast %div3A : f32 to vector<1x16xf32>
      %div3A_146 = arith.divf %div3A_145, %max3A_144 : vector<1x16xf32>
      %mul3A_147 = vector.broadcast %div3A_146 : vector<1x16xf32> to vector<16x16xf32>
      %mul3A_148 = arith.mulf %convert_element_type3A_88, %mul3A_147 : vector<16x16xf32>
      %get3A_149 = arith.constant 0 : index
      %get3A_150 = arith.constant 0 : index
      %get3A_151 = vector.load %arg17[%get3A_149, %get3A_150] : memref<16x128xf32, #tpu.memory_space<vmem>>, vector<16x128xf32>
      %dot_general3A_152 = arith.constant dense<0.000000e+00> : vector<16x128xf32>
      %dot_general3A_153 = tpu.matmul %mul3A_148, %get3A_151, %dot_general3A_152 {dimension_numbers = #tpu.dot_dimension_numbers<[1], [0], [0], [1], [0, 0, 1, 1], [], []>, precision = #tpu.contract_precision<fp32>, transpose_lhs_hint = false} : vector<16x16xf32>, vector<16x128xf32>, vector<16x128xf32> -> vector<16x128xf32>
      %get3A_154 = arith.constant 0 : index
      %get3A_155 = arith.constant 0 : index
      %get3A_156 = vector.load %arg18[%get3A_154, %get3A_155] : memref<16x128xf32, #tpu.memory_space<vmem>>, vector<16x128xf32>
      %dot_general3A_157 = arith.constant dense<0.000000e+00> : vector<16x128xf32>
      %dot_general3A_158 = tpu.matmul %mul3A_148, %get3A_156, %dot_general3A_157 {dimension_numbers = #tpu.dot_dimension_numbers<[1], [0], [0], [1], [0, 0, 1, 1], [], []>, precision = #tpu.contract_precision<fp32>, transpose_lhs_hint = false} : vector<16x16xf32>, vector<16x128xf32>, vector<16x128xf32> -> vector<16x128xf32>
      %get3A_159 = arith.constant 0 : index
      %get3A_160 = arith.constant 0 : index
      %get3A_161 = vector.load %arg10[%get3A_159, %get3A_160] : memref<256x128xf32, #tpu.memory_space<vmem>>, vector<128x128xf32>
      %dot_general3A_162 = arith.constant dense<0.000000e+00> : vector<16x128xf32>
      %dot_general3A_163 = tpu.matmul %dot_general3A_153, %get3A_161, %dot_general3A_162 {dimension_numbers = #tpu.dot_dimension_numbers<[1], [0], [0], [1], [0, 0, 1, 1], [], []>, transpose_lhs_hint = false} : vector<16x128xf32>, vector<128x128xf32>, vector<16x128xf32> -> vector<16x128xf32>
      %get3A_164 = arith.constant 128 : index
      %get3A_165 = arith.constant 0 : index
      %get3A_166 = vector.load %arg10[%get3A_164, %get3A_165] : memref<256x128xf32, #tpu.memory_space<vmem>>, vector<128x128xf32>
      %dot_general3A_167 = arith.constant dense<0.000000e+00> : vector<16x128xf32>
      %dot_general3A_168 = tpu.matmul %dot_general3A_158, %get3A_166, %dot_general3A_167 {dimension_numbers = #tpu.dot_dimension_numbers<[1], [0], [0], [1], [0, 0, 1, 1], [], []>, transpose_lhs_hint = false} : vector<16x128xf32>, vector<128x128xf32>, vector<16x128xf32> -> vector<16x128xf32>
      %add3A_169 = arith.addf %dot_general3A_163, %dot_general3A_168 : vector<16x128xf32>
      %get3A_170 = arith.constant 0 : index
      %get3A_171 = arith.constant 0 : index
      %get3A_172 = vector.load %arg11[%get3A_170, %get3A_171] : memref<1x128xf32, #tpu.memory_space<vmem>>, vector<1x128xf32>
      %add3A_173 = vector.broadcast %get3A_172 : vector<1x128xf32> to vector<16x128xf32>
      %add3A_174 = arith.addf %add3A_169, %add3A_173 : vector<16x128xf32>
      %max3A_175 = arith.constant 0.000000e+00 : f32
      %max3A_176 = vector.broadcast %max3A_175 : f32 to vector<16x128xf32>
      %max3A_177 = arith.maximumf %add3A_174, %max3A_176 : vector<16x128xf32>
      %get3A_178 = arith.constant 0 : index
      %get3A_179 = arith.constant 0 : index
      %get3A_180 = vector.load %arg12[%get3A_178, %get3A_179] : memref<128x1xf32, #tpu.memory_space<vmem>>, vector<128x1xf32>
      %dot_general3A_181 = arith.constant dense<0.000000e+00> : vector<16x1xf32>
      %dot_general3A_182 = tpu.matmul %max3A_177, %get3A_180, %dot_general3A_181 {dimension_numbers = #tpu.dot_dimension_numbers<[1], [0], [0], [1], [0, 0, 1, 1], [], []>, transpose_lhs_hint = false} : vector<16x128xf32>, vector<128x1xf32>, vector<16x1xf32> -> vector<16x1xf32>
      %get3A_183 = arith.constant 0 : index
      %get3A_184 = arith.constant 0 : index
      %get3A_185 = vector.load %arg13[%get3A_183, %get3A_184] : memref<1x1xf32, #tpu.memory_space<vmem>>, vector<1x1xf32>
      %add3A_186 = vector.broadcast %get3A_185 : vector<1x1xf32> to vector<16x1xf32>
      %add3A_187 = arith.addf %dot_general3A_182, %add3A_186 : vector<16x1xf32>
      %swap3A_188 = arith.constant 0 : index
      %swap3A_189 = arith.constant 0 : index
      %swap3A_190 = vector.load %arg14[%swap3A_188, %swap3A_189] : memref<16x1xf32, #tpu.memory_space<vmem>>, vector<16x1xf32>
      tpu.vector_store %arg14[%swap3A_188, %swap3A_189], %add3A_187 {strides = array<i32>} : memref<16x1xf32, #tpu.memory_space<vmem>>, vector<16x1xf32>,
    } else {
    }
    return
  }
  func.func @transform_0(%arg0: i32) -> (i32, i32, i32) {
    %c0_i32 = arith.constant 0 : i32
    %c0_i32_0 = arith.constant 0 : i32
    %c0_i32_1 = arith.constant 0 : i32
    return %c0_i32, %arg0, %c0_i32_0 : i32, i32, i32
  }
  func.func @transform_1(%arg0: i32) -> (i32, i32, i32) {
    %c0_i32 = arith.constant 0 : i32
    %c0_i32_0 = arith.constant 0 : i32
    %c0_i32_1 = arith.constant 0 : i32
    return %c0_i32, %arg0, %c0_i32_0 : i32, i32, i32
  }
  func.func @transform_2(%arg0: i32) -> (i32, i32) {
    %c0_i32 = arith.constant 0 : i32
    %c0_i32_0 = arith.constant 0 : i32
    return %arg0, %c0_i32 : i32, i32
  }
  func.func @transform_3(%arg0: i32) -> (i32, i32) {
    %c0_i32 = arith.constant 0 : i32
    %c0_i32_0 = arith.constant 0 : i32
    %c0_i32_1 = arith.constant 0 : i32
    return %c0_i32, %c0_i32_0 : i32, i32
  }
  func.func @transform_4(%arg0: i32) -> (i32, i32) {
    %c0_i32 = arith.constant 0 : i32
    %c0_i32_0 = arith.constant 0 : i32
    %c0_i32_1 = arith.constant 0 : i32
    return %c0_i32, %c0_i32_0 : i32, i32
  }
  func.func @transform_5(%arg0: i32) -> (i32, i32) {
    %c0_i32 = arith.constant 0 : i32
    %c0_i32_0 = arith.constant 0 : i32
    %c0_i32_1 = arith.constant 0 : i32
    return %c0_i32, %c0_i32_0 : i32, i32
  }
  func.func @transform_6(%arg0: i32) -> (i32, i32) {
    %c0_i32 = arith.constant 0 : i32
    %c0_i32_0 = arith.constant 0 : i32
    %c0_i32_1 = arith.constant 0 : i32
    return %c0_i32, %c0_i32_0 : i32, i32
  }
  func.func @transform_7(%arg0: i32) -> (i32, i32) {
    %c0_i32 = arith.constant 0 : i32
    %c0_i32_0 = arith.constant 0 : i32
    %c0_i32_1 = arith.constant 0 : i32
    return %c0_i32, %c0_i32_0 : i32, i32
  }
  func.func @transform_8(%arg0: i32) -> (i32, i32) {
    %c0_i32 = arith.constant 0 : i32
    %c0_i32_0 = arith.constant 0 : i32
    return %arg0, %c0_i32 : i32, i32
  }
  func.func @transform_9(%arg0: i32) -> (i32, i32) {
    %c0_i32 = arith.constant 0 : i32
    %c0_i32_0 = arith.constant 0 : i32
    %c0_i32_1 = arith.constant 0 : i32
    return %c0_i32, %c0_i32_0 : i32, i32
  }
  func.func @transform_10(%arg0: i32) -> (i32, i32) {
    %c0_i32 = arith.constant 0 : i32
    %c0_i32_0 = arith.constant 0 : i32
    %c0_i32_1 = arith.constant 0 : i32
    return %c0_i32, %c0_i32_0 : i32, i32
  }
  func.func @transform_11(%arg0: i32) -> (i32, i32) {
    %c0_i32 = arith.constant 0 : i32
    %c0_i32_0 = arith.constant 0 : i32
    %c0_i32_1 = arith.constant 0 : i32
    return %c0_i32, %c0_i32_0 : i32, i32
  }
  func.func @transform_12(%arg0: i32) -> (i32, i32) {
    %c0_i32 = arith.constant 0 : i32
    %c0_i32_0 = arith.constant 0 : i32
    %c0_i32_1 = arith.constant 0 : i32
    return %c0_i32, %c0_i32_0 : i32, i32
  }
  func.func @transform_13(%arg0: i32) -> (i32, i32) {
    %c0_i32 = arith.constant 0 : i32
    %c0_i32_0 = arith.constant 0 : i32
    %c0_i32_1 = arith.constant 0 : i32
    return %c0_i32, %c0_i32_0 : i32, i32
  }
}

</mosaic_0001>

<sc_bundles>
// kernel: kernel.11.cloned.1.call-start
scs
__scs_entry_jumppad:
0x0: {  	(pc) =	sbr.rel $0x88, $3  }
0x1: {  	(tag) =	ssettag $0x0;
	lr =	simm.s32 $0x1  }
0x2: {  	[smem:$0x3F90] =	sst lr;
	_ =	strace $0xD0000000  }
0x3: {  	_ = 	snop  }
0x4: {  	_ = 	snop  }
0x5: {  	_ = 	snop  }
0x6: {  	_ = 	snop  }
0x7: {  	_ = 	snop  }
__scs_overlays_trampoline_lowered:
0x8: {  	[smem:$0x3F9F] =	sst s0  }
0x9: {  	[smem:$0x3FA0] =	sst s1  }
0xa: {  	[smem:$0x3FA1] =	sst s2  }
0xb: {  	[smem:$0x3FA2] =	sst s3  }
0xc: {  	[smem:$0x3FA3] =	sst s4  }
0xd: {  	[smem:$0x3FA4] =	sst s5  }
0xe: {  	[smem:$0x3FA5] =	sst s6  }
0xf: {  	[smem:$0x3FA6] =	sst s7  }
0x10: {  	[smem:$0x3FA7] =	sst s8  }
0x11: {  	[smem:$0x3FA8] =	sst s9;
	s0 =	simm.s32 @!p0 $0x0  }
0x12: {  	s1 =	sld [smem:$0x3F8E];
	s0 =	simm.s32 @p0 $0x1  }
0x13: {  	[smem:$0x3FA9] =	sst s0;
	s0 =	simm.s32 @!p1 $0x0  }
0x14: {  	s2 =	sld [smem:$0x3F8D];
	s0 =	simm.s32 @p1 $0x1  }
0x15: {  	[smem:$0x3FAA] =	sst s0;
	s0 =	simm.s32 @!p2 $0x0  }
0x16: {  	s3 =	sld [smem:$0x3FDB];
	s0 =	simm.s32 @p2 $0x1  }
0x17: {  	s4 =	simm.s32 $0x1BF5;
	[smem:$0x3FAC] =	sst s0  }
0x18: {  	s0 =	sld [smem:$0x3F8F];
	_ =	swait.ge [sflag:s4], $0x0  }
0x19: {  	s7 =	sld [smem:$0x3F90]  }
0x1a: {  	s8 =	sadd.s32 $0xFFFFE003, lr  }
0x1b: {  	s9 =	sadd.s32 $0xFFFFFEF7, lr;
	s5 =	simm.s32 $0xFFFFFFFF;
	p2 =	slt.u32 s8, $0xFFFFF086  }
0x1c: {  	p1 =	slt.u32 s9, $0xF7A;
	s5 =	simm.s32 @!p2 $0x0  }
0x1d: {  	s5 =	simm.s32 @p1 $0x1;
	p0 =	seq.s32 s7, s2  }
0x1e: {  	s7 =	smul.u32 @!p0 $0xF7A, s2;
	p2 =	seq.s32 @!p0 s5, $0x0  }
0x1f: {  	s9 =	smul.u32 $0xF7A, s1;
	s8 =	simm.s32 @!p0 $0x1BF5;
	p2 =	por !p2, p0  }
0x20: {  	[sflag:s8] =	ssyncset.s32 @!p0 $0xFFFFF086;
	s6 =	sadd.s32 @!p0 s3, s7;
	s7 =	simm.s32 @!p0 $0x108  }
0x21: {  	s3 =	sadd.s32 s3, s9;
	s6 =	sadd.s32 @!p0 $0x88, s6;
	s7 =	simm.s32 @p2 $0x1082  }
0x22: {  	[simem:s7], [sflag:s8] =	dma.local @!p0 [hbm:s6], $0xF7A  }
0x23: {  	s9 =	sor.u32 $0xD0000000, s2;
	s6 =	simm.s32 $0x108;
	_ =	swait.ge @!p0 [sflag:s8], $0x0  }
0x24: {  	s3 =	sadd.s32 $0x88, s3;
	s6 =	simm.s32 @!p1 $0x1082;
	[sflag:s4] =	ssyncset.s32 $0xFFFFF086  }
0x25: {  	[simem:s6], [sflag:s4] =	dma.local [hbm:s3], $0xF7A  }
0x26: {  	[smem:$0x3F90] =	sst s1;
	(tag) =	ssettag s2;
	_ =	strace s9  }
0x27: {  	s1 =	sld [smem:$0x3FA0]  }
0x28: {  	s2 =	sld [smem:$0x3FA1]  }
0x29: {  	s4 =	sld [smem:$0x3FA3]  }
0x2a: {  	p0 =	seq.s32 s5, $0x0;
	s5 =	sld [smem:$0x3FA4]  }
0x2b: {  	s6 =	sld [smem:$0x3FA5]  }
0x2c: {  	s7 =	sld [smem:$0x3FA6]  }
0x2d: {  	s3 =	simm.s32 $0x108;
	s8 =	sld [smem:$0x3FA7]  }
0x2e: {  	s3 =	simm.s32 @!p0 $0x1082;
	s9 =	sld [smem:$0x3FA8]  }
0x2f: {  	lr =	sadd.s32 s0, s3;
	s0 =	sld [smem:$0x3F9F]  }
0x30: {  	s3 =	sld [smem:$0x3FA2]  }
0x31: {  	[smem:$0x3FAB] =	sst s10  }
0x32: {  	s10 =	sld [smem:$0x3FA9];
	_ =	sdelay $0x3  }
0x33: {  	p0 =	seq.s32 s10, $0x1;
	s10 =	sld [smem:$0x3FAB];
	_ =	sdelay $0x3  }
0x34: {  	[smem:$0x3FAB] =	sst s10  }
0x35: {  	s10 =	sld [smem:$0x3FAA];
	_ =	sdelay $0x3  }
0x36: {  	p1 =	seq.s32 s10, $0x1;
	s10 =	sld [smem:$0x3FAB];
	_ =	sdelay $0x3  }
0x37: {  	[smem:$0x3FAB] =	sst s10  }
0x38: {  	s10 =	sld [smem:$0x3FAC]  }
0x39: {  	_ = 	snop;
	(pc) =	sbr.ind lr, $3  }
0x3a: {  	_ = 	snop  }
0x3b: {  	_ = 	snop  }
0x3c: {  	p2 =	seq.s32 s10, $0x1;
	s10 =	sld [smem:$0x3FAB]  }
0x3d: {  	_ =	shalt  }
0x3e: {  	_ =	shalt  }
0x3f: {  	_ =	shalt  }
0x40: {  	_ =	shalt  }
0x41: {  	_ =	shalt  }
0x42: {  	_ =	shalt  }
0x43: {  	_ =	shalt  }
0x44: {  	_ =	shalt  }
0x45: {  	_ =	shalt  }
0x46: {  	_ =	shalt  }
0x47: {  	_ =	shalt  }
0x48: {  	_ =	shalt  }
0x49: {  	_ =	shalt  }
0x4a: {  	_ =	shalt  }
0x4b: {  	_ =	shalt  }
0x4c: {  	_ =	shalt  }
0x4d: {  	_ =	shalt  }
0x4e: {  	_ =	shalt  }
0x4f: {  	_ =	shalt  }
0x50: {  	_ =	shalt  }
0x51: {  	_ =	shalt  }
0x52: {  	_ =	shalt  }
0x53: {  	_ =	shalt  }
0x54: {  	_ =	shalt  }
0x55: {  	_ =	shalt  }
0x56: {  	_ =	shalt  }
0x57: {  	_ =	shalt  }
0x58: {  	_ =	shalt  }
0x59: {  	_ =	shalt  }
0x5a: {  	_ =	shalt  }
0x5b: {  	_ =	shalt  }
0x5c: {  	_ =	shalt  }
0x5d: {  	_ =	shalt  }
0x5e: {  	_ =	shalt  }
0x5f: {  	_ =	shalt  }
0x60: {  	_ =	shalt  }
0x61: {  	_ =	shalt  }
0x62: {  	_ =	shalt  }
0x63: {  	_ =	shalt  }
0x64: {  	_ =	shalt  }
0x65: {  	_ =	shalt  }
0x66: {  	_ =	shalt  }
0x67: {  	_ =	shalt  }
0x68: {  	_ =	shalt  }
0x69: {  	_ =	shalt  }
0x6a: {  	_ =	shalt  }
0x6b: {  	_ =	shalt  }
0x6c: {  	_ =	shalt  }
0x6d: {  	_ =	shalt  }
0x6e: {  	_ =	shalt  }
0x6f: {  	_ =	shalt  }
0x70: {  	_ =	shalt  }
0x71: {  	_ =	shalt  }
0x72: {  	_ =	shalt  }
0x73: {  	_ =	shalt  }
0x74: {  	_ =	shalt  }
0x75: {  	_ =	shalt  }
0x76: {  	_ =	shalt  }
0x77: {  	_ =	shalt  }
0x78: {  	_ =	shalt  }
0x79: {  	_ =	shalt  }
0x7a: {  	_ =	shalt  }
0x7b: {  	_ =	shalt  }
0x7c: {  	_ =	shalt  }
0x7d: {  	_ =	shalt  }
0x7e: {  	_ =	shalt  }
0x7f: {  	_ =	shalt  }
0x80: {  	_ =	shalt  }
0x81: {  	_ =	shalt  }
0x82: {  	_ =	shalt  }
0x83: {  	_ =	shalt  }
0x84: {  	_ =	shalt  }
0x85: {  	_ =	shalt  }
0x86: {  	_ =	shalt  }
0x87: {  	_ =	shalt  }
.Lfunc_end0:
.L_simem_size_0:
called_computation_lowered:
.L_overlay_start_0:
0x88: {  	s2 =	sld [smem:$0x3FD9]  }
0x89: {  	s3 =	sld [smem:$0x3FFE];
	_ =	sdelay $0x1  }
0x8a: {  	s1 =	srdreg.scid  }
0x8b: {  	s0 =	sand.u32 $0x1, s1  }
0x8c: {  	s16 =	sshll.u32 s0, $0xA;
	s2 =	sadd.s32 s3, s2  }
0x8d: {  	s2 =	sadd.s32 s2, s16  }
0x8e: {  	[smem:$0x3FB7] =	sst s2  }
0x8f: {  	_ = 	snop  }
0x90: {  	(tm) =	ssettm $0x1  }
0x91: {  	s17 =	sld [smem:$0x3FFB];
	_ =	sdelay $0x3  }
0x92: {  	_ =	strace s17  }
0x93: {  	s2 =	sld [smem:$0x3FFC];
	_ =	sdelay $0x3  }
0x94: {  	_ =	strace s2  }
0x95: {  	s2 =	sld [smem:$0x3FFD];
	_ =	sdelay $0x3  }
0x96: {  	_ =	strace s2  }
0x97: {  	_ =	strace $0x8FFFFFFF  }
0x98: {  	s18 =	sld [smem:$0x3FDB];
	_ =	sdelay $0x1  }
0x99: {  	s19 =	simm.s32 $_scs_section_size  }
0x9a: {  	s4 =	simm.s32 $_size__tile_overlayer_lowered;
	s5 =	simm.s32 $_tile_overlayer_lowered  }
0x9b: {  	s22 =	simm.s32 $0x1BFF;
	s21 =	sshll.u32 s5, $0x1;
	s2 =	sadd.s32 s19, s18  }
0x9c: {  	s6 =	simm.s32 $0x0;
	s20 =	sshll.u32 s4, $0x1;
	s4 =	sadd.s32 s21, s2  }
0x9d: {  	[timem:s6], [sflag:s22] =	dma.local [hbm:s4], s20  }
0x9e: {  	_ =	swait.ge [sflag:s22], s20  }
0x9f: {  	s3 =	ssub.s32 $0x0, s20;
	[sflag:s22] =	ssyncset.done $0x0  }
0xa0: {  	[sflag:s22] =	ssyncadd.s32 s3;
	_ =	sdelay $0x1  }
0xa1: {  	s23 =	simm.s32 $0x1B8B  }
0xa2: {  	_ =	swait.ge [sflag:s23], $0x1  }
0xa3: {  	[sflag:s23] =	ssyncset.done $0x0  }
0xa4: {  	s25 =	simm.s32 $0x1B8E;
	s24 =	sld [smem:$0x3FFE];
	[sflag:s23] =	ssyncadd.s32 $0xFFFFFFFF  }
0xa5: {  	s26 =	simm.s32 $execute0_lowered;
	[smem:$0x3FD2] =	sst s25  }
0xa6: {  	s4 =	sshll.u32 s26, $0x1;
	_ =	strace $0x80000046;
	[dreg:$0x1] =	wrdreg $0xFFFFFFFF  }
0xa7: {  	s28 =	simm.s32 $_size_execute0_lowered;
	s2 =	sadd.s32 s2, s4;
	[dreg:$0x0] =	wrdreg $0x0  }
0xa8: {  	s4 =	sshll.u32 s28, $0x1;
	[dreg:$0x2] =	wrdreg s2  }
0xa9: {  	[dreg:$0x3] =	wrdreg s4  }
0xaa: {  	[dreg:$0x4] =	wrdreg $0xC0  }
0xab: {  	_ =	task [dreg:s6], $0x5FFFF  }
0xac: {  	[dreg:$0x1] =	wrdreg $0xFFFFFFFF  }
0xad: {  	[dreg:$0x0] =	wrdreg $0x60  }
0xae: {  	[dreg:$0x2] =	wrdreg s24  }
0xaf: {  	[dreg:$0x3] =	wrdreg $0x0  }
0xb0: {  	[dreg:$0x4] =	wrdreg $0x9  }
0xb1: {  	_ =	task.clear_ibuf [dreg:s6], $0x5FFFF;
	_ =	strace $0x90000046  }
0xb2: {  	s29 =	simm.s32 $0x9;
	_ =	strace $0x80000048  }
0xb3: {  	_ =	swait.ge [sflag:s29], $0x1  }
0xb4: {  	[sflag:s29] =	ssyncadd.s32 $0xFFFFFFFF  }
0xb5: {  	_ =	strace $0x90000048  }
0xb6: {  	_ =	sfence  }
0xb7: {  	s30 =	sld [smem:$0x0];
	_ =	sdelay $0x2  }
0xb8: {  	s31 =	sshll.u32 s1, $0xD;
	s1 =	sshrl.u32 s1, $0x2  }
0xb9: {  	s3 =	sand.u32 $0x4000, s31;
	s1 =	sadd.s32 s1, s30  }
0xba: {  	s0 =	sor.u32 s3, s0;
	s1 =	sshll.u32 s1, $0x11  }
0xbb: {  	s0 =	sor.u32 s1, s0  }
0xbc: {  	s0 =	sadd.s32 $0x8F2B, s0  }
0xbd: {  	[sflag:s0] =	ssyncadd.remote.s32 $0x1  }
0xbe: {  	_ =	sfence.sel $0xFFFF  }
0xbf: {  	[dreg:$0x0] =	wrdreg $0xFFFFFFFF;
	(pc) =	sbr.abs _section_cstart, $3  }
0xc0: {  	[dreg:$0x1] =	wrdreg $0xFFFFFFFF  }
0xc1: {  	_ =	task.clear_ibuf [dreg:s6], $0x2FFFF;
	_ =	strace $0x9FFFFFFF  }
0xc2: {  	(tm) =	ssettm $0x7FFFFFFF  }
0xc3: {  	_ =	shalt  }
tec
execute0_lowered:
.L_overlay_start_1:
0x0: {  	(tag) =	ssettag $0x1  }
0x1: {  	s0 =	rddreg [dreg:$0x0]  }
0x2: {  	s2 =	rddreg [dreg:$0x1]  }
0x3: {  	s31 =	rddreg [dreg:$0x2];
	s1 =	srdreg.scid;
	s28 =	simm.s32 $0x0  }
0x4: {  	s9 =	stileid.u32;
	[smem:$0x7FF] =	sst s28;
	s6 =	sadd.s32 $0x2FE00, s0  }
0x5: {  	s22 =	simm.s32 $0x13C80;
	_ =	strace $0x80000047;
	[dreg:$0x3] =	wrdreg s6  }
0x6: {  	s23 =	simm.s32 $0x13D00;
	s24 =	simm.s32 $0x13D80;
	[dreg:$0x8] =	wrdreg s22  }
0x7: {  	s25 =	simm.s32 $0x13E00;
	s26 =	simm.s32 $0x13E80;
	[dreg:$0x9] =	wrdreg s23  }
0x8: {  	s10 =	simm.s32 $0x14100;
	s12 =	simm.s32 $0x14180;
	[dreg:$0xa] =	wrdreg s24  }
0x9: {  	s13 =	simm.s32 $0x14200;
	s15 =	simm.s32 $0x14280;
	[dreg:$0xb] =	wrdreg s25  }
0xa: {  	s16 =	simm.s32 $0x14300;
	s17 =	simm.s32 $0x14380;
	[dreg:$0xc] =	wrdreg s26  }
0xb: {  	s18 =	simm.s32 $0x14400;
	s29 =	simm.s32 $0x13C00;
	[dreg:$0x11] =	wrdreg s10  }
0xc: {  	s30 =	simm.s32 $0x1;
	p0 =	por $0x0, $0x0;
	[dreg:$0x12] =	wrdreg s12  }
0xd: {  	s1 =	sand.u32 $0x1, s1;
	s4 =	smul.u32 $0x13C00, s9;
	[dreg:$0x13] =	wrdreg s13  }
0xe: {  	s3 =	sshll.u32 s9, $0x1;
	s11 =	smul.u32 $0x4F000, s9;
	[dreg:$0x14] =	wrdreg s15  }
0xf: {  	s3 =	sor.u32 s1, s3;
	s7 =	smul.u32 $0x13C000, s1;
	[dreg:$0x15] =	wrdreg s16  }
0x10: {  	s6 =	simm.s32 $0x14000;
	s1 =	ssub.s32 $0x2, s1;
	[dreg:$0x16] =	wrdreg s17  }
0x11: {  	[dreg:$0x17] =	wrdreg s18;
	s22 =	simm.s32 $0x14600;
	s23 =	simm.s32 $0x14680  }
0x12: {  	s24 =	simm.s32 $0x14700;
	s25 =	simm.s32 $0x14780;
	s10 =	simm.s32 $0x4  }
0x13: {  	s26 =	simm.s32 $0x14800;
	s18 =	simm.s32 $0x14C80;
	[dreg:$0xf] =	wrdreg s6  }
0x14: {  	s16 =	simm.s32 $0x14D00;
	s17 =	simm.s32 $0x14D80;
	[dreg:$0x1b] =	wrdreg s22  }
0x15: {  	s15 =	simm.s32 $0x14E00;
	s13 =	simm.s32 $0x14F00;
	[dreg:$0x1c] =	wrdreg s23  }
0x16: {  	s12 =	simm.s32 $0x14F80;
	s3 =	smul.u32 $0x280, s3;
	[dreg:$0x1d] =	wrdreg s24  }
0x17: {  	s5 =	sshrl.u32 s4, $0x3;
	s14 =	sshrl.u32 s11, $0x2;
	[dreg:$0x1e] =	wrdreg s25  }
0x18: {  	s6 =	simm.s32 $0x15000;
	s11 =	simm.s32 $0x5;
	[dreg:$0x1f] =	wrdreg s26  }
0x19: {  	s26 =	simm.s32 $0x14880;
	s25 =	simm.s32 $0x14900;
	s24 =	simm.s32 $0x14980  }
0x1a: {  	s23 =	simm.s32 $0x14A00;
	s22 =	simm.s32 $0x14A80;
	s19 =	sadd.s32 s5, s0  }
0x1b: {  	s4 =	sadd.s32 s4, s7;
	s7 =	simm.s32 $0x14080;
	s8 =	sadd.s32 s3, s0  }
0x1c: {  	s5 =	sadd.s32 $0x8600, s19;
	s3 =	sshll.u32 s9, $0x6;
	s4 =	sshrl.u32 s4, $0x3  }
0x1d: {  	[dreg:$0x10] =	wrdreg s7;
	s19 =	simm.s32 $0x14480;
	s7 =	simm.s32 $0x80  }
0x1e: {  	s9 =	simm.s32 $0x3;
	[dreg:$0x4] =	wrdreg s5;
	s20 =	sor.u32 $0x1C01, s3  }
0x1f: {  	s0 =	sadd.s32 s4, s0;
	s21 =	sadd.s32 $0x3600, s8;
	[dreg:$0x18] =	wrdreg s19  }
0x20: {  	s4 =	simm.s32 $0x13F00;
	s8 =	sshrl.u32 s1, $0x1;
	[dreg:$0x5] =	wrdreg s20  }
0x21: {  	s5 =	simm.s32 $0x13F80;
	[dreg:$0x6] =	wrdreg s21;
	s1 =	ssub.s32 s1, s8  }
0x22: {  	s19 =	simm.s32 $0x14C00;
	[dreg:$0xd] =	wrdreg s4;
	s1 =	smax.u32 s1, $0x1  }
0x23: {  	s0 =	sadd.s32 $0x30600, s0;
	[dreg:$0xe] =	wrdreg s5;
	p1 =	sne.s32 s1, $0x1  }
.Ltmp0:
0x24: {  	s4 =	sadd.s32 s14, s2;
	s5 =	simm.s32 $0x6;
	(pc) =	sbr.rel @!p1 .LBB2_5-.Ltmp0, $4  }
0x25: {  	s20 =	simm.s32 $0x14500;
	s21 =	simm.s32 $0x14580;
	[dreg:$0x7] =	wrdreg s0  }
0x26: {  	s8 =	simm.s32 $0x2;
	s14 =	simm.s32 $0x14E80;
	[dreg:$0x19] =	wrdreg s20  }
0x27: {  	s4 =	sshrl.u32 s4, $0x3;
	[dreg:$0x1a] =	wrdreg s21;
	s21 =	simm.s32 $0x14B00  }
0x28: {  	s20 =	simm.s32 $0x14B80;
	s0 =	sadd.s32 $0xFFFFFFFF, s1;
	s1 =	rddreg [dreg:$0x4]  }
0x29: {  	s31 =	rddreg [dreg:$0x5]  }
0x2a: {  	[spmem:s4], [sflag:s31] =	dma.local [hbm:s1], $0x2780  }
0x2b: {  	s1 =	rddreg [dreg:$0x3]  }
0x2c: {  	[tilespmem:s6], [sflag:$0x6] =	stream.linear.gather [hbm4b:s1+s28], $0x4000, $0x38;
	[tilespmem:$0x19000] =	vst v63  }
0x2d: {  	_ =	swait.ge [sflag:s5], $0x4000  }
0x2e: {  	[sflag:s5] =	ssyncset.done $0x0  }
0x2f: {  	s1 =	rddreg [dreg:$0x6];
	[sflag:s5] =	ssyncadd.s32 $0xFFFFC000  }
0x30: {  	[tilespmem:s29], [sflag:$0x6] =	stream.linear.gather [hbm4b:s1+s28], $0x1400, $0x38;
	[tilespmem:$0x19000] =	vst v63  }
0x31: {  	_ =	swait.ge [sflag:s5], $0x1400  }
0x32: {  	[sflag:s5] =	ssyncset.done $0x0  }
0x33: {  	[sflag:s5] =	ssyncadd.s32 $0xFFFFEC00  }
0x34: {  	_ =	swait.ge [sflag:s30], $0x2780  }
0x35: {  	[sflag:s30] =	ssyncset.done $0x0  }
0x36: {  	[sflag:s30] =	ssyncadd.s32 $0xFFFFD880  }
0x37: {  	[bflag:$0x0] =	sbarrier.arrive $0xFFFF  }
0x38: {  	[spmem:s2] =	stream.indirect.scatter.add.f32 [tilespmem:s6], [sflag:$0x2], $0x80, s29, s7, $0xb8;
	[tilespmem:$0x19000] =	vst v63  }
0x39: {  	s1 =	rddreg [dreg:$0x8]  }
0x3a: {  	[spmem:s2] =	stream.indirect.scatter.add.f32 [tilespmem:s6], [sflag:$0x3], $0x80, s1, s7, $0xb8;
	[tilespmem:$0x19000] =	vst v63  }
0x3b: {  	s31 =	rddreg [dreg:$0x9]  }
0x3c: {  	[spmem:s2] =	stream.indirect.scatter.add.f32 [tilespmem:s6], [sflag:$0x4], $0x80, s31, s7, $0xb8;
	[tilespmem:$0x19000] =	vst v63  }
0x3d: {  	s1 =	rddreg [dreg:$0xa]  }
0x3e: {  	[spmem:s2] =	stream.indirect.scatter.add.f32 [tilespmem:s6], [sflag:$0x5], $0x80, s1, s7, $0xb8;
	[tilespmem:$0x19000] =	vst v63  }
0x3f: {  	_ =	swait.ge [sflag:s8], $0x4000  }
0x40: {  	[sflag:s8] =	ssyncset.done $0x0  }
0x41: {  	s1 =	rddreg [dreg:$0xb];
	[sflag:s8] =	ssyncadd.s32 $0xFFFFC000  }
0x42: {  	[spmem:s2] =	stream.indirect.scatter.add.f32 [tilespmem:s6], [sflag:$0x2], $0x80, s1, s7, $0xb8;
	[tilespmem:$0x19000] =	vst v63  }
0x43: {  	_ =	swait.ge [sflag:s9], $0x4000  }
0x44: {  	[sflag:s9] =	ssyncset.done $0x0  }
0x45: {  	s1 =	rddreg [dreg:$0xc];
	[sflag:s9] =	ssyncadd.s32 $0xFFFFC000  }
0x46: {  	[spmem:s2] =	stream.indirect.scatter.add.f32 [tilespmem:s6], [sflag:$0x3], $0x80, s1, s7, $0xb8;
	[tilespmem:$0x19000] =	vst v63  }
0x47: {  	_ =	swait.ge [sflag:s10], $0x4000  }
0x48: {  	[sflag:s10] =	ssyncset.done $0x0  }
0x49: {  	s1 =	rddreg [dreg:$0xd];
	[sflag:s10] =	ssyncadd.s32 $0xFFFFC000  }
0x4a: {  	[spmem:s2] =	stream.indirect.scatter.add.f32 [tilespmem:s6], [sflag:$0x4], $0x80, s1, s7, $0xb8;
	[tilespmem:$0x19000] =	vst v63  }
0x4b: {  	_ =	swait.ge [sflag:s11], $0x4000  }
0x4c: {  	[sflag:s11] =	ssyncset.done $0x0  }
0x4d: {  	s1 =	rddreg [dreg:$0xe];
	[sflag:s11] =	ssyncadd.s32 $0xFFFFC000  }
0x4e: {  	[spmem:s2] =	stream.indirect.scatter.add.f32 [tilespmem:s6], [sflag:$0x5], $0x80, s1, s7, $0xb8;
	[tilespmem:$0x19000] =	vst v63  }
0x4f: {  	_ =	swait.ge [sflag:s8], $0x4000  }
0x50: {  	[sflag:s8] =	ssyncset.done $0x0  }
0x51: {  	s1 =	rddreg [dreg:$0xf];
	[sflag:s8] =	ssyncadd.s32 $0xFFFFC000  }
0x52: {  	[spmem:s2] =	stream.indirect.scatter.add.f32 [tilespmem:s6], [sflag:$0x2], $0x80, s1, s7, $0xb8;
	[tilespmem:$0x19000] =	vst v63  }
0x53: {  	_ =	swait.ge [sflag:s9], $0x4000  }
0x54: {  	[sflag:s9] =	ssyncset.done $0x0  }
0x55: {  	s1 =	rddreg [dreg:$0x10];
	[sflag:s9] =	ssyncadd.s32 $0xFFFFC000  }
0x56: {  	[spmem:s2] =	stream.indirect.scatter.add.f32 [tilespmem:s6], [sflag:$0x3], $0x80, s1, s7, $0xb8;
	[tilespmem:$0x19000] =	vst v63  }
0x57: {  	_ =	swait.ge [sflag:s10], $0x4000  }
0x58: {  	[sflag:s10] =	ssyncset.done $0x0  }
0x59: {  	s1 =	rddreg [dreg:$0x11];
	[sflag:s10] =	ssyncadd.s32 $0xFFFFC000  }
0x5a: {  	[spmem:s2] =	stream.indirect.scatter.add.f32 [tilespmem:s6], [sflag:$0x4], $0x80, s1, s7, $0xb8;
	[tilespmem:$0x19000] =	vst v63  }
0x5b: {  	_ =	swait.ge [sflag:s11], $0x4000  }
0x5c: {  	[sflag:s11] =	ssyncset.done $0x0  }
0x5d: {  	s1 =	rddreg [dreg:$0x12];
	[sflag:s11] =	ssyncadd.s32 $0xFFFFC000  }
0x5e: {  	[spmem:s2] =	stream.indirect.scatter.add.f32 [tilespmem:s6], [sflag:$0x5], $0x80, s1, s7, $0xb8;
	[tilespmem:$0x19000] =	vst v63  }
0x5f: {  	_ =	swait.ge [sflag:s8], $0x4000  }
0x60: {  	[sflag:s8] =	ssyncset.done $0x0  }
0x61: {  	s1 =	rddreg [dreg:$0x13];
	[sflag:s8] =	ssyncadd.s32 $0xFFFFC000  }
0x62: {  	[spmem:s2] =	stream.indirect.scatter.add.f32 [tilespmem:s6], [sflag:$0x2], $0x80, s1, s7, $0xb8;
	[tilespmem:$0x19000] =	vst v63  }
0x63: {  	_ =	swait.ge [sflag:s9], $0x4000  }
0x64: {  	[sflag:s9] =	ssyncset.done $0x0  }
0x65: {  	s1 =	rddreg [dreg:$0x14];
	[sflag:s9] =	ssyncadd.s32 $0xFFFFC000  }
0x66: {  	[spmem:s2] =	stream.indirect.scatter.add.f32 [tilespmem:s6], [sflag:$0x3], $0x80, s1, s7, $0xb8;
	[tilespmem:$0x19000] =	vst v63  }
0x67: {  	_ =	swait.ge [sflag:s10], $0x4000  }
0x68: {  	[sflag:s10] =	ssyncset.done $0x0  }
0x69: {  	s1 =	rddreg [dreg:$0x15];
	[sflag:s10] =	ssyncadd.s32 $0xFFFFC000  }
0x6a: {  	[spmem:s2] =	stream.indirect.scatter.add.f32 [tilespmem:s6], [sflag:$0x4], $0x80, s1, s7, $0xb8;
	[tilespmem:$0x19000] =	vst v63  }
0x6b: {  	_ =	swait.ge [sflag:s11], $0x4000  }
0x6c: {  	[sflag:s11] =	ssyncset.done $0x0  }
0x6d: {  	s1 =	rddreg [dreg:$0x16];
	[sflag:s11] =	ssyncadd.s32 $0xFFFFC000  }
0x6e: {  	[spmem:s2] =	stream.indirect.scatter.add.f32 [tilespmem:s6], [sflag:$0x5], $0x80, s1, s7, $0xb8;
	[tilespmem:$0x19000] =	vst v63  }
0x6f: {  	_ =	swait.ge [sflag:s8], $0x4000  }
0x70: {  	[sflag:s8] =	ssyncset.done $0x0  }
0x71: {  	s1 =	rddreg [dreg:$0x17];
	[sflag:s8] =	ssyncadd.s32 $0xFFFFC000  }
0x72: {  	[spmem:s2] =	stream.indirect.scatter.add.f32 [tilespmem:s6], [sflag:$0x2], $0x80, s1, s7, $0xb8;
	[tilespmem:$0x19000] =	vst v63  }
0x73: {  	_ =	swait.ge [sflag:s9], $0x4000  }
0x74: {  	[sflag:s9] =	ssyncset.done $0x0  }
0x75: {  	s1 =	rddreg [dreg:$0x18];
	[sflag:s9] =	ssyncadd.s32 $0xFFFFC000  }
0x76: {  	[spmem:s2] =	stream.indirect.scatter.add.f32 [tilespmem:s6], [sflag:$0x3], $0x80, s1, s7, $0xb8;
	[tilespmem:$0x19000] =	vst v63  }
0x77: {  	_ =	swait.ge [sflag:s10], $0x4000  }
0x78: {  	[sflag:s10] =	ssyncset.done $0x0  }
0x79: {  	s1 =	rddreg [dreg:$0x19];
	[sflag:s10] =	ssyncadd.s32 $0xFFFFC000  }
0x7a: {  	[spmem:s2] =	stream.indirect.scatter.add.f32 [tilespmem:s6], [sflag:$0x4], $0x80, s1, s7, $0xb8;
	[tilespmem:$0x19000] =	vst v63  }
0x7b: {  	_ =	swait.ge [sflag:s11], $0x4000  }
0x7c: {  	[sflag:s11] =	ssyncset.done $0x0  }
0x7d: {  	s1 =	rddreg [dreg:$0x1a];
	[sflag:s11] =	ssyncadd.s32 $0xFFFFC000  }
0x7e: {  	[spmem:s2] =	stream.indirect.scatter.add.f32 [tilespmem:s6], [sflag:$0x5], $0x80, s1, s7, $0xb8;
	[tilespmem:$0x19000] =	vst v63  }
0x7f: {  	_ =	swait.ge [sflag:s8], $0x4000  }
0x80: {  	[sflag:s8] =	ssyncset.done $0x0  }
0x81: {  	s1 =	rddreg [dreg:$0x1b];
	[sflag:s8] =	ssyncadd.s32 $0xFFFFC000  }
0x82: {  	[spmem:s2] =	stream.indirect.scatter.add.f32 [tilespmem:s6], [sflag:$0x2], $0x80, s1, s7, $0xb8;
	[tilespmem:$0x19000] =	vst v63  }
0x83: {  	_ =	swait.ge [sflag:s9], $0x4000  }
0x84: {  	[sflag:s9] =	ssyncset.done $0x0  }
0x85: {  	s1 =	rddreg [dreg:$0x1c];
	[sflag:s9] =	ssyncadd.s32 $0xFFFFC000  }
0x86: {  	[spmem:s2] =	stream.indirect.scatter.add.f32 [tilespmem:s6], [sflag:$0x3], $0x80, s1, s7, $0xb8;
	[tilespmem:$0x19000] =	vst v63  }
0x87: {  	_ =	swait.ge [sflag:s10], $0x4000  }
0x88: {  	[sflag:s10] =	ssyncset.done $0x0  }
0x89: {  	s1 =	rddreg [dreg:$0x1d];
	[sflag:s10] =	ssyncadd.s32 $0xFFFFC000  }
0x8a: {  	[spmem:s2] =	stream.indirect.scatter.add.f32 [tilespmem:s6], [sflag:$0x4], $0x80, s1, s7, $0xb8;
	[tilespmem:$0x19000] =	vst v63  }
0x8b: {  	_ =	swait.ge [sflag:s11], $0x4000  }
0x8c: {  	[sflag:s11] =	ssyncset.done $0x0  }
0x8d: {  	s1 =	rddreg [dreg:$0x1e];
	[sflag:s11] =	ssyncadd.s32 $0xFFFFC000  }
0x8e: {  	[spmem:s2] =	stream.indirect.scatter.add.f32 [tilespmem:s6], [sflag:$0x5], $0x80, s1, s7, $0xb8;
	[tilespmem:$0x19000] =	vst v63  }
0x8f: {  	_ =	swait.ge [sflag:s8], $0x4000  }
0x90: {  	[sflag:s8] =	ssyncset.done $0x0  }
0x91: {  	s1 =	rddreg [dreg:$0x1f];
	[sflag:s8] =	ssyncadd.s32 $0xFFFFC000  }
0x92: {  	[spmem:s2] =	stream.indirect.scatter.add.f32 [tilespmem:s6], [sflag:$0x2], $0x80, s1, s7, $0xb8;
	[tilespmem:$0x19000] =	vst v63  }
0x93: {  	_ =	swait.ge [sflag:s9], $0x4000  }
0x94: {  	[sflag:s9] =	ssyncset.done $0x0  }
0x95: {  	[sflag:s9] =	ssyncadd.s32 $0xFFFFC000  }
0x96: {  	[spmem:s2] =	stream.indirect.scatter.add.f32 [tilespmem:s6], [sflag:$0x3], $0x80, s26, s7, $0xb8;
	[tilespmem:$0x19000] =	vst v63  }
0x97: {  	_ =	swait.ge [sflag:s10], $0x4000  }
0x98: {  	[sflag:s10] =	ssyncset.done $0x0  }
0x99: {  	[sflag:s10] =	ssyncadd.s32 $0xFFFFC000  }
0x9a: {  	[spmem:s2] =	stream.indirect.scatter.add.f32 [tilespmem:s6], [sflag:$0x4], $0x80, s25, s7, $0xb8;
	[tilespmem:$0x19000] =	vst v63  }
0x9b: {  	_ =	swait.ge [sflag:s11], $0x4000  }
0x9c: {  	[sflag:s11] =	ssyncset.done $0x0  }
0x9d: {  	[sflag:s11] =	ssyncadd.s32 $0xFFFFC000  }
0x9e: {  	[spmem:s2] =	stream.indirect.scatter.add.f32 [tilespmem:s6], [sflag:$0x5], $0x80, s24, s7, $0xb8;
	[tilespmem:$0x19000] =	vst v63  }
0x9f: {  	_ =	swait.ge [sflag:s8], $0x4000  }
0xa0: {  	[sflag:s8] =	ssyncset.done $0x0  }
0xa1: {  	[sflag:s8] =	ssyncadd.s32 $0xFFFFC000  }
0xa2: {  	[spmem:s2] =	stream.indirect.scatter.add.f32 [tilespmem:s6], [sflag:$0x2], $0x80, s23, s7, $0xb8;
	[tilespmem:$0x19000] =	vst v63  }
0xa3: {  	_ =	swait.ge [sflag:s9], $0x4000  }
0xa4: {  	[sflag:s9] =	ssyncset.done $0x0  }
0xa5: {  	[sflag:s9] =	ssyncadd.s32 $0xFFFFC000  }
0xa6: {  	[spmem:s2] =	stream.indirect.scatter.add.f32 [tilespmem:s6], [sflag:$0x3], $0x80, s22, s7, $0xb8;
	[tilespmem:$0x19000] =	vst v63  }
0xa7: {  	_ =	swait.ge [sflag:s10], $0x4000  }
0xa8: {  	[sflag:s10] =	ssyncset.done $0x0  }
0xa9: {  	[sflag:s10] =	ssyncadd.s32 $0xFFFFC000  }
0xaa: {  	[spmem:s2] =	stream.indirect.scatter.add.f32 [tilespmem:s6], [sflag:$0x4], $0x80, s21, s7, $0xb8;
	[tilespmem:$0x19000] =	vst v63  }
0xab: {  	_ =	swait.ge [sflag:s11], $0x4000  }
0xac: {  	[sflag:s11] =	ssyncset.done $0x0  }
0xad: {  	[sflag:s11] =	ssyncadd.s32 $0xFFFFC000  }
0xae: {  	[spmem:s2] =	stream.indirect.scatter.add.f32 [tilespmem:s6], [sflag:$0x5], $0x80, s20, s7, $0xb8;
	[tilespmem:$0x19000] =	vst v63  }
0xaf: {  	_ =	swait.ge [sflag:s8], $0x4000  }
0xb0: {  	[sflag:s8] =	ssyncset.done $0x0  }
0xb1: {  	[sflag:s8] =	ssyncadd.s32 $0xFFFFC000  }
0xb2: {  	[spmem:s2] =	stream.indirect.scatter.add.f32 [tilespmem:s6], [sflag:$0x2], $0x80, s19, s7, $0xb8;
	[tilespmem:$0x19000] =	vst v63  }
0xb3: {  	_ =	swait.ge [sflag:s9], $0x4000  }
0xb4: {  	[sflag:s9] =	ssyncset.done $0x0  }
0xb5: {  	[sflag:s9] =	ssyncadd.s32 $0xFFFFC000  }
0xb6: {  	[spmem:s2] =	stream.indirect.scatter.add.f32 [tilespmem:s6], [sflag:$0x3], $0x80, s18, s7, $0xb8;
	[tilespmem:$0x19000] =	vst v63  }
0xb7: {  	_ =	swait.ge [sflag:s10], $0x4000  }
0xb8: {  	[sflag:s10] =	ssyncset.done $0x0  }
0xb9: {  	[sflag:s10] =	ssyncadd.s32 $0xFFFFC000  }
0xba: {  	[spmem:s2] =	stream.indirect.scatter.add.f32 [tilespmem:s6], [sflag:$0x4], $0x80, s16, s7, $0xb8;
	[tilespmem:$0x19000] =	vst v63  }
0xbb: {  	_ =	swait.ge [sflag:s11], $0x4000  }
0xbc: {  	[sflag:s11] =	ssyncset.done $0x0  }
0xbd: {  	[sflag:s11] =	ssyncadd.s32 $0xFFFFC000  }
0xbe: {  	[spmem:s2] =	stream.indirect.scatter.add.f32 [tilespmem:s6], [sflag:$0x5], $0x80, s17, s7, $0xb8;
	[tilespmem:$0x19000] =	vst v63  }
0xbf: {  	_ =	swait.ge [sflag:s8], $0x4000  }
0xc0: {  	[sflag:s8] =	ssyncset.done $0x0  }
0xc1: {  	[sflag:s8] =	ssyncadd.s32 $0xFFFFC000  }
0xc2: {  	[spmem:s2] =	stream.indirect.scatter.add.f32 [tilespmem:s6], [sflag:$0x2], $0x80, s15, s7, $0xb8;
	[tilespmem:$0x19000] =	vst v63  }
0xc3: {  	_ =	swait.ge [sflag:s9], $0x4000  }
0xc4: {  	[sflag:s9] =	ssyncset.done $0x0  }
0xc5: {  	[sflag:s9] =	ssyncadd.s32 $0xFFFFC000  }
0xc6: {  	[spmem:s2] =	stream.indirect.scatter.add.f32 [tilespmem:s6], [sflag:$0x3], $0x80, s14, s7, $0xb8;
	[tilespmem:$0x19000] =	vst v63  }
0xc7: {  	_ =	swait.ge [sflag:s10], $0x4000  }
0xc8: {  	[sflag:s10] =	ssyncset.done $0x0  }
0xc9: {  	[sflag:s10] =	ssyncadd.s32 $0xFFFFC000  }
0xca: {  	[spmem:s2] =	stream.indirect.scatter.add.f32 [tilespmem:s6], [sflag:$0x4], $0x80, s13, s7, $0xb8;
	[tilespmem:$0x19000] =	vst v63  }
0xcb: {  	_ =	swait.ge [sflag:s11], $0x4000  }
0xcc: {  	[sflag:s11] =	ssyncset.done $0x0  }
0xcd: {  	[sflag:s11] =	ssyncadd.s32 $0xFFFFC000  }
0xce: {  	[spmem:s2] =	stream.indirect.scatter.add.f32 [tilespmem:s6], [sflag:$0x5], $0x80, s12, s7, $0xb8;
	[tilespmem:$0x19000] =	vst v63  }
0xcf: {  	_ =	swait.ge [sflag:s8], $0x4000  }
0xd0: {  	[sflag:s8] =	ssyncset.done $0x0  }
0xd1: {  	[sflag:s8] =	ssyncadd.s32 $0xFFFFC000  }
0xd2: {  	_ =	swait.ge [sflag:s9], $0x4000  }
0xd3: {  	[sflag:s9] =	ssyncset.done $0x0  }
0xd4: {  	[sflag:s9] =	ssyncadd.s32 $0xFFFFC000  }
0xd5: {  	_ =	swait.ge [sflag:s10], $0x4000  }
0xd6: {  	[sflag:s10] =	ssyncset.done $0x0  }
0xd7: {  	[sflag:s10] =	ssyncadd.s32 $0xFFFFC000  }
0xd8: {  	_ =	swait.ge [sflag:s11], $0x4000  }
0xd9: {  	[sflag:s11] =	ssyncset.done $0x0  }
0xda: {  	[sflag:s11] =	ssyncadd.s32 $0xFFFFC000  }
0xdb: {  	p1 =	sne.s32 s0, $0x1;
	[bflag:$0x0] =	sbarrier.arrive $0xFFFF  }
.Ltmp1:
0xdc: {  	s1 =	rddreg [dreg:$0x7];
	(pc) =	sbr.rel @!p1 .LBB2_2-.Ltmp1, $4  }
0xdd: {  	s31 =	sor.u32 $0x1C06, s3;
	[smem:$0x7FD] =	sst s3  }
0xde: {  	[hbm:s1], [sflag:s31] =	dma.local [spmem:s4], $0x2780  }
0xdf: {  	s0 =	sadd.s32 $0xFFFFFFFF, s0;
	_ =	swait.ge [sflag:s5], $0x2780  }
0xe0: {  	p0 =	por $0x1, $0x1;
	s1 =	rddreg [dreg:$0x4];
	[sflag:s5] =	ssyncset.done $0x0  }
.LBB2_3:
0xe1: {  	s3 =	rddreg [dreg:$0x5];
	[sflag:s5] =	ssyncadd.s32 $0xFFFFD880  }
0xe2: {  	[spmem:s4], [sflag:s3] =	dma.local [hbm:s1], $0x2780  }
0xe3: {  	s1 =	rddreg [dreg:$0x3]  }
0xe4: {  	[tilespmem:s6], [sflag:$0x6] =	stream.linear.gather [hbm4b:s1+s28], $0x4000, $0x38;
	[tilespmem:$0x19000] =	vst v63  }
0xe5: {  	_ =	swait.ge [sflag:s5], $0x4000  }
0xe6: {  	[sflag:s5] =	ssyncset.done $0x0  }
0xe7: {  	s3 =	rddreg [dreg:$0x6];
	[sflag:s5] =	ssyncadd.s32 $0xFFFFC000  }
0xe8: {  	[tilespmem:s29], [sflag:$0x6] =	stream.linear.gather [hbm4b:s3+s28], $0x1400, $0x38;
	[tilespmem:$0x19000] =	vst v63  }
0xe9: {  	_ =	swait.ge [sflag:s5], $0x1400  }
0xea: {  	[sflag:s5] =	ssyncset.done $0x0  }
0xeb: {  	[sflag:s5] =	ssyncadd.s32 $0xFFFFEC00  }
0xec: {  	_ =	swait.ge [sflag:s30], $0x2780  }
0xed: {  	[sflag:s30] =	ssyncset.done $0x0  }
0xee: {  	[sflag:s30] =	ssyncadd.s32 $0xFFFFD880  }
0xef: {  	[bflag:$0x0] =	sbarrier.arrive $0xFFFF  }
0xf0: {  	[spmem:s2] =	stream.indirect.scatter.add.f32 [tilespmem:s6], [sflag:$0x2], $0x80, s29, s7, $0xb8;
	[tilespmem:$0x19000] =	vst v63  }
0xf1: {  	s1 =	rddreg [dreg:$0x8]  }
0xf2: {  	[spmem:s2] =	stream.indirect.scatter.add.f32 [tilespmem:s6], [sflag:$0x3], $0x80, s1, s7, $0xb8;
	[tilespmem:$0x19000] =	vst v63  }
0xf3: {  	s3 =	rddreg [dreg:$0x9]  }
0xf4: {  	[spmem:s2] =	stream.indirect.scatter.add.f32 [tilespmem:s6], [sflag:$0x4], $0x80, s3, s7, $0xb8;
	[tilespmem:$0x19000] =	vst v63  }
0xf5: {  	s1 =	rddreg [dreg:$0xa]  }
0xf6: {  	[spmem:s2] =	stream.indirect.scatter.add.f32 [tilespmem:s6], [sflag:$0x5], $0x80, s1, s7, $0xb8;
	[tilespmem:$0x19000] =	vst v63  }
0xf7: {  	_ =	swait.ge [sflag:s8], $0x4000  }
0xf8: {  	[sflag:s8] =	ssyncset.done $0x0  }
0xf9: {  	s3 =	rddreg [dreg:$0xb];
	[sflag:s8] =	ssyncadd.s32 $0xFFFFC000  }
0xfa: {  	[spmem:s2] =	stream.indirect.scatter.add.f32 [tilespmem:s6], [sflag:$0x2], $0x80, s3, s7, $0xb8;
	[tilespmem:$0x19000] =	vst v63  }
0xfb: {  	_ =	swait.ge [sflag:s9], $0x4000  }
0xfc: {  	[sflag:s9] =	ssyncset.done $0x0  }
0xfd: {  	s3 =	rddreg [dreg:$0xc];
	[sflag:s9] =	ssyncadd.s32 $0xFFFFC000  }
0xfe: {  	[spmem:s2] =	stream.indirect.scatter.add.f32 [tilespmem:s6], [sflag:$0x3], $0x80, s3, s7, $0xb8;
	[tilespmem:$0x19000] =	vst v63  }
0xff: {  	_ =	swait.ge [sflag:s10], $0x4000  }
0x100: {  	[sflag:s10] =	ssyncset.done $0x0  }
0x101: {  	s3 =	rddreg [dreg:$0xd];
	[sflag:s10] =	ssyncadd.s32 $0xFFFFC000  }
0x102: {  	[spmem:s2] =	stream.indirect.scatter.add.f32 [tilespmem:s6], [sflag:$0x4], $0x80, s3, s7, $0xb8;
	[tilespmem:$0x19000] =	vst v63  }
0x103: {  	_ =	swait.ge [sflag:s11], $0x4000  }
0x104: {  	[sflag:s11] =	ssyncset.done $0x0  }
0x105: {  	s3 =	rddreg [dreg:$0xe];
	[sflag:s11] =	ssyncadd.s32 $0xFFFFC000  }
0x106: {  	[spmem:s2] =	stream.indirect.scatter.add.f32 [tilespmem:s6], [sflag:$0x5], $0x80, s3, s7, $0xb8;
	[tilespmem:$0x19000] =	vst v63  }
0x107: {  	_ =	swait.ge [sflag:s8], $0x4000  }
0x108: {  	[sflag:s8] =	ssyncset.done $0x0  }
0x109: {  	s3 =	rddreg [dreg:$0xf];
	[sflag:s8] =	ssyncadd.s32 $0xFFFFC000  }
0x10a: {  	[spmem:s2] =	stream.indirect.scatter.add.f32 [tilespmem:s6], [sflag:$0x2], $0x80, s3, s7, $0xb8;
	[tilespmem:$0x19000] =	vst v63  }
0x10b: {  	_ =	swait.ge [sflag:s9], $0x4000  }
0x10c: {  	[sflag:s9] =	ssyncset.done $0x0  }
0x10d: {  	s3 =	rddreg [dreg:$0x10];
	[sflag:s9] =	ssyncadd.s32 $0xFFFFC000  }
0x10e: {  	[spmem:s2] =	stream.indirect.scatter.add.f32 [tilespmem:s6], [sflag:$0x3], $0x80, s3, s7, $0xb8;
	[tilespmem:$0x19000] =	vst v63  }
0x10f: {  	_ =	swait.ge [sflag:s10], $0x4000  }
0x110: {  	[sflag:s10] =	ssyncset.done $0x0  }
0x111: {  	s3 =	rddreg [dreg:$0x11];
	[sflag:s10] =	ssyncadd.s32 $0xFFFFC000  }
0x112: {  	[spmem:s2] =	stream.indirect.scatter.add.f32 [tilespmem:s6], [sflag:$0x4], $0x80, s3, s7, $0xb8;
	[tilespmem:$0x19000] =	vst v63  }
0x113: {  	_ =	swait.ge [sflag:s11], $0x4000  }
0x114: {  	[sflag:s11] =	ssyncset.done $0x0  }
0x115: {  	s3 =	rddreg [dreg:$0x12];
	[sflag:s11] =	ssyncadd.s32 $0xFFFFC000  }
0x116: {  	[spmem:s2] =	stream.indirect.scatter.add.f32 [tilespmem:s6], [sflag:$0x5], $0x80, s3, s7, $0xb8;
	[tilespmem:$0x19000] =	vst v63  }
0x117: {  	_ =	swait.ge [sflag:s8], $0x4000  }
0x118: {  	[sflag:s8] =	ssyncset.done $0x0  }
0x119: {  	s3 =	rddreg [dreg:$0x13];
	[sflag:s8] =	ssyncadd.s32 $0xFFFFC000  }
0x11a: {  	[spmem:s2] =	stream.indirect.scatter.add.f32 [tilespmem:s6], [sflag:$0x2], $0x80, s3, s7, $0xb8;
	[tilespmem:$0x19000] =	vst v63  }
0x11b: {  	_ =	swait.ge [sflag:s9], $0x4000  }
0x11c: {  	[sflag:s9] =	ssyncset.done $0x0  }
0x11d: {  	s3 =	rddreg [dreg:$0x14];
	[sflag:s9] =	ssyncadd.s32 $0xFFFFC000  }
0x11e: {  	[spmem:s2] =	stream.indirect.scatter.add.f32 [tilespmem:s6], [sflag:$0x3], $0x80, s3, s7, $0xb8;
	[tilespmem:$0x19000] =	vst v63  }
0x11f: {  	_ =	swait.ge [sflag:s10], $0x4000  }
0x120: {  	[sflag:s10] =	ssyncset.done $0x0  }
0x121: {  	s3 =	rddreg [dreg:$0x15];
	[sflag:s10] =	ssyncadd.s32 $0xFFFFC000  }
0x122: {  	[spmem:s2] =	stream.indirect.scatter.add.f32 [tilespmem:s6], [sflag:$0x4], $0x80, s3, s7, $0xb8;
	[tilespmem:$0x19000] =	vst v63  }
0x123: {  	_ =	swait.ge [sflag:s11], $0x4000  }
0x124: {  	[sflag:s11] =	ssyncset.done $0x0  }
0x125: {  	s3 =	rddreg [dreg:$0x16];
	[sflag:s11] =	ssyncadd.s32 $0xFFFFC000  }
0x126: {  	[spmem:s2] =	stream.indirect.scatter.add.f32 [tilespmem:s6], [sflag:$0x5], $0x80, s3, s7, $0xb8;
	[tilespmem:$0x19000] =	vst v63  }
0x127: {  	_ =	swait.ge [sflag:s8], $0x4000  }
0x128: {  	[sflag:s8] =	ssyncset.done $0x0  }
0x129: {  	s3 =	rddreg [dreg:$0x17];
	[sflag:s8] =	ssyncadd.s32 $0xFFFFC000  }
0x12a: {  	[spmem:s2] =	stream.indirect.scatter.add.f32 [tilespmem:s6], [sflag:$0x2], $0x80, s3, s7, $0xb8;
	[tilespmem:$0x19000] =	vst v63  }
0x12b: {  	_ =	swait.ge [sflag:s9], $0x4000  }
0x12c: {  	[sflag:s9] =	ssyncset.done $0x0  }
0x12d: {  	s3 =	rddreg [dreg:$0x18];
	[sflag:s9] =	ssyncadd.s32 $0xFFFFC000  }
0x12e: {  	[spmem:s2] =	stream.indirect.scatter.add.f32 [tilespmem:s6], [sflag:$0x3], $0x80, s3, s7, $0xb8;
	[tilespmem:$0x19000] =	vst v63  }
0x12f: {  	_ =	swait.ge [sflag:s10], $0x4000  }
0x130: {  	[sflag:s10] =	ssyncset.done $0x0  }
0x131: {  	s3 =	rddreg [dreg:$0x19];
	[sflag:s10] =	ssyncadd.s32 $0xFFFFC000  }
0x132: {  	[spmem:s2] =	stream.indirect.scatter.add.f32 [tilespmem:s6], [sflag:$0x4], $0x80, s3, s7, $0xb8;
	[tilespmem:$0x19000] =	vst v63  }
0x133: {  	_ =	swait.ge [sflag:s11], $0x4000  }
0x134: {  	[sflag:s11] =	ssyncset.done $0x0  }
0x135: {  	s3 =	rddreg [dreg:$0x1a];
	[sflag:s11] =	ssyncadd.s32 $0xFFFFC000  }
0x136: {  	[spmem:s2] =	stream.indirect.scatter.add.f32 [tilespmem:s6], [sflag:$0x5], $0x80, s3, s7, $0xb8;
	[tilespmem:$0x19000] =	vst v63  }
0x137: {  	_ =	swait.ge [sflag:s8], $0x4000  }
0x138: {  	[sflag:s8] =	ssyncset.done $0x0  }
0x139: {  	s3 =	rddreg [dreg:$0x1b];
	[sflag:s8] =	ssyncadd.s32 $0xFFFFC000  }
0x13a: {  	[spmem:s2] =	stream.indirect.scatter.add.f32 [tilespmem:s6], [sflag:$0x2], $0x80, s3, s7, $0xb8;
	[tilespmem:$0x19000] =	vst v63  }
0x13b: {  	_ =	swait.ge [sflag:s9], $0x4000  }
0x13c: {  	[sflag:s9] =	ssyncset.done $0x0  }
0x13d: {  	s3 =	rddreg [dreg:$0x1c];
	[sflag:s9] =	ssyncadd.s32 $0xFFFFC000  }
0x13e: {  	[spmem:s2] =	stream.indirect.scatter.add.f32 [tilespmem:s6], [sflag:$0x3], $0x80, s3, s7, $0xb8;
	[tilespmem:$0x19000] =	vst v63  }
0x13f: {  	_ =	swait.ge [sflag:s10], $0x4000  }
0x140: {  	[sflag:s10] =	ssyncset.done $0x0  }
0x141: {  	s3 =	rddreg [dreg:$0x1d];
	[sflag:s10] =	ssyncadd.s32 $0xFFFFC000  }
0x142: {  	[spmem:s2] =	stream.indirect.scatter.add.f32 [tilespmem:s6], [sflag:$0x4], $0x80, s3, s7, $0xb8;
	[tilespmem:$0x19000] =	vst v63  }
0x143: {  	_ =	swait.ge [sflag:s11], $0x4000  }
0x144: {  	[sflag:s11] =	ssyncset.done $0x0  }
0x145: {  	s3 =	rddreg [dreg:$0x1e];
	[sflag:s11] =	ssyncadd.s32 $0xFFFFC000  }
0x146: {  	[spmem:s2] =	stream.indirect.scatter.add.f32 [tilespmem:s6], [sflag:$0x5], $0x80, s3, s7, $0xb8;
	[tilespmem:$0x19000] =	vst v63  }
0x147: {  	_ =	swait.ge [sflag:s8], $0x4000  }
0x148: {  	[sflag:s8] =	ssyncset.done $0x0  }
0x149: {  	s3 =	rddreg [dreg:$0x1f];
	[sflag:s8] =	ssyncadd.s32 $0xFFFFC000  }
0x14a: {  	[spmem:s2] =	stream.indirect.scatter.add.f32 [tilespmem:s6], [sflag:$0x2], $0x80, s3, s7, $0xb8;
	[tilespmem:$0x19000] =	vst v63  }
0x14b: {  	_ =	swait.ge [sflag:s9], $0x4000  }
0x14c: {  	[sflag:s9] =	ssyncset.done $0x0  }
0x14d: {  	[sflag:s9] =	ssyncadd.s32 $0xFFFFC000  }
0x14e: {  	[spmem:s2] =	stream.indirect.scatter.add.f32 [tilespmem:s6], [sflag:$0x3], $0x80, s26, s7, $0xb8;
	[tilespmem:$0x19000] =	vst v63  }
0x14f: {  	_ =	swait.ge [sflag:s10], $0x4000  }
0x150: {  	[sflag:s10] =	ssyncset.done $0x0  }
0x151: {  	[sflag:s10] =	ssyncadd.s32 $0xFFFFC000  }
0x152: {  	[spmem:s2] =	stream.indirect.scatter.add.f32 [tilespmem:s6], [sflag:$0x4], $0x80, s25, s7, $0xb8;
	[tilespmem:$0x19000] =	vst v63  }
0x153: {  	_ =	swait.ge [sflag:s11], $0x4000  }
0x154: {  	[sflag:s11] =	ssyncset.done $0x0  }
0x155: {  	[sflag:s11] =	ssyncadd.s32 $0xFFFFC000  }
0x156: {  	[spmem:s2] =	stream.indirect.scatter.add.f32 [tilespmem:s6], [sflag:$0x5], $0x80, s24, s7, $0xb8;
	[tilespmem:$0x19000] =	vst v63  }
0x157: {  	_ =	swait.ge [sflag:s8], $0x4000  }
0x158: {  	[sflag:s8] =	ssyncset.done $0x0  }
0x159: {  	[sflag:s8] =	ssyncadd.s32 $0xFFFFC000  }
0x15a: {  	[spmem:s2] =	stream.indirect.scatter.add.f32 [tilespmem:s6], [sflag:$0x2], $0x80, s23, s7, $0xb8;
	[tilespmem:$0x19000] =	vst v63  }
0x15b: {  	_ =	swait.ge [sflag:s9], $0x4000  }
0x15c: {  	[sflag:s9] =	ssyncset.done $0x0  }
0x15d: {  	[sflag:s9] =	ssyncadd.s32 $0xFFFFC000  }
0x15e: {  	[spmem:s2] =	stream.indirect.scatter.add.f32 [tilespmem:s6], [sflag:$0x3], $0x80, s22, s7, $0xb8;
	[tilespmem:$0x19000] =	vst v63  }
0x15f: {  	_ =	swait.ge [sflag:s10], $0x4000  }
0x160: {  	[sflag:s10] =	ssyncset.done $0x0  }
0x161: {  	[sflag:s10] =	ssyncadd.s32 $0xFFFFC000  }
0x162: {  	[spmem:s2] =	stream.indirect.scatter.add.f32 [tilespmem:s6], [sflag:$0x4], $0x80, s21, s7, $0xb8;
	[tilespmem:$0x19000] =	vst v63  }
0x163: {  	_ =	swait.ge [sflag:s11], $0x4000  }
0x164: {  	[sflag:s11] =	ssyncset.done $0x0  }
0x165: {  	[sflag:s11] =	ssyncadd.s32 $0xFFFFC000  }
0x166: {  	[spmem:s2] =	stream.indirect.scatter.add.f32 [tilespmem:s6], [sflag:$0x5], $0x80, s20, s7, $0xb8;
	[tilespmem:$0x19000] =	vst v63  }
0x167: {  	_ =	swait.ge [sflag:s8], $0x4000  }
0x168: {  	[sflag:s8] =	ssyncset.done $0x0  }
0x169: {  	[sflag:s8] =	ssyncadd.s32 $0xFFFFC000  }
0x16a: {  	[spmem:s2] =	stream.indirect.scatter.add.f32 [tilespmem:s6], [sflag:$0x2], $0x80, s19, s7, $0xb8;
	[tilespmem:$0x19000] =	vst v63  }
0x16b: {  	_ =	swait.ge [sflag:s9], $0x4000  }
0x16c: {  	[sflag:s9] =	ssyncset.done $0x0  }
0x16d: {  	[sflag:s9] =	ssyncadd.s32 $0xFFFFC000  }
0x16e: {  	[spmem:s2] =	stream.indirect.scatter.add.f32 [tilespmem:s6], [sflag:$0x3], $0x80, s18, s7, $0xb8;
	[tilespmem:$0x19000] =	vst v63  }
0x16f: {  	_ =	swait.ge [sflag:s10], $0x4000  }
0x170: {  	[sflag:s10] =	ssyncset.done $0x0  }
0x171: {  	[sflag:s10] =	ssyncadd.s32 $0xFFFFC000  }
0x172: {  	[spmem:s2] =	stream.indirect.scatter.add.f32 [tilespmem:s6], [sflag:$0x4], $0x80, s16, s7, $0xb8;
	[tilespmem:$0x19000] =	vst v63  }
0x173: {  	_ =	swait.ge [sflag:s11], $0x4000  }
0x174: {  	[sflag:s11] =	ssyncset.done $0x0  }
0x175: {  	[sflag:s11] =	ssyncadd.s32 $0xFFFFC000  }
0x176: {  	[spmem:s2] =	stream.indirect.scatter.add.f32 [tilespmem:s6], [sflag:$0x5], $0x80, s17, s7, $0xb8;
	[tilespmem:$0x19000] =	vst v63  }
0x177: {  	_ =	swait.ge [sflag:s8], $0x4000  }
0x178: {  	[sflag:s8] =	ssyncset.done $0x0  }
0x179: {  	[sflag:s8] =	ssyncadd.s32 $0xFFFFC000  }
0x17a: {  	[spmem:s2] =	stream.indirect.scatter.add.f32 [tilespmem:s6], [sflag:$0x2], $0x80, s15, s7, $0xb8;
	[tilespmem:$0x19000] =	vst v63  }
0x17b: {  	_ =	swait.ge [sflag:s9], $0x4000  }
0x17c: {  	[sflag:s9] =	ssyncset.done $0x0  }
0x17d: {  	[sflag:s9] =	ssyncadd.s32 $0xFFFFC000  }
0x17e: {  	[spmem:s2] =	stream.indirect.scatter.add.f32 [tilespmem:s6], [sflag:$0x3], $0x80, s14, s7, $0xb8;
	[tilespmem:$0x19000] =	vst v63  }
0x17f: {  	_ =	swait.ge [sflag:s10], $0x4000  }
0x180: {  	[sflag:s10] =	ssyncset.done $0x0  }
0x181: {  	[sflag:s10] =	ssyncadd.s32 $0xFFFFC000  }
0x182: {  	[spmem:s2] =	stream.indirect.scatter.add.f32 [tilespmem:s6], [sflag:$0x4], $0x80, s13, s7, $0xb8;
	[tilespmem:$0x19000] =	vst v63  }
0x183: {  	_ =	swait.ge [sflag:s11], $0x4000  }
0x184: {  	[sflag:s11] =	ssyncset.done $0x0  }
0x185: {  	[sflag:s11] =	ssyncadd.s32 $0xFFFFC000  }
0x186: {  	[spmem:s2] =	stream.indirect.scatter.add.f32 [tilespmem:s6], [sflag:$0x5], $0x80, s12, s7, $0xb8;
	[tilespmem:$0x19000] =	vst v63  }
0x187: {  	_ =	swait.ge [sflag:s8], $0x4000  }
0x188: {  	[sflag:s8] =	ssyncset.done $0x0  }
0x189: {  	[sflag:s8] =	ssyncadd.s32 $0xFFFFC000  }
0x18a: {  	_ =	swait.ge [sflag:s9], $0x4000  }
0x18b: {  	[sflag:s9] =	ssyncset.done $0x0  }
0x18c: {  	[sflag:s9] =	ssyncadd.s32 $0xFFFFC000  }
0x18d: {  	_ =	swait.ge [sflag:s10], $0x4000  }
0x18e: {  	[sflag:s10] =	ssyncset.done $0x0  }
0x18f: {  	[sflag:s10] =	ssyncadd.s32 $0xFFFFC000  }
0x190: {  	_ =	swait.ge [sflag:s11], $0x4000  }
0x191: {  	[sflag:s11] =	ssyncset.done $0x0  }
0x192: {  	p1 =	sne.s32 s0, $0x1;
	[sflag:s11] =	ssyncadd.s32 $0xFFFFC000  }
.Ltmp2:
0x193: {  	[bflag:$0x0] =	sbarrier.arrive $0xFFFF;
	(pc) =	sbr.rel @p1 .LBB2_3-.Ltmp2, $4  }
0x194: {  	s3 =	rddreg [dreg:$0x7]  }
0x195: {  	[hbm:s3], [sflag:s31] =	dma.local [spmem:s4], $0x2780  }
0x196: {  	_ =	swait.ge [sflag:s5], $0x2780  }
0x197: {  	s0 =	sadd.s32 $0xFFFFFFFF, s0;
	s1 =	rddreg [dreg:$0x4];
	[sflag:s5] =	ssyncset.done $0x0  }
0x198: {  	s31 =	rddreg [dreg:$0x2]  }
0x199: {  	s3 =	sld [smem:$0x7FD]  }
.LBB2_5:
0x19a: {  	s0 =	rddreg [dreg:$0x5];
	[sflag:s5] =	ssyncadd.s32 @p0 $0xFFFFD880  }
0x19b: {  	[spmem:s4], [sflag:s0] =	dma.local [hbm:s1], $0x2780  }
0x19c: {  	s0 =	rddreg [dreg:$0x3]  }
0x19d: {  	[tilespmem:s6], [sflag:$0x6] =	stream.linear.gather [hbm4b:s0+s28], $0x4000, $0x38;
	[tilespmem:$0x19000] =	vst v63  }
0x19e: {  	_ =	swait.ge [sflag:s5], $0x4000  }
0x19f: {  	[sflag:s5] =	ssyncset.done $0x0  }
0x1a0: {  	s1 =	rddreg [dreg:$0x6];
	[sflag:s5] =	ssyncadd.s32 $0xFFFFC000  }
0x1a1: {  	[tilespmem:s29], [sflag:$0x6] =	stream.linear.gather [hbm4b:s1+s28], $0x1400, $0x38;
	[tilespmem:$0x19000] =	vst v63  }
0x1a2: {  	_ =	swait.ge [sflag:s5], $0x1400  }
0x1a3: {  	[sflag:s5] =	ssyncset.done $0x0  }
0x1a4: {  	[sflag:s5] =	ssyncadd.s32 $0xFFFFEC00  }
0x1a5: {  	_ =	swait.ge [sflag:s30], $0x2780  }
0x1a6: {  	[sflag:s30] =	ssyncset.done $0x0  }
0x1a7: {  	[sflag:s30] =	ssyncadd.s32 $0xFFFFD880  }
0x1a8: {  	[bflag:$0x0] =	sbarrier.arrive $0xFFFF  }
0x1a9: {  	[spmem:s2] =	stream.indirect.scatter.add.f32 [tilespmem:s6], [sflag:$0x2], $0x80, s29, s7, $0xb8;
	[tilespmem:$0x19000] =	vst v63  }
0x1aa: {  	s28 =	rddreg [dreg:$0x8]  }
0x1ab: {  	[spmem:s2] =	stream.indirect.scatter.add.f32 [tilespmem:s6], [sflag:$0x3], $0x80, s28, s7, $0xb8;
	[tilespmem:$0x19000] =	vst v63  }
0x1ac: {  	s29 =	rddreg [dreg:$0x9]  }
0x1ad: {  	[spmem:s2] =	stream.indirect.scatter.add.f32 [tilespmem:s6], [sflag:$0x4], $0x80, s29, s7, $0xb8;
	[tilespmem:$0x19000] =	vst v63  }
0x1ae: {  	s30 =	rddreg [dreg:$0xa]  }
0x1af: {  	[spmem:s2] =	stream.indirect.scatter.add.f32 [tilespmem:s6], [sflag:$0x5], $0x80, s30, s7, $0xb8;
	[tilespmem:$0x19000] =	vst v63  }
0x1b0: {  	_ =	swait.ge [sflag:s8], $0x4000  }
0x1b1: {  	[sflag:s8] =	ssyncset.done $0x0  }
0x1b2: {  	s1 =	rddreg [dreg:$0xb];
	[sflag:s8] =	ssyncadd.s32 $0xFFFFC000  }
0x1b3: {  	[spmem:s2] =	stream.indirect.scatter.add.f32 [tilespmem:s6], [sflag:$0x2], $0x80, s1, s7, $0xb8;
	[tilespmem:$0x19000] =	vst v63  }
0x1b4: {  	_ =	swait.ge [sflag:s9], $0x4000  }
0x1b5: {  	[sflag:s9] =	ssyncset.done $0x0  }
0x1b6: {  	s28 =	rddreg [dreg:$0xc];
	[sflag:s9] =	ssyncadd.s32 $0xFFFFC000  }
0x1b7: {  	[spmem:s2] =	stream.indirect.scatter.add.f32 [tilespmem:s6], [sflag:$0x3], $0x80, s28, s7, $0xb8;
	[tilespmem:$0x19000] =	vst v63  }
0x1b8: {  	_ =	swait.ge [sflag:s10], $0x4000  }
0x1b9: {  	[sflag:s10] =	ssyncset.done $0x0  }
0x1ba: {  	s29 =	rddreg [dreg:$0xd];
	[sflag:s10] =	ssyncadd.s32 $0xFFFFC000  }
0x1bb: {  	[spmem:s2] =	stream.indirect.scatter.add.f32 [tilespmem:s6], [sflag:$0x4], $0x80, s29, s7, $0xb8;
	[tilespmem:$0x19000] =	vst v63  }
0x1bc: {  	_ =	swait.ge [sflag:s11], $0x4000  }
0x1bd: {  	[sflag:s11] =	ssyncset.done $0x0  }
0x1be: {  	s30 =	rddreg [dreg:$0xe];
	[sflag:s11] =	ssyncadd.s32 $0xFFFFC000  }
0x1bf: {  	[spmem:s2] =	stream.indirect.scatter.add.f32 [tilespmem:s6], [sflag:$0x5], $0x80, s30, s7, $0xb8;
	[tilespmem:$0x19000] =	vst v63  }
0x1c0: {  	_ =	swait.ge [sflag:s8], $0x4000  }
0x1c1: {  	[sflag:s8] =	ssyncset.done $0x0  }
0x1c2: {  	s1 =	rddreg [dreg:$0xf];
	[sflag:s8] =	ssyncadd.s32 $0xFFFFC000  }
0x1c3: {  	[spmem:s2] =	stream.indirect.scatter.add.f32 [tilespmem:s6], [sflag:$0x2], $0x80, s1, s7, $0xb8;
	[tilespmem:$0x19000] =	vst v63  }
0x1c4: {  	_ =	swait.ge [sflag:s9], $0x4000  }
0x1c5: {  	[sflag:s9] =	ssyncset.done $0x0  }
0x1c6: {  	s28 =	rddreg [dreg:$0x10];
	[sflag:s9] =	ssyncadd.s32 $0xFFFFC000  }
0x1c7: {  	[spmem:s2] =	stream.indirect.scatter.add.f32 [tilespmem:s6], [sflag:$0x3], $0x80, s28, s7, $0xb8;
	[tilespmem:$0x19000] =	vst v63  }
0x1c8: {  	_ =	swait.ge [sflag:s10], $0x4000  }
0x1c9: {  	[sflag:s10] =	ssyncset.done $0x0  }
0x1ca: {  	s29 =	rddreg [dreg:$0x11];
	[sflag:s10] =	ssyncadd.s32 $0xFFFFC000  }
0x1cb: {  	[spmem:s2] =	stream.indirect.scatter.add.f32 [tilespmem:s6], [sflag:$0x4], $0x80, s29, s7, $0xb8;
	[tilespmem:$0x19000] =	vst v63  }
0x1cc: {  	_ =	swait.ge [sflag:s11], $0x4000  }
0x1cd: {  	[sflag:s11] =	ssyncset.done $0x0  }
0x1ce: {  	s30 =	rddreg [dreg:$0x12];
	[sflag:s11] =	ssyncadd.s32 $0xFFFFC000  }
0x1cf: {  	[spmem:s2] =	stream.indirect.scatter.add.f32 [tilespmem:s6], [sflag:$0x5], $0x80, s30, s7, $0xb8;
	[tilespmem:$0x19000] =	vst v63  }
0x1d0: {  	_ =	swait.ge [sflag:s8], $0x4000  }
0x1d1: {  	[sflag:s8] =	ssyncset.done $0x0  }
0x1d2: {  	s1 =	rddreg [dreg:$0x13];
	[sflag:s8] =	ssyncadd.s32 $0xFFFFC000  }
0x1d3: {  	[spmem:s2] =	stream.indirect.scatter.add.f32 [tilespmem:s6], [sflag:$0x2], $0x80, s1, s7, $0xb8;
	[tilespmem:$0x19000] =	vst v63  }
0x1d4: {  	_ =	swait.ge [sflag:s9], $0x4000  }
0x1d5: {  	[sflag:s9] =	ssyncset.done $0x0  }
0x1d6: {  	s28 =	rddreg [dreg:$0x14];
	[sflag:s9] =	ssyncadd.s32 $0xFFFFC000  }
0x1d7: {  	[spmem:s2] =	stream.indirect.scatter.add.f32 [tilespmem:s6], [sflag:$0x3], $0x80, s28, s7, $0xb8;
	[tilespmem:$0x19000] =	vst v63  }
0x1d8: {  	_ =	swait.ge [sflag:s10], $0x4000  }
0x1d9: {  	[sflag:s10] =	ssyncset.done $0x0  }
0x1da: {  	s29 =	rddreg [dreg:$0x15];
	[sflag:s10] =	ssyncadd.s32 $0xFFFFC000  }
0x1db: {  	[spmem:s2] =	stream.indirect.scatter.add.f32 [tilespmem:s6], [sflag:$0x4], $0x80, s29, s7, $0xb8;
	[tilespmem:$0x19000] =	vst v63  }
0x1dc: {  	_ =	swait.ge [sflag:s11], $0x4000  }
0x1dd: {  	[sflag:s11] =	ssyncset.done $0x0  }
0x1de: {  	s30 =	rddreg [dreg:$0x16];
	[sflag:s11] =	ssyncadd.s32 $0xFFFFC000  }
0x1df: {  	[spmem:s2] =	stream.indirect.scatter.add.f32 [tilespmem:s6], [sflag:$0x5], $0x80, s30, s7, $0xb8;
	[tilespmem:$0x19000] =	vst v63  }
0x1e0: {  	_ =	swait.ge [sflag:s8], $0x4000  }
0x1e1: {  	[sflag:s8] =	ssyncset.done $0x0  }
0x1e2: {  	s1 =	rddreg [dreg:$0x17];
	[sflag:s8] =	ssyncadd.s32 $0xFFFFC000  }
0x1e3: {  	[spmem:s2] =	stream.indirect.scatter.add.f32 [tilespmem:s6], [sflag:$0x2], $0x80, s1, s7, $0xb8;
	[tilespmem:$0x19000] =	vst v63  }
0x1e4: {  	_ =	swait.ge [sflag:s9], $0x4000  }
0x1e5: {  	[sflag:s9] =	ssyncset.done $0x0  }
0x1e6: {  	s28 =	rddreg [dreg:$0x18];
	[sflag:s9] =	ssyncadd.s32 $0xFFFFC000  }
0x1e7: {  	[spmem:s2] =	stream.indirect.scatter.add.f32 [tilespmem:s6], [sflag:$0x3], $0x80, s28, s7, $0xb8;
	[tilespmem:$0x19000] =	vst v63  }
0x1e8: {  	_ =	swait.ge [sflag:s10], $0x4000  }
0x1e9: {  	[sflag:s10] =	ssyncset.done $0x0  }
0x1ea: {  	s29 =	rddreg [dreg:$0x19];
	[sflag:s10] =	ssyncadd.s32 $0xFFFFC000  }
0x1eb: {  	[spmem:s2] =	stream.indirect.scatter.add.f32 [tilespmem:s6], [sflag:$0x4], $0x80, s29, s7, $0xb8;
	[tilespmem:$0x19000] =	vst v63  }
0x1ec: {  	_ =	swait.ge [sflag:s11], $0x4000  }
0x1ed: {  	[sflag:s11] =	ssyncset.done $0x0  }
0x1ee: {  	s30 =	rddreg [dreg:$0x1a];
	[sflag:s11] =	ssyncadd.s32 $0xFFFFC000  }
0x1ef: {  	[spmem:s2] =	stream.indirect.scatter.add.f32 [tilespmem:s6], [sflag:$0x5], $0x80, s30, s7, $0xb8;
	[tilespmem:$0x19000] =	vst v63  }
0x1f0: {  	_ =	swait.ge [sflag:s8], $0x4000  }
0x1f1: {  	[sflag:s8] =	ssyncset.done $0x0  }
0x1f2: {  	s1 =	rddreg [dreg:$0x1b];
	[sflag:s8] =	ssyncadd.s32 $0xFFFFC000  }
0x1f3: {  	[spmem:s2] =	stream.indirect.scatter.add.f32 [tilespmem:s6], [sflag:$0x2], $0x80, s1, s7, $0xb8;
	[tilespmem:$0x19000] =	vst v63  }
0x1f4: {  	_ =	swait.ge [sflag:s9], $0x4000  }
0x1f5: {  	[sflag:s9] =	ssyncset.done $0x0  }
0x1f6: {  	s28 =	rddreg [dreg:$0x1c];
	[sflag:s9] =	ssyncadd.s32 $0xFFFFC000  }
0x1f7: {  	[spmem:s2] =	stream.indirect.scatter.add.f32 [tilespmem:s6], [sflag:$0x3], $0x80, s28, s7, $0xb8;
	[tilespmem:$0x19000] =	vst v63  }
0x1f8: {  	_ =	swait.ge [sflag:s10], $0x4000  }
0x1f9: {  	[sflag:s10] =	ssyncset.done $0x0  }
0x1fa: {  	s29 =	rddreg [dreg:$0x1d];
	[sflag:s10] =	ssyncadd.s32 $0xFFFFC000  }
0x1fb: {  	[spmem:s2] =	stream.indirect.scatter.add.f32 [tilespmem:s6], [sflag:$0x4], $0x80, s29, s7, $0xb8;
	[tilespmem:$0x19000] =	vst v63  }
0x1fc: {  	_ =	swait.ge [sflag:s11], $0x4000  }
0x1fd: {  	[sflag:s11] =	ssyncset.done $0x0  }
0x1fe: {  	s30 =	rddreg [dreg:$0x1e];
	[sflag:s11] =	ssyncadd.s32 $0xFFFFC000  }
0x1ff: {  	[spmem:s2] =	stream.indirect.scatter.add.f32 [tilespmem:s6], [sflag:$0x5], $0x80, s30, s7, $0xb8;
	[tilespmem:$0x19000] =	vst v63  }
0x200: {  	_ =	swait.ge [sflag:s8], $0x4000  }
0x201: {  	[sflag:s8] =	ssyncset.done $0x0  }
0x202: {  	s1 =	rddreg [dreg:$0x1f];
	[sflag:s8] =	ssyncadd.s32 $0xFFFFC000  }
0x203: {  	[spmem:s2] =	stream.indirect.scatter.add.f32 [tilespmem:s6], [sflag:$0x2], $0x80, s1, s7, $0xb8;
	[tilespmem:$0x19000] =	vst v63  }
0x204: {  	_ =	swait.ge [sflag:s9], $0x4000  }
0x205: {  	[sflag:s9] =	ssyncset.done $0x0  }
0x206: {  	[sflag:s9] =	ssyncadd.s32 $0xFFFFC000  }
0x207: {  	[spmem:s2] =	stream.indirect.scatter.add.f32 [tilespmem:s6], [sflag:$0x3], $0x80, s26, s7, $0xb8;
	[tilespmem:$0x19000] =	vst v63  }
0x208: {  	_ =	swait.ge [sflag:s10], $0x4000  }
0x209: {  	[sflag:s10] =	ssyncset.done $0x0  }
0x20a: {  	[sflag:s10] =	ssyncadd.s32 $0xFFFFC000  }
0x20b: {  	[spmem:s2] =	stream.indirect.scatter.add.f32 [tilespmem:s6], [sflag:$0x4], $0x80, s25, s7, $0xb8;
	[tilespmem:$0x19000] =	vst v63  }
0x20c: {  	_ =	swait.ge [sflag:s11], $0x4000  }
0x20d: {  	[sflag:s11] =	ssyncset.done $0x0  }
0x20e: {  	[sflag:s11] =	ssyncadd.s32 $0xFFFFC000  }
0x20f: {  	[spmem:s2] =	stream.indirect.scatter.add.f32 [tilespmem:s6], [sflag:$0x5], $0x80, s24, s7, $0xb8;
	[tilespmem:$0x19000] =	vst v63  }
0x210: {  	_ =	swait.ge [sflag:s8], $0x4000  }
0x211: {  	[sflag:s8] =	ssyncset.done $0x0  }
0x212: {  	[sflag:s8] =	ssyncadd.s32 $0xFFFFC000  }
0x213: {  	[spmem:s2] =	stream.indirect.scatter.add.f32 [tilespmem:s6], [sflag:$0x2], $0x80, s23, s7, $0xb8;
	[tilespmem:$0x19000] =	vst v63  }
0x214: {  	_ =	swait.ge [sflag:s9], $0x4000  }
0x215: {  	[sflag:s9] =	ssyncset.done $0x0  }
0x216: {  	[sflag:s9] =	ssyncadd.s32 $0xFFFFC000  }
0x217: {  	[spmem:s2] =	stream.indirect.scatter.add.f32 [tilespmem:s6], [sflag:$0x3], $0x80, s22, s7, $0xb8;
	[tilespmem:$0x19000] =	vst v63  }
0x218: {  	_ =	swait.ge [sflag:s10], $0x4000  }
0x219: {  	[sflag:s10] =	ssyncset.done $0x0  }
0x21a: {  	[sflag:s10] =	ssyncadd.s32 $0xFFFFC000  }
0x21b: {  	[spmem:s2] =	stream.indirect.scatter.add.f32 [tilespmem:s6], [sflag:$0x4], $0x80, s21, s7, $0xb8;
	[tilespmem:$0x19000] =	vst v63  }
0x21c: {  	_ =	swait.ge [sflag:s11], $0x4000  }
0x21d: {  	[sflag:s11] =	ssyncset.done $0x0  }
0x21e: {  	[sflag:s11] =	ssyncadd.s32 $0xFFFFC000  }
0x21f: {  	[spmem:s2] =	stream.indirect.scatter.add.f32 [tilespmem:s6], [sflag:$0x5], $0x80, s20, s7, $0xb8;
	[tilespmem:$0x19000] =	vst v63  }
0x220: {  	_ =	swait.ge [sflag:s8], $0x4000  }
0x221: {  	[sflag:s8] =	ssyncset.done $0x0  }
0x222: {  	[sflag:s8] =	ssyncadd.s32 $0xFFFFC000  }
0x223: {  	[spmem:s2] =	stream.indirect.scatter.add.f32 [tilespmem:s6], [sflag:$0x2], $0x80, s19, s7, $0xb8;
	[tilespmem:$0x19000] =	vst v63  }
0x224: {  	_ =	swait.ge [sflag:s9], $0x4000  }
0x225: {  	[sflag:s9] =	ssyncset.done $0x0  }
0x226: {  	[sflag:s9] =	ssyncadd.s32 $0xFFFFC000  }
0x227: {  	[spmem:s2] =	stream.indirect.scatter.add.f32 [tilespmem:s6], [sflag:$0x3], $0x80, s18, s7, $0xb8;
	[tilespmem:$0x19000] =	vst v63  }
0x228: {  	_ =	swait.ge [sflag:s10], $0x4000  }
0x229: {  	[sflag:s10] =	ssyncset.done $0x0  }
0x22a: {  	[sflag:s10] =	ssyncadd.s32 $0xFFFFC000  }
0x22b: {  	[spmem:s2] =	stream.indirect.scatter.add.f32 [tilespmem:s6], [sflag:$0x4], $0x80, s16, s7, $0xb8;
	[tilespmem:$0x19000] =	vst v63  }
0x22c: {  	_ =	swait.ge [sflag:s11], $0x4000  }
0x22d: {  	[sflag:s11] =	ssyncset.done $0x0  }
0x22e: {  	[sflag:s11] =	ssyncadd.s32 $0xFFFFC000  }
0x22f: {  	[spmem:s2] =	stream.indirect.scatter.add.f32 [tilespmem:s6], [sflag:$0x5], $0x80, s17, s7, $0xb8;
	[tilespmem:$0x19000] =	vst v63  }
0x230: {  	_ =	swait.ge [sflag:s8], $0x4000  }
0x231: {  	[sflag:s8] =	ssyncset.done $0x0  }
0x232: {  	[sflag:s8] =	ssyncadd.s32 $0xFFFFC000  }
0x233: {  	[spmem:s2] =	stream.indirect.scatter.add.f32 [tilespmem:s6], [sflag:$0x2], $0x80, s15, s7, $0xb8;
	[tilespmem:$0x19000] =	vst v63  }
0x234: {  	_ =	swait.ge [sflag:s9], $0x4000  }
0x235: {  	[sflag:s9] =	ssyncset.done $0x0  }
0x236: {  	[sflag:s9] =	ssyncadd.s32 $0xFFFFC000  }
0x237: {  	[spmem:s2] =	stream.indirect.scatter.add.f32 [tilespmem:s6], [sflag:$0x3], $0x80, s14, s7, $0xb8;
	[tilespmem:$0x19000] =	vst v63  }
0x238: {  	_ =	swait.ge [sflag:s10], $0x4000  }
0x239: {  	[sflag:s10] =	ssyncset.done $0x0  }
0x23a: {  	[sflag:s10] =	ssyncadd.s32 $0xFFFFC000  }
0x23b: {  	[spmem:s2] =	stream.indirect.scatter.add.f32 [tilespmem:s6], [sflag:$0x4], $0x80, s13, s7, $0xb8;
	[tilespmem:$0x19000] =	vst v63  }
0x23c: {  	_ =	swait.ge [sflag:s11], $0x4000  }
0x23d: {  	[sflag:s11] =	ssyncset.done $0x0  }
0x23e: {  	[sflag:s11] =	ssyncadd.s32 $0xFFFFC000  }
0x23f: {  	[spmem:s2] =	stream.indirect.scatter.add.f32 [tilespmem:s6], [sflag:$0x5], $0x80, s12, s7, $0xb8;
	[tilespmem:$0x19000] =	vst v63  }
0x240: {  	_ =	swait.ge [sflag:s8], $0x4000  }
0x241: {  	[sflag:s8] =	ssyncset.done $0x0  }
0x242: {  	[sflag:s8] =	ssyncadd.s32 $0xFFFFC000  }
0x243: {  	_ =	swait.ge [sflag:s9], $0x4000  }
0x244: {  	[sflag:s9] =	ssyncset.done $0x0  }
0x245: {  	[sflag:s9] =	ssyncadd.s32 $0xFFFFC000  }
0x246: {  	_ =	swait.ge [sflag:s10], $0x4000  }
0x247: {  	[sflag:s10] =	ssyncset.done $0x0  }
0x248: {  	[sflag:s10] =	ssyncadd.s32 $0xFFFFC000  }
0x249: {  	_ =	swait.ge [sflag:s11], $0x4000  }
0x24a: {  	[sflag:s11] =	ssyncset.done $0x0  }
0x24b: {  	[sflag:s11] =	ssyncadd.s32 $0xFFFFC000  }
0x24c: {  	[bflag:$0x0] =	sbarrier.arrive $0xFFFF  }
0x24d: {  	s29 =	sor.u32 $0x1C06, s3;
	s28 =	rddreg [dreg:$0x7]  }
0x24e: {  	[hbm:s28], [sflag:s29] =	dma.local [spmem:s4], $0x2780  }
0x24f: {  	_ =	swait.ge [sflag:s5], $0x2780  }
0x250: {  	[sflag:s5] =	ssyncset.done $0x0  }
0x251: {  	[sflag:s5] =	ssyncadd.s32 $0xFFFFD880  }
0x252: {  	_ =	sfence.sel $0x180000  }
0x253: {  	s30 =	stileid.u32;
	[bflag:$0x0] =	sbarrier.arrive $0xFFFF  }
0x254: {  	p0 =	sne.s32 s30, $0x0;
	_ =	strace $0x90000047  }
0x255: {  	s0 =	sadd.s32 @!p0 $0x100000, s31;
	[bflag:$0x2] =	sbarrier.arrive $0xFFFF  }
0x256: {  	[sflag:s0] =	ssyncadd.tile.s32 @!p0 $0x1;
	_ =	shalt  }
.LBB2_2:
.Ltmp3:
0x257: {  	(pc) =	sbr.rel .LBB2_5-.Ltmp3, $3  }
0x258: {  	_ =	sdelay $0x1  }
0x259: {  	s31 =	rddreg [dreg:$0x2]  }
0x25a: {  	s3 =	sld [smem:$0x7FD]  }
.Lfunc_end2:
_tile_overlayer_lowered:
.L_overlay_start_2:
0x25b: {  	(tag) =	ssettag $0x2  }
0x25c: {  	s0 =	rddreg [dreg:$0x0];
	s2 =	stileid.u32  }
0x25d: {  	s1 =	rddreg [dreg:$0x1];
	p0 =	sne.s32 s2, $0x0  }
0x25e: {  	s3 =	rddreg [dreg:$0x2];
	[bflag:$0x3] =	sbarrier.arrive $0xFFFF;
	s2 =	simm.s32 @!p0 $0x1C06  }
0x25f: {  	[timem:s3], [sflag:s2] =	dma.local @!p0 [hbm:s0], s1  }
0x260: {  	s0 =	simm.s32 @!p0 $0x6  }
0x261: {  	_ =	swait.ge @!p0 [sflag:s0], s1  }
0x262: {  	s1 =	ssub.s32 @!p0 $0x0, s1;
	[sflag:s0] =	ssyncset.done @!p0 $0x0  }
0x263: {  	[sflag:s0] =	ssyncadd.s32 @!p0 s1  }
0x264: {  	[bflag:$0x3] =	sbarrier.arrive $0xFFFF  }
0x265: {  	_ =	shalt  }

// kernel: kernel.14.cloned.1.call-start
scs
__scs_entry_jumppad:
0x0: {  	(pc) =	sbr.rel $0x88, $3  }
0x1: {  	(tag) =	ssettag $0x0;
	lr =	simm.s32 $0x1  }
0x2: {  	[smem:$0x3F90] =	sst lr;
	_ =	strace $0xD0000000  }
0x3: {  	_ = 	snop  }
0x4: {  	_ = 	snop  }
0x5: {  	_ = 	snop  }
0x6: {  	_ = 	snop  }
0x7: {  	_ = 	snop  }
__scs_overlays_trampoline_lowered:
0x8: {  	[smem:$0x3F9F] =	sst s0  }
0x9: {  	[smem:$0x3FA0] =	sst s1  }
0xa: {  	[smem:$0x3FA1] =	sst s2  }
0xb: {  	[smem:$0x3FA2] =	sst s3  }
0xc: {  	[smem:$0x3FA3] =	sst s4  }
0xd: {  	[smem:$0x3FA4] =	sst s5  }
0xe: {  	[smem:$0x3FA5] =	sst s6  }
0xf: {  	[smem:$0x3FA6] =	sst s7  }
0x10: {  	[smem:$0x3FA7] =	sst s8  }
0x11: {  	[smem:$0x3FA8] =	sst s9;
	s0 =	simm.s32 @!p0 $0x0  }
0x12: {  	s1 =	sld [smem:$0x3F8E];
	s0 =	simm.s32 @p0 $0x1  }
0x13: {  	[smem:$0x3FA9] =	sst s0;
	s0 =	simm.s32 @!p1 $0x0  }
0x14: {  	s2 =	sld [smem:$0x3F8D];
	s0 =	simm.s32 @p1 $0x1  }
0x15: {  	[smem:$0x3FAA] =	sst s0;
	s0 =	simm.s32 @!p2 $0x0  }
0x16: {  	s3 =	sld [smem:$0x3FDB];
	s0 =	simm.s32 @p2 $0x1  }
0x17: {  	s4 =	simm.s32 $0x1BF5;
	[smem:$0x3FAC] =	sst s0  }
0x18: {  	s0 =	sld [smem:$0x3F8F];
	_ =	swait.ge [sflag:s4], $0x0  }
0x19: {  	s7 =	sld [smem:$0x3F90]  }
0x1a: {  	s8 =	sadd.s32 $0xFFFFE003, lr  }
0x1b: {  	s9 =	sadd.s32 $0xFFFFFEF7, lr;
	s5 =	simm.s32 $0xFFFFFFFF;
	p2 =	slt.u32 s8, $0xFFFFF086  }
0x1c: {  	p1 =	slt.u32 s9, $0xF7A;
	s5 =	simm.s32 @!p2 $0x0  }
0x1d: {  	s5 =	simm.s32 @p1 $0x1;
	p0 =	seq.s32 s7, s2  }
0x1e: {  	s7 =	smul.u32 @!p0 $0xF7A, s2;
	p2 =	seq.s32 @!p0 s5, $0x0  }
0x1f: {  	s9 =	smul.u32 $0xF7A, s1;
	s8 =	simm.s32 @!p0 $0x1BF5;
	p2 =	por !p2, p0  }
0x20: {  	[sflag:s8] =	ssyncset.s32 @!p0 $0xFFFFF086;
	s6 =	sadd.s32 @!p0 s3, s7;
	s7 =	simm.s32 @!p0 $0x108  }
0x21: {  	s3 =	sadd.s32 s3, s9;
	s6 =	sadd.s32 @!p0 $0x88, s6;
	s7 =	simm.s32 @p2 $0x1082  }
0x22: {  	[simem:s7], [sflag:s8] =	dma.local @!p0 [hbm:s6], $0xF7A  }
0x23: {  	s9 =	sor.u32 $0xD0000000, s2;
	s6 =	simm.s32 $0x108;
	_ =	swait.ge @!p0 [sflag:s8], $0x0  }
0x24: {  	s3 =	sadd.s32 $0x88, s3;
	s6 =	simm.s32 @!p1 $0x1082;
	[sflag:s4] =	ssyncset.s32 $0xFFFFF086  }
0x25: {  	[simem:s6], [sflag:s4] =	dma.local [hbm:s3], $0xF7A  }
0x26: {  	[smem:$0x3F90] =	sst s1;
	(tag) =	ssettag s2;
	_ =	strace s9  }
0x27: {  	s1 =	sld [smem:$0x3FA0]  }
0x28: {  	s2 =	sld [smem:$0x3FA1]  }
0x29: {  	s4 =	sld [smem:$0x3FA3]  }
0x2a: {  	p0 =	seq.s32 s5, $0x0;
	s5 =	sld [smem:$0x3FA4]  }
0x2b: {  	s6 =	sld [smem:$0x3FA5]  }
0x2c: {  	s7 =	sld [smem:$0x3FA6]  }
0x2d: {  	s3 =	simm.s32 $0x108;
	s8 =	sld [smem:$0x3FA7]  }
0x2e: {  	s3 =	simm.s32 @!p0 $0x1082;
	s9 =	sld [smem:$0x3FA8]  }
0x2f: {  	lr =	sadd.s32 s0, s3;
	s0 =	sld [smem:$0x3F9F]  }
0x30: {  	s3 =	sld [smem:$0x3FA2]  }
0x31: {  	[smem:$0x3FAB] =	sst s10  }
0x32: {  	s10 =	sld [smem:$0x3FA9];
	_ =	sdelay $0x3  }
0x33: {  	p0 =	seq.s32 s10, $0x1;
	s10 =	sld [smem:$0x3FAB];
	_ =	sdelay $0x3  }
0x34: {  	[smem:$0x3FAB] =	sst s10  }
0x35: {  	s10 =	sld [smem:$0x3FAA];
	_ =	sdelay $0x3  }
0x36: {  	p1 =	seq.s32 s10, $0x1;
	s10 =	sld [smem:$0x3FAB];
	_ =	sdelay $0x3  }
0x37: {  	[smem:$0x3FAB] =	sst s10  }
0x38: {  	s10 =	sld [smem:$0x3FAC]  }
0x39: {  	_ = 	snop;
	(pc) =	sbr.ind lr, $3  }
0x3a: {  	_ = 	snop  }
0x3b: {  	_ = 	snop  }
0x3c: {  	p2 =	seq.s32 s10, $0x1;
	s10 =	sld [smem:$0x3FAB]  }
0x3d: {  	_ =	shalt  }
0x3e: {  	_ =	shalt  }
0x3f: {  	_ =	shalt  }
0x40: {  	_ =	shalt  }
0x41: {  	_ =	shalt  }
0x42: {  	_ =	shalt  }
0x43: {  	_ =	shalt  }
0x44: {  	_ =	shalt  }
0x45: {  	_ =	shalt  }
0x46: {  	_ =	shalt  }
0x47: {  	_ =	shalt  }
0x48: {  	_ =	shalt  }
0x49: {  	_ =	shalt  }
0x4a: {  	_ =	shalt  }
0x4b: {  	_ =	shalt  }
0x4c: {  	_ =	shalt  }
0x4d: {  	_ =	shalt  }
0x4e: {  	_ =	shalt  }
0x4f: {  	_ =	shalt  }
0x50: {  	_ =	shalt  }
0x51: {  	_ =	shalt  }
0x52: {  	_ =	shalt  }
0x53: {  	_ =	shalt  }
0x54: {  	_ =	shalt  }
0x55: {  	_ =	shalt  }
0x56: {  	_ =	shalt  }
0x57: {  	_ =	shalt  }
0x58: {  	_ =	shalt  }
0x59: {  	_ =	shalt  }
0x5a: {  	_ =	shalt  }
0x5b: {  	_ =	shalt  }
0x5c: {  	_ =	shalt  }
0x5d: {  	_ =	shalt  }
0x5e: {  	_ =	shalt  }
0x5f: {  	_ =	shalt  }
0x60: {  	_ =	shalt  }
0x61: {  	_ =	shalt  }
0x62: {  	_ =	shalt  }
0x63: {  	_ =	shalt  }
0x64: {  	_ =	shalt  }
0x65: {  	_ =	shalt  }
0x66: {  	_ =	shalt  }
0x67: {  	_ =	shalt  }
0x68: {  	_ =	shalt  }
0x69: {  	_ =	shalt  }
0x6a: {  	_ =	shalt  }
0x6b: {  	_ =	shalt  }
0x6c: {  	_ =	shalt  }
0x6d: {  	_ =	shalt  }
0x6e: {  	_ =	shalt  }
0x6f: {  	_ =	shalt  }
0x70: {  	_ =	shalt  }
0x71: {  	_ =	shalt  }
0x72: {  	_ =	shalt  }
0x73: {  	_ =	shalt  }
0x74: {  	_ =	shalt  }
0x75: {  	_ =	shalt  }
0x76: {  	_ =	shalt  }
0x77: {  	_ =	shalt  }
0x78: {  	_ =	shalt  }
0x79: {  	_ =	shalt  }
0x7a: {  	_ =	shalt  }
0x7b: {  	_ =	shalt  }
0x7c: {  	_ =	shalt  }
0x7d: {  	_ =	shalt  }
0x7e: {  	_ =	shalt  }
0x7f: {  	_ =	shalt  }
0x80: {  	_ =	shalt  }
0x81: {  	_ =	shalt  }
0x82: {  	_ =	shalt  }
0x83: {  	_ =	shalt  }
0x84: {  	_ =	shalt  }
0x85: {  	_ =	shalt  }
0x86: {  	_ =	shalt  }
0x87: {  	_ =	shalt  }
.Lfunc_end0:
.L_simem_size_0:
called_computation.1_lowered:
.L_overlay_start_0:
0x88: {  	s2 =	sld [smem:$0x3FD9]  }
0x89: {  	s3 =	sld [smem:$0x3FFE];
	_ =	sdelay $0x1  }
0x8a: {  	s1 =	srdreg.scid  }
0x8b: {  	s0 =	sand.u32 $0x1, s1  }
0x8c: {  	s16 =	sshll.u32 s0, $0xA;
	s2 =	sadd.s32 s3, s2  }
0x8d: {  	s2 =	sadd.s32 s2, s16  }
0x8e: {  	[smem:$0x3FB7] =	sst s2  }
0x8f: {  	_ = 	snop  }
0x90: {  	(tm) =	ssettm $0x1  }
0x91: {  	s17 =	sld [smem:$0x3FFB];
	_ =	sdelay $0x3  }
0x92: {  	_ =	strace s17  }
0x93: {  	s2 =	sld [smem:$0x3FFC];
	_ =	sdelay $0x3  }
0x94: {  	_ =	strace s2  }
0x95: {  	s2 =	sld [smem:$0x3FFD];
	_ =	sdelay $0x3  }
0x96: {  	_ =	strace s2  }
0x97: {  	_ =	strace $0x8FFFFFFF  }
0x98: {  	s18 =	sld [smem:$0x3FDB];
	_ =	sdelay $0x1  }
0x99: {  	s19 =	simm.s32 $_scs_section_size  }
0x9a: {  	s4 =	simm.s32 $_size__tile_overlayer_lowered;
	s5 =	simm.s32 $_tile_overlayer_lowered  }
0x9b: {  	s22 =	simm.s32 $0x1BFF;
	s21 =	sshll.u32 s5, $0x1;
	s2 =	sadd.s32 s19, s18  }
0x9c: {  	s6 =	simm.s32 $0x0;
	s20 =	sshll.u32 s4, $0x1;
	s4 =	sadd.s32 s21, s2  }
0x9d: {  	[timem:s6], [sflag:s22] =	dma.local [hbm:s4], s20  }
0x9e: {  	_ =	swait.ge [sflag:s22], s20  }
0x9f: {  	s3 =	ssub.s32 $0x0, s20;
	[sflag:s22] =	ssyncset.done $0x0  }
0xa0: {  	[sflag:s22] =	ssyncadd.s32 s3;
	_ =	sdelay $0x1  }
0xa1: {  	s23 =	simm.s32 $0x1B8B  }
0xa2: {  	_ =	swait.ge [sflag:s23], $0x1  }
0xa3: {  	[sflag:s23] =	ssyncset.done $0x0  }
0xa4: {  	s25 =	simm.s32 $0x1B8E;
	s24 =	sld [smem:$0x3FFE];
	[sflag:s23] =	ssyncadd.s32 $0xFFFFFFFF  }
0xa5: {  	s26 =	simm.s32 $execute0_lowered;
	[smem:$0x3FD2] =	sst s25  }
0xa6: {  	s4 =	sshll.u32 s26, $0x1;
	_ =	strace $0x80000049;
	[dreg:$0x1] =	wrdreg $0xFFFFFFFF  }
0xa7: {  	s28 =	simm.s32 $_size_execute0_lowered;
	s2 =	sadd.s32 s2, s4;
	[dreg:$0x0] =	wrdreg $0x0  }
0xa8: {  	s4 =	sshll.u32 s28, $0x1;
	[dreg:$0x2] =	wrdreg s2  }
0xa9: {  	[dreg:$0x3] =	wrdreg s4  }
0xaa: {  	[dreg:$0x4] =	wrdreg $0xC0  }
0xab: {  	_ =	task [dreg:s6], $0x5FFFF  }
0xac: {  	[dreg:$0x1] =	wrdreg $0xFFFFFFFF  }
0xad: {  	[dreg:$0x0] =	wrdreg $0x60  }
0xae: {  	[dreg:$0x2] =	wrdreg s24  }
0xaf: {  	[dreg:$0x3] =	wrdreg $0x0  }
0xb0: {  	[dreg:$0x4] =	wrdreg $0x9  }
0xb1: {  	_ =	task.clear_ibuf [dreg:s6], $0x5FFFF;
	_ =	strace $0x90000049  }
0xb2: {  	s29 =	simm.s32 $0x9;
	_ =	strace $0x8000004B  }
0xb3: {  	_ =	swait.ge [sflag:s29], $0x1  }
0xb4: {  	[sflag:s29] =	ssyncadd.s32 $0xFFFFFFFF  }
0xb5: {  	_ =	strace $0x9000004B  }
0xb6: {  	_ =	sfence  }
0xb7: {  	s30 =	sld [smem:$0x0];
	_ =	sdelay $0x2  }
0xb8: {  	s31 =	sshll.u32 s1, $0xD;
	s1 =	sshrl.u32 s1, $0x2  }
0xb9: {  	s3 =	sand.u32 $0x4000, s31;
	s1 =	sadd.s32 s1, s30  }
0xba: {  	s0 =	sor.u32 s3, s0;
	s1 =	sshll.u32 s1, $0x11  }
0xbb: {  	s0 =	sor.u32 s1, s0  }
0xbc: {  	s0 =	sadd.s32 $0x8F2B, s0  }
0xbd: {  	[sflag:s0] =	ssyncadd.remote.s32 $0x1  }
0xbe: {  	_ =	sfence.sel $0xFFFF  }
0xbf: {  	[dreg:$0x0] =	wrdreg $0xFFFFFFFF;
	(pc) =	sbr.abs _section_cstart, $3  }
0xc0: {  	[dreg:$0x1] =	wrdreg $0xFFFFFFFF  }
0xc1: {  	_ =	task.clear_ibuf [dreg:s6], $0x2FFFF;
	_ =	strace $0x9FFFFFFF  }
0xc2: {  	(tm) =	ssettm $0x7FFFFFFF  }
0xc3: {  	_ =	shalt  }
tec
execute0_lowered:
.L_overlay_start_1:
0x0: {  	(tag) =	ssettag $0x1  }
0x1: {  	s0 =	rddreg [dreg:$0x0]  }
0x2: {  	s2 =	rddreg [dreg:$0x1];
	s3 =	simm.s32 $0x0;
	s1 =	stileid.u32  }
0x3: {  	s6 =	srdreg.scid;
	s17 =	simm.s32 $0x15000;
	s18 =	simm.s32 $0x80  }
0x4: {  	s19 =	simm.s32 $0x16400;
	s20 =	simm.s32 $0x13C80;
	s21 =	simm.s32 $0x1A400  }
0x5: {  	s28 =	simm.s32 $0x16300;
	s29 =	simm.s32 $0x16380;
	s5 =	smul.u32 $0x13C00, s1  }
0x6: {  	s30 =	simm.s32 $0x0;
	[smem:$0x7FF] =	sst s3;
	s9 =	smul.u32 $0x4F000, s1  }
0x7: {  	s4 =	sadd.s32 $0x2FE00, s0;
	s6 =	sand.u32 $0x1, s6;
	s13 =	smul.u32 $0x2800, s1  }
0x8: {  	s10 =	sadd.s32 $0xCD800, s0;
	s11 =	sadd.s32 $0x3600, s0;
	s8 =	smul.u32 $0x13C000, s6  }
0x9: {  	_ =	strace $0x8000004A;
	s22 =	ssub.s32 $0x2, s6;
	s12 =	smul.u32 $0x28000, s6  }
0xa: {  	s6 =	sshll.u32 s1, $0x6;
	s7 =	sshrl.u32 s5, $0x3;
	s23 =	sshrl.u32 s22, $0x1  }
0xb: {  	s24 =	sshrl.u32 s9, $0x2;
	s31 =	sadd.s32 $0x1400, s13;
	s7 =	sadd.s32 s7, s0  }
0xc: {  	s5 =	sadd.s32 s5, s8;
	s14 =	ssub.s32 s22, s23;
	s15 =	sadd.s32 s24, s2  }
0xd: {  	s25 =	sadd.s32 s13, s12;
	s12 =	sadd.s32 s12, s31;
	s13 =	sshrl.u32 s13, $0x3  }
0xe: {  	s16 =	sshrl.u32 s31, $0x3;
	s22 =	simm.s32 $0x1;
	s23 =	simm.s32 $0x2  }
0xf: {  	s24 =	simm.s32 $0x3;
	s5 =	sshrl.u32 s5, $0x3;
	s26 =	sshrl.u32 s25, $0x3  }
0x10: {  	s12 =	sshrl.u32 s12, $0x3;
	s9 =	sadd.s32 s11, s13;
	s11 =	sadd.s32 s11, s16  }
0x11: {  	s13 =	smax.u32 s14, $0x1;
	s14 =	sshrl.u32 s15, $0x3;
	s15 =	simm.s32 $0x13C00  }
0x12: {  	s16 =	simm.s32 $0x6;
	s25 =	simm.s32 $0x4;
	s0 =	sadd.s32 s5, s0  }
0x13: {  	s5 =	sadd.s32 $0x8600, s7;
	s7 =	sor.u32 $0x1C01, s6;
	s8 =	sadd.s32 s10, s26  }
0x14: {  	s10 =	sadd.s32 s10, s12;
	s26 =	simm.s32 $0x5;
	s12 =	sadd.s32 $0x7E000, s0  }
.LBB2_1:
0x15: {  	[spmem:s14], [sflag:s7] =	dma.local [hbm:s5], $0x2780  }
0x16: {  	[tilespmem:s15], [sflag:$0x6] =	stream.linear.gather [hbm4b:s8+s3], $0x1400, $0x38;
	[tilespmem:$0x1E400] =	vst v63  }
0x17: {  	_ =	swait.ge [sflag:s16], $0x1400  }
0x18: {  	[sflag:s16] =	ssyncset.done $0x0  }
0x19: {  	[sflag:s16] =	ssyncadd.s32 $0xFFFFEC00  }
0x1a: {  	[tilespmem:s17], [sflag:$0x6] =	stream.linear.gather [hbm4b:s9+s3], $0x1400, $0x38;
	[tilespmem:$0x1E400] =	vst v63  }
0x1b: {  	_ =	swait.ge [sflag:s16], $0x1400  }
0x1c: {  	[sflag:s16] =	ssyncset.done $0x0  }
0x1d: {  	[sflag:s16] =	ssyncadd.s32 $0xFFFFEC00  }
0x1e: {  	[tilespmem:s19], [sflag:$0x2] =	stream.indirect.gather [hbm4b:s4+s18], $0x80, s15, s18, $0xb8;
	[tilespmem:$0x1E400] =	vst v63  }
0x1f: {  	_ = 	snop  }
0x20: {  	[tilespmem:s21], [sflag:$0x3] =	stream.indirect.gather [hbm4b:s4+s18], $0x80, s20, s18, $0xb8;
	[tilespmem:$0x1E400] =	vst v63  }
0x21: {  	_ =	swait.ge [sflag:s22], $0x2780  }
0x22: {  	[sflag:s22] =	ssyncset.done $0x0  }
0x23: {  	[sflag:s22] =	ssyncadd.s32 $0xFFFFD880  }
0x24: {  	[bflag:$0x0] =	sbarrier.arrive $0xFFFF  }
0x25: {  	_ =	swait.ge [sflag:s23], $0x4000  }
0x26: {  	[sflag:s23] =	ssyncset.done $0x0  }
0x27: {  	s0 =	simm.s32 $0x15000;
	[sflag:s23] =	ssyncadd.s32 $0xFFFFC000  }
0x28: {  	[spmem:s2] =	stream.indirect.scatter.add.f32 [tilespmem:s19], [sflag:$0x4], $0x80, s0, s18, $0xb8;
	[tilespmem:$0x1E400] =	vst v63  }
0x29: {  	_ =	swait.ge [sflag:s24], $0x4000  }
0x2a: {  	[sflag:s24] =	ssyncset.done $0x0  }
0x2b: {  	s1 =	simm.s32 $0x15080;
	[sflag:s24] =	ssyncadd.s32 $0xFFFFC000  }
0x2c: {  	[spmem:s2] =	stream.indirect.scatter.add.f32 [tilespmem:s21], [sflag:$0x5], $0x80, s1, s18, $0xb8;
	[tilespmem:$0x1E400] =	vst v63  }
0x2d: {  	_ =	swait.ge [sflag:s25], $0x4000  }
0x2e: {  	[sflag:s25] =	ssyncset.done $0x0  }
0x2f: {  	s1 =	simm.s32 $0x13D00;
	[sflag:s25] =	ssyncadd.s32 $0xFFFFC000  }
0x30: {  	[tilespmem:s19], [sflag:$0x2] =	stream.indirect.gather [hbm4b:s4+s18], $0x80, s1, s18, $0xb8;
	[tilespmem:$0x1E400] =	vst v63  }
0x31: {  	_ =	swait.ge [sflag:s26], $0x4000  }
0x32: {  	[sflag:s26] =	ssyncset.done $0x0  }
0x33: {  	s31 =	simm.s32 $0x400;
	s0 =	simm.s32 $0x13D80;
	[sflag:s26] =	ssyncadd.s32 $0xFFFFC000  }
.LBB2_2:
0x34: {  	[tilespmem:s21], [sflag:$0x3] =	stream.indirect.gather [hbm4b:s4+s18], $0x80, s0, s18, $0xb8;
	[tilespmem:$0x1E400] =	vst v63  }
0x35: {  	s0 =	smov.u32 s31  }
0x36: {  	p0 =	sne.s32 s31, $0x4800;
	s31 =	sadd.s32 $0x400, s31;
	_ =	swait.ge [sflag:s23], $0x4000  }
0x37: {  	s0 =	sshra.s32 s0, $0x2;
	[sflag:s23] =	ssyncset.done $0x0  }
0x38: {  	s1 =	sadd.s32 $0x15000, s0;
	[sflag:s23] =	ssyncadd.s32 $0xFFFFC000  }
0x39: {  	[spmem:s2] =	stream.indirect.scatter.add.f32 [tilespmem:s19], [sflag:$0x4], $0x80, s1, s18, $0xb8;
	[tilespmem:$0x1E400] =	vst v63  }
0x3a: {  	_ =	swait.ge [sflag:s24], $0x4000  }
0x3b: {  	[sflag:s24] =	ssyncset.done $0x0  }
0x3c: {  	s1 =	sadd.s32 $0x15080, s0;
	[sflag:s24] =	ssyncadd.s32 $0xFFFFC000  }
0x3d: {  	[spmem:s2] =	stream.indirect.scatter.add.f32 [tilespmem:s21], [sflag:$0x5], $0x80, s1, s18, $0xb8;
	[tilespmem:$0x1E400] =	vst v63  }
0x3e: {  	_ =	swait.ge [sflag:s25], $0x4000  }
0x3f: {  	[sflag:s25] =	ssyncset.done $0x0  }
.Ltmp0:
0x40: {  	s1 =	sadd.s32 $0x13D00, s0;
	[sflag:s25] =	ssyncadd.s32 $0xFFFFC000;
	(pc) =	sbr.rel @p0 .LBB2_2-.Ltmp0, $4  }
0x41: {  	[tilespmem:s19], [sflag:$0x2] =	stream.indirect.gather [hbm4b:s4+s18], $0x80, s1, s18, $0xb8;
	[tilespmem:$0x1E400] =	vst v63  }
0x42: {  	_ =	swait.ge [sflag:s26], $0x4000  }
0x43: {  	[sflag:s26] =	ssyncset.done $0x0  }
0x44: {  	s0 =	sadd.s32 $0x13D80, s0;
	[sflag:s26] =	ssyncadd.s32 $0xFFFFC000  }
0x45: {  	[tilespmem:s21], [sflag:$0x3] =	stream.indirect.gather [hbm4b:s4+s18], $0x80, s0, s18, $0xb8;
	[tilespmem:$0x1E400] =	vst v63  }
0x46: {  	_ =	swait.ge [sflag:s23], $0x4000  }
0x47: {  	[sflag:s23] =	ssyncset.done $0x0  }
0x48: {  	[sflag:s23] =	ssyncadd.s32 $0xFFFFC000  }
0x49: {  	[spmem:s2] =	stream.indirect.scatter.add.f32 [tilespmem:s19], [sflag:$0x4], $0x80, s28, s18, $0xb8;
	[tilespmem:$0x1E400] =	vst v63  }
0x4a: {  	_ =	swait.ge [sflag:s24], $0x4000  }
0x4b: {  	[sflag:s24] =	ssyncset.done $0x0  }
0x4c: {  	[sflag:s24] =	ssyncadd.s32 $0xFFFFC000  }
0x4d: {  	[spmem:s2] =	stream.indirect.scatter.add.f32 [tilespmem:s21], [sflag:$0x5], $0x80, s29, s18, $0xb8;
	[tilespmem:$0x1E400] =	vst v63  }
0x4e: {  	_ =	swait.ge [sflag:s25], $0x4000  }
0x4f: {  	[sflag:s25] =	ssyncset.done $0x0  }
0x50: {  	[sflag:s25] =	ssyncadd.s32 $0xFFFFC000  }
0x51: {  	_ =	swait.ge [sflag:s26], $0x4000  }
0x52: {  	[sflag:s26] =	ssyncset.done $0x0  }
0x53: {  	s1 =	simm.s32 $0x0;
	[sflag:s26] =	ssyncadd.s32 $0xFFFFC000  }
0x54: {  	[tilespmem:s15], [sflag:$0x6] =	stream.linear.gather [hbm4b:s10+s1], $0x1400, $0x38;
	[tilespmem:$0x1E400] =	vst v63  }
0x55: {  	_ =	swait.ge [sflag:s16], $0x1400  }
0x56: {  	[sflag:s16] =	ssyncset.done $0x0  }
0x57: {  	[sflag:s16] =	ssyncadd.s32 $0xFFFFEC00  }
0x58: {  	[tilespmem:s17], [sflag:$0x6] =	stream.linear.gather [hbm4b:s11+s1], $0x1400, $0x38;
	[tilespmem:$0x1E400] =	vst v63  }
0x59: {  	_ =	swait.ge [sflag:s16], $0x1400  }
0x5a: {  	[sflag:s16] =	ssyncset.done $0x0  }
0x5b: {  	[sflag:s16] =	ssyncadd.s32 $0xFFFFEC00  }
0x5c: {  	[tilespmem:s19], [sflag:$0x2] =	stream.indirect.gather [hbm4b:s4+s18], $0x80, s15, s18, $0xb8;
	[tilespmem:$0x1E400] =	vst v63  }
0x5d: {  	_ = 	snop  }
0x5e: {  	[tilespmem:s21], [sflag:$0x3] =	stream.indirect.gather [hbm4b:s4+s18], $0x80, s20, s18, $0xb8;
	[tilespmem:$0x1E400] =	vst v63  }
0x5f: {  	_ =	swait.ge [sflag:s23], $0x4000  }
0x60: {  	[sflag:s23] =	ssyncset.done $0x0  }
0x61: {  	s1 =	simm.s32 $0x15000;
	[sflag:s23] =	ssyncadd.s32 $0xFFFFC000  }
0x62: {  	[spmem:s2] =	stream.indirect.scatter.add.f32 [tilespmem:s19], [sflag:$0x4], $0x80, s1, s18, $0xb8;
	[tilespmem:$0x1E400] =	vst v63  }
0x63: {  	_ =	swait.ge [sflag:s24], $0x4000  }
0x64: {  	[sflag:s24] =	ssyncset.done $0x0  }
0x65: {  	s1 =	simm.s32 $0x15080;
	[sflag:s24] =	ssyncadd.s32 $0xFFFFC000  }
0x66: {  	[spmem:s2] =	stream.indirect.scatter.add.f32 [tilespmem:s21], [sflag:$0x5], $0x80, s1, s18, $0xb8;
	[tilespmem:$0x1E400] =	vst v63  }
0x67: {  	_ =	swait.ge [sflag:s25], $0x4000  }
0x68: {  	[sflag:s25] =	ssyncset.done $0x0  }
0x69: {  	s1 =	simm.s32 $0x13D00;
	[sflag:s25] =	ssyncadd.s32 $0xFFFFC000  }
0x6a: {  	[tilespmem:s19], [sflag:$0x2] =	stream.indirect.gather [hbm4b:s4+s18], $0x80, s1, s18, $0xb8;
	[tilespmem:$0x1E400] =	vst v63  }
0x6b: {  	_ =	swait.ge [sflag:s26], $0x4000  }
0x6c: {  	[sflag:s26] =	ssyncset.done $0x0  }
0x6d: {  	s31 =	simm.s32 $0x400;
	s0 =	simm.s32 $0x13D80;
	[sflag:s26] =	ssyncadd.s32 $0xFFFFC000  }
.LBB2_4:
0x6e: {  	[tilespmem:s21], [sflag:$0x3] =	stream.indirect.gather [hbm4b:s4+s18], $0x80, s0, s18, $0xb8;
	[tilespmem:$0x1E400] =	vst v63  }
0x6f: {  	s0 =	smov.u32 s31  }
0x70: {  	p0 =	sne.s32 s31, $0x4800;
	s31 =	sadd.s32 $0x400, s31;
	_ =	swait.ge [sflag:s23], $0x4000  }
0x71: {  	s0 =	sshra.s32 s0, $0x2;
	[sflag:s23] =	ssyncset.done $0x0  }
0x72: {  	s1 =	sadd.s32 $0x15000, s0;
	[sflag:s23] =	ssyncadd.s32 $0xFFFFC000  }
0x73: {  	[spmem:s2] =	stream.indirect.scatter.add.f32 [tilespmem:s19], [sflag:$0x4], $0x80, s1, s18, $0xb8;
	[tilespmem:$0x1E400] =	vst v63  }
0x74: {  	_ =	swait.ge [sflag:s24], $0x4000  }
0x75: {  	[sflag:s24] =	ssyncset.done $0x0  }
0x76: {  	s1 =	sadd.s32 $0x15080, s0;
	[sflag:s24] =	ssyncadd.s32 $0xFFFFC000  }
0x77: {  	[spmem:s2] =	stream.indirect.scatter.add.f32 [tilespmem:s21], [sflag:$0x5], $0x80, s1, s18, $0xb8;
	[tilespmem:$0x1E400] =	vst v63  }
0x78: {  	_ =	swait.ge [sflag:s25], $0x4000  }
0x79: {  	[sflag:s25] =	ssyncset.done $0x0  }
.Ltmp1:
0x7a: {  	s1 =	sadd.s32 $0x13D00, s0;
	[sflag:s25] =	ssyncadd.s32 $0xFFFFC000;
	(pc) =	sbr.rel @p0 .LBB2_4-.Ltmp1, $4  }
0x7b: {  	[tilespmem:s19], [sflag:$0x2] =	stream.indirect.gather [hbm4b:s4+s18], $0x80, s1, s18, $0xb8;
	[tilespmem:$0x1E400] =	vst v63  }
0x7c: {  	_ =	swait.ge [sflag:s26], $0x4000  }
0x7d: {  	[sflag:s26] =	ssyncset.done $0x0  }
0x7e: {  	s0 =	sadd.s32 $0x13D80, s0;
	[sflag:s26] =	ssyncadd.s32 $0xFFFFC000  }
0x7f: {  	[tilespmem:s21], [sflag:$0x3] =	stream.indirect.gather [hbm4b:s4+s18], $0x80, s0, s18, $0xb8;
	[tilespmem:$0x1E400] =	vst v63  }
0x80: {  	_ =	swait.ge [sflag:s23], $0x4000  }
0x81: {  	[sflag:s23] =	ssyncset.done $0x0  }
0x82: {  	[sflag:s23] =	ssyncadd.s32 $0xFFFFC000  }
0x83: {  	[spmem:s2] =	stream.indirect.scatter.add.f32 [tilespmem:s19], [sflag:$0x4], $0x80, s28, s18, $0xb8;
	[tilespmem:$0x1E400] =	vst v63  }
0x84: {  	_ =	swait.ge [sflag:s24], $0x4000  }
0x85: {  	[sflag:s24] =	ssyncset.done $0x0  }
0x86: {  	[sflag:s24] =	ssyncadd.s32 $0xFFFFC000  }
0x87: {  	[spmem:s2] =	stream.indirect.scatter.add.f32 [tilespmem:s21], [sflag:$0x5], $0x80, s29, s18, $0xb8;
	[tilespmem:$0x1E400] =	vst v63  }
0x88: {  	_ =	swait.ge [sflag:s25], $0x4000  }
0x89: {  	[sflag:s25] =	ssyncset.done $0x0  }
0x8a: {  	[sflag:s25] =	ssyncadd.s32 $0xFFFFC000  }
0x8b: {  	_ =	swait.ge [sflag:s26], $0x4000  }
0x8c: {  	s30 =	sadd.s32 $0x1, s30;
	[sflag:s26] =	ssyncset.done $0x0  }
0x8d: {  	p0 =	sne.s32 s30, s13;
	[sflag:s26] =	ssyncadd.s32 $0xFFFFC000  }
.Ltmp2:
0x8e: {  	s31 =	sor.u32 $0x1C06, s6;
	[bflag:$0x0] =	sbarrier.arrive $0xFFFF;
	(pc) =	sbr.rel @p0 .LBB2_1-.Ltmp2, $4  }
0x8f: {  	[hbm:s12], [sflag:s31] =	dma.local [spmem:s14], $0x2780  }
0x90: {  	_ =	swait.ge [sflag:s16], $0x2780  }
0x91: {  	[sflag:s16] =	ssyncset.done $0x0  }
0x92: {  	[sflag:s16] =	ssyncadd.s32 $0xFFFFD880  }
0x93: {  	_ =	sfence.sel $0x180000  }
0x94: {  	[bflag:$0x0] =	sbarrier.arrive $0xFFFF  }
0x95: {  	_ =	strace $0x9000004A  }
0x96: {  	s0 =	stileid.u32;
	[bflag:$0x2] =	sbarrier.arrive $0xFFFF  }
0x97: {  	p0 =	sne.s32 s0, $0x0;
	s0 =	rddreg [dreg:$0x2]  }
0x98: {  	s0 =	sadd.s32 @!p0 $0x100000, s0  }
0x99: {  	[sflag:s0] =	ssyncadd.tile.s32 @!p0 $0x1;
	_ =	shalt  }
.Lfunc_end2:
_tile_overlayer_lowered:
.L_overlay_start_2:
0x9a: {  	(tag) =	ssettag $0x2  }
0x9b: {  	s0 =	rddreg [dreg:$0x0];
	s2 =	stileid.u32  }
0x9c: {  	s1 =	rddreg [dreg:$0x1];
	p0 =	sne.s32 s2, $0x0  }
0x9d: {  	s3 =	rddreg [dreg:$0x2];
	[bflag:$0x3] =	sbarrier.arrive $0xFFFF;
	s2 =	simm.s32 @!p0 $0x1C06  }
0x9e: {  	[timem:s3], [sflag:s2] =	dma.local @!p0 [hbm:s0], s1  }
0x9f: {  	s0 =	simm.s32 @!p0 $0x6  }
0xa0: {  	_ =	swait.ge @!p0 [sflag:s0], s1  }
0xa1: {  	s1 =	ssub.s32 @!p0 $0x0, s1;
	[sflag:s0] =	ssyncset.done @!p0 $0x0  }
0xa2: {  	[sflag:s0] =	ssyncadd.s32 @!p0 s1  }
0xa3: {  	[bflag:$0x3] =	sbarrier.arrive $0xFFFF  }
0xa4: {  	_ =	shalt  }

// kernel: kernel.17.cloned.1.call-start
scs
__scs_entry_jumppad:
0x0: {  	(pc) =	sbr.rel $0x88, $3  }
0x1: {  	(tag) =	ssettag $0x0;
	lr =	simm.s32 $0x1  }
0x2: {  	[smem:$0x3F90] =	sst lr;
	_ =	strace $0xD0000000  }
0x3: {  	_ = 	snop  }
0x4: {  	_ = 	snop  }
0x5: {  	_ = 	snop  }
0x6: {  	_ = 	snop  }
0x7: {  	_ = 	snop  }
__scs_overlays_trampoline_lowered:
0x8: {  	[smem:$0x3F9F] =	sst s0  }
0x9: {  	[smem:$0x3FA0] =	sst s1  }
0xa: {  	[smem:$0x3FA1] =	sst s2  }
0xb: {  	[smem:$0x3FA2] =	sst s3  }
0xc: {  	[smem:$0x3FA3] =	sst s4  }
0xd: {  	[smem:$0x3FA4] =	sst s5  }
0xe: {  	[smem:$0x3FA5] =	sst s6  }
0xf: {  	[smem:$0x3FA6] =	sst s7  }
0x10: {  	[smem:$0x3FA7] =	sst s8  }
0x11: {  	[smem:$0x3FA8] =	sst s9;
	s0 =	simm.s32 @!p0 $0x0  }
0x12: {  	s1 =	sld [smem:$0x3F8E];
	s0 =	simm.s32 @p0 $0x1  }
0x13: {  	[smem:$0x3FA9] =	sst s0;
	s0 =	simm.s32 @!p1 $0x0  }
0x14: {  	s2 =	sld [smem:$0x3F8D];
	s0 =	simm.s32 @p1 $0x1  }
0x15: {  	[smem:$0x3FAA] =	sst s0;
	s0 =	simm.s32 @!p2 $0x0  }
0x16: {  	s3 =	sld [smem:$0x3FDB];
	s0 =	simm.s32 @p2 $0x1  }
0x17: {  	s4 =	simm.s32 $0x1BF5;
	[smem:$0x3FAC] =	sst s0  }
0x18: {  	s0 =	sld [smem:$0x3F8F];
	_ =	swait.ge [sflag:s4], $0x0  }
0x19: {  	s7 =	sld [smem:$0x3F90]  }
0x1a: {  	s8 =	sadd.s32 $0xFFFFE003, lr  }
0x1b: {  	s9 =	sadd.s32 $0xFFFFFEF7, lr;
	s5 =	simm.s32 $0xFFFFFFFF;
	p2 =	slt.u32 s8, $0xFFFFF086  }
0x1c: {  	p1 =	slt.u32 s9, $0xF7A;
	s5 =	simm.s32 @!p2 $0x0  }
0x1d: {  	s5 =	simm.s32 @p1 $0x1;
	p0 =	seq.s32 s7, s2  }
0x1e: {  	s7 =	smul.u32 @!p0 $0xF7A, s2;
	p2 =	seq.s32 @!p0 s5, $0x0  }
0x1f: {  	s9 =	smul.u32 $0xF7A, s1;
	s8 =	simm.s32 @!p0 $0x1BF5;
	p2 =	por !p2, p0  }
0x20: {  	[sflag:s8] =	ssyncset.s32 @!p0 $0xFFFFF086;
	s6 =	sadd.s32 @!p0 s3, s7;
	s7 =	simm.s32 @!p0 $0x108  }
0x21: {  	s3 =	sadd.s32 s3, s9;
	s6 =	sadd.s32 @!p0 $0x88, s6;
	s7 =	simm.s32 @p2 $0x1082  }
0x22: {  	[simem:s7], [sflag:s8] =	dma.local @!p0 [hbm:s6], $0xF7A  }
0x23: {  	s9 =	sor.u32 $0xD0000000, s2;
	s6 =	simm.s32 $0x108;
	_ =	swait.ge @!p0 [sflag:s8], $0x0  }
0x24: {  	s3 =	sadd.s32 $0x88, s3;
	s6 =	simm.s32 @!p1 $0x1082;
	[sflag:s4] =	ssyncset.s32 $0xFFFFF086  }
0x25: {  	[simem:s6], [sflag:s4] =	dma.local [hbm:s3], $0xF7A  }
0x26: {  	[smem:$0x3F90] =	sst s1;
	(tag) =	ssettag s2;
	_ =	strace s9  }
0x27: {  	s1 =	sld [smem:$0x3FA0]  }
0x28: {  	s2 =	sld [smem:$0x3FA1]  }
0x29: {  	s4 =	sld [smem:$0x3FA3]  }
0x2a: {  	p0 =	seq.s32 s5, $0x0;
	s5 =	sld [smem:$0x3FA4]  }
0x2b: {  	s6 =	sld [smem:$0x3FA5]  }
0x2c: {  	s7 =	sld [smem:$0x3FA6]  }
0x2d: {  	s3 =	simm.s32 $0x108;
	s8 =	sld [smem:$0x3FA7]  }
0x2e: {  	s3 =	simm.s32 @!p0 $0x1082;
	s9 =	sld [smem:$0x3FA8]  }
0x2f: {  	lr =	sadd.s32 s0, s3;
	s0 =	sld [smem:$0x3F9F]  }
0x30: {  	s3 =	sld [smem:$0x3FA2]  }
0x31: {  	[smem:$0x3FAB] =	sst s10  }
0x32: {  	s10 =	sld [smem:$0x3FA9];
	_ =	sdelay $0x3  }
0x33: {  	p0 =	seq.s32 s10, $0x1;
	s10 =	sld [smem:$0x3FAB];
	_ =	sdelay $0x3  }
0x34: {  	[smem:$0x3FAB] =	sst s10  }
0x35: {  	s10 =	sld [smem:$0x3FAA];
	_ =	sdelay $0x3  }
0x36: {  	p1 =	seq.s32 s10, $0x1;
	s10 =	sld [smem:$0x3FAB];
	_ =	sdelay $0x3  }
0x37: {  	[smem:$0x3FAB] =	sst s10  }
0x38: {  	s10 =	sld [smem:$0x3FAC]  }
0x39: {  	_ = 	snop;
	(pc) =	sbr.ind lr, $3  }
0x3a: {  	_ = 	snop  }
0x3b: {  	_ = 	snop  }
0x3c: {  	p2 =	seq.s32 s10, $0x1;
	s10 =	sld [smem:$0x3FAB]  }
0x3d: {  	_ =	shalt  }
0x3e: {  	_ =	shalt  }
0x3f: {  	_ =	shalt  }
0x40: {  	_ =	shalt  }
0x41: {  	_ =	shalt  }
0x42: {  	_ =	shalt  }
0x43: {  	_ =	shalt  }
0x44: {  	_ =	shalt  }
0x45: {  	_ =	shalt  }
0x46: {  	_ =	shalt  }
0x47: {  	_ =	shalt  }
0x48: {  	_ =	shalt  }
0x49: {  	_ =	shalt  }
0x4a: {  	_ =	shalt  }
0x4b: {  	_ =	shalt  }
0x4c: {  	_ =	shalt  }
0x4d: {  	_ =	shalt  }
0x4e: {  	_ =	shalt  }
0x4f: {  	_ =	shalt  }
0x50: {  	_ =	shalt  }
0x51: {  	_ =	shalt  }
0x52: {  	_ =	shalt  }
0x53: {  	_ =	shalt  }
0x54: {  	_ =	shalt  }
0x55: {  	_ =	shalt  }
0x56: {  	_ =	shalt  }
0x57: {  	_ =	shalt  }
0x58: {  	_ =	shalt  }
0x59: {  	_ =	shalt  }
0x5a: {  	_ =	shalt  }
0x5b: {  	_ =	shalt  }
0x5c: {  	_ =	shalt  }
0x5d: {  	_ =	shalt  }
0x5e: {  	_ =	shalt  }
0x5f: {  	_ =	shalt  }
0x60: {  	_ =	shalt  }
0x61: {  	_ =	shalt  }
0x62: {  	_ =	shalt  }
0x63: {  	_ =	shalt  }
0x64: {  	_ =	shalt  }
0x65: {  	_ =	shalt  }
0x66: {  	_ =	shalt  }
0x67: {  	_ =	shalt  }
0x68: {  	_ =	shalt  }
0x69: {  	_ =	shalt  }
0x6a: {  	_ =	shalt  }
0x6b: {  	_ =	shalt  }
0x6c: {  	_ =	shalt  }
0x6d: {  	_ =	shalt  }
0x6e: {  	_ =	shalt  }
0x6f: {  	_ =	shalt  }
0x70: {  	_ =	shalt  }
0x71: {  	_ =	shalt  }
0x72: {  	_ =	shalt  }
0x73: {  	_ =	shalt  }
0x74: {  	_ =	shalt  }
0x75: {  	_ =	shalt  }
0x76: {  	_ =	shalt  }
0x77: {  	_ =	shalt  }
0x78: {  	_ =	shalt  }
0x79: {  	_ =	shalt  }
0x7a: {  	_ =	shalt  }
0x7b: {  	_ =	shalt  }
0x7c: {  	_ =	shalt  }
0x7d: {  	_ =	shalt  }
0x7e: {  	_ =	shalt  }
0x7f: {  	_ =	shalt  }
0x80: {  	_ =	shalt  }
0x81: {  	_ =	shalt  }
0x82: {  	_ =	shalt  }
0x83: {  	_ =	shalt  }
0x84: {  	_ =	shalt  }
0x85: {  	_ =	shalt  }
0x86: {  	_ =	shalt  }
0x87: {  	_ =	shalt  }
.Lfunc_end0:
.L_simem_size_0:
called_computation.2_lowered:
.L_overlay_start_0:
0x88: {  	s2 =	sld [smem:$0x3FD9]  }
0x89: {  	s3 =	sld [smem:$0x3FFE];
	_ =	sdelay $0x1  }
0x8a: {  	s1 =	srdreg.scid  }
0x8b: {  	s0 =	sand.u32 $0x1, s1  }
0x8c: {  	s16 =	sshll.u32 s0, $0xA;
	s2 =	sadd.s32 s3, s2  }
0x8d: {  	s2 =	sadd.s32 s2, s16  }
0x8e: {  	[smem:$0x3FB7] =	sst s2  }
0x8f: {  	_ = 	snop  }
0x90: {  	(tm) =	ssettm $0x1  }
0x91: {  	s17 =	sld [smem:$0x3FFB];
	_ =	sdelay $0x3  }
0x92: {  	_ =	strace s17  }
0x93: {  	s2 =	sld [smem:$0x3FFC];
	_ =	sdelay $0x3  }
0x94: {  	_ =	strace s2  }
0x95: {  	s2 =	sld [smem:$0x3FFD];
	_ =	sdelay $0x3  }
0x96: {  	_ =	strace s2  }
0x97: {  	_ =	strace $0x8FFFFFFF  }
0x98: {  	s18 =	sld [smem:$0x3FDB];
	_ =	sdelay $0x1  }
0x99: {  	s19 =	simm.s32 $_scs_section_size  }
0x9a: {  	s4 =	simm.s32 $_size__tile_overlayer_lowered;
	s5 =	simm.s32 $_tile_overlayer_lowered  }
0x9b: {  	s22 =	simm.s32 $0x1BFF;
	s21 =	sshll.u32 s5, $0x1;
	s2 =	sadd.s32 s19, s18  }
0x9c: {  	s6 =	simm.s32 $0x0;
	s20 =	sshll.u32 s4, $0x1;
	s4 =	sadd.s32 s21, s2  }
0x9d: {  	[timem:s6], [sflag:s22] =	dma.local [hbm:s4], s20  }
0x9e: {  	_ =	swait.ge [sflag:s22], s20  }
0x9f: {  	s3 =	ssub.s32 $0x0, s20;
	[sflag:s22] =	ssyncset.done $0x0  }
0xa0: {  	[sflag:s22] =	ssyncadd.s32 s3;
	_ =	sdelay $0x1  }
0xa1: {  	s23 =	simm.s32 $0x1B8B  }
0xa2: {  	_ =	swait.ge [sflag:s23], $0x1  }
0xa3: {  	[sflag:s23] =	ssyncset.done $0x0  }
0xa4: {  	s25 =	simm.s32 $0x1B8E;
	s24 =	sld [smem:$0x3FFE];
	[sflag:s23] =	ssyncadd.s32 $0xFFFFFFFF  }
0xa5: {  	s26 =	simm.s32 $execute0_lowered;
	[smem:$0x3FD2] =	sst s25  }
0xa6: {  	s4 =	sshll.u32 s26, $0x1;
	_ =	strace $0x8000004C;
	[dreg:$0x1] =	wrdreg $0xFFFFFFFF  }
0xa7: {  	s28 =	simm.s32 $_size_execute0_lowered;
	s2 =	sadd.s32 s2, s4;
	[dreg:$0x0] =	wrdreg $0x0  }
0xa8: {  	s4 =	sshll.u32 s28, $0x1;
	[dreg:$0x2] =	wrdreg s2  }
0xa9: {  	[dreg:$0x3] =	wrdreg s4  }
0xaa: {  	[dreg:$0x4] =	wrdreg $0xC0  }
0xab: {  	_ =	task [dreg:s6], $0x5FFFF  }
0xac: {  	[dreg:$0x1] =	wrdreg $0xFFFFFFFF  }
0xad: {  	[dreg:$0x0] =	wrdreg $0x60  }
0xae: {  	[dreg:$0x2] =	wrdreg s24  }
0xaf: {  	[dreg:$0x3] =	wrdreg $0x0  }
0xb0: {  	[dreg:$0x4] =	wrdreg $0x9  }
0xb1: {  	_ =	task.clear_ibuf [dreg:s6], $0x5FFFF;
	_ =	strace $0x9000004C  }
0xb2: {  	s29 =	simm.s32 $0x9;
	_ =	strace $0x8000004E  }
0xb3: {  	_ =	swait.ge [sflag:s29], $0x1  }
0xb4: {  	[sflag:s29] =	ssyncadd.s32 $0xFFFFFFFF  }
0xb5: {  	_ =	strace $0x9000004E  }
0xb6: {  	_ =	sfence  }
0xb7: {  	s30 =	sld [smem:$0x0];
	_ =	sdelay $0x2  }
0xb8: {  	s31 =	sshll.u32 s1, $0xD;
	s1 =	sshrl.u32 s1, $0x2  }
0xb9: {  	s3 =	sand.u32 $0x4000, s31;
	s1 =	sadd.s32 s1, s30  }
0xba: {  	s0 =	sor.u32 s3, s0;
	s1 =	sshll.u32 s1, $0x11  }
0xbb: {  	s0 =	sor.u32 s1, s0  }
0xbc: {  	s0 =	sadd.s32 $0x8F2B, s0  }
0xbd: {  	[sflag:s0] =	ssyncadd.remote.s32 $0x1  }
0xbe: {  	_ =	sfence.sel $0xFFFF  }
0xbf: {  	[dreg:$0x0] =	wrdreg $0xFFFFFFFF;
	(pc) =	sbr.abs _section_cstart, $3  }
0xc0: {  	[dreg:$0x1] =	wrdreg $0xFFFFFFFF  }
0xc1: {  	_ =	task.clear_ibuf [dreg:s6], $0x2FFFF;
	_ =	strace $0x9FFFFFFF  }
0xc2: {  	(tm) =	ssettm $0x7FFFFFFF  }
0xc3: {  	_ =	shalt  }
tec
execute0_lowered:
.L_overlay_start_1:
0x0: {  	(tag) =	ssettag $0x1  }
0x1: {  	s0 =	rddreg [dreg:$0x0]  }
0x2: {  	s2 =	rddreg [dreg:$0x1];
	s3 =	simm.s32 $0x0;
	s1 =	stileid.u32  }
0x3: {  	s6 =	srdreg.scid;
	s17 =	simm.s32 $0x15000;
	s18 =	simm.s32 $0x80  }
0x4: {  	s19 =	simm.s32 $0x16400;
	s20 =	simm.s32 $0x13C80;
	s21 =	simm.s32 $0x1A400  }
0x5: {  	s28 =	simm.s32 $0x16300;
	s29 =	simm.s32 $0x16380;
	s5 =	smul.u32 $0x13C00, s1  }
0x6: {  	s30 =	simm.s32 $0x0;
	[smem:$0x7FF] =	sst s3;
	s9 =	smul.u32 $0x4F000, s1  }
0x7: {  	s4 =	sadd.s32 $0x2FE00, s0;
	s6 =	sand.u32 $0x1, s6;
	s13 =	smul.u32 $0x2800, s1  }
0x8: {  	s10 =	sadd.s32 $0xCD800, s0;
	s11 =	sadd.s32 $0x3600, s0;
	s8 =	smul.u32 $0x13C000, s6  }
0x9: {  	_ =	strace $0x8000004D;
	s22 =	ssub.s32 $0x2, s6;
	s12 =	smul.u32 $0x28000, s6  }
0xa: {  	s6 =	sshll.u32 s1, $0x6;
	s7 =	sshrl.u32 s5, $0x3;
	s23 =	sshrl.u32 s22, $0x1  }
0xb: {  	s24 =	sshrl.u32 s9, $0x2;
	s31 =	sadd.s32 $0x1400, s13;
	s7 =	sadd.s32 s7, s0  }
0xc: {  	s5 =	sadd.s32 s5, s8;
	s14 =	ssub.s32 s22, s23;
	s15 =	sadd.s32 s24, s2  }
0xd: {  	s25 =	sadd.s32 s13, s12;
	s12 =	sadd.s32 s12, s31;
	s13 =	sshrl.u32 s13, $0x3  }
0xe: {  	s16 =	sshrl.u32 s31, $0x3;
	s22 =	simm.s32 $0x1;
	s23 =	simm.s32 $0x2  }
0xf: {  	s24 =	simm.s32 $0x3;
	s5 =	sshrl.u32 s5, $0x3;
	s26 =	sshrl.u32 s25, $0x3  }
0x10: {  	s12 =	sshrl.u32 s12, $0x3;
	s9 =	sadd.s32 s11, s13;
	s11 =	sadd.s32 s11, s16  }
0x11: {  	s13 =	smax.u32 s14, $0x1;
	s14 =	sshrl.u32 s15, $0x3;
	s15 =	simm.s32 $0x13C00  }
0x12: {  	s16 =	simm.s32 $0x6;
	s25 =	simm.s32 $0x4;
	s0 =	sadd.s32 s5, s0  }
0x13: {  	s5 =	sadd.s32 $0x8600, s7;
	s7 =	sor.u32 $0x1C01, s6;
	s8 =	sadd.s32 s10, s26  }
0x14: {  	s10 =	sadd.s32 s10, s12;
	s26 =	simm.s32 $0x5;
	s12 =	sadd.s32 $0x7E000, s0  }
.LBB2_1:
0x15: {  	[spmem:s14], [sflag:s7] =	dma.local [hbm:s5], $0x2780  }
0x16: {  	[tilespmem:s15], [sflag:$0x6] =	stream.linear.gather [hbm4b:s8+s3], $0x1400, $0x38;
	[tilespmem:$0x1E400] =	vst v63  }
0x17: {  	_ =	swait.ge [sflag:s16], $0x1400  }
0x18: {  	[sflag:s16] =	ssyncset.done $0x0  }
0x19: {  	[sflag:s16] =	ssyncadd.s32 $0xFFFFEC00  }
0x1a: {  	[tilespmem:s17], [sflag:$0x6] =	stream.linear.gather [hbm4b:s9+s3], $0x1400, $0x38;
	[tilespmem:$0x1E400] =	vst v63  }
0x1b: {  	_ =	swait.ge [sflag:s16], $0x1400  }
0x1c: {  	[sflag:s16] =	ssyncset.done $0x0  }
0x1d: {  	[sflag:s16] =	ssyncadd.s32 $0xFFFFEC00  }
0x1e: {  	[tilespmem:s19], [sflag:$0x2] =	stream.indirect.gather [hbm4b:s4+s18], $0x80, s15, s18, $0xb8;
	[tilespmem:$0x1E400] =	vst v63  }
0x1f: {  	_ = 	snop  }
0x20: {  	[tilespmem:s21], [sflag:$0x3] =	stream.indirect.gather [hbm4b:s4+s18], $0x80, s20, s18, $0xb8;
	[tilespmem:$0x1E400] =	vst v63  }
0x21: {  	_ =	swait.ge [sflag:s22], $0x2780  }
0x22: {  	[sflag:s22] =	ssyncset.done $0x0  }
0x23: {  	[sflag:s22] =	ssyncadd.s32 $0xFFFFD880  }
0x24: {  	[bflag:$0x0] =	sbarrier.arrive $0xFFFF  }
0x25: {  	_ =	swait.ge [sflag:s23], $0x4000  }
0x26: {  	[sflag:s23] =	ssyncset.done $0x0  }
0x27: {  	s0 =	simm.s32 $0x15000;
	[sflag:s23] =	ssyncadd.s32 $0xFFFFC000  }
0x28: {  	[spmem:s2] =	stream.indirect.scatter.add.f32 [tilespmem:s19], [sflag:$0x4], $0x80, s0, s18, $0xb8;
	[tilespmem:$0x1E400] =	vst v63  }
0x29: {  	_ =	swait.ge [sflag:s24], $0x4000  }
0x2a: {  	[sflag:s24] =	ssyncset.done $0x0  }
0x2b: {  	s1 =	simm.s32 $0x15080;
	[sflag:s24] =	ssyncadd.s32 $0xFFFFC000  }
0x2c: {  	[spmem:s2] =	stream.indirect.scatter.add.f32 [tilespmem:s21], [sflag:$0x5], $0x80, s1, s18, $0xb8;
	[tilespmem:$0x1E400] =	vst v63  }
0x2d: {  	_ =	swait.ge [sflag:s25], $0x4000  }
0x2e: {  	[sflag:s25] =	ssyncset.done $0x0  }
0x2f: {  	s1 =	simm.s32 $0x13D00;
	[sflag:s25] =	ssyncadd.s32 $0xFFFFC000  }
0x30: {  	[tilespmem:s19], [sflag:$0x2] =	stream.indirect.gather [hbm4b:s4+s18], $0x80, s1, s18, $0xb8;
	[tilespmem:$0x1E400] =	vst v63  }
0x31: {  	_ =	swait.ge [sflag:s26], $0x4000  }
0x32: {  	[sflag:s26] =	ssyncset.done $0x0  }
0x33: {  	s31 =	simm.s32 $0x400;
	s0 =	simm.s32 $0x13D80;
	[sflag:s26] =	ssyncadd.s32 $0xFFFFC000  }
.LBB2_2:
0x34: {  	[tilespmem:s21], [sflag:$0x3] =	stream.indirect.gather [hbm4b:s4+s18], $0x80, s0, s18, $0xb8;
	[tilespmem:$0x1E400] =	vst v63  }
0x35: {  	s0 =	smov.u32 s31  }
0x36: {  	p0 =	sne.s32 s31, $0x4800;
	s31 =	sadd.s32 $0x400, s31;
	_ =	swait.ge [sflag:s23], $0x4000  }
0x37: {  	s0 =	sshra.s32 s0, $0x2;
	[sflag:s23] =	ssyncset.done $0x0  }
0x38: {  	s1 =	sadd.s32 $0x15000, s0;
	[sflag:s23] =	ssyncadd.s32 $0xFFFFC000  }
0x39: {  	[spmem:s2] =	stream.indirect.scatter.add.f32 [tilespmem:s19], [sflag:$0x4], $0x80, s1, s18, $0xb8;
	[tilespmem:$0x1E400] =	vst v63  }
0x3a: {  	_ =	swait.ge [sflag:s24], $0x4000  }
0x3b: {  	[sflag:s24] =	ssyncset.done $0x0  }
0x3c: {  	s1 =	sadd.s32 $0x15080, s0;
	[sflag:s24] =	ssyncadd.s32 $0xFFFFC000  }
0x3d: {  	[spmem:s2] =	stream.indirect.scatter.add.f32 [tilespmem:s21], [sflag:$0x5], $0x80, s1, s18, $0xb8;
	[tilespmem:$0x1E400] =	vst v63  }
0x3e: {  	_ =	swait.ge [sflag:s25], $0x4000  }
0x3f: {  	[sflag:s25] =	ssyncset.done $0x0  }
.Ltmp0:
0x40: {  	s1 =	sadd.s32 $0x13D00, s0;
	[sflag:s25] =	ssyncadd.s32 $0xFFFFC000;
	(pc) =	sbr.rel @p0 .LBB2_2-.Ltmp0, $4  }
0x41: {  	[tilespmem:s19], [sflag:$0x2] =	stream.indirect.gather [hbm4b:s4+s18], $0x80, s1, s18, $0xb8;
	[tilespmem:$0x1E400] =	vst v63  }
0x42: {  	_ =	swait.ge [sflag:s26], $0x4000  }
0x43: {  	[sflag:s26] =	ssyncset.done $0x0  }
0x44: {  	s0 =	sadd.s32 $0x13D80, s0;
	[sflag:s26] =	ssyncadd.s32 $0xFFFFC000  }
0x45: {  	[tilespmem:s21], [sflag:$0x3] =	stream.indirect.gather [hbm4b:s4+s18], $0x80, s0, s18, $0xb8;
	[tilespmem:$0x1E400] =	vst v63  }
0x46: {  	_ =	swait.ge [sflag:s23], $0x4000  }
0x47: {  	[sflag:s23] =	ssyncset.done $0x0  }
0x48: {  	[sflag:s23] =	ssyncadd.s32 $0xFFFFC000  }
0x49: {  	[spmem:s2] =	stream.indirect.scatter.add.f32 [tilespmem:s19], [sflag:$0x4], $0x80, s28, s18, $0xb8;
	[tilespmem:$0x1E400] =	vst v63  }
0x4a: {  	_ =	swait.ge [sflag:s24], $0x4000  }
0x4b: {  	[sflag:s24] =	ssyncset.done $0x0  }
0x4c: {  	[sflag:s24] =	ssyncadd.s32 $0xFFFFC000  }
0x4d: {  	[spmem:s2] =	stream.indirect.scatter.add.f32 [tilespmem:s21], [sflag:$0x5], $0x80, s29, s18, $0xb8;
	[tilespmem:$0x1E400] =	vst v63  }
0x4e: {  	_ =	swait.ge [sflag:s25], $0x4000  }
0x4f: {  	[sflag:s25] =	ssyncset.done $0x0  }
0x50: {  	[sflag:s25] =	ssyncadd.s32 $0xFFFFC000  }
0x51: {  	_ =	swait.ge [sflag:s26], $0x4000  }
0x52: {  	[sflag:s26] =	ssyncset.done $0x0  }
0x53: {  	s1 =	simm.s32 $0x0;
	[sflag:s26] =	ssyncadd.s32 $0xFFFFC000  }
0x54: {  	[tilespmem:s15], [sflag:$0x6] =	stream.linear.gather [hbm4b:s10+s1], $0x1400, $0x38;
	[tilespmem:$0x1E400] =	vst v63  }
0x55: {  	_ =	swait.ge [sflag:s16], $0x1400  }
0x56: {  	[sflag:s16] =	ssyncset.done $0x0  }
0x57: {  	[sflag:s16] =	ssyncadd.s32 $0xFFFFEC00  }
0x58: {  	[tilespmem:s17], [sflag:$0x6] =	stream.linear.gather [hbm4b:s11+s1], $0x1400, $0x38;
	[tilespmem:$0x1E400] =	vst v63  }
0x59: {  	_ =	swait.ge [sflag:s16], $0x1400  }
0x5a: {  	[sflag:s16] =	ssyncset.done $0x0  }
0x5b: {  	[sflag:s16] =	ssyncadd.s32 $0xFFFFEC00  }
0x5c: {  	[tilespmem:s19], [sflag:$0x2] =	stream.indirect.gather [hbm4b:s4+s18], $0x80, s15, s18, $0xb8;
	[tilespmem:$0x1E400] =	vst v63  }
0x5d: {  	_ = 	snop  }
0x5e: {  	[tilespmem:s21], [sflag:$0x3] =	stream.indirect.gather [hbm4b:s4+s18], $0x80, s20, s18, $0xb8;
	[tilespmem:$0x1E400] =	vst v63  }
0x5f: {  	_ =	swait.ge [sflag:s23], $0x4000  }
0x60: {  	[sflag:s23] =	ssyncset.done $0x0  }
0x61: {  	s1 =	simm.s32 $0x15000;
	[sflag:s23] =	ssyncadd.s32 $0xFFFFC000  }
0x62: {  	[spmem:s2] =	stream.indirect.scatter.add.f32 [tilespmem:s19], [sflag:$0x4], $0x80, s1, s18, $0xb8;
	[tilespmem:$0x1E400] =	vst v63  }
0x63: {  	_ =	swait.ge [sflag:s24], $0x4000  }
0x64: {  	[sflag:s24] =	ssyncset.done $0x0  }
0x65: {  	s1 =	simm.s32 $0x15080;
	[sflag:s24] =	ssyncadd.s32 $0xFFFFC000  }
0x66: {  	[spmem:s2] =	stream.indirect.scatter.add.f32 [tilespmem:s21], [sflag:$0x5], $0x80, s1, s18, $0xb8;
	[tilespmem:$0x1E400] =	vst v63  }
0x67: {  	_ =	swait.ge [sflag:s25], $0x4000  }
0x68: {  	[sflag:s25] =	ssyncset.done $0x0  }
0x69: {  	s1 =	simm.s32 $0x13D00;
	[sflag:s25] =	ssyncadd.s32 $0xFFFFC000  }
0x6a: {  	[tilespmem:s19], [sflag:$0x2] =	stream.indirect.gather [hbm4b:s4+s18], $0x80, s1, s18, $0xb8;
	[tilespmem:$0x1E400] =	vst v63  }
0x6b: {  	_ =	swait.ge [sflag:s26], $0x4000  }
0x6c: {  	[sflag:s26] =	ssyncset.done $0x0  }
0x6d: {  	s31 =	simm.s32 $0x400;
	s0 =	simm.s32 $0x13D80;
	[sflag:s26] =	ssyncadd.s32 $0xFFFFC000  }
.LBB2_4:
0x6e: {  	[tilespmem:s21], [sflag:$0x3] =	stream.indirect.gather [hbm4b:s4+s18], $0x80, s0, s18, $0xb8;
	[tilespmem:$0x1E400] =	vst v63  }
0x6f: {  	s0 =	smov.u32 s31  }
0x70: {  	p0 =	sne.s32 s31, $0x4800;
	s31 =	sadd.s32 $0x400, s31;
	_ =	swait.ge [sflag:s23], $0x4000  }
0x71: {  	s0 =	sshra.s32 s0, $0x2;
	[sflag:s23] =	ssyncset.done $0x0  }
0x72: {  	s1 =	sadd.s32 $0x15000, s0;
	[sflag:s23] =	ssyncadd.s32 $0xFFFFC000  }
0x73: {  	[spmem:s2] =	stream.indirect.scatter.add.f32 [tilespmem:s19], [sflag:$0x4], $0x80, s1, s18, $0xb8;
	[tilespmem:$0x1E400] =	vst v63  }
0x74: {  	_ =	swait.ge [sflag:s24], $0x4000  }
0x75: {  	[sflag:s24] =	ssyncset.done $0x0  }
0x76: {  	s1 =	sadd.s32 $0x15080, s0;
	[sflag:s24] =	ssyncadd.s32 $0xFFFFC000  }
0x77: {  	[spmem:s2] =	stream.indirect.scatter.add.f32 [tilespmem:s21], [sflag:$0x5], $0x80, s1, s18, $0xb8;
	[tilespmem:$0x1E400] =	vst v63  }
0x78: {  	_ =	swait.ge [sflag:s25], $0x4000  }
0x79: {  	[sflag:s25] =	ssyncset.done $0x0  }
.Ltmp1:
0x7a: {  	s1 =	sadd.s32 $0x13D00, s0;
	[sflag:s25] =	ssyncadd.s32 $0xFFFFC000;
	(pc) =	sbr.rel @p0 .LBB2_4-.Ltmp1, $4  }
0x7b: {  	[tilespmem:s19], [sflag:$0x2] =	stream.indirect.gather [hbm4b:s4+s18], $0x80, s1, s18, $0xb8;
	[tilespmem:$0x1E400] =	vst v63  }
0x7c: {  	_ =	swait.ge [sflag:s26], $0x4000  }
0x7d: {  	[sflag:s26] =	ssyncset.done $0x0  }
0x7e: {  	s0 =	sadd.s32 $0x13D80, s0;
	[sflag:s26] =	ssyncadd.s32 $0xFFFFC000  }
0x7f: {  	[tilespmem:s21], [sflag:$0x3] =	stream.indirect.gather [hbm4b:s4+s18], $0x80, s0, s18, $0xb8;
	[tilespmem:$0x1E400] =	vst v63  }
0x80: {  	_ =	swait.ge [sflag:s23], $0x4000  }
0x81: {  	[sflag:s23] =	ssyncset.done $0x0  }
0x82: {  	[sflag:s23] =	ssyncadd.s32 $0xFFFFC000  }
0x83: {  	[spmem:s2] =	stream.indirect.scatter.add.f32 [tilespmem:s19], [sflag:$0x4], $0x80, s28, s18, $0xb8;
	[tilespmem:$0x1E400] =	vst v63  }
0x84: {  	_ =	swait.ge [sflag:s24], $0x4000  }
0x85: {  	[sflag:s24] =	ssyncset.done $0x0  }
0x86: {  	[sflag:s24] =	ssyncadd.s32 $0xFFFFC000  }
0x87: {  	[spmem:s2] =	stream.indirect.scatter.add.f32 [tilespmem:s21], [sflag:$0x5], $0x80, s29, s18, $0xb8;
	[tilespmem:$0x1E400] =	vst v63  }
0x88: {  	_ =	swait.ge [sflag:s25], $0x4000  }
0x89: {  	[sflag:s25] =	ssyncset.done $0x0  }
0x8a: {  	[sflag:s25] =	ssyncadd.s32 $0xFFFFC000  }
0x8b: {  	_ =	swait.ge [sflag:s26], $0x4000  }
0x8c: {  	s30 =	sadd.s32 $0x1, s30;
	[sflag:s26] =	ssyncset.done $0x0  }
0x8d: {  	p0 =	sne.s32 s30, s13;
	[sflag:s26] =	ssyncadd.s32 $0xFFFFC000  }
.Ltmp2:
0x8e: {  	s31 =	sor.u32 $0x1C06, s6;
	[bflag:$0x0] =	sbarrier.arrive $0xFFFF;
	(pc) =	sbr.rel @p0 .LBB2_1-.Ltmp2, $4  }
0x8f: {  	[hbm:s12], [sflag:s31] =	dma.local [spmem:s14], $0x2780  }
0x90: {  	_ =	swait.ge [sflag:s16], $0x2780  }
0x91: {  	[sflag:s16] =	ssyncset.done $0x0  }
0x92: {  	[sflag:s16] =	ssyncadd.s32 $0xFFFFD880  }
0x93: {  	_ =	sfence.sel $0x180000  }
0x94: {  	[bflag:$0x0] =	sbarrier.arrive $0xFFFF  }
0x95: {  	_ =	strace $0x9000004D  }
0x96: {  	s0 =	stileid.u32;
	[bflag:$0x2] =	sbarrier.arrive $0xFFFF  }
0x97: {  	p0 =	sne.s32 s0, $0x0;
	s0 =	rddreg [dreg:$0x2]  }
0x98: {  	s0 =	sadd.s32 @!p0 $0x100000, s0  }
0x99: {  	[sflag:s0] =	ssyncadd.tile.s32 @!p0 $0x1;
	_ =	shalt  }
.Lfunc_end2:
_tile_overlayer_lowered:
.L_overlay_start_2:
0x9a: {  	(tag) =	ssettag $0x2  }
0x9b: {  	s0 =	rddreg [dreg:$0x0];
	s2 =	stileid.u32  }
0x9c: {  	s1 =	rddreg [dreg:$0x1];
	p0 =	sne.s32 s2, $0x0  }
0x9d: {  	s3 =	rddreg [dreg:$0x2];
	[bflag:$0x3] =	sbarrier.arrive $0xFFFF;
	s2 =	simm.s32 @!p0 $0x1C06  }
0x9e: {  	[timem:s3], [sflag:s2] =	dma.local @!p0 [hbm:s0], s1  }
0x9f: {  	s0 =	simm.s32 @!p0 $0x6  }
0xa0: {  	_ =	swait.ge @!p0 [sflag:s0], s1  }
0xa1: {  	s1 =	ssub.s32 @!p0 $0x0, s1;
	[sflag:s0] =	ssyncset.done @!p0 $0x0  }
0xa2: {  	[sflag:s0] =	ssyncadd.s32 @!p0 s1  }
0xa3: {  	[bflag:$0x3] =	sbarrier.arrive $0xFFFF  }
0xa4: {  	_ =	shalt  }

// kernel: kernel.20.cloned.1.call-start
scs
__scs_entry_jumppad:
0x0: {  	(pc) =	sbr.rel $0x88, $3  }
0x1: {  	(tag) =	ssettag $0x0;
	lr =	simm.s32 $0x1  }
0x2: {  	[smem:$0x3F90] =	sst lr;
	_ =	strace $0xD0000000  }
0x3: {  	_ = 	snop  }
0x4: {  	_ = 	snop  }
0x5: {  	_ = 	snop  }
0x6: {  	_ = 	snop  }
0x7: {  	_ = 	snop  }
__scs_overlays_trampoline_lowered:
0x8: {  	[smem:$0x3F9F] =	sst s0  }
0x9: {  	[smem:$0x3FA0] =	sst s1  }
0xa: {  	[smem:$0x3FA1] =	sst s2  }
0xb: {  	[smem:$0x3FA2] =	sst s3  }
0xc: {  	[smem:$0x3FA3] =	sst s4  }
0xd: {  	[smem:$0x3FA4] =	sst s5  }
0xe: {  	[smem:$0x3FA5] =	sst s6  }
0xf: {  	[smem:$0x3FA6] =	sst s7  }
0x10: {  	[smem:$0x3FA7] =	sst s8  }
0x11: {  	[smem:$0x3FA8] =	sst s9;
	s0 =	simm.s32 @!p0 $0x0  }
0x12: {  	s1 =	sld [smem:$0x3F8E];
	s0 =	simm.s32 @p0 $0x1  }
0x13: {  	[smem:$0x3FA9] =	sst s0;
	s0 =	simm.s32 @!p1 $0x0  }
0x14: {  	s2 =	sld [smem:$0x3F8D];
	s0 =	simm.s32 @p1 $0x1  }
0x15: {  	[smem:$0x3FAA] =	sst s0;
	s0 =	simm.s32 @!p2 $0x0  }
0x16: {  	s3 =	sld [smem:$0x3FDB];
	s0 =	simm.s32 @p2 $0x1  }
0x17: {  	s4 =	simm.s32 $0x1BF5;
	[smem:$0x3FAC] =	sst s0  }
0x18: {  	s0 =	sld [smem:$0x3F8F];
	_ =	swait.ge [sflag:s4], $0x0  }
0x19: {  	s7 =	sld [smem:$0x3F90]  }
0x1a: {  	s8 =	sadd.s32 $0xFFFFE003, lr  }
0x1b: {  	s9 =	sadd.s32 $0xFFFFFEF7, lr;
	s5 =	simm.s32 $0xFFFFFFFF;
	p2 =	slt.u32 s8, $0xFFFFF086  }
0x1c: {  	p1 =	slt.u32 s9, $0xF7A;
	s5 =	simm.s32 @!p2 $0x0  }
0x1d: {  	s5 =	simm.s32 @p1 $0x1;
	p0 =	seq.s32 s7, s2  }
0x1e: {  	s7 =	smul.u32 @!p0 $0xF7A, s2;
	p2 =	seq.s32 @!p0 s5, $0x0  }
0x1f: {  	s9 =	smul.u32 $0xF7A, s1;
	s8 =	simm.s32 @!p0 $0x1BF5;
	p2 =	por !p2, p0  }
0x20: {  	[sflag:s8] =	ssyncset.s32 @!p0 $0xFFFFF086;
	s6 =	sadd.s32 @!p0 s3, s7;
	s7 =	simm.s32 @!p0 $0x108  }
0x21: {  	s3 =	sadd.s32 s3, s9;
	s6 =	sadd.s32 @!p0 $0x88, s6;
	s7 =	simm.s32 @p2 $0x1082  }
0x22: {  	[simem:s7], [sflag:s8] =	dma.local @!p0 [hbm:s6], $0xF7A  }
0x23: {  	s9 =	sor.u32 $0xD0000000, s2;
	s6 =	simm.s32 $0x108;
	_ =	swait.ge @!p0 [sflag:s8], $0x0  }
0x24: {  	s3 =	sadd.s32 $0x88, s3;
	s6 =	simm.s32 @!p1 $0x1082;
	[sflag:s4] =	ssyncset.s32 $0xFFFFF086  }
0x25: {  	[simem:s6], [sflag:s4] =	dma.local [hbm:s3], $0xF7A  }
0x26: {  	[smem:$0x3F90] =	sst s1;
	(tag) =	ssettag s2;
	_ =	strace s9  }
0x27: {  	s1 =	sld [smem:$0x3FA0]  }
0x28: {  	s2 =	sld [smem:$0x3FA1]  }
0x29: {  	s4 =	sld [smem:$0x3FA3]  }
0x2a: {  	p0 =	seq.s32 s5, $0x0;
	s5 =	sld [smem:$0x3FA4]  }
0x2b: {  	s6 =	sld [smem:$0x3FA5]  }
0x2c: {  	s7 =	sld [smem:$0x3FA6]  }
0x2d: {  	s3 =	simm.s32 $0x108;
	s8 =	sld [smem:$0x3FA7]  }
0x2e: {  	s3 =	simm.s32 @!p0 $0x1082;
	s9 =	sld [smem:$0x3FA8]  }
0x2f: {  	lr =	sadd.s32 s0, s3;
	s0 =	sld [smem:$0x3F9F]  }
0x30: {  	s3 =	sld [smem:$0x3FA2]  }
0x31: {  	[smem:$0x3FAB] =	sst s10  }
0x32: {  	s10 =	sld [smem:$0x3FA9];
	_ =	sdelay $0x3  }
0x33: {  	p0 =	seq.s32 s10, $0x1;
	s10 =	sld [smem:$0x3FAB];
	_ =	sdelay $0x3  }
0x34: {  	[smem:$0x3FAB] =	sst s10  }
0x35: {  	s10 =	sld [smem:$0x3FAA];
	_ =	sdelay $0x3  }
0x36: {  	p1 =	seq.s32 s10, $0x1;
	s10 =	sld [smem:$0x3FAB];
	_ =	sdelay $0x3  }
0x37: {  	[smem:$0x3FAB] =	sst s10  }
0x38: {  	s10 =	sld [smem:$0x3FAC]  }
0x39: {  	_ = 	snop;
	(pc) =	sbr.ind lr, $3  }
0x3a: {  	_ = 	snop  }
0x3b: {  	_ = 	snop  }
0x3c: {  	p2 =	seq.s32 s10, $0x1;
	s10 =	sld [smem:$0x3FAB]  }
0x3d: {  	_ =	shalt  }
0x3e: {  	_ =	shalt  }
0x3f: {  	_ =	shalt  }
0x40: {  	_ =	shalt  }
0x41: {  	_ =	shalt  }
0x42: {  	_ =	shalt  }
0x43: {  	_ =	shalt  }
0x44: {  	_ =	shalt  }
0x45: {  	_ =	shalt  }
0x46: {  	_ =	shalt  }
0x47: {  	_ =	shalt  }
0x48: {  	_ =	shalt  }
0x49: {  	_ =	shalt  }
0x4a: {  	_ =	shalt  }
0x4b: {  	_ =	shalt  }
0x4c: {  	_ =	shalt  }
0x4d: {  	_ =	shalt  }
0x4e: {  	_ =	shalt  }
0x4f: {  	_ =	shalt  }
0x50: {  	_ =	shalt  }
0x51: {  	_ =	shalt  }
0x52: {  	_ =	shalt  }
0x53: {  	_ =	shalt  }
0x54: {  	_ =	shalt  }
0x55: {  	_ =	shalt  }
0x56: {  	_ =	shalt  }
0x57: {  	_ =	shalt  }
0x58: {  	_ =	shalt  }
0x59: {  	_ =	shalt  }
0x5a: {  	_ =	shalt  }
0x5b: {  	_ =	shalt  }
0x5c: {  	_ =	shalt  }
0x5d: {  	_ =	shalt  }
0x5e: {  	_ =	shalt  }
0x5f: {  	_ =	shalt  }
0x60: {  	_ =	shalt  }
0x61: {  	_ =	shalt  }
0x62: {  	_ =	shalt  }
0x63: {  	_ =	shalt  }
0x64: {  	_ =	shalt  }
0x65: {  	_ =	shalt  }
0x66: {  	_ =	shalt  }
0x67: {  	_ =	shalt  }
0x68: {  	_ =	shalt  }
0x69: {  	_ =	shalt  }
0x6a: {  	_ =	shalt  }
0x6b: {  	_ =	shalt  }
0x6c: {  	_ =	shalt  }
0x6d: {  	_ =	shalt  }
0x6e: {  	_ =	shalt  }
0x6f: {  	_ =	shalt  }
0x70: {  	_ =	shalt  }
0x71: {  	_ =	shalt  }
0x72: {  	_ =	shalt  }
0x73: {  	_ =	shalt  }
0x74: {  	_ =	shalt  }
0x75: {  	_ =	shalt  }
0x76: {  	_ =	shalt  }
0x77: {  	_ =	shalt  }
0x78: {  	_ =	shalt  }
0x79: {  	_ =	shalt  }
0x7a: {  	_ =	shalt  }
0x7b: {  	_ =	shalt  }
0x7c: {  	_ =	shalt  }
0x7d: {  	_ =	shalt  }
0x7e: {  	_ =	shalt  }
0x7f: {  	_ =	shalt  }
0x80: {  	_ =	shalt  }
0x81: {  	_ =	shalt  }
0x82: {  	_ =	shalt  }
0x83: {  	_ =	shalt  }
0x84: {  	_ =	shalt  }
0x85: {  	_ =	shalt  }
0x86: {  	_ =	shalt  }
0x87: {  	_ =	shalt  }
.Lfunc_end0:
.L_simem_size_0:
called_computation.3_lowered:
.L_overlay_start_0:
0x88: {  	s2 =	sld [smem:$0x3FD9]  }
0x89: {  	s3 =	sld [smem:$0x3FFE];
	_ =	sdelay $0x1  }
0x8a: {  	s1 =	srdreg.scid  }
0x8b: {  	s0 =	sand.u32 $0x1, s1  }
0x8c: {  	s16 =	sshll.u32 s0, $0xA;
	s2 =	sadd.s32 s3, s2  }
0x8d: {  	s2 =	sadd.s32 s2, s16  }
0x8e: {  	[smem:$0x3FB7] =	sst s2  }
0x8f: {  	_ = 	snop  }
0x90: {  	(tm) =	ssettm $0x1  }
0x91: {  	s17 =	sld [smem:$0x3FFB];
	_ =	sdelay $0x3  }
0x92: {  	_ =	strace s17  }
0x93: {  	s2 =	sld [smem:$0x3FFC];
	_ =	sdelay $0x3  }
0x94: {  	_ =	strace s2  }
0x95: {  	s2 =	sld [smem:$0x3FFD];
	_ =	sdelay $0x3  }
0x96: {  	_ =	strace s2  }
0x97: {  	_ =	strace $0x8FFFFFFF  }
0x98: {  	s18 =	sld [smem:$0x3FDB];
	_ =	sdelay $0x1  }
0x99: {  	s19 =	simm.s32 $_scs_section_size  }
0x9a: {  	s4 =	simm.s32 $_size__tile_overlayer_lowered;
	s5 =	simm.s32 $_tile_overlayer_lowered  }
0x9b: {  	s22 =	simm.s32 $0x1BFF;
	s21 =	sshll.u32 s5, $0x1;
	s2 =	sadd.s32 s19, s18  }
0x9c: {  	s6 =	simm.s32 $0x0;
	s20 =	sshll.u32 s4, $0x1;
	s4 =	sadd.s32 s21, s2  }
0x9d: {  	[timem:s6], [sflag:s22] =	dma.local [hbm:s4], s20  }
0x9e: {  	_ =	swait.ge [sflag:s22], s20  }
0x9f: {  	s3 =	ssub.s32 $0x0, s20;
	[sflag:s22] =	ssyncset.done $0x0  }
0xa0: {  	[sflag:s22] =	ssyncadd.s32 s3;
	_ =	sdelay $0x1  }
0xa1: {  	s23 =	simm.s32 $0x1B8B  }
0xa2: {  	_ =	swait.ge [sflag:s23], $0x1  }
0xa3: {  	[sflag:s23] =	ssyncset.done $0x0  }
0xa4: {  	s25 =	simm.s32 $0x1B8E;
	s24 =	sld [smem:$0x3FFE];
	[sflag:s23] =	ssyncadd.s32 $0xFFFFFFFF  }
0xa5: {  	s26 =	simm.s32 $execute0_lowered;
	[smem:$0x3FD2] =	sst s25  }
0xa6: {  	s4 =	sshll.u32 s26, $0x1;
	_ =	strace $0x8000004F;
	[dreg:$0x1] =	wrdreg $0xFFFFFFFF  }
0xa7: {  	s28 =	simm.s32 $_size_execute0_lowered;
	s2 =	sadd.s32 s2, s4;
	[dreg:$0x0] =	wrdreg $0x0  }
0xa8: {  	s4 =	sshll.u32 s28, $0x1;
	[dreg:$0x2] =	wrdreg s2  }
0xa9: {  	[dreg:$0x3] =	wrdreg s4  }
0xaa: {  	[dreg:$0x4] =	wrdreg $0xC0  }
0xab: {  	_ =	task [dreg:s6], $0x5FFFF  }
0xac: {  	[dreg:$0x1] =	wrdreg $0xFFFFFFFF  }
0xad: {  	[dreg:$0x0] =	wrdreg $0x60  }
0xae: {  	[dreg:$0x2] =	wrdreg s24  }
0xaf: {  	[dreg:$0x3] =	wrdreg $0x0  }
0xb0: {  	[dreg:$0x4] =	wrdreg $0x9  }
0xb1: {  	_ =	task.clear_ibuf [dreg:s6], $0x5FFFF;
	_ =	strace $0x9000004F  }
0xb2: {  	s29 =	simm.s32 $0x9;
	_ =	strace $0x80000051  }
0xb3: {  	_ =	swait.ge [sflag:s29], $0x1  }
0xb4: {  	[sflag:s29] =	ssyncadd.s32 $0xFFFFFFFF  }
0xb5: {  	_ =	strace $0x90000051  }
0xb6: {  	_ =	sfence  }
0xb7: {  	s30 =	sld [smem:$0x0];
	_ =	sdelay $0x2  }
0xb8: {  	s31 =	sshll.u32 s1, $0xD;
	s1 =	sshrl.u32 s1, $0x2  }
0xb9: {  	s3 =	sand.u32 $0x4000, s31;
	s1 =	sadd.s32 s1, s30  }
0xba: {  	s0 =	sor.u32 s3, s0;
	s1 =	sshll.u32 s1, $0x11  }
0xbb: {  	s0 =	sor.u32 s1, s0  }
0xbc: {  	s0 =	sadd.s32 $0x8F2B, s0  }
0xbd: {  	[sflag:s0] =	ssyncadd.remote.s32 $0x1  }
0xbe: {  	_ =	sfence.sel $0xFFFF  }
0xbf: {  	[dreg:$0x0] =	wrdreg $0xFFFFFFFF;
	(pc) =	sbr.abs _section_cstart, $3  }
0xc0: {  	[dreg:$0x1] =	wrdreg $0xFFFFFFFF  }
0xc1: {  	_ =	task.clear_ibuf [dreg:s6], $0x2FFFF;
	_ =	strace $0x9FFFFFFF  }
0xc2: {  	(tm) =	ssettm $0x7FFFFFFF  }
0xc3: {  	_ =	shalt  }
tec
execute0_lowered:
.L_overlay_start_1:
0x0: {  	(tag) =	ssettag $0x1  }
0x1: {  	s0 =	rddreg [dreg:$0x0]  }
0x2: {  	s2 =	rddreg [dreg:$0x1];
	s3 =	simm.s32 $0x0;
	s1 =	stileid.u32  }
0x3: {  	s6 =	srdreg.scid;
	s17 =	simm.s32 $0x15000;
	s18 =	simm.s32 $0x80  }
0x4: {  	s19 =	simm.s32 $0x16400;
	s20 =	simm.s32 $0x13C80;
	s21 =	simm.s32 $0x1A400  }
0x5: {  	s28 =	simm.s32 $0x16300;
	s29 =	simm.s32 $0x16380;
	s5 =	smul.u32 $0x13C00, s1  }
0x6: {  	s30 =	simm.s32 $0x0;
	[smem:$0x7FF] =	sst s3;
	s9 =	smul.u32 $0x4F000, s1  }
0x7: {  	s4 =	sadd.s32 $0x2FE00, s0;
	s6 =	sand.u32 $0x1, s6;
	s13 =	smul.u32 $0x2800, s1  }
0x8: {  	s10 =	sadd.s32 $0xCD800, s0;
	s11 =	sadd.s32 $0x3600, s0;
	s8 =	smul.u32 $0x13C000, s6  }
0x9: {  	_ =	strace $0x80000050;
	s22 =	ssub.s32 $0x2, s6;
	s12 =	smul.u32 $0x28000, s6  }
0xa: {  	s6 =	sshll.u32 s1, $0x6;
	s7 =	sshrl.u32 s5, $0x3;
	s23 =	sshrl.u32 s22, $0x1  }
0xb: {  	s24 =	sshrl.u32 s9, $0x2;
	s31 =	sadd.s32 $0x1400, s13;
	s7 =	sadd.s32 s7, s0  }
0xc: {  	s5 =	sadd.s32 s5, s8;
	s14 =	ssub.s32 s22, s23;
	s15 =	sadd.s32 s24, s2  }
0xd: {  	s25 =	sadd.s32 s13, s12;
	s12 =	sadd.s32 s12, s31;
	s13 =	sshrl.u32 s13, $0x3  }
0xe: {  	s16 =	sshrl.u32 s31, $0x3;
	s22 =	simm.s32 $0x1;
	s23 =	simm.s32 $0x2  }
0xf: {  	s24 =	simm.s32 $0x3;
	s5 =	sshrl.u32 s5, $0x3;
	s26 =	sshrl.u32 s25, $0x3  }
0x10: {  	s12 =	sshrl.u32 s12, $0x3;
	s9 =	sadd.s32 s11, s13;
	s11 =	sadd.s32 s11, s16  }
0x11: {  	s13 =	smax.u32 s14, $0x1;
	s14 =	sshrl.u32 s15, $0x3;
	s15 =	simm.s32 $0x13C00  }
0x12: {  	s16 =	simm.s32 $0x6;
	s25 =	simm.s32 $0x4;
	s0 =	sadd.s32 s5, s0  }
0x13: {  	s5 =	sadd.s32 $0x8600, s7;
	s7 =	sor.u32 $0x1C01, s6;
	s8 =	sadd.s32 s10, s26  }
0x14: {  	s10 =	sadd.s32 s10, s12;
	s26 =	simm.s32 $0x5;
	s12 =	sadd.s32 $0x7E000, s0  }
.LBB2_1:
0x15: {  	[spmem:s14], [sflag:s7] =	dma.local [hbm:s5], $0x2780  }
0x16: {  	[tilespmem:s15], [sflag:$0x6] =	stream.linear.gather [hbm4b:s8+s3], $0x1400, $0x38;
	[tilespmem:$0x1E400] =	vst v63  }
0x17: {  	_ =	swait.ge [sflag:s16], $0x1400  }
0x18: {  	[sflag:s16] =	ssyncset.done $0x0  }
0x19: {  	[sflag:s16] =	ssyncadd.s32 $0xFFFFEC00  }
0x1a: {  	[tilespmem:s17], [sflag:$0x6] =	stream.linear.gather [hbm4b:s9+s3], $0x1400, $0x38;
	[tilespmem:$0x1E400] =	vst v63  }
0x1b: {  	_ =	swait.ge [sflag:s16], $0x1400  }
0x1c: {  	[sflag:s16] =	ssyncset.done $0x0  }
0x1d: {  	[sflag:s16] =	ssyncadd.s32 $0xFFFFEC00  }
0x1e: {  	[tilespmem:s19], [sflag:$0x2] =	stream.indirect.gather [hbm4b:s4+s18], $0x80, s15, s18, $0xb8;
	[tilespmem:$0x1E400] =	vst v63  }
0x1f: {  	_ = 	snop  }
0x20: {  	[tilespmem:s21], [sflag:$0x3] =	stream.indirect.gather [hbm4b:s4+s18], $0x80, s20, s18, $0xb8;
	[tilespmem:$0x1E400] =	vst v63  }
0x21: {  	_ =	swait.ge [sflag:s22], $0x2780  }
0x22: {  	[sflag:s22] =	ssyncset.done $0x0  }
0x23: {  	[sflag:s22] =	ssyncadd.s32 $0xFFFFD880  }
0x24: {  	[bflag:$0x0] =	sbarrier.arrive $0xFFFF  }
0x25: {  	_ =	swait.ge [sflag:s23], $0x4000  }
0x26: {  	[sflag:s23] =	ssyncset.done $0x0  }
0x27: {  	s0 =	simm.s32 $0x15000;
	[sflag:s23] =	ssyncadd.s32 $0xFFFFC000  }
0x28: {  	[spmem:s2] =	stream.indirect.scatter.add.f32 [tilespmem:s19], [sflag:$0x4], $0x80, s0, s18, $0xb8;
	[tilespmem:$0x1E400] =	vst v63  }
0x29: {  	_ =	swait.ge [sflag:s24], $0x4000  }
0x2a: {  	[sflag:s24] =	ssyncset.done $0x0  }
0x2b: {  	s1 =	simm.s32 $0x15080;
	[sflag:s24] =	ssyncadd.s32 $0xFFFFC000  }
0x2c: {  	[spmem:s2] =	stream.indirect.scatter.add.f32 [tilespmem:s21], [sflag:$0x5], $0x80, s1, s18, $0xb8;
	[tilespmem:$0x1E400] =	vst v63  }
0x2d: {  	_ =	swait.ge [sflag:s25], $0x4000  }
0x2e: {  	[sflag:s25] =	ssyncset.done $0x0  }
0x2f: {  	s1 =	simm.s32 $0x13D00;
	[sflag:s25] =	ssyncadd.s32 $0xFFFFC000  }
0x30: {  	[tilespmem:s19], [sflag:$0x2] =	stream.indirect.gather [hbm4b:s4+s18], $0x80, s1, s18, $0xb8;
	[tilespmem:$0x1E400] =	vst v63  }
0x31: {  	_ =	swait.ge [sflag:s26], $0x4000  }
0x32: {  	[sflag:s26] =	ssyncset.done $0x0  }
0x33: {  	s31 =	simm.s32 $0x400;
	s0 =	simm.s32 $0x13D80;
	[sflag:s26] =	ssyncadd.s32 $0xFFFFC000  }
.LBB2_2:
0x34: {  	[tilespmem:s21], [sflag:$0x3] =	stream.indirect.gather [hbm4b:s4+s18], $0x80, s0, s18, $0xb8;
	[tilespmem:$0x1E400] =	vst v63  }
0x35: {  	s0 =	smov.u32 s31  }
0x36: {  	p0 =	sne.s32 s31, $0x4800;
	s31 =	sadd.s32 $0x400, s31;
	_ =	swait.ge [sflag:s23], $0x4000  }
0x37: {  	s0 =	sshra.s32 s0, $0x2;
	[sflag:s23] =	ssyncset.done $0x0  }
0x38: {  	s1 =	sadd.s32 $0x15000, s0;
	[sflag:s23] =	ssyncadd.s32 $0xFFFFC000  }
0x39: {  	[spmem:s2] =	stream.indirect.scatter.add.f32 [tilespmem:s19], [sflag:$0x4], $0x80, s1, s18, $0xb8;
	[tilespmem:$0x1E400] =	vst v63  }
0x3a: {  	_ =	swait.ge [sflag:s24], $0x4000  }
0x3b: {  	[sflag:s24] =	ssyncset.done $0x0  }
0x3c: {  	s1 =	sadd.s32 $0x15080, s0;
	[sflag:s24] =	ssyncadd.s32 $0xFFFFC000  }
0x3d: {  	[spmem:s2] =	stream.indirect.scatter.add.f32 [tilespmem:s21], [sflag:$0x5], $0x80, s1, s18, $0xb8;
	[tilespmem:$0x1E400] =	vst v63  }
0x3e: {  	_ =	swait.ge [sflag:s25], $0x4000  }
0x3f: {  	[sflag:s25] =	ssyncset.done $0x0  }
.Ltmp0:
0x40: {  	s1 =	sadd.s32 $0x13D00, s0;
	[sflag:s25] =	ssyncadd.s32 $0xFFFFC000;
	(pc) =	sbr.rel @p0 .LBB2_2-.Ltmp0, $4  }
0x41: {  	[tilespmem:s19], [sflag:$0x2] =	stream.indirect.gather [hbm4b:s4+s18], $0x80, s1, s18, $0xb8;
	[tilespmem:$0x1E400] =	vst v63  }
0x42: {  	_ =	swait.ge [sflag:s26], $0x4000  }
0x43: {  	[sflag:s26] =	ssyncset.done $0x0  }
0x44: {  	s0 =	sadd.s32 $0x13D80, s0;
	[sflag:s26] =	ssyncadd.s32 $0xFFFFC000  }
0x45: {  	[tilespmem:s21], [sflag:$0x3] =	stream.indirect.gather [hbm4b:s4+s18], $0x80, s0, s18, $0xb8;
	[tilespmem:$0x1E400] =	vst v63  }
0x46: {  	_ =	swait.ge [sflag:s23], $0x4000  }
0x47: {  	[sflag:s23] =	ssyncset.done $0x0  }
0x48: {  	[sflag:s23] =	ssyncadd.s32 $0xFFFFC000  }
0x49: {  	[spmem:s2] =	stream.indirect.scatter.add.f32 [tilespmem:s19], [sflag:$0x4], $0x80, s28, s18, $0xb8;
	[tilespmem:$0x1E400] =	vst v63  }
0x4a: {  	_ =	swait.ge [sflag:s24], $0x4000  }
0x4b: {  	[sflag:s24] =	ssyncset.done $0x0  }
0x4c: {  	[sflag:s24] =	ssyncadd.s32 $0xFFFFC000  }
0x4d: {  	[spmem:s2] =	stream.indirect.scatter.add.f32 [tilespmem:s21], [sflag:$0x5], $0x80, s29, s18, $0xb8;
	[tilespmem:$0x1E400] =	vst v63  }
0x4e: {  	_ =	swait.ge [sflag:s25], $0x4000  }
0x4f: {  	[sflag:s25] =	ssyncset.done $0x0  }
0x50: {  	[sflag:s25] =	ssyncadd.s32 $0xFFFFC000  }
0x51: {  	_ =	swait.ge [sflag:s26], $0x4000  }
0x52: {  	[sflag:s26] =	ssyncset.done $0x0  }
0x53: {  	s1 =	simm.s32 $0x0;
	[sflag:s26] =	ssyncadd.s32 $0xFFFFC000  }
0x54: {  	[tilespmem:s15], [sflag:$0x6] =	stream.linear.gather [hbm4b:s10+s1], $0x1400, $0x38;
	[tilespmem:$0x1E400] =	vst v63  }
0x55: {  	_ =	swait.ge [sflag:s16], $0x1400  }
0x56: {  	[sflag:s16] =	ssyncset.done $0x0  }
0x57: {  	[sflag:s16] =	ssyncadd.s32 $0xFFFFEC00  }
0x58: {  	[tilespmem:s17], [sflag:$0x6] =	stream.linear.gather [hbm4b:s11+s1], $0x1400, $0x38;
	[tilespmem:$0x1E400] =	vst v63  }
0x59: {  	_ =	swait.ge [sflag:s16], $0x1400  }
0x5a: {  	[sflag:s16] =	ssyncset.done $0x0  }
0x5b: {  	[sflag:s16] =	ssyncadd.s32 $0xFFFFEC00  }
0x5c: {  	[tilespmem:s19], [sflag:$0x2] =	stream.indirect.gather [hbm4b:s4+s18], $0x80, s15, s18, $0xb8;
	[tilespmem:$0x1E400] =	vst v63  }
0x5d: {  	_ = 	snop  }
0x5e: {  	[tilespmem:s21], [sflag:$0x3] =	stream.indirect.gather [hbm4b:s4+s18], $0x80, s20, s18, $0xb8;
	[tilespmem:$0x1E400] =	vst v63  }
0x5f: {  	_ =	swait.ge [sflag:s23], $0x4000  }
0x60: {  	[sflag:s23] =	ssyncset.done $0x0  }
0x61: {  	s1 =	simm.s32 $0x15000;
	[sflag:s23] =	ssyncadd.s32 $0xFFFFC000  }
0x62: {  	[spmem:s2] =	stream.indirect.scatter.add.f32 [tilespmem:s19], [sflag:$0x4], $0x80, s1, s18, $0xb8;
	[tilespmem:$0x1E400] =	vst v63  }
0x63: {  	_ =	swait.ge [sflag:s24], $0x4000  }
0x64: {  	[sflag:s24] =	ssyncset.done $0x0  }
0x65: {  	s1 =	simm.s32 $0x15080;
	[sflag:s24] =	ssyncadd.s32 $0xFFFFC000  }
0x66: {  	[spmem:s2] =	stream.indirect.scatter.add.f32 [tilespmem:s21], [sflag:$0x5], $0x80, s1, s18, $0xb8;
	[tilespmem:$0x1E400] =	vst v63  }
0x67: {  	_ =	swait.ge [sflag:s25], $0x4000  }
0x68: {  	[sflag:s25] =	ssyncset.done $0x0  }
0x69: {  	s1 =	simm.s32 $0x13D00;
	[sflag:s25] =	ssyncadd.s32 $0xFFFFC000  }
0x6a: {  	[tilespmem:s19], [sflag:$0x2] =	stream.indirect.gather [hbm4b:s4+s18], $0x80, s1, s18, $0xb8;
	[tilespmem:$0x1E400] =	vst v63  }
0x6b: {  	_ =	swait.ge [sflag:s26], $0x4000  }
0x6c: {  	[sflag:s26] =	ssyncset.done $0x0  }
0x6d: {  	s31 =	simm.s32 $0x400;
	s0 =	simm.s32 $0x13D80;
	[sflag:s26] =	ssyncadd.s32 $0xFFFFC000  }
.LBB2_4:
0x6e: {  	[tilespmem:s21], [sflag:$0x3] =	stream.indirect.gather [hbm4b:s4+s18], $0x80, s0, s18, $0xb8;
	[tilespmem:$0x1E400] =	vst v63  }
0x6f: {  	s0 =	smov.u32 s31  }
0x70: {  	p0 =	sne.s32 s31, $0x4800;
	s31 =	sadd.s32 $0x400, s31;
	_ =	swait.ge [sflag:s23], $0x4000  }
0x71: {  	s0 =	sshra.s32 s0, $0x2;
	[sflag:s23] =	ssyncset.done $0x0  }
0x72: {  	s1 =	sadd.s32 $0x15000, s0;
	[sflag:s23] =	ssyncadd.s32 $0xFFFFC000  }
0x73: {  	[spmem:s2] =	stream.indirect.scatter.add.f32 [tilespmem:s19], [sflag:$0x4], $0x80, s1, s18, $0xb8;
	[tilespmem:$0x1E400] =	vst v63  }
0x74: {  	_ =	swait.ge [sflag:s24], $0x4000  }
0x75: {  	[sflag:s24] =	ssyncset.done $0x0  }
0x76: {  	s1 =	sadd.s32 $0x15080, s0;
	[sflag:s24] =	ssyncadd.s32 $0xFFFFC000  }
0x77: {  	[spmem:s2] =	stream.indirect.scatter.add.f32 [tilespmem:s21], [sflag:$0x5], $0x80, s1, s18, $0xb8;
	[tilespmem:$0x1E400] =	vst v63  }
0x78: {  	_ =	swait.ge [sflag:s25], $0x4000  }
0x79: {  	[sflag:s25] =	ssyncset.done $0x0  }
.Ltmp1:
0x7a: {  	s1 =	sadd.s32 $0x13D00, s0;
	[sflag:s25] =	ssyncadd.s32 $0xFFFFC000;
	(pc) =	sbr.rel @p0 .LBB2_4-.Ltmp1, $4  }
0x7b: {  	[tilespmem:s19], [sflag:$0x2] =	stream.indirect.gather [hbm4b:s4+s18], $0x80, s1, s18, $0xb8;
	[tilespmem:$0x1E400] =	vst v63  }
0x7c: {  	_ =	swait.ge [sflag:s26], $0x4000  }
0x7d: {  	[sflag:s26] =	ssyncset.done $0x0  }
0x7e: {  	s0 =	sadd.s32 $0x13D80, s0;
	[sflag:s26] =	ssyncadd.s32 $0xFFFFC000  }
0x7f: {  	[tilespmem:s21], [sflag:$0x3] =	stream.indirect.gather [hbm4b:s4+s18], $0x80, s0, s18, $0xb8;
	[tilespmem:$0x1E400] =	vst v63  }
0x80: {  	_ =	swait.ge [sflag:s23], $0x4000  }
0x81: {  	[sflag:s23] =	ssyncset.done $0x0  }
0x82: {  	[sflag:s23] =	ssyncadd.s32 $0xFFFFC000  }
0x83: {  	[spmem:s2] =	stream.indirect.scatter.add.f32 [tilespmem:s19], [sflag:$0x4], $0x80, s28, s18, $0xb8;
	[tilespmem:$0x1E400] =	vst v63  }
0x84: {  	_ =	swait.ge [sflag:s24], $0x4000  }
0x85: {  	[sflag:s24] =	ssyncset.done $0x0  }
0x86: {  	[sflag:s24] =	ssyncadd.s32 $0xFFFFC000  }
0x87: {  	[spmem:s2] =	stream.indirect.scatter.add.f32 [tilespmem:s21], [sflag:$0x5], $0x80, s29, s18, $0xb8;
	[tilespmem:$0x1E400] =	vst v63  }
0x88: {  	_ =	swait.ge [sflag:s25], $0x4000  }
0x89: {  	[sflag:s25] =	ssyncset.done $0x0  }
0x8a: {  	[sflag:s25] =	ssyncadd.s32 $0xFFFFC000  }
0x8b: {  	_ =	swait.ge [sflag:s26], $0x4000  }
0x8c: {  	s30 =	sadd.s32 $0x1, s30;
	[sflag:s26] =	ssyncset.done $0x0  }
0x8d: {  	p0 =	sne.s32 s30, s13;
	[sflag:s26] =	ssyncadd.s32 $0xFFFFC000  }
.Ltmp2:
0x8e: {  	s31 =	sor.u32 $0x1C06, s6;
	[bflag:$0x0] =	sbarrier.arrive $0xFFFF;
	(pc) =	sbr.rel @p0 .LBB2_1-.Ltmp2, $4  }
0x8f: {  	[hbm:s12], [sflag:s31] =	dma.local [spmem:s14], $0x2780  }
0x90: {  	_ =	swait.ge [sflag:s16], $0x2780  }
0x91: {  	[sflag:s16] =	ssyncset.done $0x0  }
0x92: {  	[sflag:s16] =	ssyncadd.s32 $0xFFFFD880  }
0x93: {  	_ =	sfence.sel $0x180000  }
0x94: {  	[bflag:$0x0] =	sbarrier.arrive $0xFFFF  }
0x95: {  	_ =	strace $0x90000050  }
0x96: {  	s0 =	stileid.u32;
	[bflag:$0x2] =	sbarrier.arrive $0xFFFF  }
0x97: {  	p0 =	sne.s32 s0, $0x0;
	s0 =	rddreg [dreg:$0x2]  }
0x98: {  	s0 =	sadd.s32 @!p0 $0x100000, s0  }
0x99: {  	[sflag:s0] =	ssyncadd.tile.s32 @!p0 $0x1;
	_ =	shalt  }
.Lfunc_end2:
_tile_overlayer_lowered:
.L_overlay_start_2:
0x9a: {  	(tag) =	ssettag $0x2  }
0x9b: {  	s0 =	rddreg [dreg:$0x0];
	s2 =	stileid.u32  }
0x9c: {  	s1 =	rddreg [dreg:$0x1];
	p0 =	sne.s32 s2, $0x0  }
0x9d: {  	s3 =	rddreg [dreg:$0x2];
	[bflag:$0x3] =	sbarrier.arrive $0xFFFF;
	s2 =	simm.s32 @!p0 $0x1C06  }
0x9e: {  	[timem:s3], [sflag:s2] =	dma.local @!p0 [hbm:s0], s1  }
0x9f: {  	s0 =	simm.s32 @!p0 $0x6  }
0xa0: {  	_ =	swait.ge @!p0 [sflag:s0], s1  }
0xa1: {  	s1 =	ssub.s32 @!p0 $0x0, s1;
	[sflag:s0] =	ssyncset.done @!p0 $0x0  }
0xa2: {  	[sflag:s0] =	ssyncadd.s32 @!p0 s1  }
0xa3: {  	[bflag:$0x3] =	sbarrier.arrive $0xFFFF  }
0xa4: {  	_ =	shalt  }

</sc_bundles>
